<compile_context>
chip_gen: v7x
topology: tpu7x:2x2x1
jax: 0.10.2.dev20260603
libtpu: 0.0.44.dev20260713+nightly
codegen_flags: <defaults>
</compile_context>

<pallas_src>
import functools

import jax
import jax.numpy as jnp
from jax import lax
from jax.experimental import pallas as pl
from jax.experimental.pallas import tpu as pltpu
from jax.experimental.pallas import tpu_sc as plsc

FEAT_DIM = 512
NUM_IDS = 100000
B = 4096
L = 16
CHUNK = 32
G_SPLIT = 2


@functools.cache
def _build_sc():
    info = plsc.get_sparse_core_info()
    nw = info.num_cores * info.num_subcores
    b_per_w = B // nw
    n_chunks = b_per_w // CHUNK
    g_rows = b_per_w // G_SPLIT
    vecs_per_row = FEAT_DIM // L

    mesh = plsc.VectorSubcoreMesh(core_axis_name="c", subcore_axis_name="s")

    @functools.partial(
        pl.kernel,
        mesh=mesh,
        out_type=jax.ShapeDtypeStruct((B, FEAT_DIM), jnp.float32),
        scratch_types=(
            [pltpu.VMEM((b_per_w,), jnp.int32),
             pltpu.VMEM((b_per_w, FEAT_DIM), jnp.float32),
             pltpu.VMEM((CHUNK, FEAT_DIM), jnp.float32),
             pltpu.VMEM((CHUNK, FEAT_DIM), jnp.float32)]
            + [pltpu.SemaphoreType.DMA for _ in range(G_SPLIT + 2 + n_chunks)]
        ),
    )
    def k(table_hbm, idx_hbm, feat_hbm, out_hbm, idx_v, rows_v, feat0, feat1,
          *sems):
        gsems = sems[:G_SPLIT]
        fsems = sems[G_SPLIT:G_SPLIT + 2]
        osems = sems[G_SPLIT + 2:]
        isem = osems[-1]
        feats = (feat0, feat1)

        wid = lax.axis_index("s") * info.num_cores + lax.axis_index("c")
        base = wid * b_per_w

        feat_cp = [None] * n_chunks
        for c in range(2):
            feat_cp[c] = pltpu.async_copy(
                feat_hbm.at[pl.ds(base + c * CHUNK, CHUNK)], feats[c], fsems[c])
        pltpu.async_copy(idx_hbm.at[pl.ds(base, b_per_w)], idx_v, isem).wait()
        gather_cp = [
            pltpu.async_copy(
                table_hbm.at[idx_v.at[pl.ds(g * g_rows, g_rows)]],
                rows_v.at[pl.ds(g * g_rows, g_rows)], gsems[g])
            for g in range(G_SPLIT)
        ]

        out_cp = [None] * n_chunks
        chunks_per_g = g_rows // CHUNK
        for c in range(n_chunks):
            b = c % 2
            if c % chunks_per_g == 0:
                gather_cp[c // chunks_per_g].wait()
            feat_cp[c].wait()
            fb = feats[b]
            row0 = c * CHUNK

            def blend_row(i, carry):
                for v in range(vecs_per_row):
                    sl = pl.ds(v * L, L)
                    rows_v[row0 + i, sl] = (
                        0.7 * fb[i, sl] + 0.3 * rows_v[row0 + i, sl])
                return carry

            lax.fori_loop(0, CHUNK, blend_row, 0)
            if c + 2 < n_chunks:
                feat_cp[c + 2] = pltpu.async_copy(
                    feat_hbm.at[pl.ds(base + (c + 2) * CHUNK, CHUNK)],
                    feats[b], fsems[b])
            out_cp[c] = pltpu.async_copy(
                rows_v.at[pl.ds(row0, CHUNK)],
                out_hbm.at[pl.ds(base + row0, CHUNK)], osems[c])
        for c in range(n_chunks):
            out_cp[c].wait()

    return k


def kernel(feat, modality, pids, global_proto, local_proto):
    del local_proto
    table = global_proto.reshape(2 * NUM_IDS, FEAT_DIM)
    flat_idx = modality * NUM_IDS + pids
    return _build_sc()(table, flat_idx, feat)

# --- scband reference (transcript-rebuilt; emitter-appended) ---
"""Pipeline reference for scband-glprmodule-84799834292409 (READ-ONLY COPY).

The authoritative reference and input builder live on the scoring server;
editing this copy changes nothing except your own understanding.
"""

import jax, jax.numpy as jnp
import numpy as np

FEAT_DIM = 512
NUM_IDS = 100000
NUM_LOCAL = 8
B = 4096
MOM = 0.9


def setup_inputs(seed: int = 0) -> dict:
    key = jax.random.key(seed)
    k1, k2, k3, k4 = jax.random.split(key, 4)
    feat = jax.random.normal(k1, (B, FEAT_DIM), dtype=jnp.float32)
    modality = jax.random.randint(k2, (B,), 0, 2, dtype=jnp.int32)
    # pids: arange -> unique ids in-range, matching the torch harness (fill=arange)
    pids = jnp.arange(B, dtype=jnp.int32)
    global_proto = jax.random.normal(k3, (2, NUM_IDS, FEAT_DIM), dtype=jnp.float32)
    local_proto = jax.random.normal(k4, (2, NUM_IDS, NUM_LOCAL, FEAT_DIM // NUM_LOCAL), dtype=jnp.float32)
    return {"feat": feat, "modality": modality, "pids": pids,
            "global_proto": global_proto, "local_proto": local_proto}


def reference(feat, modality, pids, global_proto, local_proto):
    # Faithful translation of GLPRModule.forward with pids given.
    # pids are unique (arange), so the per-sample sequential loop in torch is
    # equivalent to a batched gather (old prototype values) + scatter-overwrite EMA update.
    Bn = feat.shape[0]
    local_feat = feat.reshape(Bn, NUM_LOCAL, -1)
    # gather OLD prototypes (read happens before the in-place update per sample)
    g_proto = global_proto[modality, pids]            # [B, FEAT_DIM]
    l_proto = local_proto[modality, pids]             # [B, NUM_LOCAL, FEAT_DIM//NUM_LOCAL]
    # EMA scatter-overwrite updates (side effects on parameters in torch via .data)
    new_global_proto = global_proto.at[modality, pids].set(MOM * g_proto + (1.0 - MOM) * feat)
    new_local_proto = local_proto.at[modality, pids].set(MOM * l_proto + (1.0 - MOM) * local_feat)
    # keep the updates live so they are actually computed
    _ = (new_global_proto[0, 0, 0], new_local_proto[0, 0, 0, 0])
    refined_feat = 0.7 * feat + 0.3 * g_proto
    return refined_feat

if __name__ == "__main__":
    import jax
    _d = setup_inputs()
    print(jax.jit(kernel)(*tuple(_d.values())))

</pallas_src>

<mosaic_0001>
#map = affine_map<(d0, d1) -> (0, 0)>
#map1 = affine_map<(d0, d1) -> (0)>
module attributes {stable_mosaic.version = 14 : i64} {
  func.func @k(%arg0: i32, %arg1: i32, %arg2: memref<200000x512xf32, #tpu.memory_space<hbm>>, %arg3: memref<4096xi32, #tpu.memory_space<hbm>>, %arg4: memref<4096x512xf32, #tpu.memory_space<hbm>>, %arg5: memref<4096x512xf32, #tpu.memory_space<hbm>>, %arg6: memref<128xi32, #tpu.memory_space<vmem>>, %arg7: memref<128x512xf32, #tpu.memory_space<vmem>>, %arg8: memref<32x512xf32, #tpu.memory_space<vmem>>, %arg9: memref<32x512xf32, #tpu.memory_space<vmem>>, %arg10: memref<!tpu.dma_semaphore, #tpu.memory_space<semaphore_mem>>, %arg11: memref<!tpu.dma_semaphore, #tpu.memory_space<semaphore_mem>>, %arg12: memref<!tpu.dma_semaphore, #tpu.memory_space<semaphore_mem>>, %arg13: memref<!tpu.dma_semaphore, #tpu.memory_space<semaphore_mem>>, %arg14: memref<!tpu.dma_semaphore, #tpu.memory_space<semaphore_mem>>, %arg15: memref<!tpu.dma_semaphore, #tpu.memory_space<semaphore_mem>>, %arg16: memref<!tpu.dma_semaphore, #tpu.memory_space<semaphore_mem>>, %arg17: memref<!tpu.dma_semaphore, #tpu.memory_space<semaphore_mem>>) attributes {dimension_semantics = [#tpu.dimension_semantics<core_parallel>, #tpu.dimension_semantics<subcore_parallel>], iteration_bounds = array<i64: 2, 16>, scalar_prefetch = 0 : i64, scratch_operands = 12 : i64, tpu.core_type = #tpu.core_type<sc_vector_subcore>, window_params = [{transform_indices = #map}, {transform_indices = #map1}, {transform_indices = #map}, {transform_indices = #map}]} {
    %mul3A = arith.constant 2 : i32
    %mul3A_0 = arith.muli %arg1, %mul3A : i32
    %add3A = arith.addi %mul3A_0, %arg0 : i32
    %mul3A_1 = arith.constant 128 : i32
    %mul3A_2 = arith.muli %add3A, %mul3A_1 : i32
    %add3A_3 = arith.constant 0 : i32
    %add3A_4 = arith.addi %mul3A_2, %add3A_3 : i32
    %dma_start3A = arith.constant 0 : i32
    %dma_start3A_5 = tpu.memref_slice %arg4[%add3A_4, %dma_start3A] : memref<4096x512xf32, #tpu.memory_space<hbm>> -> memref<32x512xf32, #tpu.memory_space<hbm>>
    %dma_start3A_6 = arith.constant 0 : i32
    %dma_start3A_7 = tpu.memref_slice %arg4[%add3A_4, %dma_start3A_6] : memref<4096x512xf32, #tpu.memory_space<hbm>> -> memref<32x512xf32, #tpu.memory_space<hbm>>
    tpu.enqueue_dma source(%dma_start3A_7 : memref<32x512xf32, #tpu.memory_space<hbm>>) target(%arg8 : memref<32x512xf32, #tpu.memory_space<vmem>>) target_semaphore(%arg12 : memref<!tpu.dma_semaphore, #tpu.memory_space<semaphore_mem>>)
    %add3A_8 = arith.constant 32 : i32
    %add3A_9 = arith.addi %mul3A_2, %add3A_8 : i32
    %dma_start3A_10 = arith.constant 0 : i32
    %dma_start3A_11 = tpu.memref_slice %arg4[%add3A_9, %dma_start3A_10] : memref<4096x512xf32, #tpu.memory_space<hbm>> -> memref<32x512xf32, #tpu.memory_space<hbm>>
    %dma_start3A_12 = arith.constant 0 : i32
    %dma_start3A_13 = tpu.memref_slice %arg4[%add3A_9, %dma_start3A_12] : memref<4096x512xf32, #tpu.memory_space<hbm>> -> memref<32x512xf32, #tpu.memory_space<hbm>>
    tpu.enqueue_dma source(%dma_start3A_13 : memref<32x512xf32, #tpu.memory_space<hbm>>) target(%arg9 : memref<32x512xf32, #tpu.memory_space<vmem>>) target_semaphore(%arg13 : memref<!tpu.dma_semaphore, #tpu.memory_space<semaphore_mem>>)
    %dma_start3A_14 = tpu.memref_slice %arg3[%mul3A_2] : memref<4096xi32, #tpu.memory_space<hbm>> -> memref<128xi32, #tpu.memory_space<hbm>>
    %dma_start3A_15 = tpu.memref_slice %arg3[%mul3A_2] : memref<4096xi32, #tpu.memory_space<hbm>> -> memref<128xi32, #tpu.memory_space<hbm>>
    tpu.enqueue_dma source(%dma_start3A_15 : memref<128xi32, #tpu.memory_space<hbm>>) target(%arg6 : memref<128xi32, #tpu.memory_space<vmem>>) target_semaphore(%arg17 : memref<!tpu.dma_semaphore, #tpu.memory_space<semaphore_mem>>)
    %dma_wait3A = tpu.memref_slice %arg3[%mul3A_2] : memref<4096xi32, #tpu.memory_space<hbm>> -> memref<128xi32, #tpu.memory_space<hbm>>
    %dma_wait3A_16 = tpu.memref_slice %arg3[%mul3A_2] : memref<4096xi32, #tpu.memory_space<hbm>> -> memref<128xi32, #tpu.memory_space<hbm>>
    tpu.wait_dma2 semaphore(%arg17 : memref<!tpu.dma_semaphore, #tpu.memory_space<semaphore_mem>>) src(%dma_wait3A_16 : memref<128xi32, #tpu.memory_space<hbm>>) dst(%arg6 : memref<128xi32, #tpu.memory_space<vmem>>)
    %dma_start3A_17 = arith.constant 0 : i32
    %dma_start3A_18 = arith.constant 0 : i32
    %dma_start3A_19 = tpu.memref_slice %arg7[%dma_start3A_17, %dma_start3A_18] : memref<128x512xf32, #tpu.memory_space<vmem>> -> memref<64x512xf32, #tpu.memory_space<vmem>>
    %dma_start3A_20 = arith.constant 0 : i32
    %dma_start3A_21 = tpu.memref_slice %arg6[%dma_start3A_20] : memref<128xi32, #tpu.memory_space<vmem>> -> memref<64xi32, #tpu.memory_space<vmem>>
    %dma_start3A_22 = arith.constant 0 : i32
    %dma_start3A_23 = arith.constant 0 : i32
    %dma_start3A_24 = tpu.memref_slice %arg2[%dma_start3A_22, %dma_start3A_23] : memref<200000x512xf32, #tpu.memory_space<hbm>> -> memref<200000x512xf32, #tpu.memory_space<hbm>>
    tpu.enqueue_indirect_dma source(%dma_start3A_24 : memref<200000x512xf32, #tpu.memory_space<hbm>>) target(%dma_start3A_19 : memref<64x512xf32, #tpu.memory_space<vmem>>) offsets(%dma_start3A_21 : memref<64xi32, #tpu.memory_space<vmem>>) semaphore(%arg10 : memref<!tpu.dma_semaphore, #tpu.memory_space<semaphore_mem>>)
    %dma_start3A_25 = arith.constant 64 : i32
    %dma_start3A_26 = arith.constant 0 : i32
    %dma_start3A_27 = tpu.memref_slice %arg7[%dma_start3A_25, %dma_start3A_26] : memref<128x512xf32, #tpu.memory_space<vmem>> -> memref<64x512xf32, #tpu.memory_space<vmem>>
    %dma_start3A_28 = arith.constant 64 : i32
    %dma_start3A_29 = tpu.memref_slice %arg6[%dma_start3A_28] : memref<128xi32, #tpu.memory_space<vmem>> -> memref<64xi32, #tpu.memory_space<vmem>>
    %dma_start3A_30 = arith.constant 0 : i32
    %dma_start3A_31 = arith.constant 0 : i32
    %dma_start3A_32 = tpu.memref_slice %arg2[%dma_start3A_30, %dma_start3A_31] : memref<200000x512xf32, #tpu.memory_space<hbm>> -> memref<200000x512xf32, #tpu.memory_space<hbm>>
    tpu.enqueue_indirect_dma source(%dma_start3A_32 : memref<200000x512xf32, #tpu.memory_space<hbm>>) target(%dma_start3A_27 : memref<64x512xf32, #tpu.memory_space<vmem>>) offsets(%dma_start3A_29 : memref<64xi32, #tpu.memory_space<vmem>>) semaphore(%arg11 : memref<!tpu.dma_semaphore, #tpu.memory_space<semaphore_mem>>)
    %dma_wait3A_33 = arith.constant 0 : i32
    %dma_wait3A_34 = arith.constant 0 : i32
    %dma_wait3A_35 = tpu.memref_slice %arg7[%dma_wait3A_33, %dma_wait3A_34] : memref<128x512xf32, #tpu.memory_space<vmem>> -> memref<64x512xf32, #tpu.memory_space<vmem>>
    %dma_wait3A_36 = arith.constant 0 : i32
    %dma_wait3A_37 = tpu.memref_slice %arg6[%dma_wait3A_36] : memref<128xi32, #tpu.memory_space<vmem>> -> memref<64xi32, #tpu.memory_space<vmem>>
    %dma_wait3A_38 = arith.constant 0 : i32
    %dma_wait3A_39 = arith.constant 0 : i32
    %dma_wait3A_40 = tpu.memref_slice %arg2[%dma_wait3A_38, %dma_wait3A_39] : memref<200000x512xf32, #tpu.memory_space<hbm>> -> memref<200000x512xf32, #tpu.memory_space<hbm>>
    tpu.wait_indirect_dma semaphore(%arg10 : memref<!tpu.dma_semaphore, #tpu.memory_space<semaphore_mem>>) src(%dma_wait3A_40 : memref<200000x512xf32, #tpu.memory_space<hbm>>) dst(%dma_wait3A_35 : memref<64x512xf32, #tpu.memory_space<vmem>>)
    %dma_wait3A_41 = arith.constant 0 : i32
    %dma_wait3A_42 = tpu.memref_slice %arg4[%add3A_4, %dma_wait3A_41] : memref<4096x512xf32, #tpu.memory_space<hbm>> -> memref<32x512xf32, #tpu.memory_space<hbm>>
    %dma_wait3A_43 = arith.constant 0 : i32
    %dma_wait3A_44 = tpu.memref_slice %arg4[%add3A_4, %dma_wait3A_43] : memref<4096x512xf32, #tpu.memory_space<hbm>> -> memref<32x512xf32, #tpu.memory_space<hbm>>
    tpu.wait_dma2 semaphore(%arg12 : memref<!tpu.dma_semaphore, #tpu.memory_space<semaphore_mem>>) src(%dma_wait3A_44 : memref<32x512xf32, #tpu.memory_space<hbm>>) dst(%arg8 : memref<32x512xf32, #tpu.memory_space<vmem>>)
    %scan3A = arith.constant 0 : i32
    %scan3A_45 = arith.constant 0 : i32
    %scan3A_46 = arith.constant 32 : i32
    %scan3A_47 = arith.addi %scan3A_45, %scan3A_46 : i32
    %scan3A_48 = arith.constant 1 : i32
    scf.for %scan3A_188 = %scan3A_45 to %scan3A_47 step %scan3A_48  : i32 {
      %get3A = arith.index_cast %scan3A_188 : i32 to index
      %get3A_189 = arith.constant 0 : index
      %get3A_190 = tpu.vector_load %arg8[%get3A, %get3A_189] {strides = array<i32>} : memref<32x512xf32, #tpu.memory_space<vmem>>, vector<1x16xf32>,
      %get3A_191 = vector.shape_cast %get3A_190 : vector<1x16xf32> to vector<16xf32>
      %mul3A_192 = arith.constant 0.699999988 : f32
      %mul3A_193 = vector.broadcast %mul3A_192 : f32 to vector<16xf32>
      %mul3A_194 = arith.mulf %mul3A_193, %get3A_191 : vector<16xf32>
      %add3A_195 = arith.constant 0 : i32
      %add3A_196 = arith.addi %add3A_195, %scan3A_188 : i32
      %get3A_197 = arith.index_cast %add3A_196 : i32 to index
      %get3A_198 = arith.constant 0 : index
      %get3A_199 = tpu.vector_load %arg7[%get3A_197, %get3A_198] {strides = array<i32>} : memref<128x512xf32, #tpu.memory_space<vmem>>, vector<1x16xf32>,
      %get3A_200 = vector.shape_cast %get3A_199 : vector<1x16xf32> to vector<16xf32>
      %mul3A_201 = arith.constant 3.000000e-01 : f32
      %mul3A_202 = vector.broadcast %mul3A_201 : f32 to vector<16xf32>
      %mul3A_203 = arith.mulf %mul3A_202, %get3A_200 : vector<16xf32>
      %add3A_204 = arith.addf %mul3A_194, %mul3A_203 : vector<16xf32>
      %add3A_205 = arith.constant 0 : i32
      %add3A_206 = arith.addi %add3A_205, %scan3A_188 : i32
      %swap3A = arith.index_cast %add3A_206 : i32 to index
      %swap3A_207 = arith.constant 0 : index
      %swap3A_208 = tpu.vector_load %arg7[%swap3A, %swap3A_207] {strides = array<i32>} : memref<128x512xf32, #tpu.memory_space<vmem>>, vector<1x16xf32>,
      %swap3A_209 = vector.shape_cast %swap3A_208 : vector<1x16xf32> to vector<16xf32>
      %swap3A_210 = vector.shape_cast %add3A_204 : vector<16xf32> to vector<1x16xf32>
      tpu.vector_store %arg7[%swap3A, %swap3A_207], %swap3A_210 {strides = array<i32>} : memref<128x512xf32, #tpu.memory_space<vmem>>, vector<1x16xf32>,
      %get3A_211 = arith.index_cast %scan3A_188 : i32 to index
      %get3A_212 = arith.constant 16 : index
      %get3A_213 = tpu.vector_load %arg8[%get3A_211, %get3A_212] {strides = array<i32>} : memref<32x512xf32, #tpu.memory_space<vmem>>, vector<1x16xf32>,
      %get3A_214 = vector.shape_cast %get3A_213 : vector<1x16xf32> to vector<16xf32>
      %mul3A_215 = arith.constant 0.699999988 : f32
      %mul3A_216 = vector.broadcast %mul3A_215 : f32 to vector<16xf32>
      %mul3A_217 = arith.mulf %mul3A_216, %get3A_214 : vector<16xf32>
      %add3A_218 = arith.constant 0 : i32
      %add3A_219 = arith.addi %add3A_218, %scan3A_188 : i32
      %get3A_220 = arith.index_cast %add3A_219 : i32 to index
      %get3A_221 = arith.constant 16 : index
      %get3A_222 = tpu.vector_load %arg7[%get3A_220, %get3A_221] {strides = array<i32>} : memref<128x512xf32, #tpu.memory_space<vmem>>, vector<1x16xf32>,
      %get3A_223 = vector.shape_cast %get3A_222 : vector<1x16xf32> to vector<16xf32>
      %mul3A_224 = arith.constant 3.000000e-01 : f32
      %mul3A_225 = vector.broadcast %mul3A_224 : f32 to vector<16xf32>
      %mul3A_226 = arith.mulf %mul3A_225, %get3A_223 : vector<16xf32>
      %add3A_227 = arith.addf %mul3A_217, %mul3A_226 : vector<16xf32>
      %add3A_228 = arith.constant 0 : i32
      %add3A_229 = arith.addi %add3A_228, %scan3A_188 : i32
      %swap3A_230 = arith.index_cast %add3A_229 : i32 to index
      %swap3A_231 = arith.constant 16 : index
      %swap3A_232 = tpu.vector_load %arg7[%swap3A_230, %swap3A_231] {strides = array<i32>} : memref<128x512xf32, #tpu.memory_space<vmem>>, vector<1x16xf32>,
      %swap3A_233 = vector.shape_cast %swap3A_232 : vector<1x16xf32> to vector<16xf32>
      %swap3A_234 = vector.shape_cast %add3A_227 : vector<16xf32> to vector<1x16xf32>
      tpu.vector_store %arg7[%swap3A_230, %swap3A_231], %swap3A_234 {strides = array<i32>} : memref<128x512xf32, #tpu.memory_space<vmem>>, vector<1x16xf32>,
      %get3A_235 = arith.index_cast %scan3A_188 : i32 to index
      %get3A_236 = arith.constant 32 : index
      %get3A_237 = tpu.vector_load %arg8[%get3A_235, %get3A_236] {strides = array<i32>} : memref<32x512xf32, #tpu.memory_space<vmem>>, vector<1x16xf32>,
      %get3A_238 = vector.shape_cast %get3A_237 : vector<1x16xf32> to vector<16xf32>
      %mul3A_239 = arith.constant 0.699999988 : f32
      %mul3A_240 = vector.broadcast %mul3A_239 : f32 to vector<16xf32>
      %mul3A_241 = arith.mulf %mul3A_240, %get3A_238 : vector<16xf32>
      %add3A_242 = arith.constant 0 : i32
      %add3A_243 = arith.addi %add3A_242, %scan3A_188 : i32
      %get3A_244 = arith.index_cast %add3A_243 : i32 to index
      %get3A_245 = arith.constant 32 : index
      %get3A_246 = tpu.vector_load %arg7[%get3A_244, %get3A_245] {strides = array<i32>} : memref<128x512xf32, #tpu.memory_space<vmem>>, vector<1x16xf32>,
      %get3A_247 = vector.shape_cast %get3A_246 : vector<1x16xf32> to vector<16xf32>
      %mul3A_248 = arith.constant 3.000000e-01 : f32
      %mul3A_249 = vector.broadcast %mul3A_248 : f32 to vector<16xf32>
      %mul3A_250 = arith.mulf %mul3A_249, %get3A_247 : vector<16xf32>
      %add3A_251 = arith.addf %mul3A_241, %mul3A_250 : vector<16xf32>
      %add3A_252 = arith.constant 0 : i32
      %add3A_253 = arith.addi %add3A_252, %scan3A_188 : i32
      %swap3A_254 = arith.index_cast %add3A_253 : i32 to index
      %swap3A_255 = arith.constant 32 : index
      %swap3A_256 = tpu.vector_load %arg7[%swap3A_254, %swap3A_255] {strides = array<i32>} : memref<128x512xf32, #tpu.memory_space<vmem>>, vector<1x16xf32>,
      %swap3A_257 = vector.shape_cast %swap3A_256 : vector<1x16xf32> to vector<16xf32>
      %swap3A_258 = vector.shape_cast %add3A_251 : vector<16xf32> to vector<1x16xf32>
      tpu.vector_store %arg7[%swap3A_254, %swap3A_255], %swap3A_258 {strides = array<i32>} : memref<128x512xf32, #tpu.memory_space<vmem>>, vector<1x16xf32>,
      %get3A_259 = arith.index_cast %scan3A_188 : i32 to index
      %get3A_260 = arith.constant 48 : index
      %get3A_261 = tpu.vector_load %arg8[%get3A_259, %get3A_260] {strides = array<i32>} : memref<32x512xf32, #tpu.memory_space<vmem>>, vector<1x16xf32>,
      %get3A_262 = vector.shape_cast %get3A_261 : vector<1x16xf32> to vector<16xf32>
      %mul3A_263 = arith.constant 0.699999988 : f32
      %mul3A_264 = vector.broadcast %mul3A_263 : f32 to vector<16xf32>
      %mul3A_265 = arith.mulf %mul3A_264, %get3A_262 : vector<16xf32>
      %add3A_266 = arith.constant 0 : i32
      %add3A_267 = arith.addi %add3A_266, %scan3A_188 : i32
      %get3A_268 = arith.index_cast %add3A_267 : i32 to index
      %get3A_269 = arith.constant 48 : index
      %get3A_270 = tpu.vector_load %arg7[%get3A_268, %get3A_269] {strides = array<i32>} : memref<128x512xf32, #tpu.memory_space<vmem>>, vector<1x16xf32>,
      %get3A_271 = vector.shape_cast %get3A_270 : vector<1x16xf32> to vector<16xf32>
      %mul3A_272 = arith.constant 3.000000e-01 : f32
      %mul3A_273 = vector.broadcast %mul3A_272 : f32 to vector<16xf32>
      %mul3A_274 = arith.mulf %mul3A_273, %get3A_271 : vector<16xf32>
      %add3A_275 = arith.addf %mul3A_265, %mul3A_274 : vector<16xf32>
      %add3A_276 = arith.constant 0 : i32
      %add3A_277 = arith.addi %add3A_276, %scan3A_188 : i32
      %swap3A_278 = arith.index_cast %add3A_277 : i32 to index
      %swap3A_279 = arith.constant 48 : index
      %swap3A_280 = tpu.vector_load %arg7[%swap3A_278, %swap3A_279] {strides = array<i32>} : memref<128x512xf32, #tpu.memory_space<vmem>>, vector<1x16xf32>,
      %swap3A_281 = vector.shape_cast %swap3A_280 : vector<1x16xf32> to vector<16xf32>
      %swap3A_282 = vector.shape_cast %add3A_275 : vector<16xf32> to vector<1x16xf32>
      tpu.vector_store %arg7[%swap3A_278, %swap3A_279], %swap3A_282 {strides = array<i32>} : memref<128x512xf32, #tpu.memory_space<vmem>>, vector<1x16xf32>,
      %get3A_283 = arith.index_cast %scan3A_188 : i32 to index
      %get3A_284 = arith.constant 64 : index
      %get3A_285 = tpu.vector_load %arg8[%get3A_283, %get3A_284] {strides = array<i32>} : memref<32x512xf32, #tpu.memory_space<vmem>>, vector<1x16xf32>,
      %get3A_286 = vector.shape_cast %get3A_285 : vector<1x16xf32> to vector<16xf32>
      %mul3A_287 = arith.constant 0.699999988 : f32
      %mul3A_288 = vector.broadcast %mul3A_287 : f32 to vector<16xf32>
      %mul3A_289 = arith.mulf %mul3A_288, %get3A_286 : vector<16xf32>
      %add3A_290 = arith.constant 0 : i32
      %add3A_291 = arith.addi %add3A_290, %scan3A_188 : i32
      %get3A_292 = arith.index_cast %add3A_291 : i32 to index
      %get3A_293 = arith.constant 64 : index
      %get3A_294 = tpu.vector_load %arg7[%get3A_292, %get3A_293] {strides = array<i32>} : memref<128x512xf32, #tpu.memory_space<vmem>>, vector<1x16xf32>,
      %get3A_295 = vector.shape_cast %get3A_294 : vector<1x16xf32> to vector<16xf32>
      %mul3A_296 = arith.constant 3.000000e-01 : f32
      %mul3A_297 = vector.broadcast %mul3A_296 : f32 to vector<16xf32>
      %mul3A_298 = arith.mulf %mul3A_297, %get3A_295 : vector<16xf32>
      %add3A_299 = arith.addf %mul3A_289, %mul3A_298 : vector<16xf32>
      %add3A_300 = arith.constant 0 : i32
      %add3A_301 = arith.addi %add3A_300, %scan3A_188 : i32
      %swap3A_302 = arith.index_cast %add3A_301 : i32 to index
      %swap3A_303 = arith.constant 64 : index
      %swap3A_304 = tpu.vector_load %arg7[%swap3A_302, %swap3A_303] {strides = array<i32>} : memref<128x512xf32, #tpu.memory_space<vmem>>, vector<1x16xf32>,
      %swap3A_305 = vector.shape_cast %swap3A_304 : vector<1x16xf32> to vector<16xf32>
      %swap3A_306 = vector.shape_cast %add3A_299 : vector<16xf32> to vector<1x16xf32>
      tpu.vector_store %arg7[%swap3A_302, %swap3A_303], %swap3A_306 {strides = array<i32>} : memref<128x512xf32, #tpu.memory_space<vmem>>, vector<1x16xf32>,
      %get3A_307 = arith.index_cast %scan3A_188 : i32 to index
      %get3A_308 = arith.constant 80 : index
      %get3A_309 = tpu.vector_load %arg8[%get3A_307, %get3A_308] {strides = array<i32>} : memref<32x512xf32, #tpu.memory_space<vmem>>, vector<1x16xf32>,
      %get3A_310 = vector.shape_cast %get3A_309 : vector<1x16xf32> to vector<16xf32>
      %mul3A_311 = arith.constant 0.699999988 : f32
      %mul3A_312 = vector.broadcast %mul3A_311 : f32 to vector<16xf32>
      %mul3A_313 = arith.mulf %mul3A_312, %get3A_310 : vector<16xf32>
      %add3A_314 = arith.constant 0 : i32
      %add3A_315 = arith.addi %add3A_314, %scan3A_188 : i32
      %get3A_316 = arith.index_cast %add3A_315 : i32 to index
      %get3A_317 = arith.constant 80 : index
      %get3A_318 = tpu.vector_load %arg7[%get3A_316, %get3A_317] {strides = array<i32>} : memref<128x512xf32, #tpu.memory_space<vmem>>, vector<1x16xf32>,
      %get3A_319 = vector.shape_cast %get3A_318 : vector<1x16xf32> to vector<16xf32>
      %mul3A_320 = arith.constant 3.000000e-01 : f32
      %mul3A_321 = vector.broadcast %mul3A_320 : f32 to vector<16xf32>
      %mul3A_322 = arith.mulf %mul3A_321, %get3A_319 : vector<16xf32>
      %add3A_323 = arith.addf %mul3A_313, %mul3A_322 : vector<16xf32>
      %add3A_324 = arith.constant 0 : i32
      %add3A_325 = arith.addi %add3A_324, %scan3A_188 : i32
      %swap3A_326 = arith.index_cast %add3A_325 : i32 to index
      %swap3A_327 = arith.constant 80 : index
      %swap3A_328 = tpu.vector_load %arg7[%swap3A_326, %swap3A_327] {strides = array<i32>} : memref<128x512xf32, #tpu.memory_space<vmem>>, vector<1x16xf32>,
      %swap3A_329 = vector.shape_cast %swap3A_328 : vector<1x16xf32> to vector<16xf32>
      %swap3A_330 = vector.shape_cast %add3A_323 : vector<16xf32> to vector<1x16xf32>
      tpu.vector_store %arg7[%swap3A_326, %swap3A_327], %swap3A_330 {strides = array<i32>} : memref<128x512xf32, #tpu.memory_space<vmem>>, vector<1x16xf32>,
      %get3A_331 = arith.index_cast %scan3A_188 : i32 to index
      %get3A_332 = arith.constant 96 : index
      %get3A_333 = tpu.vector_load %arg8[%get3A_331, %get3A_332] {strides = array<i32>} : memref<32x512xf32, #tpu.memory_space<vmem>>, vector<1x16xf32>,
      %get3A_334 = vector.shape_cast %get3A_333 : vector<1x16xf32> to vector<16xf32>
      %mul3A_335 = arith.constant 0.699999988 : f32
      %mul3A_336 = vector.broadcast %mul3A_335 : f32 to vector<16xf32>
      %mul3A_337 = arith.mulf %mul3A_336, %get3A_334 : vector<16xf32>
      %add3A_338 = arith.constant 0 : i32
      %add3A_339 = arith.addi %add3A_338, %scan3A_188 : i32
      %get3A_340 = arith.index_cast %add3A_339 : i32 to index
      %get3A_341 = arith.constant 96 : index
      %get3A_342 = tpu.vector_load %arg7[%get3A_340, %get3A_341] {strides = array<i32>} : memref<128x512xf32, #tpu.memory_space<vmem>>, vector<1x16xf32>,
      %get3A_343 = vector.shape_cast %get3A_342 : vector<1x16xf32> to vector<16xf32>
      %mul3A_344 = arith.constant 3.000000e-01 : f32
      %mul3A_345 = vector.broadcast %mul3A_344 : f32 to vector<16xf32>
      %mul3A_346 = arith.mulf %mul3A_345, %get3A_343 : vector<16xf32>
      %add3A_347 = arith.addf %mul3A_337, %mul3A_346 : vector<16xf32>
      %add3A_348 = arith.constant 0 : i32
      %add3A_349 = arith.addi %add3A_348, %scan3A_188 : i32
      %swap3A_350 = arith.index_cast %add3A_349 : i32 to index
      %swap3A_351 = arith.constant 96 : index
      %swap3A_352 = tpu.vector_load %arg7[%swap3A_350, %swap3A_351] {strides = array<i32>} : memref<128x512xf32, #tpu.memory_space<vmem>>, vector<1x16xf32>,
      %swap3A_353 = vector.shape_cast %swap3A_352 : vector<1x16xf32> to vector<16xf32>
      %swap3A_354 = vector.shape_cast %add3A_347 : vector<16xf32> to vector<1x16xf32>
      tpu.vector_store %arg7[%swap3A_350, %swap3A_351], %swap3A_354 {strides = array<i32>} : memref<128x512xf32, #tpu.memory_space<vmem>>, vector<1x16xf32>,
      %get3A_355 = arith.index_cast %scan3A_188 : i32 to index
      %get3A_356 = arith.constant 112 : index
      %get3A_357 = tpu.vector_load %arg8[%get3A_355, %get3A_356] {strides = array<i32>} : memref<32x512xf32, #tpu.memory_space<vmem>>, vector<1x16xf32>,
      %get3A_358 = vector.shape_cast %get3A_357 : vector<1x16xf32> to vector<16xf32>
      %mul3A_359 = arith.constant 0.699999988 : f32
      %mul3A_360 = vector.broadcast %mul3A_359 : f32 to vector<16xf32>
      %mul3A_361 = arith.mulf %mul3A_360, %get3A_358 : vector<16xf32>
      %add3A_362 = arith.constant 0 : i32
      %add3A_363 = arith.addi %add3A_362, %scan3A_188 : i32
      %get3A_364 = arith.index_cast %add3A_363 : i32 to index
      %get3A_365 = arith.constant 112 : index
      %get3A_366 = tpu.vector_load %arg7[%get3A_364, %get3A_365] {strides = array<i32>} : memref<128x512xf32, #tpu.memory_space<vmem>>, vector<1x16xf32>,
      %get3A_367 = vector.shape_cast %get3A_366 : vector<1x16xf32> to vector<16xf32>
      %mul3A_368 = arith.constant 3.000000e-01 : f32
      %mul3A_369 = vector.broadcast %mul3A_368 : f32 to vector<16xf32>
      %mul3A_370 = arith.mulf %mul3A_369, %get3A_367 : vector<16xf32>
      %add3A_371 = arith.addf %mul3A_361, %mul3A_370 : vector<16xf32>
      %add3A_372 = arith.constant 0 : i32
      %add3A_373 = arith.addi %add3A_372, %scan3A_188 : i32
      %swap3A_374 = arith.index_cast %add3A_373 : i32 to index
      %swap3A_375 = arith.constant 112 : index
      %swap3A_376 = tpu.vector_load %arg7[%swap3A_374, %swap3A_375] {strides = array<i32>} : memref<128x512xf32, #tpu.memory_space<vmem>>, vector<1x16xf32>,
      %swap3A_377 = vector.shape_cast %swap3A_376 : vector<1x16xf32> to vector<16xf32>
      %swap3A_378 = vector.shape_cast %add3A_371 : vector<16xf32> to vector<1x16xf32>
      tpu.vector_store %arg7[%swap3A_374, %swap3A_375], %swap3A_378 {strides = array<i32>} : memref<128x512xf32, #tpu.memory_space<vmem>>, vector<1x16xf32>,
      %get3A_379 = arith.index_cast %scan3A_188 : i32 to index
      %get3A_380 = arith.constant 128 : index
      %get3A_381 = tpu.vector_load %arg8[%get3A_379, %get3A_380] {strides = array<i32>} : memref<32x512xf32, #tpu.memory_space<vmem>>, vector<1x16xf32>,
      %get3A_382 = vector.shape_cast %get3A_381 : vector<1x16xf32> to vector<16xf32>
      %mul3A_383 = arith.constant 0.699999988 : f32
      %mul3A_384 = vector.broadcast %mul3A_383 : f32 to vector<16xf32>
      %mul3A_385 = arith.mulf %mul3A_384, %get3A_382 : vector<16xf32>
      %add3A_386 = arith.constant 0 : i32
      %add3A_387 = arith.addi %add3A_386, %scan3A_188 : i32
      %get3A_388 = arith.index_cast %add3A_387 : i32 to index
      %get3A_389 = arith.constant 128 : index
      %get3A_390 = tpu.vector_load %arg7[%get3A_388, %get3A_389] {strides = array<i32>} : memref<128x512xf32, #tpu.memory_space<vmem>>, vector<1x16xf32>,
      %get3A_391 = vector.shape_cast %get3A_390 : vector<1x16xf32> to vector<16xf32>
      %mul3A_392 = arith.constant 3.000000e-01 : f32
      %mul3A_393 = vector.broadcast %mul3A_392 : f32 to vector<16xf32>
      %mul3A_394 = arith.mulf %mul3A_393, %get3A_391 : vector<16xf32>
      %add3A_395 = arith.addf %mul3A_385, %mul3A_394 : vector<16xf32>
      %add3A_396 = arith.constant 0 : i32
      %add3A_397 = arith.addi %add3A_396, %scan3A_188 : i32
      %swap3A_398 = arith.index_cast %add3A_397 : i32 to index
      %swap3A_399 = arith.constant 128 : index
      %swap3A_400 = tpu.vector_load %arg7[%swap3A_398, %swap3A_399] {strides = array<i32>} : memref<128x512xf32, #tpu.memory_space<vmem>>, vector<1x16xf32>,
      %swap3A_401 = vector.shape_cast %swap3A_400 : vector<1x16xf32> to vector<16xf32>
      %swap3A_402 = vector.shape_cast %add3A_395 : vector<16xf32> to vector<1x16xf32>
      tpu.vector_store %arg7[%swap3A_398, %swap3A_399], %swap3A_402 {strides = array<i32>} : memref<128x512xf32, #tpu.memory_space<vmem>>, vector<1x16xf32>,
      %get3A_403 = arith.index_cast %scan3A_188 : i32 to index
      %get3A_404 = arith.constant 144 : index
      %get3A_405 = tpu.vector_load %arg8[%get3A_403, %get3A_404] {strides = array<i32>} : memref<32x512xf32, #tpu.memory_space<vmem>>, vector<1x16xf32>,
      %get3A_406 = vector.shape_cast %get3A_405 : vector<1x16xf32> to vector<16xf32>
      %mul3A_407 = arith.constant 0.699999988 : f32
      %mul3A_408 = vector.broadcast %mul3A_407 : f32 to vector<16xf32>
      %mul3A_409 = arith.mulf %mul3A_408, %get3A_406 : vector<16xf32>
      %add3A_410 = arith.constant 0 : i32
      %add3A_411 = arith.addi %add3A_410, %scan3A_188 : i32
      %get3A_412 = arith.index_cast %add3A_411 : i32 to index
      %get3A_413 = arith.constant 144 : index
      %get3A_414 = tpu.vector_load %arg7[%get3A_412, %get3A_413] {strides = array<i32>} : memref<128x512xf32, #tpu.memory_space<vmem>>, vector<1x16xf32>,
      %get3A_415 = vector.shape_cast %get3A_414 : vector<1x16xf32> to vector<16xf32>
      %mul3A_416 = arith.constant 3.000000e-01 : f32
      %mul3A_417 = vector.broadcast %mul3A_416 : f32 to vector<16xf32>
      %mul3A_418 = arith.mulf %mul3A_417, %get3A_415 : vector<16xf32>
      %add3A_419 = arith.addf %mul3A_409, %mul3A_418 : vector<16xf32>
      %add3A_420 = arith.constant 0 : i32
      %add3A_421 = arith.addi %add3A_420, %scan3A_188 : i32
      %swap3A_422 = arith.index_cast %add3A_421 : i32 to index
      %swap3A_423 = arith.constant 144 : index
      %swap3A_424 = tpu.vector_load %arg7[%swap3A_422, %swap3A_423] {strides = array<i32>} : memref<128x512xf32, #tpu.memory_space<vmem>>, vector<1x16xf32>,
      %swap3A_425 = vector.shape_cast %swap3A_424 : vector<1x16xf32> to vector<16xf32>
      %swap3A_426 = vector.shape_cast %add3A_419 : vector<16xf32> to vector<1x16xf32>
      tpu.vector_store %arg7[%swap3A_422, %swap3A_423], %swap3A_426 {strides = array<i32>} : memref<128x512xf32, #tpu.memory_space<vmem>>, vector<1x16xf32>,
      %get3A_427 = arith.index_cast %scan3A_188 : i32 to index
      %get3A_428 = arith.constant 160 : index
      %get3A_429 = tpu.vector_load %arg8[%get3A_427, %get3A_428] {strides = array<i32>} : memref<32x512xf32, #tpu.memory_space<vmem>>, vector<1x16xf32>,
      %get3A_430 = vector.shape_cast %get3A_429 : vector<1x16xf32> to vector<16xf32>
      %mul3A_431 = arith.constant 0.699999988 : f32
      %mul3A_432 = vector.broadcast %mul3A_431 : f32 to vector<16xf32>
      %mul3A_433 = arith.mulf %mul3A_432, %get3A_430 : vector<16xf32>
      %add3A_434 = arith.constant 0 : i32
      %add3A_435 = arith.addi %add3A_434, %scan3A_188 : i32
      %get3A_436 = arith.index_cast %add3A_435 : i32 to index
      %get3A_437 = arith.constant 160 : index
      %get3A_438 = tpu.vector_load %arg7[%get3A_436, %get3A_437] {strides = array<i32>} : memref<128x512xf32, #tpu.memory_space<vmem>>, vector<1x16xf32>,
      %get3A_439 = vector.shape_cast %get3A_438 : vector<1x16xf32> to vector<16xf32>
      %mul3A_440 = arith.constant 3.000000e-01 : f32
      %mul3A_441 = vector.broadcast %mul3A_440 : f32 to vector<16xf32>
      %mul3A_442 = arith.mulf %mul3A_441, %get3A_439 : vector<16xf32>
      %add3A_443 = arith.addf %mul3A_433, %mul3A_442 : vector<16xf32>
      %add3A_444 = arith.constant 0 : i32
      %add3A_445 = arith.addi %add3A_444, %scan3A_188 : i32
      %swap3A_446 = arith.index_cast %add3A_445 : i32 to index
      %swap3A_447 = arith.constant 160 : index
      %swap3A_448 = tpu.vector_load %arg7[%swap3A_446, %swap3A_447] {strides = array<i32>} : memref<128x512xf32, #tpu.memory_space<vmem>>, vector<1x16xf32>,
      %swap3A_449 = vector.shape_cast %swap3A_448 : vector<1x16xf32> to vector<16xf32>
      %swap3A_450 = vector.shape_cast %add3A_443 : vector<16xf32> to vector<1x16xf32>
      tpu.vector_store %arg7[%swap3A_446, %swap3A_447], %swap3A_450 {strides = array<i32>} : memref<128x512xf32, #tpu.memory_space<vmem>>, vector<1x16xf32>,
      %get3A_451 = arith.index_cast %scan3A_188 : i32 to index
      %get3A_452 = arith.constant 176 : index
      %get3A_453 = tpu.vector_load %arg8[%get3A_451, %get3A_452] {strides = array<i32>} : memref<32x512xf32, #tpu.memory_space<vmem>>, vector<1x16xf32>,
      %get3A_454 = vector.shape_cast %get3A_453 : vector<1x16xf32> to vector<16xf32>
      %mul3A_455 = arith.constant 0.699999988 : f32
      %mul3A_456 = vector.broadcast %mul3A_455 : f32 to vector<16xf32>
      %mul3A_457 = arith.mulf %mul3A_456, %get3A_454 : vector<16xf32>
      %add3A_458 = arith.constant 0 : i32
      %add3A_459 = arith.addi %add3A_458, %scan3A_188 : i32
      %get3A_460 = arith.index_cast %add3A_459 : i32 to index
      %get3A_461 = arith.constant 176 : index
      %get3A_462 = tpu.vector_load %arg7[%get3A_460, %get3A_461] {strides = array<i32>} : memref<128x512xf32, #tpu.memory_space<vmem>>, vector<1x16xf32>,
      %get3A_463 = vector.shape_cast %get3A_462 : vector<1x16xf32> to vector<16xf32>
      %mul3A_464 = arith.constant 3.000000e-01 : f32
      %mul3A_465 = vector.broadcast %mul3A_464 : f32 to vector<16xf32>
      %mul3A_466 = arith.mulf %mul3A_465, %get3A_463 : vector<16xf32>
      %add3A_467 = arith.addf %mul3A_457, %mul3A_466 : vector<16xf32>
      %add3A_468 = arith.constant 0 : i32
      %add3A_469 = arith.addi %add3A_468, %scan3A_188 : i32
      %swap3A_470 = arith.index_cast %add3A_469 : i32 to index
      %swap3A_471 = arith.constant 176 : index
      %swap3A_472 = tpu.vector_load %arg7[%swap3A_470, %swap3A_471] {strides = array<i32>} : memref<128x512xf32, #tpu.memory_space<vmem>>, vector<1x16xf32>,
      %swap3A_473 = vector.shape_cast %swap3A_472 : vector<1x16xf32> to vector<16xf32>
      %swap3A_474 = vector.shape_cast %add3A_467 : vector<16xf32> to vector<1x16xf32>
      tpu.vector_store %arg7[%swap3A_470, %swap3A_471], %swap3A_474 {strides = array<i32>} : memref<128x512xf32, #tpu.memory_space<vmem>>, vector<1x16xf32>,
      %get3A_475 = arith.index_cast %scan3A_188 : i32 to index
      %get3A_476 = arith.constant 192 : index
      %get3A_477 = tpu.vector_load %arg8[%get3A_475, %get3A_476] {strides = array<i32>} : memref<32x512xf32, #tpu.memory_space<vmem>>, vector<1x16xf32>,
      %get3A_478 = vector.shape_cast %get3A_477 : vector<1x16xf32> to vector<16xf32>
      %mul3A_479 = arith.constant 0.699999988 : f32
      %mul3A_480 = vector.broadcast %mul3A_479 : f32 to vector<16xf32>
      %mul3A_481 = arith.mulf %mul3A_480, %get3A_478 : vector<16xf32>
      %add3A_482 = arith.constant 0 : i32
      %add3A_483 = arith.addi %add3A_482, %scan3A_188 : i32
      %get3A_484 = arith.index_cast %add3A_483 : i32 to index
      %get3A_485 = arith.constant 192 : index
      %get3A_486 = tpu.vector_load %arg7[%get3A_484, %get3A_485] {strides = array<i32>} : memref<128x512xf32, #tpu.memory_space<vmem>>, vector<1x16xf32>,
      %get3A_487 = vector.shape_cast %get3A_486 : vector<1x16xf32> to vector<16xf32>
      %mul3A_488 = arith.constant 3.000000e-01 : f32
      %mul3A_489 = vector.broadcast %mul3A_488 : f32 to vector<16xf32>
      %mul3A_490 = arith.mulf %mul3A_489, %get3A_487 : vector<16xf32>
      %add3A_491 = arith.addf %mul3A_481, %mul3A_490 : vector<16xf32>
      %add3A_492 = arith.constant 0 : i32
      %add3A_493 = arith.addi %add3A_492, %scan3A_188 : i32
      %swap3A_494 = arith.index_cast %add3A_493 : i32 to index
      %swap3A_495 = arith.constant 192 : index
      %swap3A_496 = tpu.vector_load %arg7[%swap3A_494, %swap3A_495] {strides = array<i32>} : memref<128x512xf32, #tpu.memory_space<vmem>>, vector<1x16xf32>,
      %swap3A_497 = vector.shape_cast %swap3A_496 : vector<1x16xf32> to vector<16xf32>
      %swap3A_498 = vector.shape_cast %add3A_491 : vector<16xf32> to vector<1x16xf32>
      tpu.vector_store %arg7[%swap3A_494, %swap3A_495], %swap3A_498 {strides = array<i32>} : memref<128x512xf32, #tpu.memory_space<vmem>>, vector<1x16xf32>,
      %get3A_499 = arith.index_cast %scan3A_188 : i32 to index
      %get3A_500 = arith.constant 208 : index
      %get3A_501 = tpu.vector_load %arg8[%get3A_499, %get3A_500] {strides = array<i32>} : memref<32x512xf32, #tpu.memory_space<vmem>>, vector<1x16xf32>,
      %get3A_502 = vector.shape_cast %get3A_501 : vector<1x16xf32> to vector<16xf32>
      %mul3A_503 = arith.constant 0.699999988 : f32
      %mul3A_504 = vector.broadcast %mul3A_503 : f32 to vector<16xf32>
      %mul3A_505 = arith.mulf %mul3A_504, %get3A_502 : vector<16xf32>
      %add3A_506 = arith.constant 0 : i32
      %add3A_507 = arith.addi %add3A_506, %scan3A_188 : i32
      %get3A_508 = arith.index_cast %add3A_507 : i32 to index
      %get3A_509 = arith.constant 208 : index
      %get3A_510 = tpu.vector_load %arg7[%get3A_508, %get3A_509] {strides = array<i32>} : memref<128x512xf32, #tpu.memory_space<vmem>>, vector<1x16xf32>,
      %get3A_511 = vector.shape_cast %get3A_510 : vector<1x16xf32> to vector<16xf32>
      %mul3A_512 = arith.constant 3.000000e-01 : f32
      %mul3A_513 = vector.broadcast %mul3A_512 : f32 to vector<16xf32>
      %mul3A_514 = arith.mulf %mul3A_513, %get3A_511 : vector<16xf32>
      %add3A_515 = arith.addf %mul3A_505, %mul3A_514 : vector<16xf32>
      %add3A_516 = arith.constant 0 : i32
      %add3A_517 = arith.addi %add3A_516, %scan3A_188 : i32
      %swap3A_518 = arith.index_cast %add3A_517 : i32 to index
      %swap3A_519 = arith.constant 208 : index
      %swap3A_520 = tpu.vector_load %arg7[%swap3A_518, %swap3A_519] {strides = array<i32>} : memref<128x512xf32, #tpu.memory_space<vmem>>, vector<1x16xf32>,
      %swap3A_521 = vector.shape_cast %swap3A_520 : vector<1x16xf32> to vector<16xf32>
      %swap3A_522 = vector.shape_cast %add3A_515 : vector<16xf32> to vector<1x16xf32>
      tpu.vector_store %arg7[%swap3A_518, %swap3A_519], %swap3A_522 {strides = array<i32>} : memref<128x512xf32, #tpu.memory_space<vmem>>, vector<1x16xf32>,
      %get3A_523 = arith.index_cast %scan3A_188 : i32 to index
      %get3A_524 = arith.constant 224 : index
      %get3A_525 = tpu.vector_load %arg8[%get3A_523, %get3A_524] {strides = array<i32>} : memref<32x512xf32, #tpu.memory_space<vmem>>, vector<1x16xf32>,
      %get3A_526 = vector.shape_cast %get3A_525 : vector<1x16xf32> to vector<16xf32>
      %mul3A_527 = arith.constant 0.699999988 : f32
      %mul3A_528 = vector.broadcast %mul3A_527 : f32 to vector<16xf32>
      %mul3A_529 = arith.mulf %mul3A_528, %get3A_526 : vector<16xf32>
      %add3A_530 = arith.constant 0 : i32
      %add3A_531 = arith.addi %add3A_530, %scan3A_188 : i32
      %get3A_532 = arith.index_cast %add3A_531 : i32 to index
      %get3A_533 = arith.constant 224 : index
      %get3A_534 = tpu.vector_load %arg7[%get3A_532, %get3A_533] {strides = array<i32>} : memref<128x512xf32, #tpu.memory_space<vmem>>, vector<1x16xf32>,
      %get3A_535 = vector.shape_cast %get3A_534 : vector<1x16xf32> to vector<16xf32>
      %mul3A_536 = arith.constant 3.000000e-01 : f32
      %mul3A_537 = vector.broadcast %mul3A_536 : f32 to vector<16xf32>
      %mul3A_538 = arith.mulf %mul3A_537, %get3A_535 : vector<16xf32>
      %add3A_539 = arith.addf %mul3A_529, %mul3A_538 : vector<16xf32>
      %add3A_540 = arith.constant 0 : i32
      %add3A_541 = arith.addi %add3A_540, %scan3A_188 : i32
      %swap3A_542 = arith.index_cast %add3A_541 : i32 to index
      %swap3A_543 = arith.constant 224 : index
      %swap3A_544 = tpu.vector_load %arg7[%swap3A_542, %swap3A_543] {strides = array<i32>} : memref<128x512xf32, #tpu.memory_space<vmem>>, vector<1x16xf32>,
      %swap3A_545 = vector.shape_cast %swap3A_544 : vector<1x16xf32> to vector<16xf32>
      %swap3A_546 = vector.shape_cast %add3A_539 : vector<16xf32> to vector<1x16xf32>
      tpu.vector_store %arg7[%swap3A_542, %swap3A_543], %swap3A_546 {strides = array<i32>} : memref<128x512xf32, #tpu.memory_space<vmem>>, vector<1x16xf32>,
      %get3A_547 = arith.index_cast %scan3A_188 : i32 to index
      %get3A_548 = arith.constant 240 : index
      %get3A_549 = tpu.vector_load %arg8[%get3A_547, %get3A_548] {strides = array<i32>} : memref<32x512xf32, #tpu.memory_space<vmem>>, vector<1x16xf32>,
      %get3A_550 = vector.shape_cast %get3A_549 : vector<1x16xf32> to vector<16xf32>
      %mul3A_551 = arith.constant 0.699999988 : f32
      %mul3A_552 = vector.broadcast %mul3A_551 : f32 to vector<16xf32>
      %mul3A_553 = arith.mulf %mul3A_552, %get3A_550 : vector<16xf32>
      %add3A_554 = arith.constant 0 : i32
      %add3A_555 = arith.addi %add3A_554, %scan3A_188 : i32
      %get3A_556 = arith.index_cast %add3A_555 : i32 to index
      %get3A_557 = arith.constant 240 : index
      %get3A_558 = tpu.vector_load %arg7[%get3A_556, %get3A_557] {strides = array<i32>} : memref<128x512xf32, #tpu.memory_space<vmem>>, vector<1x16xf32>,
      %get3A_559 = vector.shape_cast %get3A_558 : vector<1x16xf32> to vector<16xf32>
      %mul3A_560 = arith.constant 3.000000e-01 : f32
      %mul3A_561 = vector.broadcast %mul3A_560 : f32 to vector<16xf32>
      %mul3A_562 = arith.mulf %mul3A_561, %get3A_559 : vector<16xf32>
      %add3A_563 = arith.addf %mul3A_553, %mul3A_562 : vector<16xf32>
      %add3A_564 = arith.constant 0 : i32
      %add3A_565 = arith.addi %add3A_564, %scan3A_188 : i32
      %swap3A_566 = arith.index_cast %add3A_565 : i32 to index
      %swap3A_567 = arith.constant 240 : index
      %swap3A_568 = tpu.vector_load %arg7[%swap3A_566, %swap3A_567] {strides = array<i32>} : memref<128x512xf32, #tpu.memory_space<vmem>>, vector<1x16xf32>,
      %swap3A_569 = vector.shape_cast %swap3A_568 : vector<1x16xf32> to vector<16xf32>
      %swap3A_570 = vector.shape_cast %add3A_563 : vector<16xf32> to vector<1x16xf32>
      tpu.vector_store %arg7[%swap3A_566, %swap3A_567], %swap3A_570 {strides = array<i32>} : memref<128x512xf32, #tpu.memory_space<vmem>>, vector<1x16xf32>,
      %get3A_571 = arith.index_cast %scan3A_188 : i32 to index
      %get3A_572 = arith.constant 256 : index
      %get3A_573 = tpu.vector_load %arg8[%get3A_571, %get3A_572] {strides = array<i32>} : memref<32x512xf32, #tpu.memory_space<vmem>>, vector<1x16xf32>,
      %get3A_574 = vector.shape_cast %get3A_573 : vector<1x16xf32> to vector<16xf32>
      %mul3A_575 = arith.constant 0.699999988 : f32
      %mul3A_576 = vector.broadcast %mul3A_575 : f32 to vector<16xf32>
      %mul3A_577 = arith.mulf %mul3A_576, %get3A_574 : vector<16xf32>
      %add3A_578 = arith.constant 0 : i32
      %add3A_579 = arith.addi %add3A_578, %scan3A_188 : i32
      %get3A_580 = arith.index_cast %add3A_579 : i32 to index
      %get3A_581 = arith.constant 256 : index
      %get3A_582 = tpu.vector_load %arg7[%get3A_580, %get3A_581] {strides = array<i32>} : memref<128x512xf32, #tpu.memory_space<vmem>>, vector<1x16xf32>,
      %get3A_583 = vector.shape_cast %get3A_582 : vector<1x16xf32> to vector<16xf32>
      %mul3A_584 = arith.constant 3.000000e-01 : f32
      %mul3A_585 = vector.broadcast %mul3A_584 : f32 to vector<16xf32>
      %mul3A_586 = arith.mulf %mul3A_585, %get3A_583 : vector<16xf32>
      %add3A_587 = arith.addf %mul3A_577, %mul3A_586 : vector<16xf32>
      %add3A_588 = arith.constant 0 : i32
      %add3A_589 = arith.addi %add3A_588, %scan3A_188 : i32
      %swap3A_590 = arith.index_cast %add3A_589 : i32 to index
      %swap3A_591 = arith.constant 256 : index
      %swap3A_592 = tpu.vector_load %arg7[%swap3A_590, %swap3A_591] {strides = array<i32>} : memref<128x512xf32, #tpu.memory_space<vmem>>, vector<1x16xf32>,
      %swap3A_593 = vector.shape_cast %swap3A_592 : vector<1x16xf32> to vector<16xf32>
      %swap3A_594 = vector.shape_cast %add3A_587 : vector<16xf32> to vector<1x16xf32>
      tpu.vector_store %arg7[%swap3A_590, %swap3A_591], %swap3A_594 {strides = array<i32>} : memref<128x512xf32, #tpu.memory_space<vmem>>, vector<1x16xf32>,
      %get3A_595 = arith.index_cast %scan3A_188 : i32 to index
      %get3A_596 = arith.constant 272 : index
      %get3A_597 = tpu.vector_load %arg8[%get3A_595, %get3A_596] {strides = array<i32>} : memref<32x512xf32, #tpu.memory_space<vmem>>, vector<1x16xf32>,
      %get3A_598 = vector.shape_cast %get3A_597 : vector<1x16xf32> to vector<16xf32>
      %mul3A_599 = arith.constant 0.699999988 : f32
      %mul3A_600 = vector.broadcast %mul3A_599 : f32 to vector<16xf32>
      %mul3A_601 = arith.mulf %mul3A_600, %get3A_598 : vector<16xf32>
      %add3A_602 = arith.constant 0 : i32
      %add3A_603 = arith.addi %add3A_602, %scan3A_188 : i32
      %get3A_604 = arith.index_cast %add3A_603 : i32 to index
      %get3A_605 = arith.constant 272 : index
      %get3A_606 = tpu.vector_load %arg7[%get3A_604, %get3A_605] {strides = array<i32>} : memref<128x512xf32, #tpu.memory_space<vmem>>, vector<1x16xf32>,
      %get3A_607 = vector.shape_cast %get3A_606 : vector<1x16xf32> to vector<16xf32>
      %mul3A_608 = arith.constant 3.000000e-01 : f32
      %mul3A_609 = vector.broadcast %mul3A_608 : f32 to vector<16xf32>
      %mul3A_610 = arith.mulf %mul3A_609, %get3A_607 : vector<16xf32>
      %add3A_611 = arith.addf %mul3A_601, %mul3A_610 : vector<16xf32>
      %add3A_612 = arith.constant 0 : i32
      %add3A_613 = arith.addi %add3A_612, %scan3A_188 : i32
      %swap3A_614 = arith.index_cast %add3A_613 : i32 to index
      %swap3A_615 = arith.constant 272 : index
      %swap3A_616 = tpu.vector_load %arg7[%swap3A_614, %swap3A_615] {strides = array<i32>} : memref<128x512xf32, #tpu.memory_space<vmem>>, vector<1x16xf32>,
      %swap3A_617 = vector.shape_cast %swap3A_616 : vector<1x16xf32> to vector<16xf32>
      %swap3A_618 = vector.shape_cast %add3A_611 : vector<16xf32> to vector<1x16xf32>
      tpu.vector_store %arg7[%swap3A_614, %swap3A_615], %swap3A_618 {strides = array<i32>} : memref<128x512xf32, #tpu.memory_space<vmem>>, vector<1x16xf32>,
      %get3A_619 = arith.index_cast %scan3A_188 : i32 to index
      %get3A_620 = arith.constant 288 : index
      %get3A_621 = tpu.vector_load %arg8[%get3A_619, %get3A_620] {strides = array<i32>} : memref<32x512xf32, #tpu.memory_space<vmem>>, vector<1x16xf32>,
      %get3A_622 = vector.shape_cast %get3A_621 : vector<1x16xf32> to vector<16xf32>
      %mul3A_623 = arith.constant 0.699999988 : f32
      %mul3A_624 = vector.broadcast %mul3A_623 : f32 to vector<16xf32>
      %mul3A_625 = arith.mulf %mul3A_624, %get3A_622 : vector<16xf32>
      %add3A_626 = arith.constant 0 : i32
      %add3A_627 = arith.addi %add3A_626, %scan3A_188 : i32
      %get3A_628 = arith.index_cast %add3A_627 : i32 to index
      %get3A_629 = arith.constant 288 : index
      %get3A_630 = tpu.vector_load %arg7[%get3A_628, %get3A_629] {strides = array<i32>} : memref<128x512xf32, #tpu.memory_space<vmem>>, vector<1x16xf32>,
      %get3A_631 = vector.shape_cast %get3A_630 : vector<1x16xf32> to vector<16xf32>
      %mul3A_632 = arith.constant 3.000000e-01 : f32
      %mul3A_633 = vector.broadcast %mul3A_632 : f32 to vector<16xf32>
      %mul3A_634 = arith.mulf %mul3A_633, %get3A_631 : vector<16xf32>
      %add3A_635 = arith.addf %mul3A_625, %mul3A_634 : vector<16xf32>
      %add3A_636 = arith.constant 0 : i32
      %add3A_637 = arith.addi %add3A_636, %scan3A_188 : i32
      %swap3A_638 = arith.index_cast %add3A_637 : i32 to index
      %swap3A_639 = arith.constant 288 : index
      %swap3A_640 = tpu.vector_load %arg7[%swap3A_638, %swap3A_639] {strides = array<i32>} : memref<128x512xf32, #tpu.memory_space<vmem>>, vector<1x16xf32>,
      %swap3A_641 = vector.shape_cast %swap3A_640 : vector<1x16xf32> to vector<16xf32>
      %swap3A_642 = vector.shape_cast %add3A_635 : vector<16xf32> to vector<1x16xf32>
      tpu.vector_store %arg7[%swap3A_638, %swap3A_639], %swap3A_642 {strides = array<i32>} : memref<128x512xf32, #tpu.memory_space<vmem>>, vector<1x16xf32>,
      %get3A_643 = arith.index_cast %scan3A_188 : i32 to index
      %get3A_644 = arith.constant 304 : index
      %get3A_645 = tpu.vector_load %arg8[%get3A_643, %get3A_644] {strides = array<i32>} : memref<32x512xf32, #tpu.memory_space<vmem>>, vector<1x16xf32>,
      %get3A_646 = vector.shape_cast %get3A_645 : vector<1x16xf32> to vector<16xf32>
      %mul3A_647 = arith.constant 0.699999988 : f32
      %mul3A_648 = vector.broadcast %mul3A_647 : f32 to vector<16xf32>
      %mul3A_649 = arith.mulf %mul3A_648, %get3A_646 : vector<16xf32>
      %add3A_650 = arith.constant 0 : i32
      %add3A_651 = arith.addi %add3A_650, %scan3A_188 : i32
      %get3A_652 = arith.index_cast %add3A_651 : i32 to index
      %get3A_653 = arith.constant 304 : index
      %get3A_654 = tpu.vector_load %arg7[%get3A_652, %get3A_653] {strides = array<i32>} : memref<128x512xf32, #tpu.memory_space<vmem>>, vector<1x16xf32>,
      %get3A_655 = vector.shape_cast %get3A_654 : vector<1x16xf32> to vector<16xf32>
      %mul3A_656 = arith.constant 3.000000e-01 : f32
      %mul3A_657 = vector.broadcast %mul3A_656 : f32 to vector<16xf32>
      %mul3A_658 = arith.mulf %mul3A_657, %get3A_655 : vector<16xf32>
      %add3A_659 = arith.addf %mul3A_649, %mul3A_658 : vector<16xf32>
      %add3A_660 = arith.constant 0 : i32
      %add3A_661 = arith.addi %add3A_660, %scan3A_188 : i32
      %swap3A_662 = arith.index_cast %add3A_661 : i32 to index
      %swap3A_663 = arith.constant 304 : index
      %swap3A_664 = tpu.vector_load %arg7[%swap3A_662, %swap3A_663] {strides = array<i32>} : memref<128x512xf32, #tpu.memory_space<vmem>>, vector<1x16xf32>,
      %swap3A_665 = vector.shape_cast %swap3A_664 : vector<1x16xf32> to vector<16xf32>
      %swap3A_666 = vector.shape_cast %add3A_659 : vector<16xf32> to vector<1x16xf32>
      tpu.vector_store %arg7[%swap3A_662, %swap3A_663], %swap3A_666 {strides = array<i32>} : memref<128x512xf32, #tpu.memory_space<vmem>>, vector<1x16xf32>,
      %get3A_667 = arith.index_cast %scan3A_188 : i32 to index
      %get3A_668 = arith.constant 320 : index
      %get3A_669 = tpu.vector_load %arg8[%get3A_667, %get3A_668] {strides = array<i32>} : memref<32x512xf32, #tpu.memory_space<vmem>>, vector<1x16xf32>,
      %get3A_670 = vector.shape_cast %get3A_669 : vector<1x16xf32> to vector<16xf32>
      %mul3A_671 = arith.constant 0.699999988 : f32
      %mul3A_672 = vector.broadcast %mul3A_671 : f32 to vector<16xf32>
      %mul3A_673 = arith.mulf %mul3A_672, %get3A_670 : vector<16xf32>
      %add3A_674 = arith.constant 0 : i32
      %add3A_675 = arith.addi %add3A_674, %scan3A_188 : i32
      %get3A_676 = arith.index_cast %add3A_675 : i32 to index
      %get3A_677 = arith.constant 320 : index
      %get3A_678 = tpu.vector_load %arg7[%get3A_676, %get3A_677] {strides = array<i32>} : memref<128x512xf32, #tpu.memory_space<vmem>>, vector<1x16xf32>,
      %get3A_679 = vector.shape_cast %get3A_678 : vector<1x16xf32> to vector<16xf32>
      %mul3A_680 = arith.constant 3.000000e-01 : f32
      %mul3A_681 = vector.broadcast %mul3A_680 : f32 to vector<16xf32>
      %mul3A_682 = arith.mulf %mul3A_681, %get3A_679 : vector<16xf32>
      %add3A_683 = arith.addf %mul3A_673, %mul3A_682 : vector<16xf32>
      %add3A_684 = arith.constant 0 : i32
      %add3A_685 = arith.addi %add3A_684, %scan3A_188 : i32
      %swap3A_686 = arith.index_cast %add3A_685 : i32 to index
      %swap3A_687 = arith.constant 320 : index
      %swap3A_688 = tpu.vector_load %arg7[%swap3A_686, %swap3A_687] {strides = array<i32>} : memref<128x512xf32, #tpu.memory_space<vmem>>, vector<1x16xf32>,
      %swap3A_689 = vector.shape_cast %swap3A_688 : vector<1x16xf32> to vector<16xf32>
      %swap3A_690 = vector.shape_cast %add3A_683 : vector<16xf32> to vector<1x16xf32>
      tpu.vector_store %arg7[%swap3A_686, %swap3A_687], %swap3A_690 {strides = array<i32>} : memref<128x512xf32, #tpu.memory_space<vmem>>, vector<1x16xf32>,
      %get3A_691 = arith.index_cast %scan3A_188 : i32 to index
      %get3A_692 = arith.constant 336 : index
      %get3A_693 = tpu.vector_load %arg8[%get3A_691, %get3A_692] {strides = array<i32>} : memref<32x512xf32, #tpu.memory_space<vmem>>, vector<1x16xf32>,
      %get3A_694 = vector.shape_cast %get3A_693 : vector<1x16xf32> to vector<16xf32>
      %mul3A_695 = arith.constant 0.699999988 : f32
      %mul3A_696 = vector.broadcast %mul3A_695 : f32 to vector<16xf32>
      %mul3A_697 = arith.mulf %mul3A_696, %get3A_694 : vector<16xf32>
      %add3A_698 = arith.constant 0 : i32
      %add3A_699 = arith.addi %add3A_698, %scan3A_188 : i32
      %get3A_700 = arith.index_cast %add3A_699 : i32 to index
      %get3A_701 = arith.constant 336 : index
      %get3A_702 = tpu.vector_load %arg7[%get3A_700, %get3A_701] {strides = array<i32>} : memref<128x512xf32, #tpu.memory_space<vmem>>, vector<1x16xf32>,
      %get3A_703 = vector.shape_cast %get3A_702 : vector<1x16xf32> to vector<16xf32>
      %mul3A_704 = arith.constant 3.000000e-01 : f32
      %mul3A_705 = vector.broadcast %mul3A_704 : f32 to vector<16xf32>
      %mul3A_706 = arith.mulf %mul3A_705, %get3A_703 : vector<16xf32>
      %add3A_707 = arith.addf %mul3A_697, %mul3A_706 : vector<16xf32>
      %add3A_708 = arith.constant 0 : i32
      %add3A_709 = arith.addi %add3A_708, %scan3A_188 : i32
      %swap3A_710 = arith.index_cast %add3A_709 : i32 to index
      %swap3A_711 = arith.constant 336 : index
      %swap3A_712 = tpu.vector_load %arg7[%swap3A_710, %swap3A_711] {strides = array<i32>} : memref<128x512xf32, #tpu.memory_space<vmem>>, vector<1x16xf32>,
      %swap3A_713 = vector.shape_cast %swap3A_712 : vector<1x16xf32> to vector<16xf32>
      %swap3A_714 = vector.shape_cast %add3A_707 : vector<16xf32> to vector<1x16xf32>
      tpu.vector_store %arg7[%swap3A_710, %swap3A_711], %swap3A_714 {strides = array<i32>} : memref<128x512xf32, #tpu.memory_space<vmem>>, vector<1x16xf32>,
      %get3A_715 = arith.index_cast %scan3A_188 : i32 to index
      %get3A_716 = arith.constant 352 : index
      %get3A_717 = tpu.vector_load %arg8[%get3A_715, %get3A_716] {strides = array<i32>} : memref<32x512xf32, #tpu.memory_space<vmem>>, vector<1x16xf32>,
      %get3A_718 = vector.shape_cast %get3A_717 : vector<1x16xf32> to vector<16xf32>
      %mul3A_719 = arith.constant 0.699999988 : f32
      %mul3A_720 = vector.broadcast %mul3A_719 : f32 to vector<16xf32>
      %mul3A_721 = arith.mulf %mul3A_720, %get3A_718 : vector<16xf32>
      %add3A_722 = arith.constant 0 : i32
      %add3A_723 = arith.addi %add3A_722, %scan3A_188 : i32
      %get3A_724 = arith.index_cast %add3A_723 : i32 to index
      %get3A_725 = arith.constant 352 : index
      %get3A_726 = tpu.vector_load %arg7[%get3A_724, %get3A_725] {strides = array<i32>} : memref<128x512xf32, #tpu.memory_space<vmem>>, vector<1x16xf32>,
      %get3A_727 = vector.shape_cast %get3A_726 : vector<1x16xf32> to vector<16xf32>
      %mul3A_728 = arith.constant 3.000000e-01 : f32
      %mul3A_729 = vector.broadcast %mul3A_728 : f32 to vector<16xf32>
      %mul3A_730 = arith.mulf %mul3A_729, %get3A_727 : vector<16xf32>
      %add3A_731 = arith.addf %mul3A_721, %mul3A_730 : vector<16xf32>
      %add3A_732 = arith.constant 0 : i32
      %add3A_733 = arith.addi %add3A_732, %scan3A_188 : i32
      %swap3A_734 = arith.index_cast %add3A_733 : i32 to index
      %swap3A_735 = arith.constant 352 : index
      %swap3A_736 = tpu.vector_load %arg7[%swap3A_734, %swap3A_735] {strides = array<i32>} : memref<128x512xf32, #tpu.memory_space<vmem>>, vector<1x16xf32>,
      %swap3A_737 = vector.shape_cast %swap3A_736 : vector<1x16xf32> to vector<16xf32>
      %swap3A_738 = vector.shape_cast %add3A_731 : vector<16xf32> to vector<1x16xf32>
      tpu.vector_store %arg7[%swap3A_734, %swap3A_735], %swap3A_738 {strides = array<i32>} : memref<128x512xf32, #tpu.memory_space<vmem>>, vector<1x16xf32>,
      %get3A_739 = arith.index_cast %scan3A_188 : i32 to index
      %get3A_740 = arith.constant 368 : index
      %get3A_741 = tpu.vector_load %arg8[%get3A_739, %get3A_740] {strides = array<i32>} : memref<32x512xf32, #tpu.memory_space<vmem>>, vector<1x16xf32>,
      %get3A_742 = vector.shape_cast %get3A_741 : vector<1x16xf32> to vector<16xf32>
      %mul3A_743 = arith.constant 0.699999988 : f32
      %mul3A_744 = vector.broadcast %mul3A_743 : f32 to vector<16xf32>
      %mul3A_745 = arith.mulf %mul3A_744, %get3A_742 : vector<16xf32>
      %add3A_746 = arith.constant 0 : i32
      %add3A_747 = arith.addi %add3A_746, %scan3A_188 : i32
      %get3A_748 = arith.index_cast %add3A_747 : i32 to index
      %get3A_749 = arith.constant 368 : index
      %get3A_750 = tpu.vector_load %arg7[%get3A_748, %get3A_749] {strides = array<i32>} : memref<128x512xf32, #tpu.memory_space<vmem>>, vector<1x16xf32>,
      %get3A_751 = vector.shape_cast %get3A_750 : vector<1x16xf32> to vector<16xf32>
      %mul3A_752 = arith.constant 3.000000e-01 : f32
      %mul3A_753 = vector.broadcast %mul3A_752 : f32 to vector<16xf32>
      %mul3A_754 = arith.mulf %mul3A_753, %get3A_751 : vector<16xf32>
      %add3A_755 = arith.addf %mul3A_745, %mul3A_754 : vector<16xf32>
      %add3A_756 = arith.constant 0 : i32
      %add3A_757 = arith.addi %add3A_756, %scan3A_188 : i32
      %swap3A_758 = arith.index_cast %add3A_757 : i32 to index
      %swap3A_759 = arith.constant 368 : index
      %swap3A_760 = tpu.vector_load %arg7[%swap3A_758, %swap3A_759] {strides = array<i32>} : memref<128x512xf32, #tpu.memory_space<vmem>>, vector<1x16xf32>,
      %swap3A_761 = vector.shape_cast %swap3A_760 : vector<1x16xf32> to vector<16xf32>
      %swap3A_762 = vector.shape_cast %add3A_755 : vector<16xf32> to vector<1x16xf32>
      tpu.vector_store %arg7[%swap3A_758, %swap3A_759], %swap3A_762 {strides = array<i32>} : memref<128x512xf32, #tpu.memory_space<vmem>>, vector<1x16xf32>,
      %get3A_763 = arith.index_cast %scan3A_188 : i32 to index
      %get3A_764 = arith.constant 384 : index
      %get3A_765 = tpu.vector_load %arg8[%get3A_763, %get3A_764] {strides = array<i32>} : memref<32x512xf32, #tpu.memory_space<vmem>>, vector<1x16xf32>,
      %get3A_766 = vector.shape_cast %get3A_765 : vector<1x16xf32> to vector<16xf32>
      %mul3A_767 = arith.constant 0.699999988 : f32
      %mul3A_768 = vector.broadcast %mul3A_767 : f32 to vector<16xf32>
      %mul3A_769 = arith.mulf %mul3A_768, %get3A_766 : vector<16xf32>
      %add3A_770 = arith.constant 0 : i32
      %add3A_771 = arith.addi %add3A_770, %scan3A_188 : i32
      %get3A_772 = arith.index_cast %add3A_771 : i32 to index
      %get3A_773 = arith.constant 384 : index
      %get3A_774 = tpu.vector_load %arg7[%get3A_772, %get3A_773] {strides = array<i32>} : memref<128x512xf32, #tpu.memory_space<vmem>>, vector<1x16xf32>,
      %get3A_775 = vector.shape_cast %get3A_774 : vector<1x16xf32> to vector<16xf32>
      %mul3A_776 = arith.constant 3.000000e-01 : f32
      %mul3A_777 = vector.broadcast %mul3A_776 : f32 to vector<16xf32>
      %mul3A_778 = arith.mulf %mul3A_777, %get3A_775 : vector<16xf32>
      %add3A_779 = arith.addf %mul3A_769, %mul3A_778 : vector<16xf32>
      %add3A_780 = arith.constant 0 : i32
      %add3A_781 = arith.addi %add3A_780, %scan3A_188 : i32
      %swap3A_782 = arith.index_cast %add3A_781 : i32 to index
      %swap3A_783 = arith.constant 384 : index
      %swap3A_784 = tpu.vector_load %arg7[%swap3A_782, %swap3A_783] {strides = array<i32>} : memref<128x512xf32, #tpu.memory_space<vmem>>, vector<1x16xf32>,
      %swap3A_785 = vector.shape_cast %swap3A_784 : vector<1x16xf32> to vector<16xf32>
      %swap3A_786 = vector.shape_cast %add3A_779 : vector<16xf32> to vector<1x16xf32>
      tpu.vector_store %arg7[%swap3A_782, %swap3A_783], %swap3A_786 {strides = array<i32>} : memref<128x512xf32, #tpu.memory_space<vmem>>, vector<1x16xf32>,
      %get3A_787 = arith.index_cast %scan3A_188 : i32 to index
      %get3A_788 = arith.constant 400 : index
      %get3A_789 = tpu.vector_load %arg8[%get3A_787, %get3A_788] {strides = array<i32>} : memref<32x512xf32, #tpu.memory_space<vmem>>, vector<1x16xf32>,
      %get3A_790 = vector.shape_cast %get3A_789 : vector<1x16xf32> to vector<16xf32>
      %mul3A_791 = arith.constant 0.699999988 : f32
      %mul3A_792 = vector.broadcast %mul3A_791 : f32 to vector<16xf32>
      %mul3A_793 = arith.mulf %mul3A_792, %get3A_790 : vector<16xf32>
      %add3A_794 = arith.constant 0 : i32
      %add3A_795 = arith.addi %add3A_794, %scan3A_188 : i32
      %get3A_796 = arith.index_cast %add3A_795 : i32 to index
      %get3A_797 = arith.constant 400 : index
      %get3A_798 = tpu.vector_load %arg7[%get3A_796, %get3A_797] {strides = array<i32>} : memref<128x512xf32, #tpu.memory_space<vmem>>, vector<1x16xf32>,
      %get3A_799 = vector.shape_cast %get3A_798 : vector<1x16xf32> to vector<16xf32>
      %mul3A_800 = arith.constant 3.000000e-01 : f32
      %mul3A_801 = vector.broadcast %mul3A_800 : f32 to vector<16xf32>
      %mul3A_802 = arith.mulf %mul3A_801, %get3A_799 : vector<16xf32>
      %add3A_803 = arith.addf %mul3A_793, %mul3A_802 : vector<16xf32>
      %add3A_804 = arith.constant 0 : i32
      %add3A_805 = arith.addi %add3A_804, %scan3A_188 : i32
      %swap3A_806 = arith.index_cast %add3A_805 : i32 to index
      %swap3A_807 = arith.constant 400 : index
      %swap3A_808 = tpu.vector_load %arg7[%swap3A_806, %swap3A_807] {strides = array<i32>} : memref<128x512xf32, #tpu.memory_space<vmem>>, vector<1x16xf32>,
      %swap3A_809 = vector.shape_cast %swap3A_808 : vector<1x16xf32> to vector<16xf32>
      %swap3A_810 = vector.shape_cast %add3A_803 : vector<16xf32> to vector<1x16xf32>
      tpu.vector_store %arg7[%swap3A_806, %swap3A_807], %swap3A_810 {strides = array<i32>} : memref<128x512xf32, #tpu.memory_space<vmem>>, vector<1x16xf32>,
      %get3A_811 = arith.index_cast %scan3A_188 : i32 to index
      %get3A_812 = arith.constant 416 : index
      %get3A_813 = tpu.vector_load %arg8[%get3A_811, %get3A_812] {strides = array<i32>} : memref<32x512xf32, #tpu.memory_space<vmem>>, vector<1x16xf32>,
      %get3A_814 = vector.shape_cast %get3A_813 : vector<1x16xf32> to vector<16xf32>
      %mul3A_815 = arith.constant 0.699999988 : f32
      %mul3A_816 = vector.broadcast %mul3A_815 : f32 to vector<16xf32>
      %mul3A_817 = arith.mulf %mul3A_816, %get3A_814 : vector<16xf32>
      %add3A_818 = arith.constant 0 : i32
      %add3A_819 = arith.addi %add3A_818, %scan3A_188 : i32
      %get3A_820 = arith.index_cast %add3A_819 : i32 to index
      %get3A_821 = arith.constant 416 : index
      %get3A_822 = tpu.vector_load %arg7[%get3A_820, %get3A_821] {strides = array<i32>} : memref<128x512xf32, #tpu.memory_space<vmem>>, vector<1x16xf32>,
      %get3A_823 = vector.shape_cast %get3A_822 : vector<1x16xf32> to vector<16xf32>
      %mul3A_824 = arith.constant 3.000000e-01 : f32
      %mul3A_825 = vector.broadcast %mul3A_824 : f32 to vector<16xf32>
      %mul3A_826 = arith.mulf %mul3A_825, %get3A_823 : vector<16xf32>
      %add3A_827 = arith.addf %mul3A_817, %mul3A_826 : vector<16xf32>
      %add3A_828 = arith.constant 0 : i32
      %add3A_829 = arith.addi %add3A_828, %scan3A_188 : i32
      %swap3A_830 = arith.index_cast %add3A_829 : i32 to index
      %swap3A_831 = arith.constant 416 : index
      %swap3A_832 = tpu.vector_load %arg7[%swap3A_830, %swap3A_831] {strides = array<i32>} : memref<128x512xf32, #tpu.memory_space<vmem>>, vector<1x16xf32>,
      %swap3A_833 = vector.shape_cast %swap3A_832 : vector<1x16xf32> to vector<16xf32>
      %swap3A_834 = vector.shape_cast %add3A_827 : vector<16xf32> to vector<1x16xf32>
      tpu.vector_store %arg7[%swap3A_830, %swap3A_831], %swap3A_834 {strides = array<i32>} : memref<128x512xf32, #tpu.memory_space<vmem>>, vector<1x16xf32>,
      %get3A_835 = arith.index_cast %scan3A_188 : i32 to index
      %get3A_836 = arith.constant 432 : index
      %get3A_837 = tpu.vector_load %arg8[%get3A_835, %get3A_836] {strides = array<i32>} : memref<32x512xf32, #tpu.memory_space<vmem>>, vector<1x16xf32>,
      %get3A_838 = vector.shape_cast %get3A_837 : vector<1x16xf32> to vector<16xf32>
      %mul3A_839 = arith.constant 0.699999988 : f32
      %mul3A_840 = vector.broadcast %mul3A_839 : f32 to vector<16xf32>
      %mul3A_841 = arith.mulf %mul3A_840, %get3A_838 : vector<16xf32>
      %add3A_842 = arith.constant 0 : i32
      %add3A_843 = arith.addi %add3A_842, %scan3A_188 : i32
      %get3A_844 = arith.index_cast %add3A_843 : i32 to index
      %get3A_845 = arith.constant 432 : index
      %get3A_846 = tpu.vector_load %arg7[%get3A_844, %get3A_845] {strides = array<i32>} : memref<128x512xf32, #tpu.memory_space<vmem>>, vector<1x16xf32>,
      %get3A_847 = vector.shape_cast %get3A_846 : vector<1x16xf32> to vector<16xf32>
      %mul3A_848 = arith.constant 3.000000e-01 : f32
      %mul3A_849 = vector.broadcast %mul3A_848 : f32 to vector<16xf32>
      %mul3A_850 = arith.mulf %mul3A_849, %get3A_847 : vector<16xf32>
      %add3A_851 = arith.addf %mul3A_841, %mul3A_850 : vector<16xf32>
      %add3A_852 = arith.constant 0 : i32
      %add3A_853 = arith.addi %add3A_852, %scan3A_188 : i32
      %swap3A_854 = arith.index_cast %add3A_853 : i32 to index
      %swap3A_855 = arith.constant 432 : index
      %swap3A_856 = tpu.vector_load %arg7[%swap3A_854, %swap3A_855] {strides = array<i32>} : memref<128x512xf32, #tpu.memory_space<vmem>>, vector<1x16xf32>,
      %swap3A_857 = vector.shape_cast %swap3A_856 : vector<1x16xf32> to vector<16xf32>
      %swap3A_858 = vector.shape_cast %add3A_851 : vector<16xf32> to vector<1x16xf32>
      tpu.vector_store %arg7[%swap3A_854, %swap3A_855], %swap3A_858 {strides = array<i32>} : memref<128x512xf32, #tpu.memory_space<vmem>>, vector<1x16xf32>,
      %get3A_859 = arith.index_cast %scan3A_188 : i32 to index
      %get3A_860 = arith.constant 448 : index
      %get3A_861 = tpu.vector_load %arg8[%get3A_859, %get3A_860] {strides = array<i32>} : memref<32x512xf32, #tpu.memory_space<vmem>>, vector<1x16xf32>,
      %get3A_862 = vector.shape_cast %get3A_861 : vector<1x16xf32> to vector<16xf32>
      %mul3A_863 = arith.constant 0.699999988 : f32
      %mul3A_864 = vector.broadcast %mul3A_863 : f32 to vector<16xf32>
      %mul3A_865 = arith.mulf %mul3A_864, %get3A_862 : vector<16xf32>
      %add3A_866 = arith.constant 0 : i32
      %add3A_867 = arith.addi %add3A_866, %scan3A_188 : i32
      %get3A_868 = arith.index_cast %add3A_867 : i32 to index
      %get3A_869 = arith.constant 448 : index
      %get3A_870 = tpu.vector_load %arg7[%get3A_868, %get3A_869] {strides = array<i32>} : memref<128x512xf32, #tpu.memory_space<vmem>>, vector<1x16xf32>,
      %get3A_871 = vector.shape_cast %get3A_870 : vector<1x16xf32> to vector<16xf32>
      %mul3A_872 = arith.constant 3.000000e-01 : f32
      %mul3A_873 = vector.broadcast %mul3A_872 : f32 to vector<16xf32>
      %mul3A_874 = arith.mulf %mul3A_873, %get3A_871 : vector<16xf32>
      %add3A_875 = arith.addf %mul3A_865, %mul3A_874 : vector<16xf32>
      %add3A_876 = arith.constant 0 : i32
      %add3A_877 = arith.addi %add3A_876, %scan3A_188 : i32
      %swap3A_878 = arith.index_cast %add3A_877 : i32 to index
      %swap3A_879 = arith.constant 448 : index
      %swap3A_880 = tpu.vector_load %arg7[%swap3A_878, %swap3A_879] {strides = array<i32>} : memref<128x512xf32, #tpu.memory_space<vmem>>, vector<1x16xf32>,
      %swap3A_881 = vector.shape_cast %swap3A_880 : vector<1x16xf32> to vector<16xf32>
      %swap3A_882 = vector.shape_cast %add3A_875 : vector<16xf32> to vector<1x16xf32>
      tpu.vector_store %arg7[%swap3A_878, %swap3A_879], %swap3A_882 {strides = array<i32>} : memref<128x512xf32, #tpu.memory_space<vmem>>, vector<1x16xf32>,
      %get3A_883 = arith.index_cast %scan3A_188 : i32 to index
      %get3A_884 = arith.constant 464 : index
      %get3A_885 = tpu.vector_load %arg8[%get3A_883, %get3A_884] {strides = array<i32>} : memref<32x512xf32, #tpu.memory_space<vmem>>, vector<1x16xf32>,
      %get3A_886 = vector.shape_cast %get3A_885 : vector<1x16xf32> to vector<16xf32>
      %mul3A_887 = arith.constant 0.699999988 : f32
      %mul3A_888 = vector.broadcast %mul3A_887 : f32 to vector<16xf32>
      %mul3A_889 = arith.mulf %mul3A_888, %get3A_886 : vector<16xf32>
      %add3A_890 = arith.constant 0 : i32
      %add3A_891 = arith.addi %add3A_890, %scan3A_188 : i32
      %get3A_892 = arith.index_cast %add3A_891 : i32 to index
      %get3A_893 = arith.constant 464 : index
      %get3A_894 = tpu.vector_load %arg7[%get3A_892, %get3A_893] {strides = array<i32>} : memref<128x512xf32, #tpu.memory_space<vmem>>, vector<1x16xf32>,
      %get3A_895 = vector.shape_cast %get3A_894 : vector<1x16xf32> to vector<16xf32>
      %mul3A_896 = arith.constant 3.000000e-01 : f32
      %mul3A_897 = vector.broadcast %mul3A_896 : f32 to vector<16xf32>
      %mul3A_898 = arith.mulf %mul3A_897, %get3A_895 : vector<16xf32>
      %add3A_899 = arith.addf %mul3A_889, %mul3A_898 : vector<16xf32>
      %add3A_900 = arith.constant 0 : i32
      %add3A_901 = arith.addi %add3A_900, %scan3A_188 : i32
      %swap3A_902 = arith.index_cast %add3A_901 : i32 to index
      %swap3A_903 = arith.constant 464 : index
      %swap3A_904 = tpu.vector_load %arg7[%swap3A_902, %swap3A_903] {strides = array<i32>} : memref<128x512xf32, #tpu.memory_space<vmem>>, vector<1x16xf32>,
      %swap3A_905 = vector.shape_cast %swap3A_904 : vector<1x16xf32> to vector<16xf32>
      %swap3A_906 = vector.shape_cast %add3A_899 : vector<16xf32> to vector<1x16xf32>
      tpu.vector_store %arg7[%swap3A_902, %swap3A_903], %swap3A_906 {strides = array<i32>} : memref<128x512xf32, #tpu.memory_space<vmem>>, vector<1x16xf32>,
      %get3A_907 = arith.index_cast %scan3A_188 : i32 to index
      %get3A_908 = arith.constant 480 : index
      %get3A_909 = tpu.vector_load %arg8[%get3A_907, %get3A_908] {strides = array<i32>} : memref<32x512xf32, #tpu.memory_space<vmem>>, vector<1x16xf32>,
      %get3A_910 = vector.shape_cast %get3A_909 : vector<1x16xf32> to vector<16xf32>
      %mul3A_911 = arith.constant 0.699999988 : f32
      %mul3A_912 = vector.broadcast %mul3A_911 : f32 to vector<16xf32>
      %mul3A_913 = arith.mulf %mul3A_912, %get3A_910 : vector<16xf32>
      %add3A_914 = arith.constant 0 : i32
      %add3A_915 = arith.addi %add3A_914, %scan3A_188 : i32
      %get3A_916 = arith.index_cast %add3A_915 : i32 to index
      %get3A_917 = arith.constant 480 : index
      %get3A_918 = tpu.vector_load %arg7[%get3A_916, %get3A_917] {strides = array<i32>} : memref<128x512xf32, #tpu.memory_space<vmem>>, vector<1x16xf32>,
      %get3A_919 = vector.shape_cast %get3A_918 : vector<1x16xf32> to vector<16xf32>
      %mul3A_920 = arith.constant 3.000000e-01 : f32
      %mul3A_921 = vector.broadcast %mul3A_920 : f32 to vector<16xf32>
      %mul3A_922 = arith.mulf %mul3A_921, %get3A_919 : vector<16xf32>
      %add3A_923 = arith.addf %mul3A_913, %mul3A_922 : vector<16xf32>
      %add3A_924 = arith.constant 0 : i32
      %add3A_925 = arith.addi %add3A_924, %scan3A_188 : i32
      %swap3A_926 = arith.index_cast %add3A_925 : i32 to index
      %swap3A_927 = arith.constant 480 : index
      %swap3A_928 = tpu.vector_load %arg7[%swap3A_926, %swap3A_927] {strides = array<i32>} : memref<128x512xf32, #tpu.memory_space<vmem>>, vector<1x16xf32>,
      %swap3A_929 = vector.shape_cast %swap3A_928 : vector<1x16xf32> to vector<16xf32>
      %swap3A_930 = vector.shape_cast %add3A_923 : vector<16xf32> to vector<1x16xf32>
      tpu.vector_store %arg7[%swap3A_926, %swap3A_927], %swap3A_930 {strides = array<i32>} : memref<128x512xf32, #tpu.memory_space<vmem>>, vector<1x16xf32>,
      %get3A_931 = arith.index_cast %scan3A_188 : i32 to index
      %get3A_932 = arith.constant 496 : index
      %get3A_933 = tpu.vector_load %arg8[%get3A_931, %get3A_932] {strides = array<i32>} : memref<32x512xf32, #tpu.memory_space<vmem>>, vector<1x16xf32>,
      %get3A_934 = vector.shape_cast %get3A_933 : vector<1x16xf32> to vector<16xf32>
      %mul3A_935 = arith.constant 0.699999988 : f32
      %mul3A_936 = vector.broadcast %mul3A_935 : f32 to vector<16xf32>
      %mul3A_937 = arith.mulf %mul3A_936, %get3A_934 : vector<16xf32>
      %add3A_938 = arith.constant 0 : i32
      %add3A_939 = arith.addi %add3A_938, %scan3A_188 : i32
      %get3A_940 = arith.index_cast %add3A_939 : i32 to index
      %get3A_941 = arith.constant 496 : index
      %get3A_942 = tpu.vector_load %arg7[%get3A_940, %get3A_941] {strides = array<i32>} : memref<128x512xf32, #tpu.memory_space<vmem>>, vector<1x16xf32>,
      %get3A_943 = vector.shape_cast %get3A_942 : vector<1x16xf32> to vector<16xf32>
      %mul3A_944 = arith.constant 3.000000e-01 : f32
      %mul3A_945 = vector.broadcast %mul3A_944 : f32 to vector<16xf32>
      %mul3A_946 = arith.mulf %mul3A_945, %get3A_943 : vector<16xf32>
      %add3A_947 = arith.addf %mul3A_937, %mul3A_946 : vector<16xf32>
      %add3A_948 = arith.constant 0 : i32
      %add3A_949 = arith.addi %add3A_948, %scan3A_188 : i32
      %swap3A_950 = arith.index_cast %add3A_949 : i32 to index
      %swap3A_951 = arith.constant 496 : index
      %swap3A_952 = tpu.vector_load %arg7[%swap3A_950, %swap3A_951] {strides = array<i32>} : memref<128x512xf32, #tpu.memory_space<vmem>>, vector<1x16xf32>,
      %swap3A_953 = vector.shape_cast %swap3A_952 : vector<1x16xf32> to vector<16xf32>
      %swap3A_954 = vector.shape_cast %add3A_947 : vector<16xf32> to vector<1x16xf32>
      tpu.vector_store %arg7[%swap3A_950, %swap3A_951], %swap3A_954 {strides = array<i32>} : memref<128x512xf32, #tpu.memory_space<vmem>>, vector<1x16xf32>,
    }
    %scan3A_49 = arith.constant 32 : i32
    %add3A_50 = arith.constant 64 : i32
    %add3A_51 = arith.addi %mul3A_2, %add3A_50 : i32
    %dma_start3A_52 = arith.constant 0 : i32
    %dma_start3A_53 = tpu.memref_slice %arg4[%add3A_51, %dma_start3A_52] : memref<4096x512xf32, #tpu.memory_space<hbm>> -> memref<32x512xf32, #tpu.memory_space<hbm>>
    %dma_start3A_54 = arith.constant 0 : i32
    %dma_start3A_55 = tpu.memref_slice %arg4[%add3A_51, %dma_start3A_54] : memref<4096x512xf32, #tpu.memory_space<hbm>> -> memref<32x512xf32, #tpu.memory_space<hbm>>
    tpu.enqueue_dma source(%dma_start3A_55 : memref<32x512xf32, #tpu.memory_space<hbm>>) target(%arg8 : memref<32x512xf32, #tpu.memory_space<vmem>>) target_semaphore(%arg12 : memref<!tpu.dma_semaphore, #tpu.memory_space<semaphore_mem>>)
    %add3A_56 = arith.constant 0 : i32
    %add3A_57 = arith.addi %mul3A_2, %add3A_56 : i32
    %dma_start3A_58 = arith.constant 0 : i32
    %dma_start3A_59 = arith.constant 0 : i32
    %dma_start3A_60 = tpu.memref_slice %arg7[%dma_start3A_58, %dma_start3A_59] : memref<128x512xf32, #tpu.memory_space<vmem>> -> memref<32x512xf32, #tpu.memory_space<vmem>>
    %dma_start3A_61 = arith.constant 0 : i32
    %dma_start3A_62 = tpu.memref_slice %arg5[%add3A_57, %dma_start3A_61] : memref<4096x512xf32, #tpu.memory_space<hbm>> -> memref<32x512xf32, #tpu.memory_space<hbm>>
    %dma_start3A_63 = arith.constant 0 : i32
    %dma_start3A_64 = tpu.memref_slice %arg5[%add3A_57, %dma_start3A_63] : memref<4096x512xf32, #tpu.memory_space<hbm>> -> memref<32x512xf32, #tpu.memory_space<hbm>>
    %dma_start3A_65 = arith.constant 0 : i32
    %dma_start3A_66 = arith.constant 0 : i32
    %dma_start3A_67 = tpu.memref_slice %arg7[%dma_start3A_65, %dma_start3A_66] : memref<128x512xf32, #tpu.memory_space<vmem>> -> memref<32x512xf32, #tpu.memory_space<vmem>>
    tpu.enqueue_dma source(%dma_start3A_67 : memref<32x512xf32, #tpu.memory_space<vmem>>) target(%dma_start3A_64 : memref<32x512xf32, #tpu.memory_space<hbm>>) target_semaphore(%arg14 : memref<!tpu.dma_semaphore, #tpu.memory_space<semaphore_mem>>)
    %dma_wait3A_68 = arith.constant 0 : i32
    %dma_wait3A_69 = tpu.memref_slice %arg4[%add3A_9, %dma_wait3A_68] : memref<4096x512xf32, #tpu.memory_space<hbm>> -> memref<32x512xf32, #tpu.memory_space<hbm>>
    %dma_wait3A_70 = arith.constant 0 : i32
    %dma_wait3A_71 = tpu.memref_slice %arg4[%add3A_9, %dma_wait3A_70] : memref<4096x512xf32, #tpu.memory_space<hbm>> -> memref<32x512xf32, #tpu.memory_space<hbm>>
    tpu.wait_dma2 semaphore(%arg13 : memref<!tpu.dma_semaphore, #tpu.memory_space<semaphore_mem>>) src(%dma_wait3A_71 : memref<32x512xf32, #tpu.memory_space<hbm>>) dst(%arg9 : memref<32x512xf32, #tpu.memory_space<vmem>>)
    %scan3A_72 = arith.constant 0 : i32
    %scan3A_73 = arith.constant 0 : i32
    %scan3A_74 = arith.constant 32 : i32
    %scan3A_75 = arith.addi %scan3A_73, %scan3A_74 : i32
    %scan3A_76 = arith.constant 1 : i32
    scf.for %scan3A_188 = %scan3A_73 to %scan3A_75 step %scan3A_76  : i32 {
      %get3A = arith.index_cast %scan3A_188 : i32 to index
      %get3A_189 = arith.constant 0 : index
      %get3A_190 = tpu.vector_load %arg9[%get3A, %get3A_189] {strides = array<i32>} : memref<32x512xf32, #tpu.memory_space<vmem>>, vector<1x16xf32>,
      %get3A_191 = vector.shape_cast %get3A_190 : vector<1x16xf32> to vector<16xf32>
      %mul3A_192 = arith.constant 0.699999988 : f32
      %mul3A_193 = vector.broadcast %mul3A_192 : f32 to vector<16xf32>
      %mul3A_194 = arith.mulf %mul3A_193, %get3A_191 : vector<16xf32>
      %add3A_195 = arith.constant 32 : i32
      %add3A_196 = arith.addi %add3A_195, %scan3A_188 : i32
      %get3A_197 = arith.index_cast %add3A_196 : i32 to index
      %get3A_198 = arith.constant 0 : index
      %get3A_199 = tpu.vector_load %arg7[%get3A_197, %get3A_198] {strides = array<i32>} : memref<128x512xf32, #tpu.memory_space<vmem>>, vector<1x16xf32>,
      %get3A_200 = vector.shape_cast %get3A_199 : vector<1x16xf32> to vector<16xf32>
      %mul3A_201 = arith.constant 3.000000e-01 : f32
      %mul3A_202 = vector.broadcast %mul3A_201 : f32 to vector<16xf32>
      %mul3A_203 = arith.mulf %mul3A_202, %get3A_200 : vector<16xf32>
      %add3A_204 = arith.addf %mul3A_194, %mul3A_203 : vector<16xf32>
      %add3A_205 = arith.constant 32 : i32
      %add3A_206 = arith.addi %add3A_205, %scan3A_188 : i32
      %swap3A = arith.index_cast %add3A_206 : i32 to index
      %swap3A_207 = arith.constant 0 : index
      %swap3A_208 = tpu.vector_load %arg7[%swap3A, %swap3A_207] {strides = array<i32>} : memref<128x512xf32, #tpu.memory_space<vmem>>, vector<1x16xf32>,
      %swap3A_209 = vector.shape_cast %swap3A_208 : vector<1x16xf32> to vector<16xf32>
      %swap3A_210 = vector.shape_cast %add3A_204 : vector<16xf32> to vector<1x16xf32>
      tpu.vector_store %arg7[%swap3A, %swap3A_207], %swap3A_210 {strides = array<i32>} : memref<128x512xf32, #tpu.memory_space<vmem>>, vector<1x16xf32>,
      %get3A_211 = arith.index_cast %scan3A_188 : i32 to index
      %get3A_212 = arith.constant 16 : index
      %get3A_213 = tpu.vector_load %arg9[%get3A_211, %get3A_212] {strides = array<i32>} : memref<32x512xf32, #tpu.memory_space<vmem>>, vector<1x16xf32>,
      %get3A_214 = vector.shape_cast %get3A_213 : vector<1x16xf32> to vector<16xf32>
      %mul3A_215 = arith.constant 0.699999988 : f32
      %mul3A_216 = vector.broadcast %mul3A_215 : f32 to vector<16xf32>
      %mul3A_217 = arith.mulf %mul3A_216, %get3A_214 : vector<16xf32>
      %add3A_218 = arith.constant 32 : i32
      %add3A_219 = arith.addi %add3A_218, %scan3A_188 : i32
      %get3A_220 = arith.index_cast %add3A_219 : i32 to index
      %get3A_221 = arith.constant 16 : index
      %get3A_222 = tpu.vector_load %arg7[%get3A_220, %get3A_221] {strides = array<i32>} : memref<128x512xf32, #tpu.memory_space<vmem>>, vector<1x16xf32>,
      %get3A_223 = vector.shape_cast %get3A_222 : vector<1x16xf32> to vector<16xf32>
      %mul3A_224 = arith.constant 3.000000e-01 : f32
      %mul3A_225 = vector.broadcast %mul3A_224 : f32 to vector<16xf32>
      %mul3A_226 = arith.mulf %mul3A_225, %get3A_223 : vector<16xf32>
      %add3A_227 = arith.addf %mul3A_217, %mul3A_226 : vector<16xf32>
      %add3A_228 = arith.constant 32 : i32
      %add3A_229 = arith.addi %add3A_228, %scan3A_188 : i32
      %swap3A_230 = arith.index_cast %add3A_229 : i32 to index
      %swap3A_231 = arith.constant 16 : index
      %swap3A_232 = tpu.vector_load %arg7[%swap3A_230, %swap3A_231] {strides = array<i32>} : memref<128x512xf32, #tpu.memory_space<vmem>>, vector<1x16xf32>,
      %swap3A_233 = vector.shape_cast %swap3A_232 : vector<1x16xf32> to vector<16xf32>
      %swap3A_234 = vector.shape_cast %add3A_227 : vector<16xf32> to vector<1x16xf32>
      tpu.vector_store %arg7[%swap3A_230, %swap3A_231], %swap3A_234 {strides = array<i32>} : memref<128x512xf32, #tpu.memory_space<vmem>>, vector<1x16xf32>,
      %get3A_235 = arith.index_cast %scan3A_188 : i32 to index
      %get3A_236 = arith.constant 32 : index
      %get3A_237 = tpu.vector_load %arg9[%get3A_235, %get3A_236] {strides = array<i32>} : memref<32x512xf32, #tpu.memory_space<vmem>>, vector<1x16xf32>,
      %get3A_238 = vector.shape_cast %get3A_237 : vector<1x16xf32> to vector<16xf32>
      %mul3A_239 = arith.constant 0.699999988 : f32
      %mul3A_240 = vector.broadcast %mul3A_239 : f32 to vector<16xf32>
      %mul3A_241 = arith.mulf %mul3A_240, %get3A_238 : vector<16xf32>
      %add3A_242 = arith.constant 32 : i32
      %add3A_243 = arith.addi %add3A_242, %scan3A_188 : i32
      %get3A_244 = arith.index_cast %add3A_243 : i32 to index
      %get3A_245 = arith.constant 32 : index
      %get3A_246 = tpu.vector_load %arg7[%get3A_244, %get3A_245] {strides = array<i32>} : memref<128x512xf32, #tpu.memory_space<vmem>>, vector<1x16xf32>,
      %get3A_247 = vector.shape_cast %get3A_246 : vector<1x16xf32> to vector<16xf32>
      %mul3A_248 = arith.constant 3.000000e-01 : f32
      %mul3A_249 = vector.broadcast %mul3A_248 : f32 to vector<16xf32>
      %mul3A_250 = arith.mulf %mul3A_249, %get3A_247 : vector<16xf32>
      %add3A_251 = arith.addf %mul3A_241, %mul3A_250 : vector<16xf32>
      %add3A_252 = arith.constant 32 : i32
      %add3A_253 = arith.addi %add3A_252, %scan3A_188 : i32
      %swap3A_254 = arith.index_cast %add3A_253 : i32 to index
      %swap3A_255 = arith.constant 32 : index
      %swap3A_256 = tpu.vector_load %arg7[%swap3A_254, %swap3A_255] {strides = array<i32>} : memref<128x512xf32, #tpu.memory_space<vmem>>, vector<1x16xf32>,
      %swap3A_257 = vector.shape_cast %swap3A_256 : vector<1x16xf32> to vector<16xf32>
      %swap3A_258 = vector.shape_cast %add3A_251 : vector<16xf32> to vector<1x16xf32>
      tpu.vector_store %arg7[%swap3A_254, %swap3A_255], %swap3A_258 {strides = array<i32>} : memref<128x512xf32, #tpu.memory_space<vmem>>, vector<1x16xf32>,
      %get3A_259 = arith.index_cast %scan3A_188 : i32 to index
      %get3A_260 = arith.constant 48 : index
      %get3A_261 = tpu.vector_load %arg9[%get3A_259, %get3A_260] {strides = array<i32>} : memref<32x512xf32, #tpu.memory_space<vmem>>, vector<1x16xf32>,
      %get3A_262 = vector.shape_cast %get3A_261 : vector<1x16xf32> to vector<16xf32>
      %mul3A_263 = arith.constant 0.699999988 : f32
      %mul3A_264 = vector.broadcast %mul3A_263 : f32 to vector<16xf32>
      %mul3A_265 = arith.mulf %mul3A_264, %get3A_262 : vector<16xf32>
      %add3A_266 = arith.constant 32 : i32
      %add3A_267 = arith.addi %add3A_266, %scan3A_188 : i32
      %get3A_268 = arith.index_cast %add3A_267 : i32 to index
      %get3A_269 = arith.constant 48 : index
      %get3A_270 = tpu.vector_load %arg7[%get3A_268, %get3A_269] {strides = array<i32>} : memref<128x512xf32, #tpu.memory_space<vmem>>, vector<1x16xf32>,
      %get3A_271 = vector.shape_cast %get3A_270 : vector<1x16xf32> to vector<16xf32>
      %mul3A_272 = arith.constant 3.000000e-01 : f32
      %mul3A_273 = vector.broadcast %mul3A_272 : f32 to vector<16xf32>
      %mul3A_274 = arith.mulf %mul3A_273, %get3A_271 : vector<16xf32>
      %add3A_275 = arith.addf %mul3A_265, %mul3A_274 : vector<16xf32>
      %add3A_276 = arith.constant 32 : i32
      %add3A_277 = arith.addi %add3A_276, %scan3A_188 : i32
      %swap3A_278 = arith.index_cast %add3A_277 : i32 to index
      %swap3A_279 = arith.constant 48 : index
      %swap3A_280 = tpu.vector_load %arg7[%swap3A_278, %swap3A_279] {strides = array<i32>} : memref<128x512xf32, #tpu.memory_space<vmem>>, vector<1x16xf32>,
      %swap3A_281 = vector.shape_cast %swap3A_280 : vector<1x16xf32> to vector<16xf32>
      %swap3A_282 = vector.shape_cast %add3A_275 : vector<16xf32> to vector<1x16xf32>
      tpu.vector_store %arg7[%swap3A_278, %swap3A_279], %swap3A_282 {strides = array<i32>} : memref<128x512xf32, #tpu.memory_space<vmem>>, vector<1x16xf32>,
      %get3A_283 = arith.index_cast %scan3A_188 : i32 to index
      %get3A_284 = arith.constant 64 : index
      %get3A_285 = tpu.vector_load %arg9[%get3A_283, %get3A_284] {strides = array<i32>} : memref<32x512xf32, #tpu.memory_space<vmem>>, vector<1x16xf32>,
      %get3A_286 = vector.shape_cast %get3A_285 : vector<1x16xf32> to vector<16xf32>
      %mul3A_287 = arith.constant 0.699999988 : f32
      %mul3A_288 = vector.broadcast %mul3A_287 : f32 to vector<16xf32>
      %mul3A_289 = arith.mulf %mul3A_288, %get3A_286 : vector<16xf32>
      %add3A_290 = arith.constant 32 : i32
      %add3A_291 = arith.addi %add3A_290, %scan3A_188 : i32
      %get3A_292 = arith.index_cast %add3A_291 : i32 to index
      %get3A_293 = arith.constant 64 : index
      %get3A_294 = tpu.vector_load %arg7[%get3A_292, %get3A_293] {strides = array<i32>} : memref<128x512xf32, #tpu.memory_space<vmem>>, vector<1x16xf32>,
      %get3A_295 = vector.shape_cast %get3A_294 : vector<1x16xf32> to vector<16xf32>
      %mul3A_296 = arith.constant 3.000000e-01 : f32
      %mul3A_297 = vector.broadcast %mul3A_296 : f32 to vector<16xf32>
      %mul3A_298 = arith.mulf %mul3A_297, %get3A_295 : vector<16xf32>
      %add3A_299 = arith.addf %mul3A_289, %mul3A_298 : vector<16xf32>
      %add3A_300 = arith.constant 32 : i32
      %add3A_301 = arith.addi %add3A_300, %scan3A_188 : i32
      %swap3A_302 = arith.index_cast %add3A_301 : i32 to index
      %swap3A_303 = arith.constant 64 : index
      %swap3A_304 = tpu.vector_load %arg7[%swap3A_302, %swap3A_303] {strides = array<i32>} : memref<128x512xf32, #tpu.memory_space<vmem>>, vector<1x16xf32>,
      %swap3A_305 = vector.shape_cast %swap3A_304 : vector<1x16xf32> to vector<16xf32>
      %swap3A_306 = vector.shape_cast %add3A_299 : vector<16xf32> to vector<1x16xf32>
      tpu.vector_store %arg7[%swap3A_302, %swap3A_303], %swap3A_306 {strides = array<i32>} : memref<128x512xf32, #tpu.memory_space<vmem>>, vector<1x16xf32>,
      %get3A_307 = arith.index_cast %scan3A_188 : i32 to index
      %get3A_308 = arith.constant 80 : index
      %get3A_309 = tpu.vector_load %arg9[%get3A_307, %get3A_308] {strides = array<i32>} : memref<32x512xf32, #tpu.memory_space<vmem>>, vector<1x16xf32>,
      %get3A_310 = vector.shape_cast %get3A_309 : vector<1x16xf32> to vector<16xf32>
      %mul3A_311 = arith.constant 0.699999988 : f32
      %mul3A_312 = vector.broadcast %mul3A_311 : f32 to vector<16xf32>
      %mul3A_313 = arith.mulf %mul3A_312, %get3A_310 : vector<16xf32>
      %add3A_314 = arith.constant 32 : i32
      %add3A_315 = arith.addi %add3A_314, %scan3A_188 : i32
      %get3A_316 = arith.index_cast %add3A_315 : i32 to index
      %get3A_317 = arith.constant 80 : index
      %get3A_318 = tpu.vector_load %arg7[%get3A_316, %get3A_317] {strides = array<i32>} : memref<128x512xf32, #tpu.memory_space<vmem>>, vector<1x16xf32>,
      %get3A_319 = vector.shape_cast %get3A_318 : vector<1x16xf32> to vector<16xf32>
      %mul3A_320 = arith.constant 3.000000e-01 : f32
      %mul3A_321 = vector.broadcast %mul3A_320 : f32 to vector<16xf32>
      %mul3A_322 = arith.mulf %mul3A_321, %get3A_319 : vector<16xf32>
      %add3A_323 = arith.addf %mul3A_313, %mul3A_322 : vector<16xf32>
      %add3A_324 = arith.constant 32 : i32
      %add3A_325 = arith.addi %add3A_324, %scan3A_188 : i32
      %swap3A_326 = arith.index_cast %add3A_325 : i32 to index
      %swap3A_327 = arith.constant 80 : index
      %swap3A_328 = tpu.vector_load %arg7[%swap3A_326, %swap3A_327] {strides = array<i32>} : memref<128x512xf32, #tpu.memory_space<vmem>>, vector<1x16xf32>,
      %swap3A_329 = vector.shape_cast %swap3A_328 : vector<1x16xf32> to vector<16xf32>
      %swap3A_330 = vector.shape_cast %add3A_323 : vector<16xf32> to vector<1x16xf32>
      tpu.vector_store %arg7[%swap3A_326, %swap3A_327], %swap3A_330 {strides = array<i32>} : memref<128x512xf32, #tpu.memory_space<vmem>>, vector<1x16xf32>,
      %get3A_331 = arith.index_cast %scan3A_188 : i32 to index
      %get3A_332 = arith.constant 96 : index
      %get3A_333 = tpu.vector_load %arg9[%get3A_331, %get3A_332] {strides = array<i32>} : memref<32x512xf32, #tpu.memory_space<vmem>>, vector<1x16xf32>,
      %get3A_334 = vector.shape_cast %get3A_333 : vector<1x16xf32> to vector<16xf32>
      %mul3A_335 = arith.constant 0.699999988 : f32
      %mul3A_336 = vector.broadcast %mul3A_335 : f32 to vector<16xf32>
      %mul3A_337 = arith.mulf %mul3A_336, %get3A_334 : vector<16xf32>
      %add3A_338 = arith.constant 32 : i32
      %add3A_339 = arith.addi %add3A_338, %scan3A_188 : i32
      %get3A_340 = arith.index_cast %add3A_339 : i32 to index
      %get3A_341 = arith.constant 96 : index
      %get3A_342 = tpu.vector_load %arg7[%get3A_340, %get3A_341] {strides = array<i32>} : memref<128x512xf32, #tpu.memory_space<vmem>>, vector<1x16xf32>,
      %get3A_343 = vector.shape_cast %get3A_342 : vector<1x16xf32> to vector<16xf32>
      %mul3A_344 = arith.constant 3.000000e-01 : f32
      %mul3A_345 = vector.broadcast %mul3A_344 : f32 to vector<16xf32>
      %mul3A_346 = arith.mulf %mul3A_345, %get3A_343 : vector<16xf32>
      %add3A_347 = arith.addf %mul3A_337, %mul3A_346 : vector<16xf32>
      %add3A_348 = arith.constant 32 : i32
      %add3A_349 = arith.addi %add3A_348, %scan3A_188 : i32
      %swap3A_350 = arith.index_cast %add3A_349 : i32 to index
      %swap3A_351 = arith.constant 96 : index
      %swap3A_352 = tpu.vector_load %arg7[%swap3A_350, %swap3A_351] {strides = array<i32>} : memref<128x512xf32, #tpu.memory_space<vmem>>, vector<1x16xf32>,
      %swap3A_353 = vector.shape_cast %swap3A_352 : vector<1x16xf32> to vector<16xf32>
      %swap3A_354 = vector.shape_cast %add3A_347 : vector<16xf32> to vector<1x16xf32>
      tpu.vector_store %arg7[%swap3A_350, %swap3A_351], %swap3A_354 {strides = array<i32>} : memref<128x512xf32, #tpu.memory_space<vmem>>, vector<1x16xf32>,
      %get3A_355 = arith.index_cast %scan3A_188 : i32 to index
      %get3A_356 = arith.constant 112 : index
      %get3A_357 = tpu.vector_load %arg9[%get3A_355, %get3A_356] {strides = array<i32>} : memref<32x512xf32, #tpu.memory_space<vmem>>, vector<1x16xf32>,
      %get3A_358 = vector.shape_cast %get3A_357 : vector<1x16xf32> to vector<16xf32>
      %mul3A_359 = arith.constant 0.699999988 : f32
      %mul3A_360 = vector.broadcast %mul3A_359 : f32 to vector<16xf32>
      %mul3A_361 = arith.mulf %mul3A_360, %get3A_358 : vector<16xf32>
      %add3A_362 = arith.constant 32 : i32
      %add3A_363 = arith.addi %add3A_362, %scan3A_188 : i32
      %get3A_364 = arith.index_cast %add3A_363 : i32 to index
      %get3A_365 = arith.constant 112 : index
      %get3A_366 = tpu.vector_load %arg7[%get3A_364, %get3A_365] {strides = array<i32>} : memref<128x512xf32, #tpu.memory_space<vmem>>, vector<1x16xf32>,
      %get3A_367 = vector.shape_cast %get3A_366 : vector<1x16xf32> to vector<16xf32>
      %mul3A_368 = arith.constant 3.000000e-01 : f32
      %mul3A_369 = vector.broadcast %mul3A_368 : f32 to vector<16xf32>
      %mul3A_370 = arith.mulf %mul3A_369, %get3A_367 : vector<16xf32>
      %add3A_371 = arith.addf %mul3A_361, %mul3A_370 : vector<16xf32>
      %add3A_372 = arith.constant 32 : i32
      %add3A_373 = arith.addi %add3A_372, %scan3A_188 : i32
      %swap3A_374 = arith.index_cast %add3A_373 : i32 to index
      %swap3A_375 = arith.constant 112 : index
      %swap3A_376 = tpu.vector_load %arg7[%swap3A_374, %swap3A_375] {strides = array<i32>} : memref<128x512xf32, #tpu.memory_space<vmem>>, vector<1x16xf32>,
      %swap3A_377 = vector.shape_cast %swap3A_376 : vector<1x16xf32> to vector<16xf32>
      %swap3A_378 = vector.shape_cast %add3A_371 : vector<16xf32> to vector<1x16xf32>
      tpu.vector_store %arg7[%swap3A_374, %swap3A_375], %swap3A_378 {strides = array<i32>} : memref<128x512xf32, #tpu.memory_space<vmem>>, vector<1x16xf32>,
      %get3A_379 = arith.index_cast %scan3A_188 : i32 to index
      %get3A_380 = arith.constant 128 : index
      %get3A_381 = tpu.vector_load %arg9[%get3A_379, %get3A_380] {strides = array<i32>} : memref<32x512xf32, #tpu.memory_space<vmem>>, vector<1x16xf32>,
      %get3A_382 = vector.shape_cast %get3A_381 : vector<1x16xf32> to vector<16xf32>
      %mul3A_383 = arith.constant 0.699999988 : f32
      %mul3A_384 = vector.broadcast %mul3A_383 : f32 to vector<16xf32>
      %mul3A_385 = arith.mulf %mul3A_384, %get3A_382 : vector<16xf32>
      %add3A_386 = arith.constant 32 : i32
      %add3A_387 = arith.addi %add3A_386, %scan3A_188 : i32
      %get3A_388 = arith.index_cast %add3A_387 : i32 to index
      %get3A_389 = arith.constant 128 : index
      %get3A_390 = tpu.vector_load %arg7[%get3A_388, %get3A_389] {strides = array<i32>} : memref<128x512xf32, #tpu.memory_space<vmem>>, vector<1x16xf32>,
      %get3A_391 = vector.shape_cast %get3A_390 : vector<1x16xf32> to vector<16xf32>
      %mul3A_392 = arith.constant 3.000000e-01 : f32
      %mul3A_393 = vector.broadcast %mul3A_392 : f32 to vector<16xf32>
      %mul3A_394 = arith.mulf %mul3A_393, %get3A_391 : vector<16xf32>
      %add3A_395 = arith.addf %mul3A_385, %mul3A_394 : vector<16xf32>
      %add3A_396 = arith.constant 32 : i32
      %add3A_397 = arith.addi %add3A_396, %scan3A_188 : i32
      %swap3A_398 = arith.index_cast %add3A_397 : i32 to index
      %swap3A_399 = arith.constant 128 : index
      %swap3A_400 = tpu.vector_load %arg7[%swap3A_398, %swap3A_399] {strides = array<i32>} : memref<128x512xf32, #tpu.memory_space<vmem>>, vector<1x16xf32>,
      %swap3A_401 = vector.shape_cast %swap3A_400 : vector<1x16xf32> to vector<16xf32>
      %swap3A_402 = vector.shape_cast %add3A_395 : vector<16xf32> to vector<1x16xf32>
      tpu.vector_store %arg7[%swap3A_398, %swap3A_399], %swap3A_402 {strides = array<i32>} : memref<128x512xf32, #tpu.memory_space<vmem>>, vector<1x16xf32>,
      %get3A_403 = arith.index_cast %scan3A_188 : i32 to index
      %get3A_404 = arith.constant 144 : index
      %get3A_405 = tpu.vector_load %arg9[%get3A_403, %get3A_404] {strides = array<i32>} : memref<32x512xf32, #tpu.memory_space<vmem>>, vector<1x16xf32>,
      %get3A_406 = vector.shape_cast %get3A_405 : vector<1x16xf32> to vector<16xf32>
      %mul3A_407 = arith.constant 0.699999988 : f32
      %mul3A_408 = vector.broadcast %mul3A_407 : f32 to vector<16xf32>
      %mul3A_409 = arith.mulf %mul3A_408, %get3A_406 : vector<16xf32>
      %add3A_410 = arith.constant 32 : i32
      %add3A_411 = arith.addi %add3A_410, %scan3A_188 : i32
      %get3A_412 = arith.index_cast %add3A_411 : i32 to index
      %get3A_413 = arith.constant 144 : index
      %get3A_414 = tpu.vector_load %arg7[%get3A_412, %get3A_413] {strides = array<i32>} : memref<128x512xf32, #tpu.memory_space<vmem>>, vector<1x16xf32>,
      %get3A_415 = vector.shape_cast %get3A_414 : vector<1x16xf32> to vector<16xf32>
      %mul3A_416 = arith.constant 3.000000e-01 : f32
      %mul3A_417 = vector.broadcast %mul3A_416 : f32 to vector<16xf32>
      %mul3A_418 = arith.mulf %mul3A_417, %get3A_415 : vector<16xf32>
      %add3A_419 = arith.addf %mul3A_409, %mul3A_418 : vector<16xf32>
      %add3A_420 = arith.constant 32 : i32
      %add3A_421 = arith.addi %add3A_420, %scan3A_188 : i32
      %swap3A_422 = arith.index_cast %add3A_421 : i32 to index
      %swap3A_423 = arith.constant 144 : index
      %swap3A_424 = tpu.vector_load %arg7[%swap3A_422, %swap3A_423] {strides = array<i32>} : memref<128x512xf32, #tpu.memory_space<vmem>>, vector<1x16xf32>,
      %swap3A_425 = vector.shape_cast %swap3A_424 : vector<1x16xf32> to vector<16xf32>
      %swap3A_426 = vector.shape_cast %add3A_419 : vector<16xf32> to vector<1x16xf32>
      tpu.vector_store %arg7[%swap3A_422, %swap3A_423], %swap3A_426 {strides = array<i32>} : memref<128x512xf32, #tpu.memory_space<vmem>>, vector<1x16xf32>,
      %get3A_427 = arith.index_cast %scan3A_188 : i32 to index
      %get3A_428 = arith.constant 160 : index
      %get3A_429 = tpu.vector_load %arg9[%get3A_427, %get3A_428] {strides = array<i32>} : memref<32x512xf32, #tpu.memory_space<vmem>>, vector<1x16xf32>,
      %get3A_430 = vector.shape_cast %get3A_429 : vector<1x16xf32> to vector<16xf32>
      %mul3A_431 = arith.constant 0.699999988 : f32
      %mul3A_432 = vector.broadcast %mul3A_431 : f32 to vector<16xf32>
      %mul3A_433 = arith.mulf %mul3A_432, %get3A_430 : vector<16xf32>
      %add3A_434 = arith.constant 32 : i32
      %add3A_435 = arith.addi %add3A_434, %scan3A_188 : i32
      %get3A_436 = arith.index_cast %add3A_435 : i32 to index
      %get3A_437 = arith.constant 160 : index
      %get3A_438 = tpu.vector_load %arg7[%get3A_436, %get3A_437] {strides = array<i32>} : memref<128x512xf32, #tpu.memory_space<vmem>>, vector<1x16xf32>,
      %get3A_439 = vector.shape_cast %get3A_438 : vector<1x16xf32> to vector<16xf32>
      %mul3A_440 = arith.constant 3.000000e-01 : f32
      %mul3A_441 = vector.broadcast %mul3A_440 : f32 to vector<16xf32>
      %mul3A_442 = arith.mulf %mul3A_441, %get3A_439 : vector<16xf32>
      %add3A_443 = arith.addf %mul3A_433, %mul3A_442 : vector<16xf32>
      %add3A_444 = arith.constant 32 : i32
      %add3A_445 = arith.addi %add3A_444, %scan3A_188 : i32
      %swap3A_446 = arith.index_cast %add3A_445 : i32 to index
      %swap3A_447 = arith.constant 160 : index
      %swap3A_448 = tpu.vector_load %arg7[%swap3A_446, %swap3A_447] {strides = array<i32>} : memref<128x512xf32, #tpu.memory_space<vmem>>, vector<1x16xf32>,
      %swap3A_449 = vector.shape_cast %swap3A_448 : vector<1x16xf32> to vector<16xf32>
      %swap3A_450 = vector.shape_cast %add3A_443 : vector<16xf32> to vector<1x16xf32>
      tpu.vector_store %arg7[%swap3A_446, %swap3A_447], %swap3A_450 {strides = array<i32>} : memref<128x512xf32, #tpu.memory_space<vmem>>, vector<1x16xf32>,
      %get3A_451 = arith.index_cast %scan3A_188 : i32 to index
      %get3A_452 = arith.constant 176 : index
      %get3A_453 = tpu.vector_load %arg9[%get3A_451, %get3A_452] {strides = array<i32>} : memref<32x512xf32, #tpu.memory_space<vmem>>, vector<1x16xf32>,
      %get3A_454 = vector.shape_cast %get3A_453 : vector<1x16xf32> to vector<16xf32>
      %mul3A_455 = arith.constant 0.699999988 : f32
      %mul3A_456 = vector.broadcast %mul3A_455 : f32 to vector<16xf32>
      %mul3A_457 = arith.mulf %mul3A_456, %get3A_454 : vector<16xf32>
      %add3A_458 = arith.constant 32 : i32
      %add3A_459 = arith.addi %add3A_458, %scan3A_188 : i32
      %get3A_460 = arith.index_cast %add3A_459 : i32 to index
      %get3A_461 = arith.constant 176 : index
      %get3A_462 = tpu.vector_load %arg7[%get3A_460, %get3A_461] {strides = array<i32>} : memref<128x512xf32, #tpu.memory_space<vmem>>, vector<1x16xf32>,
      %get3A_463 = vector.shape_cast %get3A_462 : vector<1x16xf32> to vector<16xf32>
      %mul3A_464 = arith.constant 3.000000e-01 : f32
      %mul3A_465 = vector.broadcast %mul3A_464 : f32 to vector<16xf32>
      %mul3A_466 = arith.mulf %mul3A_465, %get3A_463 : vector<16xf32>
      %add3A_467 = arith.addf %mul3A_457, %mul3A_466 : vector<16xf32>
      %add3A_468 = arith.constant 32 : i32
      %add3A_469 = arith.addi %add3A_468, %scan3A_188 : i32
      %swap3A_470 = arith.index_cast %add3A_469 : i32 to index
      %swap3A_471 = arith.constant 176 : index
      %swap3A_472 = tpu.vector_load %arg7[%swap3A_470, %swap3A_471] {strides = array<i32>} : memref<128x512xf32, #tpu.memory_space<vmem>>, vector<1x16xf32>,
      %swap3A_473 = vector.shape_cast %swap3A_472 : vector<1x16xf32> to vector<16xf32>
      %swap3A_474 = vector.shape_cast %add3A_467 : vector<16xf32> to vector<1x16xf32>
      tpu.vector_store %arg7[%swap3A_470, %swap3A_471], %swap3A_474 {strides = array<i32>} : memref<128x512xf32, #tpu.memory_space<vmem>>, vector<1x16xf32>,
      %get3A_475 = arith.index_cast %scan3A_188 : i32 to index
      %get3A_476 = arith.constant 192 : index
      %get3A_477 = tpu.vector_load %arg9[%get3A_475, %get3A_476] {strides = array<i32>} : memref<32x512xf32, #tpu.memory_space<vmem>>, vector<1x16xf32>,
      %get3A_478 = vector.shape_cast %get3A_477 : vector<1x16xf32> to vector<16xf32>
      %mul3A_479 = arith.constant 0.699999988 : f32
      %mul3A_480 = vector.broadcast %mul3A_479 : f32 to vector<16xf32>
      %mul3A_481 = arith.mulf %mul3A_480, %get3A_478 : vector<16xf32>
      %add3A_482 = arith.constant 32 : i32
      %add3A_483 = arith.addi %add3A_482, %scan3A_188 : i32
      %get3A_484 = arith.index_cast %add3A_483 : i32 to index
      %get3A_485 = arith.constant 192 : index
      %get3A_486 = tpu.vector_load %arg7[%get3A_484, %get3A_485] {strides = array<i32>} : memref<128x512xf32, #tpu.memory_space<vmem>>, vector<1x16xf32>,
      %get3A_487 = vector.shape_cast %get3A_486 : vector<1x16xf32> to vector<16xf32>
      %mul3A_488 = arith.constant 3.000000e-01 : f32
      %mul3A_489 = vector.broadcast %mul3A_488 : f32 to vector<16xf32>
      %mul3A_490 = arith.mulf %mul3A_489, %get3A_487 : vector<16xf32>
      %add3A_491 = arith.addf %mul3A_481, %mul3A_490 : vector<16xf32>
      %add3A_492 = arith.constant 32 : i32
      %add3A_493 = arith.addi %add3A_492, %scan3A_188 : i32
      %swap3A_494 = arith.index_cast %add3A_493 : i32 to index
      %swap3A_495 = arith.constant 192 : index
      %swap3A_496 = tpu.vector_load %arg7[%swap3A_494, %swap3A_495] {strides = array<i32>} : memref<128x512xf32, #tpu.memory_space<vmem>>, vector<1x16xf32>,
      %swap3A_497 = vector.shape_cast %swap3A_496 : vector<1x16xf32> to vector<16xf32>
      %swap3A_498 = vector.shape_cast %add3A_491 : vector<16xf32> to vector<1x16xf32>
      tpu.vector_store %arg7[%swap3A_494, %swap3A_495], %swap3A_498 {strides = array<i32>} : memref<128x512xf32, #tpu.memory_space<vmem>>, vector<1x16xf32>,
      %get3A_499 = arith.index_cast %scan3A_188 : i32 to index
      %get3A_500 = arith.constant 208 : index
      %get3A_501 = tpu.vector_load %arg9[%get3A_499, %get3A_500] {strides = array<i32>} : memref<32x512xf32, #tpu.memory_space<vmem>>, vector<1x16xf32>,
      %get3A_502 = vector.shape_cast %get3A_501 : vector<1x16xf32> to vector<16xf32>
      %mul3A_503 = arith.constant 0.699999988 : f32
      %mul3A_504 = vector.broadcast %mul3A_503 : f32 to vector<16xf32>
      %mul3A_505 = arith.mulf %mul3A_504, %get3A_502 : vector<16xf32>
      %add3A_506 = arith.constant 32 : i32
      %add3A_507 = arith.addi %add3A_506, %scan3A_188 : i32
      %get3A_508 = arith.index_cast %add3A_507 : i32 to index
      %get3A_509 = arith.constant 208 : index
      %get3A_510 = tpu.vector_load %arg7[%get3A_508, %get3A_509] {strides = array<i32>} : memref<128x512xf32, #tpu.memory_space<vmem>>, vector<1x16xf32>,
      %get3A_511 = vector.shape_cast %get3A_510 : vector<1x16xf32> to vector<16xf32>
      %mul3A_512 = arith.constant 3.000000e-01 : f32
      %mul3A_513 = vector.broadcast %mul3A_512 : f32 to vector<16xf32>
      %mul3A_514 = arith.mulf %mul3A_513, %get3A_511 : vector<16xf32>
      %add3A_515 = arith.addf %mul3A_505, %mul3A_514 : vector<16xf32>
      %add3A_516 = arith.constant 32 : i32
      %add3A_517 = arith.addi %add3A_516, %scan3A_188 : i32
      %swap3A_518 = arith.index_cast %add3A_517 : i32 to index
      %swap3A_519 = arith.constant 208 : index
      %swap3A_520 = tpu.vector_load %arg7[%swap3A_518, %swap3A_519] {strides = array<i32>} : memref<128x512xf32, #tpu.memory_space<vmem>>, vector<1x16xf32>,
      %swap3A_521 = vector.shape_cast %swap3A_520 : vector<1x16xf32> to vector<16xf32>
      %swap3A_522 = vector.shape_cast %add3A_515 : vector<16xf32> to vector<1x16xf32>
      tpu.vector_store %arg7[%swap3A_518, %swap3A_519], %swap3A_522 {strides = array<i32>} : memref<128x512xf32, #tpu.memory_space<vmem>>, vector<1x16xf32>,
      %get3A_523 = arith.index_cast %scan3A_188 : i32 to index
      %get3A_524 = arith.constant 224 : index
      %get3A_525 = tpu.vector_load %arg9[%get3A_523, %get3A_524] {strides = array<i32>} : memref<32x512xf32, #tpu.memory_space<vmem>>, vector<1x16xf32>,
      %get3A_526 = vector.shape_cast %get3A_525 : vector<1x16xf32> to vector<16xf32>
      %mul3A_527 = arith.constant 0.699999988 : f32
      %mul3A_528 = vector.broadcast %mul3A_527 : f32 to vector<16xf32>
      %mul3A_529 = arith.mulf %mul3A_528, %get3A_526 : vector<16xf32>
      %add3A_530 = arith.constant 32 : i32
      %add3A_531 = arith.addi %add3A_530, %scan3A_188 : i32
      %get3A_532 = arith.index_cast %add3A_531 : i32 to index
      %get3A_533 = arith.constant 224 : index
      %get3A_534 = tpu.vector_load %arg7[%get3A_532, %get3A_533] {strides = array<i32>} : memref<128x512xf32, #tpu.memory_space<vmem>>, vector<1x16xf32>,
      %get3A_535 = vector.shape_cast %get3A_534 : vector<1x16xf32> to vector<16xf32>
      %mul3A_536 = arith.constant 3.000000e-01 : f32
      %mul3A_537 = vector.broadcast %mul3A_536 : f32 to vector<16xf32>
      %mul3A_538 = arith.mulf %mul3A_537, %get3A_535 : vector<16xf32>
      %add3A_539 = arith.addf %mul3A_529, %mul3A_538 : vector<16xf32>
      %add3A_540 = arith.constant 32 : i32
      %add3A_541 = arith.addi %add3A_540, %scan3A_188 : i32
      %swap3A_542 = arith.index_cast %add3A_541 : i32 to index
      %swap3A_543 = arith.constant 224 : index
      %swap3A_544 = tpu.vector_load %arg7[%swap3A_542, %swap3A_543] {strides = array<i32>} : memref<128x512xf32, #tpu.memory_space<vmem>>, vector<1x16xf32>,
      %swap3A_545 = vector.shape_cast %swap3A_544 : vector<1x16xf32> to vector<16xf32>
      %swap3A_546 = vector.shape_cast %add3A_539 : vector<16xf32> to vector<1x16xf32>
      tpu.vector_store %arg7[%swap3A_542, %swap3A_543], %swap3A_546 {strides = array<i32>} : memref<128x512xf32, #tpu.memory_space<vmem>>, vector<1x16xf32>,
      %get3A_547 = arith.index_cast %scan3A_188 : i32 to index
      %get3A_548 = arith.constant 240 : index
      %get3A_549 = tpu.vector_load %arg9[%get3A_547, %get3A_548] {strides = array<i32>} : memref<32x512xf32, #tpu.memory_space<vmem>>, vector<1x16xf32>,
      %get3A_550 = vector.shape_cast %get3A_549 : vector<1x16xf32> to vector<16xf32>
      %mul3A_551 = arith.constant 0.699999988 : f32
      %mul3A_552 = vector.broadcast %mul3A_551 : f32 to vector<16xf32>
      %mul3A_553 = arith.mulf %mul3A_552, %get3A_550 : vector<16xf32>
      %add3A_554 = arith.constant 32 : i32
      %add3A_555 = arith.addi %add3A_554, %scan3A_188 : i32
      %get3A_556 = arith.index_cast %add3A_555 : i32 to index
      %get3A_557 = arith.constant 240 : index
      %get3A_558 = tpu.vector_load %arg7[%get3A_556, %get3A_557] {strides = array<i32>} : memref<128x512xf32, #tpu.memory_space<vmem>>, vector<1x16xf32>,
      %get3A_559 = vector.shape_cast %get3A_558 : vector<1x16xf32> to vector<16xf32>
      %mul3A_560 = arith.constant 3.000000e-01 : f32
      %mul3A_561 = vector.broadcast %mul3A_560 : f32 to vector<16xf32>
      %mul3A_562 = arith.mulf %mul3A_561, %get3A_559 : vector<16xf32>
      %add3A_563 = arith.addf %mul3A_553, %mul3A_562 : vector<16xf32>
      %add3A_564 = arith.constant 32 : i32
      %add3A_565 = arith.addi %add3A_564, %scan3A_188 : i32
      %swap3A_566 = arith.index_cast %add3A_565 : i32 to index
      %swap3A_567 = arith.constant 240 : index
      %swap3A_568 = tpu.vector_load %arg7[%swap3A_566, %swap3A_567] {strides = array<i32>} : memref<128x512xf32, #tpu.memory_space<vmem>>, vector<1x16xf32>,
      %swap3A_569 = vector.shape_cast %swap3A_568 : vector<1x16xf32> to vector<16xf32>
      %swap3A_570 = vector.shape_cast %add3A_563 : vector<16xf32> to vector<1x16xf32>
      tpu.vector_store %arg7[%swap3A_566, %swap3A_567], %swap3A_570 {strides = array<i32>} : memref<128x512xf32, #tpu.memory_space<vmem>>, vector<1x16xf32>,
      %get3A_571 = arith.index_cast %scan3A_188 : i32 to index
      %get3A_572 = arith.constant 256 : index
      %get3A_573 = tpu.vector_load %arg9[%get3A_571, %get3A_572] {strides = array<i32>} : memref<32x512xf32, #tpu.memory_space<vmem>>, vector<1x16xf32>,
      %get3A_574 = vector.shape_cast %get3A_573 : vector<1x16xf32> to vector<16xf32>
      %mul3A_575 = arith.constant 0.699999988 : f32
      %mul3A_576 = vector.broadcast %mul3A_575 : f32 to vector<16xf32>
      %mul3A_577 = arith.mulf %mul3A_576, %get3A_574 : vector<16xf32>
      %add3A_578 = arith.constant 32 : i32
      %add3A_579 = arith.addi %add3A_578, %scan3A_188 : i32
      %get3A_580 = arith.index_cast %add3A_579 : i32 to index
      %get3A_581 = arith.constant 256 : index
      %get3A_582 = tpu.vector_load %arg7[%get3A_580, %get3A_581] {strides = array<i32>} : memref<128x512xf32, #tpu.memory_space<vmem>>, vector<1x16xf32>,
      %get3A_583 = vector.shape_cast %get3A_582 : vector<1x16xf32> to vector<16xf32>
      %mul3A_584 = arith.constant 3.000000e-01 : f32
      %mul3A_585 = vector.broadcast %mul3A_584 : f32 to vector<16xf32>
      %mul3A_586 = arith.mulf %mul3A_585, %get3A_583 : vector<16xf32>
      %add3A_587 = arith.addf %mul3A_577, %mul3A_586 : vector<16xf32>
      %add3A_588 = arith.constant 32 : i32
      %add3A_589 = arith.addi %add3A_588, %scan3A_188 : i32
      %swap3A_590 = arith.index_cast %add3A_589 : i32 to index
      %swap3A_591 = arith.constant 256 : index
      %swap3A_592 = tpu.vector_load %arg7[%swap3A_590, %swap3A_591] {strides = array<i32>} : memref<128x512xf32, #tpu.memory_space<vmem>>, vector<1x16xf32>,
      %swap3A_593 = vector.shape_cast %swap3A_592 : vector<1x16xf32> to vector<16xf32>
      %swap3A_594 = vector.shape_cast %add3A_587 : vector<16xf32> to vector<1x16xf32>
      tpu.vector_store %arg7[%swap3A_590, %swap3A_591], %swap3A_594 {strides = array<i32>} : memref<128x512xf32, #tpu.memory_space<vmem>>, vector<1x16xf32>,
      %get3A_595 = arith.index_cast %scan3A_188 : i32 to index
      %get3A_596 = arith.constant 272 : index
      %get3A_597 = tpu.vector_load %arg9[%get3A_595, %get3A_596] {strides = array<i32>} : memref<32x512xf32, #tpu.memory_space<vmem>>, vector<1x16xf32>,
      %get3A_598 = vector.shape_cast %get3A_597 : vector<1x16xf32> to vector<16xf32>
      %mul3A_599 = arith.constant 0.699999988 : f32
      %mul3A_600 = vector.broadcast %mul3A_599 : f32 to vector<16xf32>
      %mul3A_601 = arith.mulf %mul3A_600, %get3A_598 : vector<16xf32>
      %add3A_602 = arith.constant 32 : i32
      %add3A_603 = arith.addi %add3A_602, %scan3A_188 : i32
      %get3A_604 = arith.index_cast %add3A_603 : i32 to index
      %get3A_605 = arith.constant 272 : index
      %get3A_606 = tpu.vector_load %arg7[%get3A_604, %get3A_605] {strides = array<i32>} : memref<128x512xf32, #tpu.memory_space<vmem>>, vector<1x16xf32>,
      %get3A_607 = vector.shape_cast %get3A_606 : vector<1x16xf32> to vector<16xf32>
      %mul3A_608 = arith.constant 3.000000e-01 : f32
      %mul3A_609 = vector.broadcast %mul3A_608 : f32 to vector<16xf32>
      %mul3A_610 = arith.mulf %mul3A_609, %get3A_607 : vector<16xf32>
      %add3A_611 = arith.addf %mul3A_601, %mul3A_610 : vector<16xf32>
      %add3A_612 = arith.constant 32 : i32
      %add3A_613 = arith.addi %add3A_612, %scan3A_188 : i32
      %swap3A_614 = arith.index_cast %add3A_613 : i32 to index
      %swap3A_615 = arith.constant 272 : index
      %swap3A_616 = tpu.vector_load %arg7[%swap3A_614, %swap3A_615] {strides = array<i32>} : memref<128x512xf32, #tpu.memory_space<vmem>>, vector<1x16xf32>,
      %swap3A_617 = vector.shape_cast %swap3A_616 : vector<1x16xf32> to vector<16xf32>
      %swap3A_618 = vector.shape_cast %add3A_611 : vector<16xf32> to vector<1x16xf32>
      tpu.vector_store %arg7[%swap3A_614, %swap3A_615], %swap3A_618 {strides = array<i32>} : memref<128x512xf32, #tpu.memory_space<vmem>>, vector<1x16xf32>,
      %get3A_619 = arith.index_cast %scan3A_188 : i32 to index
      %get3A_620 = arith.constant 288 : index
      %get3A_621 = tpu.vector_load %arg9[%get3A_619, %get3A_620] {strides = array<i32>} : memref<32x512xf32, #tpu.memory_space<vmem>>, vector<1x16xf32>,
      %get3A_622 = vector.shape_cast %get3A_621 : vector<1x16xf32> to vector<16xf32>
      %mul3A_623 = arith.constant 0.699999988 : f32
      %mul3A_624 = vector.broadcast %mul3A_623 : f32 to vector<16xf32>
      %mul3A_625 = arith.mulf %mul3A_624, %get3A_622 : vector<16xf32>
      %add3A_626 = arith.constant 32 : i32
      %add3A_627 = arith.addi %add3A_626, %scan3A_188 : i32
      %get3A_628 = arith.index_cast %add3A_627 : i32 to index
      %get3A_629 = arith.constant 288 : index
      %get3A_630 = tpu.vector_load %arg7[%get3A_628, %get3A_629] {strides = array<i32>} : memref<128x512xf32, #tpu.memory_space<vmem>>, vector<1x16xf32>,
      %get3A_631 = vector.shape_cast %get3A_630 : vector<1x16xf32> to vector<16xf32>
      %mul3A_632 = arith.constant 3.000000e-01 : f32
      %mul3A_633 = vector.broadcast %mul3A_632 : f32 to vector<16xf32>
      %mul3A_634 = arith.mulf %mul3A_633, %get3A_631 : vector<16xf32>
      %add3A_635 = arith.addf %mul3A_625, %mul3A_634 : vector<16xf32>
      %add3A_636 = arith.constant 32 : i32
      %add3A_637 = arith.addi %add3A_636, %scan3A_188 : i32
      %swap3A_638 = arith.index_cast %add3A_637 : i32 to index
      %swap3A_639 = arith.constant 288 : index
      %swap3A_640 = tpu.vector_load %arg7[%swap3A_638, %swap3A_639] {strides = array<i32>} : memref<128x512xf32, #tpu.memory_space<vmem>>, vector<1x16xf32>,
      %swap3A_641 = vector.shape_cast %swap3A_640 : vector<1x16xf32> to vector<16xf32>
      %swap3A_642 = vector.shape_cast %add3A_635 : vector<16xf32> to vector<1x16xf32>
      tpu.vector_store %arg7[%swap3A_638, %swap3A_639], %swap3A_642 {strides = array<i32>} : memref<128x512xf32, #tpu.memory_space<vmem>>, vector<1x16xf32>,
      %get3A_643 = arith.index_cast %scan3A_188 : i32 to index
      %get3A_644 = arith.constant 304 : index
      %get3A_645 = tpu.vector_load %arg9[%get3A_643, %get3A_644] {strides = array<i32>} : memref<32x512xf32, #tpu.memory_space<vmem>>, vector<1x16xf32>,
      %get3A_646 = vector.shape_cast %get3A_645 : vector<1x16xf32> to vector<16xf32>
      %mul3A_647 = arith.constant 0.699999988 : f32
      %mul3A_648 = vector.broadcast %mul3A_647 : f32 to vector<16xf32>
      %mul3A_649 = arith.mulf %mul3A_648, %get3A_646 : vector<16xf32>
      %add3A_650 = arith.constant 32 : i32
      %add3A_651 = arith.addi %add3A_650, %scan3A_188 : i32
      %get3A_652 = arith.index_cast %add3A_651 : i32 to index
      %get3A_653 = arith.constant 304 : index
      %get3A_654 = tpu.vector_load %arg7[%get3A_652, %get3A_653] {strides = array<i32>} : memref<128x512xf32, #tpu.memory_space<vmem>>, vector<1x16xf32>,
      %get3A_655 = vector.shape_cast %get3A_654 : vector<1x16xf32> to vector<16xf32>
      %mul3A_656 = arith.constant 3.000000e-01 : f32
      %mul3A_657 = vector.broadcast %mul3A_656 : f32 to vector<16xf32>
      %mul3A_658 = arith.mulf %mul3A_657, %get3A_655 : vector<16xf32>
      %add3A_659 = arith.addf %mul3A_649, %mul3A_658 : vector<16xf32>
      %add3A_660 = arith.constant 32 : i32
      %add3A_661 = arith.addi %add3A_660, %scan3A_188 : i32
      %swap3A_662 = arith.index_cast %add3A_661 : i32 to index
      %swap3A_663 = arith.constant 304 : index
      %swap3A_664 = tpu.vector_load %arg7[%swap3A_662, %swap3A_663] {strides = array<i32>} : memref<128x512xf32, #tpu.memory_space<vmem>>, vector<1x16xf32>,
      %swap3A_665 = vector.shape_cast %swap3A_664 : vector<1x16xf32> to vector<16xf32>
      %swap3A_666 = vector.shape_cast %add3A_659 : vector<16xf32> to vector<1x16xf32>
      tpu.vector_store %arg7[%swap3A_662, %swap3A_663], %swap3A_666 {strides = array<i32>} : memref<128x512xf32, #tpu.memory_space<vmem>>, vector<1x16xf32>,
      %get3A_667 = arith.index_cast %scan3A_188 : i32 to index
      %get3A_668 = arith.constant 320 : index
      %get3A_669 = tpu.vector_load %arg9[%get3A_667, %get3A_668] {strides = array<i32>} : memref<32x512xf32, #tpu.memory_space<vmem>>, vector<1x16xf32>,
      %get3A_670 = vector.shape_cast %get3A_669 : vector<1x16xf32> to vector<16xf32>
      %mul3A_671 = arith.constant 0.699999988 : f32
      %mul3A_672 = vector.broadcast %mul3A_671 : f32 to vector<16xf32>
      %mul3A_673 = arith.mulf %mul3A_672, %get3A_670 : vector<16xf32>
      %add3A_674 = arith.constant 32 : i32
      %add3A_675 = arith.addi %add3A_674, %scan3A_188 : i32
      %get3A_676 = arith.index_cast %add3A_675 : i32 to index
      %get3A_677 = arith.constant 320 : index
      %get3A_678 = tpu.vector_load %arg7[%get3A_676, %get3A_677] {strides = array<i32>} : memref<128x512xf32, #tpu.memory_space<vmem>>, vector<1x16xf32>,
      %get3A_679 = vector.shape_cast %get3A_678 : vector<1x16xf32> to vector<16xf32>
      %mul3A_680 = arith.constant 3.000000e-01 : f32
      %mul3A_681 = vector.broadcast %mul3A_680 : f32 to vector<16xf32>
      %mul3A_682 = arith.mulf %mul3A_681, %get3A_679 : vector<16xf32>
      %add3A_683 = arith.addf %mul3A_673, %mul3A_682 : vector<16xf32>
      %add3A_684 = arith.constant 32 : i32
      %add3A_685 = arith.addi %add3A_684, %scan3A_188 : i32
      %swap3A_686 = arith.index_cast %add3A_685 : i32 to index
      %swap3A_687 = arith.constant 320 : index
      %swap3A_688 = tpu.vector_load %arg7[%swap3A_686, %swap3A_687] {strides = array<i32>} : memref<128x512xf32, #tpu.memory_space<vmem>>, vector<1x16xf32>,
      %swap3A_689 = vector.shape_cast %swap3A_688 : vector<1x16xf32> to vector<16xf32>
      %swap3A_690 = vector.shape_cast %add3A_683 : vector<16xf32> to vector<1x16xf32>
      tpu.vector_store %arg7[%swap3A_686, %swap3A_687], %swap3A_690 {strides = array<i32>} : memref<128x512xf32, #tpu.memory_space<vmem>>, vector<1x16xf32>,
      %get3A_691 = arith.index_cast %scan3A_188 : i32 to index
      %get3A_692 = arith.constant 336 : index
      %get3A_693 = tpu.vector_load %arg9[%get3A_691, %get3A_692] {strides = array<i32>} : memref<32x512xf32, #tpu.memory_space<vmem>>, vector<1x16xf32>,
      %get3A_694 = vector.shape_cast %get3A_693 : vector<1x16xf32> to vector<16xf32>
      %mul3A_695 = arith.constant 0.699999988 : f32
      %mul3A_696 = vector.broadcast %mul3A_695 : f32 to vector<16xf32>
      %mul3A_697 = arith.mulf %mul3A_696, %get3A_694 : vector<16xf32>
      %add3A_698 = arith.constant 32 : i32
      %add3A_699 = arith.addi %add3A_698, %scan3A_188 : i32
      %get3A_700 = arith.index_cast %add3A_699 : i32 to index
      %get3A_701 = arith.constant 336 : index
      %get3A_702 = tpu.vector_load %arg7[%get3A_700, %get3A_701] {strides = array<i32>} : memref<128x512xf32, #tpu.memory_space<vmem>>, vector<1x16xf32>,
      %get3A_703 = vector.shape_cast %get3A_702 : vector<1x16xf32> to vector<16xf32>
      %mul3A_704 = arith.constant 3.000000e-01 : f32
      %mul3A_705 = vector.broadcast %mul3A_704 : f32 to vector<16xf32>
      %mul3A_706 = arith.mulf %mul3A_705, %get3A_703 : vector<16xf32>
      %add3A_707 = arith.addf %mul3A_697, %mul3A_706 : vector<16xf32>
      %add3A_708 = arith.constant 32 : i32
      %add3A_709 = arith.addi %add3A_708, %scan3A_188 : i32
      %swap3A_710 = arith.index_cast %add3A_709 : i32 to index
      %swap3A_711 = arith.constant 336 : index
      %swap3A_712 = tpu.vector_load %arg7[%swap3A_710, %swap3A_711] {strides = array<i32>} : memref<128x512xf32, #tpu.memory_space<vmem>>, vector<1x16xf32>,
      %swap3A_713 = vector.shape_cast %swap3A_712 : vector<1x16xf32> to vector<16xf32>
      %swap3A_714 = vector.shape_cast %add3A_707 : vector<16xf32> to vector<1x16xf32>
      tpu.vector_store %arg7[%swap3A_710, %swap3A_711], %swap3A_714 {strides = array<i32>} : memref<128x512xf32, #tpu.memory_space<vmem>>, vector<1x16xf32>,
      %get3A_715 = arith.index_cast %scan3A_188 : i32 to index
      %get3A_716 = arith.constant 352 : index
      %get3A_717 = tpu.vector_load %arg9[%get3A_715, %get3A_716] {strides = array<i32>} : memref<32x512xf32, #tpu.memory_space<vmem>>, vector<1x16xf32>,
      %get3A_718 = vector.shape_cast %get3A_717 : vector<1x16xf32> to vector<16xf32>
      %mul3A_719 = arith.constant 0.699999988 : f32
      %mul3A_720 = vector.broadcast %mul3A_719 : f32 to vector<16xf32>
      %mul3A_721 = arith.mulf %mul3A_720, %get3A_718 : vector<16xf32>
      %add3A_722 = arith.constant 32 : i32
      %add3A_723 = arith.addi %add3A_722, %scan3A_188 : i32
      %get3A_724 = arith.index_cast %add3A_723 : i32 to index
      %get3A_725 = arith.constant 352 : index
      %get3A_726 = tpu.vector_load %arg7[%get3A_724, %get3A_725] {strides = array<i32>} : memref<128x512xf32, #tpu.memory_space<vmem>>, vector<1x16xf32>,
      %get3A_727 = vector.shape_cast %get3A_726 : vector<1x16xf32> to vector<16xf32>
      %mul3A_728 = arith.constant 3.000000e-01 : f32
      %mul3A_729 = vector.broadcast %mul3A_728 : f32 to vector<16xf32>
      %mul3A_730 = arith.mulf %mul3A_729, %get3A_727 : vector<16xf32>
      %add3A_731 = arith.addf %mul3A_721, %mul3A_730 : vector<16xf32>
      %add3A_732 = arith.constant 32 : i32
      %add3A_733 = arith.addi %add3A_732, %scan3A_188 : i32
      %swap3A_734 = arith.index_cast %add3A_733 : i32 to index
      %swap3A_735 = arith.constant 352 : index
      %swap3A_736 = tpu.vector_load %arg7[%swap3A_734, %swap3A_735] {strides = array<i32>} : memref<128x512xf32, #tpu.memory_space<vmem>>, vector<1x16xf32>,
      %swap3A_737 = vector.shape_cast %swap3A_736 : vector<1x16xf32> to vector<16xf32>
      %swap3A_738 = vector.shape_cast %add3A_731 : vector<16xf32> to vector<1x16xf32>
      tpu.vector_store %arg7[%swap3A_734, %swap3A_735], %swap3A_738 {strides = array<i32>} : memref<128x512xf32, #tpu.memory_space<vmem>>, vector<1x16xf32>,
      %get3A_739 = arith.index_cast %scan3A_188 : i32 to index
      %get3A_740 = arith.constant 368 : index
      %get3A_741 = tpu.vector_load %arg9[%get3A_739, %get3A_740] {strides = array<i32>} : memref<32x512xf32, #tpu.memory_space<vmem>>, vector<1x16xf32>,
      %get3A_742 = vector.shape_cast %get3A_741 : vector<1x16xf32> to vector<16xf32>
      %mul3A_743 = arith.constant 0.699999988 : f32
      %mul3A_744 = vector.broadcast %mul3A_743 : f32 to vector<16xf32>
      %mul3A_745 = arith.mulf %mul3A_744, %get3A_742 : vector<16xf32>
      %add3A_746 = arith.constant 32 : i32
      %add3A_747 = arith.addi %add3A_746, %scan3A_188 : i32
      %get3A_748 = arith.index_cast %add3A_747 : i32 to index
      %get3A_749 = arith.constant 368 : index
      %get3A_750 = tpu.vector_load %arg7[%get3A_748, %get3A_749] {strides = array<i32>} : memref<128x512xf32, #tpu.memory_space<vmem>>, vector<1x16xf32>,
      %get3A_751 = vector.shape_cast %get3A_750 : vector<1x16xf32> to vector<16xf32>
      %mul3A_752 = arith.constant 3.000000e-01 : f32
      %mul3A_753 = vector.broadcast %mul3A_752 : f32 to vector<16xf32>
      %mul3A_754 = arith.mulf %mul3A_753, %get3A_751 : vector<16xf32>
      %add3A_755 = arith.addf %mul3A_745, %mul3A_754 : vector<16xf32>
      %add3A_756 = arith.constant 32 : i32
      %add3A_757 = arith.addi %add3A_756, %scan3A_188 : i32
      %swap3A_758 = arith.index_cast %add3A_757 : i32 to index
      %swap3A_759 = arith.constant 368 : index
      %swap3A_760 = tpu.vector_load %arg7[%swap3A_758, %swap3A_759] {strides = array<i32>} : memref<128x512xf32, #tpu.memory_space<vmem>>, vector<1x16xf32>,
      %swap3A_761 = vector.shape_cast %swap3A_760 : vector<1x16xf32> to vector<16xf32>
      %swap3A_762 = vector.shape_cast %add3A_755 : vector<16xf32> to vector<1x16xf32>
      tpu.vector_store %arg7[%swap3A_758, %swap3A_759], %swap3A_762 {strides = array<i32>} : memref<128x512xf32, #tpu.memory_space<vmem>>, vector<1x16xf32>,
      %get3A_763 = arith.index_cast %scan3A_188 : i32 to index
      %get3A_764 = arith.constant 384 : index
      %get3A_765 = tpu.vector_load %arg9[%get3A_763, %get3A_764] {strides = array<i32>} : memref<32x512xf32, #tpu.memory_space<vmem>>, vector<1x16xf32>,
      %get3A_766 = vector.shape_cast %get3A_765 : vector<1x16xf32> to vector<16xf32>
      %mul3A_767 = arith.constant 0.699999988 : f32
      %mul3A_768 = vector.broadcast %mul3A_767 : f32 to vector<16xf32>
      %mul3A_769 = arith.mulf %mul3A_768, %get3A_766 : vector<16xf32>
      %add3A_770 = arith.constant 32 : i32
      %add3A_771 = arith.addi %add3A_770, %scan3A_188 : i32
      %get3A_772 = arith.index_cast %add3A_771 : i32 to index
      %get3A_773 = arith.constant 384 : index
      %get3A_774 = tpu.vector_load %arg7[%get3A_772, %get3A_773] {strides = array<i32>} : memref<128x512xf32, #tpu.memory_space<vmem>>, vector<1x16xf32>,
      %get3A_775 = vector.shape_cast %get3A_774 : vector<1x16xf32> to vector<16xf32>
      %mul3A_776 = arith.constant 3.000000e-01 : f32
      %mul3A_777 = vector.broadcast %mul3A_776 : f32 to vector<16xf32>
      %mul3A_778 = arith.mulf %mul3A_777, %get3A_775 : vector<16xf32>
      %add3A_779 = arith.addf %mul3A_769, %mul3A_778 : vector<16xf32>
      %add3A_780 = arith.constant 32 : i32
      %add3A_781 = arith.addi %add3A_780, %scan3A_188 : i32
      %swap3A_782 = arith.index_cast %add3A_781 : i32 to index
      %swap3A_783 = arith.constant 384 : index
      %swap3A_784 = tpu.vector_load %arg7[%swap3A_782, %swap3A_783] {strides = array<i32>} : memref<128x512xf32, #tpu.memory_space<vmem>>, vector<1x16xf32>,
      %swap3A_785 = vector.shape_cast %swap3A_784 : vector<1x16xf32> to vector<16xf32>
      %swap3A_786 = vector.shape_cast %add3A_779 : vector<16xf32> to vector<1x16xf32>
      tpu.vector_store %arg7[%swap3A_782, %swap3A_783], %swap3A_786 {strides = array<i32>} : memref<128x512xf32, #tpu.memory_space<vmem>>, vector<1x16xf32>,
      %get3A_787 = arith.index_cast %scan3A_188 : i32 to index
      %get3A_788 = arith.constant 400 : index
      %get3A_789 = tpu.vector_load %arg9[%get3A_787, %get3A_788] {strides = array<i32>} : memref<32x512xf32, #tpu.memory_space<vmem>>, vector<1x16xf32>,
      %get3A_790 = vector.shape_cast %get3A_789 : vector<1x16xf32> to vector<16xf32>
      %mul3A_791 = arith.constant 0.699999988 : f32
      %mul3A_792 = vector.broadcast %mul3A_791 : f32 to vector<16xf32>
      %mul3A_793 = arith.mulf %mul3A_792, %get3A_790 : vector<16xf32>
      %add3A_794 = arith.constant 32 : i32
      %add3A_795 = arith.addi %add3A_794, %scan3A_188 : i32
      %get3A_796 = arith.index_cast %add3A_795 : i32 to index
      %get3A_797 = arith.constant 400 : index
      %get3A_798 = tpu.vector_load %arg7[%get3A_796, %get3A_797] {strides = array<i32>} : memref<128x512xf32, #tpu.memory_space<vmem>>, vector<1x16xf32>,
      %get3A_799 = vector.shape_cast %get3A_798 : vector<1x16xf32> to vector<16xf32>
      %mul3A_800 = arith.constant 3.000000e-01 : f32
      %mul3A_801 = vector.broadcast %mul3A_800 : f32 to vector<16xf32>
      %mul3A_802 = arith.mulf %mul3A_801, %get3A_799 : vector<16xf32>
      %add3A_803 = arith.addf %mul3A_793, %mul3A_802 : vector<16xf32>
      %add3A_804 = arith.constant 32 : i32
      %add3A_805 = arith.addi %add3A_804, %scan3A_188 : i32
      %swap3A_806 = arith.index_cast %add3A_805 : i32 to index
      %swap3A_807 = arith.constant 400 : index
      %swap3A_808 = tpu.vector_load %arg7[%swap3A_806, %swap3A_807] {strides = array<i32>} : memref<128x512xf32, #tpu.memory_space<vmem>>, vector<1x16xf32>,
      %swap3A_809 = vector.shape_cast %swap3A_808 : vector<1x16xf32> to vector<16xf32>
      %swap3A_810 = vector.shape_cast %add3A_803 : vector<16xf32> to vector<1x16xf32>
      tpu.vector_store %arg7[%swap3A_806, %swap3A_807], %swap3A_810 {strides = array<i32>} : memref<128x512xf32, #tpu.memory_space<vmem>>, vector<1x16xf32>,
      %get3A_811 = arith.index_cast %scan3A_188 : i32 to index
      %get3A_812 = arith.constant 416 : index
      %get3A_813 = tpu.vector_load %arg9[%get3A_811, %get3A_812] {strides = array<i32>} : memref<32x512xf32, #tpu.memory_space<vmem>>, vector<1x16xf32>,
      %get3A_814 = vector.shape_cast %get3A_813 : vector<1x16xf32> to vector<16xf32>
      %mul3A_815 = arith.constant 0.699999988 : f32
      %mul3A_816 = vector.broadcast %mul3A_815 : f32 to vector<16xf32>
      %mul3A_817 = arith.mulf %mul3A_816, %get3A_814 : vector<16xf32>
      %add3A_818 = arith.constant 32 : i32
      %add3A_819 = arith.addi %add3A_818, %scan3A_188 : i32
      %get3A_820 = arith.index_cast %add3A_819 : i32 to index
      %get3A_821 = arith.constant 416 : index
      %get3A_822 = tpu.vector_load %arg7[%get3A_820, %get3A_821] {strides = array<i32>} : memref<128x512xf32, #tpu.memory_space<vmem>>, vector<1x16xf32>,
      %get3A_823 = vector.shape_cast %get3A_822 : vector<1x16xf32> to vector<16xf32>
      %mul3A_824 = arith.constant 3.000000e-01 : f32
      %mul3A_825 = vector.broadcast %mul3A_824 : f32 to vector<16xf32>
      %mul3A_826 = arith.mulf %mul3A_825, %get3A_823 : vector<16xf32>
      %add3A_827 = arith.addf %mul3A_817, %mul3A_826 : vector<16xf32>
      %add3A_828 = arith.constant 32 : i32
      %add3A_829 = arith.addi %add3A_828, %scan3A_188 : i32
      %swap3A_830 = arith.index_cast %add3A_829 : i32 to index
      %swap3A_831 = arith.constant 416 : index
      %swap3A_832 = tpu.vector_load %arg7[%swap3A_830, %swap3A_831] {strides = array<i32>} : memref<128x512xf32, #tpu.memory_space<vmem>>, vector<1x16xf32>,
      %swap3A_833 = vector.shape_cast %swap3A_832 : vector<1x16xf32> to vector<16xf32>
      %swap3A_834 = vector.shape_cast %add3A_827 : vector<16xf32> to vector<1x16xf32>
      tpu.vector_store %arg7[%swap3A_830, %swap3A_831], %swap3A_834 {strides = array<i32>} : memref<128x512xf32, #tpu.memory_space<vmem>>, vector<1x16xf32>,
      %get3A_835 = arith.index_cast %scan3A_188 : i32 to index
      %get3A_836 = arith.constant 432 : index
      %get3A_837 = tpu.vector_load %arg9[%get3A_835, %get3A_836] {strides = array<i32>} : memref<32x512xf32, #tpu.memory_space<vmem>>, vector<1x16xf32>,
      %get3A_838 = vector.shape_cast %get3A_837 : vector<1x16xf32> to vector<16xf32>
      %mul3A_839 = arith.constant 0.699999988 : f32
      %mul3A_840 = vector.broadcast %mul3A_839 : f32 to vector<16xf32>
      %mul3A_841 = arith.mulf %mul3A_840, %get3A_838 : vector<16xf32>
      %add3A_842 = arith.constant 32 : i32
      %add3A_843 = arith.addi %add3A_842, %scan3A_188 : i32
      %get3A_844 = arith.index_cast %add3A_843 : i32 to index
      %get3A_845 = arith.constant 432 : index
      %get3A_846 = tpu.vector_load %arg7[%get3A_844, %get3A_845] {strides = array<i32>} : memref<128x512xf32, #tpu.memory_space<vmem>>, vector<1x16xf32>,
      %get3A_847 = vector.shape_cast %get3A_846 : vector<1x16xf32> to vector<16xf32>
      %mul3A_848 = arith.constant 3.000000e-01 : f32
      %mul3A_849 = vector.broadcast %mul3A_848 : f32 to vector<16xf32>
      %mul3A_850 = arith.mulf %mul3A_849, %get3A_847 : vector<16xf32>
      %add3A_851 = arith.addf %mul3A_841, %mul3A_850 : vector<16xf32>
      %add3A_852 = arith.constant 32 : i32
      %add3A_853 = arith.addi %add3A_852, %scan3A_188 : i32
      %swap3A_854 = arith.index_cast %add3A_853 : i32 to index
      %swap3A_855 = arith.constant 432 : index
      %swap3A_856 = tpu.vector_load %arg7[%swap3A_854, %swap3A_855] {strides = array<i32>} : memref<128x512xf32, #tpu.memory_space<vmem>>, vector<1x16xf32>,
      %swap3A_857 = vector.shape_cast %swap3A_856 : vector<1x16xf32> to vector<16xf32>
      %swap3A_858 = vector.shape_cast %add3A_851 : vector<16xf32> to vector<1x16xf32>
      tpu.vector_store %arg7[%swap3A_854, %swap3A_855], %swap3A_858 {strides = array<i32>} : memref<128x512xf32, #tpu.memory_space<vmem>>, vector<1x16xf32>,
      %get3A_859 = arith.index_cast %scan3A_188 : i32 to index
      %get3A_860 = arith.constant 448 : index
      %get3A_861 = tpu.vector_load %arg9[%get3A_859, %get3A_860] {strides = array<i32>} : memref<32x512xf32, #tpu.memory_space<vmem>>, vector<1x16xf32>,
      %get3A_862 = vector.shape_cast %get3A_861 : vector<1x16xf32> to vector<16xf32>
      %mul3A_863 = arith.constant 0.699999988 : f32
      %mul3A_864 = vector.broadcast %mul3A_863 : f32 to vector<16xf32>
      %mul3A_865 = arith.mulf %mul3A_864, %get3A_862 : vector<16xf32>
      %add3A_866 = arith.constant 32 : i32
      %add3A_867 = arith.addi %add3A_866, %scan3A_188 : i32
      %get3A_868 = arith.index_cast %add3A_867 : i32 to index
      %get3A_869 = arith.constant 448 : index
      %get3A_870 = tpu.vector_load %arg7[%get3A_868, %get3A_869] {strides = array<i32>} : memref<128x512xf32, #tpu.memory_space<vmem>>, vector<1x16xf32>,
      %get3A_871 = vector.shape_cast %get3A_870 : vector<1x16xf32> to vector<16xf32>
      %mul3A_872 = arith.constant 3.000000e-01 : f32
      %mul3A_873 = vector.broadcast %mul3A_872 : f32 to vector<16xf32>
      %mul3A_874 = arith.mulf %mul3A_873, %get3A_871 : vector<16xf32>
      %add3A_875 = arith.addf %mul3A_865, %mul3A_874 : vector<16xf32>
      %add3A_876 = arith.constant 32 : i32
      %add3A_877 = arith.addi %add3A_876, %scan3A_188 : i32
      %swap3A_878 = arith.index_cast %add3A_877 : i32 to index
      %swap3A_879 = arith.constant 448 : index
      %swap3A_880 = tpu.vector_load %arg7[%swap3A_878, %swap3A_879] {strides = array<i32>} : memref<128x512xf32, #tpu.memory_space<vmem>>, vector<1x16xf32>,
      %swap3A_881 = vector.shape_cast %swap3A_880 : vector<1x16xf32> to vector<16xf32>
      %swap3A_882 = vector.shape_cast %add3A_875 : vector<16xf32> to vector<1x16xf32>
      tpu.vector_store %arg7[%swap3A_878, %swap3A_879], %swap3A_882 {strides = array<i32>} : memref<128x512xf32, #tpu.memory_space<vmem>>, vector<1x16xf32>,
      %get3A_883 = arith.index_cast %scan3A_188 : i32 to index
      %get3A_884 = arith.constant 464 : index
      %get3A_885 = tpu.vector_load %arg9[%get3A_883, %get3A_884] {strides = array<i32>} : memref<32x512xf32, #tpu.memory_space<vmem>>, vector<1x16xf32>,
      %get3A_886 = vector.shape_cast %get3A_885 : vector<1x16xf32> to vector<16xf32>
      %mul3A_887 = arith.constant 0.699999988 : f32
      %mul3A_888 = vector.broadcast %mul3A_887 : f32 to vector<16xf32>
      %mul3A_889 = arith.mulf %mul3A_888, %get3A_886 : vector<16xf32>
      %add3A_890 = arith.constant 32 : i32
      %add3A_891 = arith.addi %add3A_890, %scan3A_188 : i32
      %get3A_892 = arith.index_cast %add3A_891 : i32 to index
      %get3A_893 = arith.constant 464 : index
      %get3A_894 = tpu.vector_load %arg7[%get3A_892, %get3A_893] {strides = array<i32>} : memref<128x512xf32, #tpu.memory_space<vmem>>, vector<1x16xf32>,
      %get3A_895 = vector.shape_cast %get3A_894 : vector<1x16xf32> to vector<16xf32>
      %mul3A_896 = arith.constant 3.000000e-01 : f32
      %mul3A_897 = vector.broadcast %mul3A_896 : f32 to vector<16xf32>
      %mul3A_898 = arith.mulf %mul3A_897, %get3A_895 : vector<16xf32>
      %add3A_899 = arith.addf %mul3A_889, %mul3A_898 : vector<16xf32>
      %add3A_900 = arith.constant 32 : i32
      %add3A_901 = arith.addi %add3A_900, %scan3A_188 : i32
      %swap3A_902 = arith.index_cast %add3A_901 : i32 to index
      %swap3A_903 = arith.constant 464 : index
      %swap3A_904 = tpu.vector_load %arg7[%swap3A_902, %swap3A_903] {strides = array<i32>} : memref<128x512xf32, #tpu.memory_space<vmem>>, vector<1x16xf32>,
      %swap3A_905 = vector.shape_cast %swap3A_904 : vector<1x16xf32> to vector<16xf32>
      %swap3A_906 = vector.shape_cast %add3A_899 : vector<16xf32> to vector<1x16xf32>
      tpu.vector_store %arg7[%swap3A_902, %swap3A_903], %swap3A_906 {strides = array<i32>} : memref<128x512xf32, #tpu.memory_space<vmem>>, vector<1x16xf32>,
      %get3A_907 = arith.index_cast %scan3A_188 : i32 to index
      %get3A_908 = arith.constant 480 : index
      %get3A_909 = tpu.vector_load %arg9[%get3A_907, %get3A_908] {strides = array<i32>} : memref<32x512xf32, #tpu.memory_space<vmem>>, vector<1x16xf32>,
      %get3A_910 = vector.shape_cast %get3A_909 : vector<1x16xf32> to vector<16xf32>
      %mul3A_911 = arith.constant 0.699999988 : f32
      %mul3A_912 = vector.broadcast %mul3A_911 : f32 to vector<16xf32>
      %mul3A_913 = arith.mulf %mul3A_912, %get3A_910 : vector<16xf32>
      %add3A_914 = arith.constant 32 : i32
      %add3A_915 = arith.addi %add3A_914, %scan3A_188 : i32
      %get3A_916 = arith.index_cast %add3A_915 : i32 to index
      %get3A_917 = arith.constant 480 : index
      %get3A_918 = tpu.vector_load %arg7[%get3A_916, %get3A_917] {strides = array<i32>} : memref<128x512xf32, #tpu.memory_space<vmem>>, vector<1x16xf32>,
      %get3A_919 = vector.shape_cast %get3A_918 : vector<1x16xf32> to vector<16xf32>
      %mul3A_920 = arith.constant 3.000000e-01 : f32
      %mul3A_921 = vector.broadcast %mul3A_920 : f32 to vector<16xf32>
      %mul3A_922 = arith.mulf %mul3A_921, %get3A_919 : vector<16xf32>
      %add3A_923 = arith.addf %mul3A_913, %mul3A_922 : vector<16xf32>
      %add3A_924 = arith.constant 32 : i32
      %add3A_925 = arith.addi %add3A_924, %scan3A_188 : i32
      %swap3A_926 = arith.index_cast %add3A_925 : i32 to index
      %swap3A_927 = arith.constant 480 : index
      %swap3A_928 = tpu.vector_load %arg7[%swap3A_926, %swap3A_927] {strides = array<i32>} : memref<128x512xf32, #tpu.memory_space<vmem>>, vector<1x16xf32>,
      %swap3A_929 = vector.shape_cast %swap3A_928 : vector<1x16xf32> to vector<16xf32>
      %swap3A_930 = vector.shape_cast %add3A_923 : vector<16xf32> to vector<1x16xf32>
      tpu.vector_store %arg7[%swap3A_926, %swap3A_927], %swap3A_930 {strides = array<i32>} : memref<128x512xf32, #tpu.memory_space<vmem>>, vector<1x16xf32>,
      %get3A_931 = arith.index_cast %scan3A_188 : i32 to index
      %get3A_932 = arith.constant 496 : index
      %get3A_933 = tpu.vector_load %arg9[%get3A_931, %get3A_932] {strides = array<i32>} : memref<32x512xf32, #tpu.memory_space<vmem>>, vector<1x16xf32>,
      %get3A_934 = vector.shape_cast %get3A_933 : vector<1x16xf32> to vector<16xf32>
      %mul3A_935 = arith.constant 0.699999988 : f32
      %mul3A_936 = vector.broadcast %mul3A_935 : f32 to vector<16xf32>
      %mul3A_937 = arith.mulf %mul3A_936, %get3A_934 : vector<16xf32>
      %add3A_938 = arith.constant 32 : i32
      %add3A_939 = arith.addi %add3A_938, %scan3A_188 : i32
      %get3A_940 = arith.index_cast %add3A_939 : i32 to index
      %get3A_941 = arith.constant 496 : index
      %get3A_942 = tpu.vector_load %arg7[%get3A_940, %get3A_941] {strides = array<i32>} : memref<128x512xf32, #tpu.memory_space<vmem>>, vector<1x16xf32>,
      %get3A_943 = vector.shape_cast %get3A_942 : vector<1x16xf32> to vector<16xf32>
      %mul3A_944 = arith.constant 3.000000e-01 : f32
      %mul3A_945 = vector.broadcast %mul3A_944 : f32 to vector<16xf32>
      %mul3A_946 = arith.mulf %mul3A_945, %get3A_943 : vector<16xf32>
      %add3A_947 = arith.addf %mul3A_937, %mul3A_946 : vector<16xf32>
      %add3A_948 = arith.constant 32 : i32
      %add3A_949 = arith.addi %add3A_948, %scan3A_188 : i32
      %swap3A_950 = arith.index_cast %add3A_949 : i32 to index
      %swap3A_951 = arith.constant 496 : index
      %swap3A_952 = tpu.vector_load %arg7[%swap3A_950, %swap3A_951] {strides = array<i32>} : memref<128x512xf32, #tpu.memory_space<vmem>>, vector<1x16xf32>,
      %swap3A_953 = vector.shape_cast %swap3A_952 : vector<1x16xf32> to vector<16xf32>
      %swap3A_954 = vector.shape_cast %add3A_947 : vector<16xf32> to vector<1x16xf32>
      tpu.vector_store %arg7[%swap3A_950, %swap3A_951], %swap3A_954 {strides = array<i32>} : memref<128x512xf32, #tpu.memory_space<vmem>>, vector<1x16xf32>,
    }
    %scan3A_77 = arith.constant 32 : i32
    %add3A_78 = arith.constant 96 : i32
    %add3A_79 = arith.addi %mul3A_2, %add3A_78 : i32
    %dma_start3A_80 = arith.constant 0 : i32
    %dma_start3A_81 = tpu.memref_slice %arg4[%add3A_79, %dma_start3A_80] : memref<4096x512xf32, #tpu.memory_space<hbm>> -> memref<32x512xf32, #tpu.memory_space<hbm>>
    %dma_start3A_82 = arith.constant 0 : i32
    %dma_start3A_83 = tpu.memref_slice %arg4[%add3A_79, %dma_start3A_82] : memref<4096x512xf32, #tpu.memory_space<hbm>> -> memref<32x512xf32, #tpu.memory_space<hbm>>
    tpu.enqueue_dma source(%dma_start3A_83 : memref<32x512xf32, #tpu.memory_space<hbm>>) target(%arg9 : memref<32x512xf32, #tpu.memory_space<vmem>>) target_semaphore(%arg13 : memref<!tpu.dma_semaphore, #tpu.memory_space<semaphore_mem>>)
    %add3A_84 = arith.constant 32 : i32
    %add3A_85 = arith.addi %mul3A_2, %add3A_84 : i32
    %dma_start3A_86 = arith.constant 32 : i32
    %dma_start3A_87 = arith.constant 0 : i32
    %dma_start3A_88 = tpu.memref_slice %arg7[%dma_start3A_86, %dma_start3A_87] : memref<128x512xf32, #tpu.memory_space<vmem>> -> memref<32x512xf32, #tpu.memory_space<vmem>>
    %dma_start3A_89 = arith.constant 0 : i32
    %dma_start3A_90 = tpu.memref_slice %arg5[%add3A_85, %dma_start3A_89] : memref<4096x512xf32, #tpu.memory_space<hbm>> -> memref<32x512xf32, #tpu.memory_space<hbm>>
    %dma_start3A_91 = arith.constant 0 : i32
    %dma_start3A_92 = tpu.memref_slice %arg5[%add3A_85, %dma_start3A_91] : memref<4096x512xf32, #tpu.memory_space<hbm>> -> memref<32x512xf32, #tpu.memory_space<hbm>>
    %dma_start3A_93 = arith.constant 32 : i32
    %dma_start3A_94 = arith.constant 0 : i32
    %dma_start3A_95 = tpu.memref_slice %arg7[%dma_start3A_93, %dma_start3A_94] : memref<128x512xf32, #tpu.memory_space<vmem>> -> memref<32x512xf32, #tpu.memory_space<vmem>>
    tpu.enqueue_dma source(%dma_start3A_95 : memref<32x512xf32, #tpu.memory_space<vmem>>) target(%dma_start3A_92 : memref<32x512xf32, #tpu.memory_space<hbm>>) target_semaphore(%arg15 : memref<!tpu.dma_semaphore, #tpu.memory_space<semaphore_mem>>)
    %dma_wait3A_96 = arith.constant 64 : i32
    %dma_wait3A_97 = arith.constant 0 : i32
    %dma_wait3A_98 = tpu.memref_slice %arg7[%dma_wait3A_96, %dma_wait3A_97] : memref<128x512xf32, #tpu.memory_space<vmem>> -> memref<64x512xf32, #tpu.memory_space<vmem>>
    %dma_wait3A_99 = arith.constant 64 : i32
    %dma_wait3A_100 = tpu.memref_slice %arg6[%dma_wait3A_99] : memref<128xi32, #tpu.memory_space<vmem>> -> memref<64xi32, #tpu.memory_space<vmem>>
    %dma_wait3A_101 = arith.constant 0 : i32
    %dma_wait3A_102 = arith.constant 0 : i32
    %dma_wait3A_103 = tpu.memref_slice %arg2[%dma_wait3A_101, %dma_wait3A_102] : memref<200000x512xf32, #tpu.memory_space<hbm>> -> memref<200000x512xf32, #tpu.memory_space<hbm>>
    tpu.wait_indirect_dma semaphore(%arg11 : memref<!tpu.dma_semaphore, #tpu.memory_space<semaphore_mem>>) src(%dma_wait3A_103 : memref<200000x512xf32, #tpu.memory_space<hbm>>) dst(%dma_wait3A_98 : memref<64x512xf32, #tpu.memory_space<vmem>>)
    %dma_wait3A_104 = arith.constant 0 : i32
    %dma_wait3A_105 = tpu.memref_slice %arg4[%add3A_51, %dma_wait3A_104] : memref<4096x512xf32, #tpu.memory_space<hbm>> -> memref<32x512xf32, #tpu.memory_space<hbm>>
    %dma_wait3A_106 = arith.constant 0 : i32
    %dma_wait3A_107 = tpu.memref_slice %arg4[%add3A_51, %dma_wait3A_106] : memref<4096x512xf32, #tpu.memory_space<hbm>> -> memref<32x512xf32, #tpu.memory_space<hbm>>
    tpu.wait_dma2 semaphore(%arg12 : memref<!tpu.dma_semaphore, #tpu.memory_space<semaphore_mem>>) src(%dma_wait3A_107 : memref<32x512xf32, #tpu.memory_space<hbm>>) dst(%arg8 : memref<32x512xf32, #tpu.memory_space<vmem>>)
    %scan3A_108 = arith.constant 0 : i32
    %scan3A_109 = arith.constant 0 : i32
    %scan3A_110 = arith.constant 32 : i32
    %scan3A_111 = arith.addi %scan3A_109, %scan3A_110 : i32
    %scan3A_112 = arith.constant 1 : i32
    scf.for %scan3A_188 = %scan3A_109 to %scan3A_111 step %scan3A_112  : i32 {
      %get3A = arith.index_cast %scan3A_188 : i32 to index
      %get3A_189 = arith.constant 0 : index
      %get3A_190 = tpu.vector_load %arg8[%get3A, %get3A_189] {strides = array<i32>} : memref<32x512xf32, #tpu.memory_space<vmem>>, vector<1x16xf32>,
      %get3A_191 = vector.shape_cast %get3A_190 : vector<1x16xf32> to vector<16xf32>
      %mul3A_192 = arith.constant 0.699999988 : f32
      %mul3A_193 = vector.broadcast %mul3A_192 : f32 to vector<16xf32>
      %mul3A_194 = arith.mulf %mul3A_193, %get3A_191 : vector<16xf32>
      %add3A_195 = arith.constant 64 : i32
      %add3A_196 = arith.addi %add3A_195, %scan3A_188 : i32
      %get3A_197 = arith.index_cast %add3A_196 : i32 to index
      %get3A_198 = arith.constant 0 : index
      %get3A_199 = tpu.vector_load %arg7[%get3A_197, %get3A_198] {strides = array<i32>} : memref<128x512xf32, #tpu.memory_space<vmem>>, vector<1x16xf32>,
      %get3A_200 = vector.shape_cast %get3A_199 : vector<1x16xf32> to vector<16xf32>
      %mul3A_201 = arith.constant 3.000000e-01 : f32
      %mul3A_202 = vector.broadcast %mul3A_201 : f32 to vector<16xf32>
      %mul3A_203 = arith.mulf %mul3A_202, %get3A_200 : vector<16xf32>
      %add3A_204 = arith.addf %mul3A_194, %mul3A_203 : vector<16xf32>
      %add3A_205 = arith.constant 64 : i32
      %add3A_206 = arith.addi %add3A_205, %scan3A_188 : i32
      %swap3A = arith.index_cast %add3A_206 : i32 to index
      %swap3A_207 = arith.constant 0 : index
      %swap3A_208 = tpu.vector_load %arg7[%swap3A, %swap3A_207] {strides = array<i32>} : memref<128x512xf32, #tpu.memory_space<vmem>>, vector<1x16xf32>,
      %swap3A_209 = vector.shape_cast %swap3A_208 : vector<1x16xf32> to vector<16xf32>
      %swap3A_210 = vector.shape_cast %add3A_204 : vector<16xf32> to vector<1x16xf32>
      tpu.vector_store %arg7[%swap3A, %swap3A_207], %swap3A_210 {strides = array<i32>} : memref<128x512xf32, #tpu.memory_space<vmem>>, vector<1x16xf32>,
      %get3A_211 = arith.index_cast %scan3A_188 : i32 to index
      %get3A_212 = arith.constant 16 : index
      %get3A_213 = tpu.vector_load %arg8[%get3A_211, %get3A_212] {strides = array<i32>} : memref<32x512xf32, #tpu.memory_space<vmem>>, vector<1x16xf32>,
      %get3A_214 = vector.shape_cast %get3A_213 : vector<1x16xf32> to vector<16xf32>
      %mul3A_215 = arith.constant 0.699999988 : f32
      %mul3A_216 = vector.broadcast %mul3A_215 : f32 to vector<16xf32>
      %mul3A_217 = arith.mulf %mul3A_216, %get3A_214 : vector<16xf32>
      %add3A_218 = arith.constant 64 : i32
      %add3A_219 = arith.addi %add3A_218, %scan3A_188 : i32
      %get3A_220 = arith.index_cast %add3A_219 : i32 to index
      %get3A_221 = arith.constant 16 : index
      %get3A_222 = tpu.vector_load %arg7[%get3A_220, %get3A_221] {strides = array<i32>} : memref<128x512xf32, #tpu.memory_space<vmem>>, vector<1x16xf32>,
      %get3A_223 = vector.shape_cast %get3A_222 : vector<1x16xf32> to vector<16xf32>
      %mul3A_224 = arith.constant 3.000000e-01 : f32
      %mul3A_225 = vector.broadcast %mul3A_224 : f32 to vector<16xf32>
      %mul3A_226 = arith.mulf %mul3A_225, %get3A_223 : vector<16xf32>
      %add3A_227 = arith.addf %mul3A_217, %mul3A_226 : vector<16xf32>
      %add3A_228 = arith.constant 64 : i32
      %add3A_229 = arith.addi %add3A_228, %scan3A_188 : i32
      %swap3A_230 = arith.index_cast %add3A_229 : i32 to index
      %swap3A_231 = arith.constant 16 : index
      %swap3A_232 = tpu.vector_load %arg7[%swap3A_230, %swap3A_231] {strides = array<i32>} : memref<128x512xf32, #tpu.memory_space<vmem>>, vector<1x16xf32>,
      %swap3A_233 = vector.shape_cast %swap3A_232 : vector<1x16xf32> to vector<16xf32>
      %swap3A_234 = vector.shape_cast %add3A_227 : vector<16xf32> to vector<1x16xf32>
      tpu.vector_store %arg7[%swap3A_230, %swap3A_231], %swap3A_234 {strides = array<i32>} : memref<128x512xf32, #tpu.memory_space<vmem>>, vector<1x16xf32>,
      %get3A_235 = arith.index_cast %scan3A_188 : i32 to index
      %get3A_236 = arith.constant 32 : index
      %get3A_237 = tpu.vector_load %arg8[%get3A_235, %get3A_236] {strides = array<i32>} : memref<32x512xf32, #tpu.memory_space<vmem>>, vector<1x16xf32>,
      %get3A_238 = vector.shape_cast %get3A_237 : vector<1x16xf32> to vector<16xf32>
      %mul3A_239 = arith.constant 0.699999988 : f32
      %mul3A_240 = vector.broadcast %mul3A_239 : f32 to vector<16xf32>
      %mul3A_241 = arith.mulf %mul3A_240, %get3A_238 : vector<16xf32>
      %add3A_242 = arith.constant 64 : i32
      %add3A_243 = arith.addi %add3A_242, %scan3A_188 : i32
      %get3A_244 = arith.index_cast %add3A_243 : i32 to index
      %get3A_245 = arith.constant 32 : index
      %get3A_246 = tpu.vector_load %arg7[%get3A_244, %get3A_245] {strides = array<i32>} : memref<128x512xf32, #tpu.memory_space<vmem>>, vector<1x16xf32>,
      %get3A_247 = vector.shape_cast %get3A_246 : vector<1x16xf32> to vector<16xf32>
      %mul3A_248 = arith.constant 3.000000e-01 : f32
      %mul3A_249 = vector.broadcast %mul3A_248 : f32 to vector<16xf32>
      %mul3A_250 = arith.mulf %mul3A_249, %get3A_247 : vector<16xf32>
      %add3A_251 = arith.addf %mul3A_241, %mul3A_250 : vector<16xf32>
      %add3A_252 = arith.constant 64 : i32
      %add3A_253 = arith.addi %add3A_252, %scan3A_188 : i32
      %swap3A_254 = arith.index_cast %add3A_253 : i32 to index
      %swap3A_255 = arith.constant 32 : index
      %swap3A_256 = tpu.vector_load %arg7[%swap3A_254, %swap3A_255] {strides = array<i32>} : memref<128x512xf32, #tpu.memory_space<vmem>>, vector<1x16xf32>,
      %swap3A_257 = vector.shape_cast %swap3A_256 : vector<1x16xf32> to vector<16xf32>
      %swap3A_258 = vector.shape_cast %add3A_251 : vector<16xf32> to vector<1x16xf32>
      tpu.vector_store %arg7[%swap3A_254, %swap3A_255], %swap3A_258 {strides = array<i32>} : memref<128x512xf32, #tpu.memory_space<vmem>>, vector<1x16xf32>,
      %get3A_259 = arith.index_cast %scan3A_188 : i32 to index
      %get3A_260 = arith.constant 48 : index
      %get3A_261 = tpu.vector_load %arg8[%get3A_259, %get3A_260] {strides = array<i32>} : memref<32x512xf32, #tpu.memory_space<vmem>>, vector<1x16xf32>,
      %get3A_262 = vector.shape_cast %get3A_261 : vector<1x16xf32> to vector<16xf32>
      %mul3A_263 = arith.constant 0.699999988 : f32
      %mul3A_264 = vector.broadcast %mul3A_263 : f32 to vector<16xf32>
      %mul3A_265 = arith.mulf %mul3A_264, %get3A_262 : vector<16xf32>
      %add3A_266 = arith.constant 64 : i32
      %add3A_267 = arith.addi %add3A_266, %scan3A_188 : i32
      %get3A_268 = arith.index_cast %add3A_267 : i32 to index
      %get3A_269 = arith.constant 48 : index
      %get3A_270 = tpu.vector_load %arg7[%get3A_268, %get3A_269] {strides = array<i32>} : memref<128x512xf32, #tpu.memory_space<vmem>>, vector<1x16xf32>,
      %get3A_271 = vector.shape_cast %get3A_270 : vector<1x16xf32> to vector<16xf32>
      %mul3A_272 = arith.constant 3.000000e-01 : f32
      %mul3A_273 = vector.broadcast %mul3A_272 : f32 to vector<16xf32>
      %mul3A_274 = arith.mulf %mul3A_273, %get3A_271 : vector<16xf32>
      %add3A_275 = arith.addf %mul3A_265, %mul3A_274 : vector<16xf32>
      %add3A_276 = arith.constant 64 : i32
      %add3A_277 = arith.addi %add3A_276, %scan3A_188 : i32
      %swap3A_278 = arith.index_cast %add3A_277 : i32 to index
      %swap3A_279 = arith.constant 48 : index
      %swap3A_280 = tpu.vector_load %arg7[%swap3A_278, %swap3A_279] {strides = array<i32>} : memref<128x512xf32, #tpu.memory_space<vmem>>, vector<1x16xf32>,
      %swap3A_281 = vector.shape_cast %swap3A_280 : vector<1x16xf32> to vector<16xf32>
      %swap3A_282 = vector.shape_cast %add3A_275 : vector<16xf32> to vector<1x16xf32>
      tpu.vector_store %arg7[%swap3A_278, %swap3A_279], %swap3A_282 {strides = array<i32>} : memref<128x512xf32, #tpu.memory_space<vmem>>, vector<1x16xf32>,
      %get3A_283 = arith.index_cast %scan3A_188 : i32 to index
      %get3A_284 = arith.constant 64 : index
      %get3A_285 = tpu.vector_load %arg8[%get3A_283, %get3A_284] {strides = array<i32>} : memref<32x512xf32, #tpu.memory_space<vmem>>, vector<1x16xf32>,
      %get3A_286 = vector.shape_cast %get3A_285 : vector<1x16xf32> to vector<16xf32>
      %mul3A_287 = arith.constant 0.699999988 : f32
      %mul3A_288 = vector.broadcast %mul3A_287 : f32 to vector<16xf32>
      %mul3A_289 = arith.mulf %mul3A_288, %get3A_286 : vector<16xf32>
      %add3A_290 = arith.constant 64 : i32
      %add3A_291 = arith.addi %add3A_290, %scan3A_188 : i32
      %get3A_292 = arith.index_cast %add3A_291 : i32 to index
      %get3A_293 = arith.constant 64 : index
      %get3A_294 = tpu.vector_load %arg7[%get3A_292, %get3A_293] {strides = array<i32>} : memref<128x512xf32, #tpu.memory_space<vmem>>, vector<1x16xf32>,
      %get3A_295 = vector.shape_cast %get3A_294 : vector<1x16xf32> to vector<16xf32>
      %mul3A_296 = arith.constant 3.000000e-01 : f32
      %mul3A_297 = vector.broadcast %mul3A_296 : f32 to vector<16xf32>
      %mul3A_298 = arith.mulf %mul3A_297, %get3A_295 : vector<16xf32>
      %add3A_299 = arith.addf %mul3A_289, %mul3A_298 : vector<16xf32>
      %add3A_300 = arith.constant 64 : i32
      %add3A_301 = arith.addi %add3A_300, %scan3A_188 : i32
      %swap3A_302 = arith.index_cast %add3A_301 : i32 to index
      %swap3A_303 = arith.constant 64 : index
      %swap3A_304 = tpu.vector_load %arg7[%swap3A_302, %swap3A_303] {strides = array<i32>} : memref<128x512xf32, #tpu.memory_space<vmem>>, vector<1x16xf32>,
      %swap3A_305 = vector.shape_cast %swap3A_304 : vector<1x16xf32> to vector<16xf32>
      %swap3A_306 = vector.shape_cast %add3A_299 : vector<16xf32> to vector<1x16xf32>
      tpu.vector_store %arg7[%swap3A_302, %swap3A_303], %swap3A_306 {strides = array<i32>} : memref<128x512xf32, #tpu.memory_space<vmem>>, vector<1x16xf32>,
      %get3A_307 = arith.index_cast %scan3A_188 : i32 to index
      %get3A_308 = arith.constant 80 : index
      %get3A_309 = tpu.vector_load %arg8[%get3A_307, %get3A_308] {strides = array<i32>} : memref<32x512xf32, #tpu.memory_space<vmem>>, vector<1x16xf32>,
      %get3A_310 = vector.shape_cast %get3A_309 : vector<1x16xf32> to vector<16xf32>
      %mul3A_311 = arith.constant 0.699999988 : f32
      %mul3A_312 = vector.broadcast %mul3A_311 : f32 to vector<16xf32>
      %mul3A_313 = arith.mulf %mul3A_312, %get3A_310 : vector<16xf32>
      %add3A_314 = arith.constant 64 : i32
      %add3A_315 = arith.addi %add3A_314, %scan3A_188 : i32
      %get3A_316 = arith.index_cast %add3A_315 : i32 to index
      %get3A_317 = arith.constant 80 : index
      %get3A_318 = tpu.vector_load %arg7[%get3A_316, %get3A_317] {strides = array<i32>} : memref<128x512xf32, #tpu.memory_space<vmem>>, vector<1x16xf32>,
      %get3A_319 = vector.shape_cast %get3A_318 : vector<1x16xf32> to vector<16xf32>
      %mul3A_320 = arith.constant 3.000000e-01 : f32
      %mul3A_321 = vector.broadcast %mul3A_320 : f32 to vector<16xf32>
      %mul3A_322 = arith.mulf %mul3A_321, %get3A_319 : vector<16xf32>
      %add3A_323 = arith.addf %mul3A_313, %mul3A_322 : vector<16xf32>
      %add3A_324 = arith.constant 64 : i32
      %add3A_325 = arith.addi %add3A_324, %scan3A_188 : i32
      %swap3A_326 = arith.index_cast %add3A_325 : i32 to index
      %swap3A_327 = arith.constant 80 : index
      %swap3A_328 = tpu.vector_load %arg7[%swap3A_326, %swap3A_327] {strides = array<i32>} : memref<128x512xf32, #tpu.memory_space<vmem>>, vector<1x16xf32>,
      %swap3A_329 = vector.shape_cast %swap3A_328 : vector<1x16xf32> to vector<16xf32>
      %swap3A_330 = vector.shape_cast %add3A_323 : vector<16xf32> to vector<1x16xf32>
      tpu.vector_store %arg7[%swap3A_326, %swap3A_327], %swap3A_330 {strides = array<i32>} : memref<128x512xf32, #tpu.memory_space<vmem>>, vector<1x16xf32>,
      %get3A_331 = arith.index_cast %scan3A_188 : i32 to index
      %get3A_332 = arith.constant 96 : index
      %get3A_333 = tpu.vector_load %arg8[%get3A_331, %get3A_332] {strides = array<i32>} : memref<32x512xf32, #tpu.memory_space<vmem>>, vector<1x16xf32>,
      %get3A_334 = vector.shape_cast %get3A_333 : vector<1x16xf32> to vector<16xf32>
      %mul3A_335 = arith.constant 0.699999988 : f32
      %mul3A_336 = vector.broadcast %mul3A_335 : f32 to vector<16xf32>
      %mul3A_337 = arith.mulf %mul3A_336, %get3A_334 : vector<16xf32>
      %add3A_338 = arith.constant 64 : i32
      %add3A_339 = arith.addi %add3A_338, %scan3A_188 : i32
      %get3A_340 = arith.index_cast %add3A_339 : i32 to index
      %get3A_341 = arith.constant 96 : index
      %get3A_342 = tpu.vector_load %arg7[%get3A_340, %get3A_341] {strides = array<i32>} : memref<128x512xf32, #tpu.memory_space<vmem>>, vector<1x16xf32>,
      %get3A_343 = vector.shape_cast %get3A_342 : vector<1x16xf32> to vector<16xf32>
      %mul3A_344 = arith.constant 3.000000e-01 : f32
      %mul3A_345 = vector.broadcast %mul3A_344 : f32 to vector<16xf32>
      %mul3A_346 = arith.mulf %mul3A_345, %get3A_343 : vector<16xf32>
      %add3A_347 = arith.addf %mul3A_337, %mul3A_346 : vector<16xf32>
      %add3A_348 = arith.constant 64 : i32
      %add3A_349 = arith.addi %add3A_348, %scan3A_188 : i32
      %swap3A_350 = arith.index_cast %add3A_349 : i32 to index
      %swap3A_351 = arith.constant 96 : index
      %swap3A_352 = tpu.vector_load %arg7[%swap3A_350, %swap3A_351] {strides = array<i32>} : memref<128x512xf32, #tpu.memory_space<vmem>>, vector<1x16xf32>,
      %swap3A_353 = vector.shape_cast %swap3A_352 : vector<1x16xf32> to vector<16xf32>
      %swap3A_354 = vector.shape_cast %add3A_347 : vector<16xf32> to vector<1x16xf32>
      tpu.vector_store %arg7[%swap3A_350, %swap3A_351], %swap3A_354 {strides = array<i32>} : memref<128x512xf32, #tpu.memory_space<vmem>>, vector<1x16xf32>,
      %get3A_355 = arith.index_cast %scan3A_188 : i32 to index
      %get3A_356 = arith.constant 112 : index
      %get3A_357 = tpu.vector_load %arg8[%get3A_355, %get3A_356] {strides = array<i32>} : memref<32x512xf32, #tpu.memory_space<vmem>>, vector<1x16xf32>,
      %get3A_358 = vector.shape_cast %get3A_357 : vector<1x16xf32> to vector<16xf32>
      %mul3A_359 = arith.constant 0.699999988 : f32
      %mul3A_360 = vector.broadcast %mul3A_359 : f32 to vector<16xf32>
      %mul3A_361 = arith.mulf %mul3A_360, %get3A_358 : vector<16xf32>
      %add3A_362 = arith.constant 64 : i32
      %add3A_363 = arith.addi %add3A_362, %scan3A_188 : i32
      %get3A_364 = arith.index_cast %add3A_363 : i32 to index
      %get3A_365 = arith.constant 112 : index
      %get3A_366 = tpu.vector_load %arg7[%get3A_364, %get3A_365] {strides = array<i32>} : memref<128x512xf32, #tpu.memory_space<vmem>>, vector<1x16xf32>,
      %get3A_367 = vector.shape_cast %get3A_366 : vector<1x16xf32> to vector<16xf32>
      %mul3A_368 = arith.constant 3.000000e-01 : f32
      %mul3A_369 = vector.broadcast %mul3A_368 : f32 to vector<16xf32>
      %mul3A_370 = arith.mulf %mul3A_369, %get3A_367 : vector<16xf32>
      %add3A_371 = arith.addf %mul3A_361, %mul3A_370 : vector<16xf32>
      %add3A_372 = arith.constant 64 : i32
      %add3A_373 = arith.addi %add3A_372, %scan3A_188 : i32
      %swap3A_374 = arith.index_cast %add3A_373 : i32 to index
      %swap3A_375 = arith.constant 112 : index
      %swap3A_376 = tpu.vector_load %arg7[%swap3A_374, %swap3A_375] {strides = array<i32>} : memref<128x512xf32, #tpu.memory_space<vmem>>, vector<1x16xf32>,
      %swap3A_377 = vector.shape_cast %swap3A_376 : vector<1x16xf32> to vector<16xf32>
      %swap3A_378 = vector.shape_cast %add3A_371 : vector<16xf32> to vector<1x16xf32>
      tpu.vector_store %arg7[%swap3A_374, %swap3A_375], %swap3A_378 {strides = array<i32>} : memref<128x512xf32, #tpu.memory_space<vmem>>, vector<1x16xf32>,
      %get3A_379 = arith.index_cast %scan3A_188 : i32 to index
      %get3A_380 = arith.constant 128 : index
      %get3A_381 = tpu.vector_load %arg8[%get3A_379, %get3A_380] {strides = array<i32>} : memref<32x512xf32, #tpu.memory_space<vmem>>, vector<1x16xf32>,
      %get3A_382 = vector.shape_cast %get3A_381 : vector<1x16xf32> to vector<16xf32>
      %mul3A_383 = arith.constant 0.699999988 : f32
      %mul3A_384 = vector.broadcast %mul3A_383 : f32 to vector<16xf32>
      %mul3A_385 = arith.mulf %mul3A_384, %get3A_382 : vector<16xf32>
      %add3A_386 = arith.constant 64 : i32
      %add3A_387 = arith.addi %add3A_386, %scan3A_188 : i32
      %get3A_388 = arith.index_cast %add3A_387 : i32 to index
      %get3A_389 = arith.constant 128 : index
      %get3A_390 = tpu.vector_load %arg7[%get3A_388, %get3A_389] {strides = array<i32>} : memref<128x512xf32, #tpu.memory_space<vmem>>, vector<1x16xf32>,
      %get3A_391 = vector.shape_cast %get3A_390 : vector<1x16xf32> to vector<16xf32>
      %mul3A_392 = arith.constant 3.000000e-01 : f32
      %mul3A_393 = vector.broadcast %mul3A_392 : f32 to vector<16xf32>
      %mul3A_394 = arith.mulf %mul3A_393, %get3A_391 : vector<16xf32>
      %add3A_395 = arith.addf %mul3A_385, %mul3A_394 : vector<16xf32>
      %add3A_396 = arith.constant 64 : i32
      %add3A_397 = arith.addi %add3A_396, %scan3A_188 : i32
      %swap3A_398 = arith.index_cast %add3A_397 : i32 to index
      %swap3A_399 = arith.constant 128 : index
      %swap3A_400 = tpu.vector_load %arg7[%swap3A_398, %swap3A_399] {strides = array<i32>} : memref<128x512xf32, #tpu.memory_space<vmem>>, vector<1x16xf32>,
      %swap3A_401 = vector.shape_cast %swap3A_400 : vector<1x16xf32> to vector<16xf32>
      %swap3A_402 = vector.shape_cast %add3A_395 : vector<16xf32> to vector<1x16xf32>
      tpu.vector_store %arg7[%swap3A_398, %swap3A_399], %swap3A_402 {strides = array<i32>} : memref<128x512xf32, #tpu.memory_space<vmem>>, vector<1x16xf32>,
      %get3A_403 = arith.index_cast %scan3A_188 : i32 to index
      %get3A_404 = arith.constant 144 : index
      %get3A_405 = tpu.vector_load %arg8[%get3A_403, %get3A_404] {strides = array<i32>} : memref<32x512xf32, #tpu.memory_space<vmem>>, vector<1x16xf32>,
      %get3A_406 = vector.shape_cast %get3A_405 : vector<1x16xf32> to vector<16xf32>
      %mul3A_407 = arith.constant 0.699999988 : f32
      %mul3A_408 = vector.broadcast %mul3A_407 : f32 to vector<16xf32>
      %mul3A_409 = arith.mulf %mul3A_408, %get3A_406 : vector<16xf32>
      %add3A_410 = arith.constant 64 : i32
      %add3A_411 = arith.addi %add3A_410, %scan3A_188 : i32
      %get3A_412 = arith.index_cast %add3A_411 : i32 to index
      %get3A_413 = arith.constant 144 : index
      %get3A_414 = tpu.vector_load %arg7[%get3A_412, %get3A_413] {strides = array<i32>} : memref<128x512xf32, #tpu.memory_space<vmem>>, vector<1x16xf32>,
      %get3A_415 = vector.shape_cast %get3A_414 : vector<1x16xf32> to vector<16xf32>
      %mul3A_416 = arith.constant 3.000000e-01 : f32
      %mul3A_417 = vector.broadcast %mul3A_416 : f32 to vector<16xf32>
      %mul3A_418 = arith.mulf %mul3A_417, %get3A_415 : vector<16xf32>
      %add3A_419 = arith.addf %mul3A_409, %mul3A_418 : vector<16xf32>
      %add3A_420 = arith.constant 64 : i32
      %add3A_421 = arith.addi %add3A_420, %scan3A_188 : i32
      %swap3A_422 = arith.index_cast %add3A_421 : i32 to index
      %swap3A_423 = arith.constant 144 : index
      %swap3A_424 = tpu.vector_load %arg7[%swap3A_422, %swap3A_423] {strides = array<i32>} : memref<128x512xf32, #tpu.memory_space<vmem>>, vector<1x16xf32>,
      %swap3A_425 = vector.shape_cast %swap3A_424 : vector<1x16xf32> to vector<16xf32>
      %swap3A_426 = vector.shape_cast %add3A_419 : vector<16xf32> to vector<1x16xf32>
      tpu.vector_store %arg7[%swap3A_422, %swap3A_423], %swap3A_426 {strides = array<i32>} : memref<128x512xf32, #tpu.memory_space<vmem>>, vector<1x16xf32>,
      %get3A_427 = arith.index_cast %scan3A_188 : i32 to index
      %get3A_428 = arith.constant 160 : index
      %get3A_429 = tpu.vector_load %arg8[%get3A_427, %get3A_428] {strides = array<i32>} : memref<32x512xf32, #tpu.memory_space<vmem>>, vector<1x16xf32>,
      %get3A_430 = vector.shape_cast %get3A_429 : vector<1x16xf32> to vector<16xf32>
      %mul3A_431 = arith.constant 0.699999988 : f32
      %mul3A_432 = vector.broadcast %mul3A_431 : f32 to vector<16xf32>
      %mul3A_433 = arith.mulf %mul3A_432, %get3A_430 : vector<16xf32>
      %add3A_434 = arith.constant 64 : i32
      %add3A_435 = arith.addi %add3A_434, %scan3A_188 : i32
      %get3A_436 = arith.index_cast %add3A_435 : i32 to index
      %get3A_437 = arith.constant 160 : index
      %get3A_438 = tpu.vector_load %arg7[%get3A_436, %get3A_437] {strides = array<i32>} : memref<128x512xf32, #tpu.memory_space<vmem>>, vector<1x16xf32>,
      %get3A_439 = vector.shape_cast %get3A_438 : vector<1x16xf32> to vector<16xf32>
      %mul3A_440 = arith.constant 3.000000e-01 : f32
      %mul3A_441 = vector.broadcast %mul3A_440 : f32 to vector<16xf32>
      %mul3A_442 = arith.mulf %mul3A_441, %get3A_439 : vector<16xf32>
      %add3A_443 = arith.addf %mul3A_433, %mul3A_442 : vector<16xf32>
      %add3A_444 = arith.constant 64 : i32
      %add3A_445 = arith.addi %add3A_444, %scan3A_188 : i32
      %swap3A_446 = arith.index_cast %add3A_445 : i32 to index
      %swap3A_447 = arith.constant 160 : index
      %swap3A_448 = tpu.vector_load %arg7[%swap3A_446, %swap3A_447] {strides = array<i32>} : memref<128x512xf32, #tpu.memory_space<vmem>>, vector<1x16xf32>,
      %swap3A_449 = vector.shape_cast %swap3A_448 : vector<1x16xf32> to vector<16xf32>
      %swap3A_450 = vector.shape_cast %add3A_443 : vector<16xf32> to vector<1x16xf32>
      tpu.vector_store %arg7[%swap3A_446, %swap3A_447], %swap3A_450 {strides = array<i32>} : memref<128x512xf32, #tpu.memory_space<vmem>>, vector<1x16xf32>,
      %get3A_451 = arith.index_cast %scan3A_188 : i32 to index
      %get3A_452 = arith.constant 176 : index
      %get3A_453 = tpu.vector_load %arg8[%get3A_451, %get3A_452] {strides = array<i32>} : memref<32x512xf32, #tpu.memory_space<vmem>>, vector<1x16xf32>,
      %get3A_454 = vector.shape_cast %get3A_453 : vector<1x16xf32> to vector<16xf32>
      %mul3A_455 = arith.constant 0.699999988 : f32
      %mul3A_456 = vector.broadcast %mul3A_455 : f32 to vector<16xf32>
      %mul3A_457 = arith.mulf %mul3A_456, %get3A_454 : vector<16xf32>
      %add3A_458 = arith.constant 64 : i32
      %add3A_459 = arith.addi %add3A_458, %scan3A_188 : i32
      %get3A_460 = arith.index_cast %add3A_459 : i32 to index
      %get3A_461 = arith.constant 176 : index
      %get3A_462 = tpu.vector_load %arg7[%get3A_460, %get3A_461] {strides = array<i32>} : memref<128x512xf32, #tpu.memory_space<vmem>>, vector<1x16xf32>,
      %get3A_463 = vector.shape_cast %get3A_462 : vector<1x16xf32> to vector<16xf32>
      %mul3A_464 = arith.constant 3.000000e-01 : f32
      %mul3A_465 = vector.broadcast %mul3A_464 : f32 to vector<16xf32>
      %mul3A_466 = arith.mulf %mul3A_465, %get3A_463 : vector<16xf32>
      %add3A_467 = arith.addf %mul3A_457, %mul3A_466 : vector<16xf32>
      %add3A_468 = arith.constant 64 : i32
      %add3A_469 = arith.addi %add3A_468, %scan3A_188 : i32
      %swap3A_470 = arith.index_cast %add3A_469 : i32 to index
      %swap3A_471 = arith.constant 176 : index
      %swap3A_472 = tpu.vector_load %arg7[%swap3A_470, %swap3A_471] {strides = array<i32>} : memref<128x512xf32, #tpu.memory_space<vmem>>, vector<1x16xf32>,
      %swap3A_473 = vector.shape_cast %swap3A_472 : vector<1x16xf32> to vector<16xf32>
      %swap3A_474 = vector.shape_cast %add3A_467 : vector<16xf32> to vector<1x16xf32>
      tpu.vector_store %arg7[%swap3A_470, %swap3A_471], %swap3A_474 {strides = array<i32>} : memref<128x512xf32, #tpu.memory_space<vmem>>, vector<1x16xf32>,
      %get3A_475 = arith.index_cast %scan3A_188 : i32 to index
      %get3A_476 = arith.constant 192 : index
      %get3A_477 = tpu.vector_load %arg8[%get3A_475, %get3A_476] {strides = array<i32>} : memref<32x512xf32, #tpu.memory_space<vmem>>, vector<1x16xf32>,
      %get3A_478 = vector.shape_cast %get3A_477 : vector<1x16xf32> to vector<16xf32>
      %mul3A_479 = arith.constant 0.699999988 : f32
      %mul3A_480 = vector.broadcast %mul3A_479 : f32 to vector<16xf32>
      %mul3A_481 = arith.mulf %mul3A_480, %get3A_478 : vector<16xf32>
      %add3A_482 = arith.constant 64 : i32
      %add3A_483 = arith.addi %add3A_482, %scan3A_188 : i32
      %get3A_484 = arith.index_cast %add3A_483 : i32 to index
      %get3A_485 = arith.constant 192 : index
      %get3A_486 = tpu.vector_load %arg7[%get3A_484, %get3A_485] {strides = array<i32>} : memref<128x512xf32, #tpu.memory_space<vmem>>, vector<1x16xf32>,
      %get3A_487 = vector.shape_cast %get3A_486 : vector<1x16xf32> to vector<16xf32>
      %mul3A_488 = arith.constant 3.000000e-01 : f32
      %mul3A_489 = vector.broadcast %mul3A_488 : f32 to vector<16xf32>
      %mul3A_490 = arith.mulf %mul3A_489, %get3A_487 : vector<16xf32>
      %add3A_491 = arith.addf %mul3A_481, %mul3A_490 : vector<16xf32>
      %add3A_492 = arith.constant 64 : i32
      %add3A_493 = arith.addi %add3A_492, %scan3A_188 : i32
      %swap3A_494 = arith.index_cast %add3A_493 : i32 to index
      %swap3A_495 = arith.constant 192 : index
      %swap3A_496 = tpu.vector_load %arg7[%swap3A_494, %swap3A_495] {strides = array<i32>} : memref<128x512xf32, #tpu.memory_space<vmem>>, vector<1x16xf32>,
      %swap3A_497 = vector.shape_cast %swap3A_496 : vector<1x16xf32> to vector<16xf32>
      %swap3A_498 = vector.shape_cast %add3A_491 : vector<16xf32> to vector<1x16xf32>
      tpu.vector_store %arg7[%swap3A_494, %swap3A_495], %swap3A_498 {strides = array<i32>} : memref<128x512xf32, #tpu.memory_space<vmem>>, vector<1x16xf32>,
      %get3A_499 = arith.index_cast %scan3A_188 : i32 to index
      %get3A_500 = arith.constant 208 : index
      %get3A_501 = tpu.vector_load %arg8[%get3A_499, %get3A_500] {strides = array<i32>} : memref<32x512xf32, #tpu.memory_space<vmem>>, vector<1x16xf32>,
      %get3A_502 = vector.shape_cast %get3A_501 : vector<1x16xf32> to vector<16xf32>
      %mul3A_503 = arith.constant 0.699999988 : f32
      %mul3A_504 = vector.broadcast %mul3A_503 : f32 to vector<16xf32>
      %mul3A_505 = arith.mulf %mul3A_504, %get3A_502 : vector<16xf32>
      %add3A_506 = arith.constant 64 : i32
      %add3A_507 = arith.addi %add3A_506, %scan3A_188 : i32
      %get3A_508 = arith.index_cast %add3A_507 : i32 to index
      %get3A_509 = arith.constant 208 : index
      %get3A_510 = tpu.vector_load %arg7[%get3A_508, %get3A_509] {strides = array<i32>} : memref<128x512xf32, #tpu.memory_space<vmem>>, vector<1x16xf32>,
      %get3A_511 = vector.shape_cast %get3A_510 : vector<1x16xf32> to vector<16xf32>
      %mul3A_512 = arith.constant 3.000000e-01 : f32
      %mul3A_513 = vector.broadcast %mul3A_512 : f32 to vector<16xf32>
      %mul3A_514 = arith.mulf %mul3A_513, %get3A_511 : vector<16xf32>
      %add3A_515 = arith.addf %mul3A_505, %mul3A_514 : vector<16xf32>
      %add3A_516 = arith.constant 64 : i32
      %add3A_517 = arith.addi %add3A_516, %scan3A_188 : i32
      %swap3A_518 = arith.index_cast %add3A_517 : i32 to index
      %swap3A_519 = arith.constant 208 : index
      %swap3A_520 = tpu.vector_load %arg7[%swap3A_518, %swap3A_519] {strides = array<i32>} : memref<128x512xf32, #tpu.memory_space<vmem>>, vector<1x16xf32>,
      %swap3A_521 = vector.shape_cast %swap3A_520 : vector<1x16xf32> to vector<16xf32>
      %swap3A_522 = vector.shape_cast %add3A_515 : vector<16xf32> to vector<1x16xf32>
      tpu.vector_store %arg7[%swap3A_518, %swap3A_519], %swap3A_522 {strides = array<i32>} : memref<128x512xf32, #tpu.memory_space<vmem>>, vector<1x16xf32>,
      %get3A_523 = arith.index_cast %scan3A_188 : i32 to index
      %get3A_524 = arith.constant 224 : index
      %get3A_525 = tpu.vector_load %arg8[%get3A_523, %get3A_524] {strides = array<i32>} : memref<32x512xf32, #tpu.memory_space<vmem>>, vector<1x16xf32>,
      %get3A_526 = vector.shape_cast %get3A_525 : vector<1x16xf32> to vector<16xf32>
      %mul3A_527 = arith.constant 0.699999988 : f32
      %mul3A_528 = vector.broadcast %mul3A_527 : f32 to vector<16xf32>
      %mul3A_529 = arith.mulf %mul3A_528, %get3A_526 : vector<16xf32>
      %add3A_530 = arith.constant 64 : i32
      %add3A_531 = arith.addi %add3A_530, %scan3A_188 : i32
      %get3A_532 = arith.index_cast %add3A_531 : i32 to index
      %get3A_533 = arith.constant 224 : index
      %get3A_534 = tpu.vector_load %arg7[%get3A_532, %get3A_533] {strides = array<i32>} : memref<128x512xf32, #tpu.memory_space<vmem>>, vector<1x16xf32>,
      %get3A_535 = vector.shape_cast %get3A_534 : vector<1x16xf32> to vector<16xf32>
      %mul3A_536 = arith.constant 3.000000e-01 : f32
      %mul3A_537 = vector.broadcast %mul3A_536 : f32 to vector<16xf32>
      %mul3A_538 = arith.mulf %mul3A_537, %get3A_535 : vector<16xf32>
      %add3A_539 = arith.addf %mul3A_529, %mul3A_538 : vector<16xf32>
      %add3A_540 = arith.constant 64 : i32
      %add3A_541 = arith.addi %add3A_540, %scan3A_188 : i32
      %swap3A_542 = arith.index_cast %add3A_541 : i32 to index
      %swap3A_543 = arith.constant 224 : index
      %swap3A_544 = tpu.vector_load %arg7[%swap3A_542, %swap3A_543] {strides = array<i32>} : memref<128x512xf32, #tpu.memory_space<vmem>>, vector<1x16xf32>,
      %swap3A_545 = vector.shape_cast %swap3A_544 : vector<1x16xf32> to vector<16xf32>
      %swap3A_546 = vector.shape_cast %add3A_539 : vector<16xf32> to vector<1x16xf32>
      tpu.vector_store %arg7[%swap3A_542, %swap3A_543], %swap3A_546 {strides = array<i32>} : memref<128x512xf32, #tpu.memory_space<vmem>>, vector<1x16xf32>,
      %get3A_547 = arith.index_cast %scan3A_188 : i32 to index
      %get3A_548 = arith.constant 240 : index
      %get3A_549 = tpu.vector_load %arg8[%get3A_547, %get3A_548] {strides = array<i32>} : memref<32x512xf32, #tpu.memory_space<vmem>>, vector<1x16xf32>,
      %get3A_550 = vector.shape_cast %get3A_549 : vector<1x16xf32> to vector<16xf32>
      %mul3A_551 = arith.constant 0.699999988 : f32
      %mul3A_552 = vector.broadcast %mul3A_551 : f32 to vector<16xf32>
      %mul3A_553 = arith.mulf %mul3A_552, %get3A_550 : vector<16xf32>
      %add3A_554 = arith.constant 64 : i32
      %add3A_555 = arith.addi %add3A_554, %scan3A_188 : i32
      %get3A_556 = arith.index_cast %add3A_555 : i32 to index
      %get3A_557 = arith.constant 240 : index
      %get3A_558 = tpu.vector_load %arg7[%get3A_556, %get3A_557] {strides = array<i32>} : memref<128x512xf32, #tpu.memory_space<vmem>>, vector<1x16xf32>,
      %get3A_559 = vector.shape_cast %get3A_558 : vector<1x16xf32> to vector<16xf32>
      %mul3A_560 = arith.constant 3.000000e-01 : f32
      %mul3A_561 = vector.broadcast %mul3A_560 : f32 to vector<16xf32>
      %mul3A_562 = arith.mulf %mul3A_561, %get3A_559 : vector<16xf32>
      %add3A_563 = arith.addf %mul3A_553, %mul3A_562 : vector<16xf32>
      %add3A_564 = arith.constant 64 : i32
      %add3A_565 = arith.addi %add3A_564, %scan3A_188 : i32
      %swap3A_566 = arith.index_cast %add3A_565 : i32 to index
      %swap3A_567 = arith.constant 240 : index
      %swap3A_568 = tpu.vector_load %arg7[%swap3A_566, %swap3A_567] {strides = array<i32>} : memref<128x512xf32, #tpu.memory_space<vmem>>, vector<1x16xf32>,
      %swap3A_569 = vector.shape_cast %swap3A_568 : vector<1x16xf32> to vector<16xf32>
      %swap3A_570 = vector.shape_cast %add3A_563 : vector<16xf32> to vector<1x16xf32>
      tpu.vector_store %arg7[%swap3A_566, %swap3A_567], %swap3A_570 {strides = array<i32>} : memref<128x512xf32, #tpu.memory_space<vmem>>, vector<1x16xf32>,
      %get3A_571 = arith.index_cast %scan3A_188 : i32 to index
      %get3A_572 = arith.constant 256 : index
      %get3A_573 = tpu.vector_load %arg8[%get3A_571, %get3A_572] {strides = array<i32>} : memref<32x512xf32, #tpu.memory_space<vmem>>, vector<1x16xf32>,
      %get3A_574 = vector.shape_cast %get3A_573 : vector<1x16xf32> to vector<16xf32>
      %mul3A_575 = arith.constant 0.699999988 : f32
      %mul3A_576 = vector.broadcast %mul3A_575 : f32 to vector<16xf32>
      %mul3A_577 = arith.mulf %mul3A_576, %get3A_574 : vector<16xf32>
      %add3A_578 = arith.constant 64 : i32
      %add3A_579 = arith.addi %add3A_578, %scan3A_188 : i32
      %get3A_580 = arith.index_cast %add3A_579 : i32 to index
      %get3A_581 = arith.constant 256 : index
      %get3A_582 = tpu.vector_load %arg7[%get3A_580, %get3A_581] {strides = array<i32>} : memref<128x512xf32, #tpu.memory_space<vmem>>, vector<1x16xf32>,
      %get3A_583 = vector.shape_cast %get3A_582 : vector<1x16xf32> to vector<16xf32>
      %mul3A_584 = arith.constant 3.000000e-01 : f32
      %mul3A_585 = vector.broadcast %mul3A_584 : f32 to vector<16xf32>
      %mul3A_586 = arith.mulf %mul3A_585, %get3A_583 : vector<16xf32>
      %add3A_587 = arith.addf %mul3A_577, %mul3A_586 : vector<16xf32>
      %add3A_588 = arith.constant 64 : i32
      %add3A_589 = arith.addi %add3A_588, %scan3A_188 : i32
      %swap3A_590 = arith.index_cast %add3A_589 : i32 to index
      %swap3A_591 = arith.constant 256 : index
      %swap3A_592 = tpu.vector_load %arg7[%swap3A_590, %swap3A_591] {strides = array<i32>} : memref<128x512xf32, #tpu.memory_space<vmem>>, vector<1x16xf32>,
      %swap3A_593 = vector.shape_cast %swap3A_592 : vector<1x16xf32> to vector<16xf32>
      %swap3A_594 = vector.shape_cast %add3A_587 : vector<16xf32> to vector<1x16xf32>
      tpu.vector_store %arg7[%swap3A_590, %swap3A_591], %swap3A_594 {strides = array<i32>} : memref<128x512xf32, #tpu.memory_space<vmem>>, vector<1x16xf32>,
      %get3A_595 = arith.index_cast %scan3A_188 : i32 to index
      %get3A_596 = arith.constant 272 : index
      %get3A_597 = tpu.vector_load %arg8[%get3A_595, %get3A_596] {strides = array<i32>} : memref<32x512xf32, #tpu.memory_space<vmem>>, vector<1x16xf32>,
      %get3A_598 = vector.shape_cast %get3A_597 : vector<1x16xf32> to vector<16xf32>
      %mul3A_599 = arith.constant 0.699999988 : f32
      %mul3A_600 = vector.broadcast %mul3A_599 : f32 to vector<16xf32>
      %mul3A_601 = arith.mulf %mul3A_600, %get3A_598 : vector<16xf32>
      %add3A_602 = arith.constant 64 : i32
      %add3A_603 = arith.addi %add3A_602, %scan3A_188 : i32
      %get3A_604 = arith.index_cast %add3A_603 : i32 to index
      %get3A_605 = arith.constant 272 : index
      %get3A_606 = tpu.vector_load %arg7[%get3A_604, %get3A_605] {strides = array<i32>} : memref<128x512xf32, #tpu.memory_space<vmem>>, vector<1x16xf32>,
      %get3A_607 = vector.shape_cast %get3A_606 : vector<1x16xf32> to vector<16xf32>
      %mul3A_608 = arith.constant 3.000000e-01 : f32
      %mul3A_609 = vector.broadcast %mul3A_608 : f32 to vector<16xf32>
      %mul3A_610 = arith.mulf %mul3A_609, %get3A_607 : vector<16xf32>
      %add3A_611 = arith.addf %mul3A_601, %mul3A_610 : vector<16xf32>
      %add3A_612 = arith.constant 64 : i32
      %add3A_613 = arith.addi %add3A_612, %scan3A_188 : i32
      %swap3A_614 = arith.index_cast %add3A_613 : i32 to index
      %swap3A_615 = arith.constant 272 : index
      %swap3A_616 = tpu.vector_load %arg7[%swap3A_614, %swap3A_615] {strides = array<i32>} : memref<128x512xf32, #tpu.memory_space<vmem>>, vector<1x16xf32>,
      %swap3A_617 = vector.shape_cast %swap3A_616 : vector<1x16xf32> to vector<16xf32>
      %swap3A_618 = vector.shape_cast %add3A_611 : vector<16xf32> to vector<1x16xf32>
      tpu.vector_store %arg7[%swap3A_614, %swap3A_615], %swap3A_618 {strides = array<i32>} : memref<128x512xf32, #tpu.memory_space<vmem>>, vector<1x16xf32>,
      %get3A_619 = arith.index_cast %scan3A_188 : i32 to index
      %get3A_620 = arith.constant 288 : index
      %get3A_621 = tpu.vector_load %arg8[%get3A_619, %get3A_620] {strides = array<i32>} : memref<32x512xf32, #tpu.memory_space<vmem>>, vector<1x16xf32>,
      %get3A_622 = vector.shape_cast %get3A_621 : vector<1x16xf32> to vector<16xf32>
      %mul3A_623 = arith.constant 0.699999988 : f32
      %mul3A_624 = vector.broadcast %mul3A_623 : f32 to vector<16xf32>
      %mul3A_625 = arith.mulf %mul3A_624, %get3A_622 : vector<16xf32>
      %add3A_626 = arith.constant 64 : i32
      %add3A_627 = arith.addi %add3A_626, %scan3A_188 : i32
      %get3A_628 = arith.index_cast %add3A_627 : i32 to index
      %get3A_629 = arith.constant 288 : index
      %get3A_630 = tpu.vector_load %arg7[%get3A_628, %get3A_629] {strides = array<i32>} : memref<128x512xf32, #tpu.memory_space<vmem>>, vector<1x16xf32>,
      %get3A_631 = vector.shape_cast %get3A_630 : vector<1x16xf32> to vector<16xf32>
      %mul3A_632 = arith.constant 3.000000e-01 : f32
      %mul3A_633 = vector.broadcast %mul3A_632 : f32 to vector<16xf32>
      %mul3A_634 = arith.mulf %mul3A_633, %get3A_631 : vector<16xf32>
      %add3A_635 = arith.addf %mul3A_625, %mul3A_634 : vector<16xf32>
      %add3A_636 = arith.constant 64 : i32
      %add3A_637 = arith.addi %add3A_636, %scan3A_188 : i32
      %swap3A_638 = arith.index_cast %add3A_637 : i32 to index
      %swap3A_639 = arith.constant 288 : index
      %swap3A_640 = tpu.vector_load %arg7[%swap3A_638, %swap3A_639] {strides = array<i32>} : memref<128x512xf32, #tpu.memory_space<vmem>>, vector<1x16xf32>,
      %swap3A_641 = vector.shape_cast %swap3A_640 : vector<1x16xf32> to vector<16xf32>
      %swap3A_642 = vector.shape_cast %add3A_635 : vector<16xf32> to vector<1x16xf32>
      tpu.vector_store %arg7[%swap3A_638, %swap3A_639], %swap3A_642 {strides = array<i32>} : memref<128x512xf32, #tpu.memory_space<vmem>>, vector<1x16xf32>,
      %get3A_643 = arith.index_cast %scan3A_188 : i32 to index
      %get3A_644 = arith.constant 304 : index
      %get3A_645 = tpu.vector_load %arg8[%get3A_643, %get3A_644] {strides = array<i32>} : memref<32x512xf32, #tpu.memory_space<vmem>>, vector<1x16xf32>,
      %get3A_646 = vector.shape_cast %get3A_645 : vector<1x16xf32> to vector<16xf32>
      %mul3A_647 = arith.constant 0.699999988 : f32
      %mul3A_648 = vector.broadcast %mul3A_647 : f32 to vector<16xf32>
      %mul3A_649 = arith.mulf %mul3A_648, %get3A_646 : vector<16xf32>
      %add3A_650 = arith.constant 64 : i32
      %add3A_651 = arith.addi %add3A_650, %scan3A_188 : i32
      %get3A_652 = arith.index_cast %add3A_651 : i32 to index
      %get3A_653 = arith.constant 304 : index
      %get3A_654 = tpu.vector_load %arg7[%get3A_652, %get3A_653] {strides = array<i32>} : memref<128x512xf32, #tpu.memory_space<vmem>>, vector<1x16xf32>,
      %get3A_655 = vector.shape_cast %get3A_654 : vector<1x16xf32> to vector<16xf32>
      %mul3A_656 = arith.constant 3.000000e-01 : f32
      %mul3A_657 = vector.broadcast %mul3A_656 : f32 to vector<16xf32>
      %mul3A_658 = arith.mulf %mul3A_657, %get3A_655 : vector<16xf32>
      %add3A_659 = arith.addf %mul3A_649, %mul3A_658 : vector<16xf32>
      %add3A_660 = arith.constant 64 : i32
      %add3A_661 = arith.addi %add3A_660, %scan3A_188 : i32
      %swap3A_662 = arith.index_cast %add3A_661 : i32 to index
      %swap3A_663 = arith.constant 304 : index
      %swap3A_664 = tpu.vector_load %arg7[%swap3A_662, %swap3A_663] {strides = array<i32>} : memref<128x512xf32, #tpu.memory_space<vmem>>, vector<1x16xf32>,
      %swap3A_665 = vector.shape_cast %swap3A_664 : vector<1x16xf32> to vector<16xf32>
      %swap3A_666 = vector.shape_cast %add3A_659 : vector<16xf32> to vector<1x16xf32>
      tpu.vector_store %arg7[%swap3A_662, %swap3A_663], %swap3A_666 {strides = array<i32>} : memref<128x512xf32, #tpu.memory_space<vmem>>, vector<1x16xf32>,
      %get3A_667 = arith.index_cast %scan3A_188 : i32 to index
      %get3A_668 = arith.constant 320 : index
      %get3A_669 = tpu.vector_load %arg8[%get3A_667, %get3A_668] {strides = array<i32>} : memref<32x512xf32, #tpu.memory_space<vmem>>, vector<1x16xf32>,
      %get3A_670 = vector.shape_cast %get3A_669 : vector<1x16xf32> to vector<16xf32>
      %mul3A_671 = arith.constant 0.699999988 : f32
      %mul3A_672 = vector.broadcast %mul3A_671 : f32 to vector<16xf32>
      %mul3A_673 = arith.mulf %mul3A_672, %get3A_670 : vector<16xf32>
      %add3A_674 = arith.constant 64 : i32
      %add3A_675 = arith.addi %add3A_674, %scan3A_188 : i32
      %get3A_676 = arith.index_cast %add3A_675 : i32 to index
      %get3A_677 = arith.constant 320 : index
      %get3A_678 = tpu.vector_load %arg7[%get3A_676, %get3A_677] {strides = array<i32>} : memref<128x512xf32, #tpu.memory_space<vmem>>, vector<1x16xf32>,
      %get3A_679 = vector.shape_cast %get3A_678 : vector<1x16xf32> to vector<16xf32>
      %mul3A_680 = arith.constant 3.000000e-01 : f32
      %mul3A_681 = vector.broadcast %mul3A_680 : f32 to vector<16xf32>
      %mul3A_682 = arith.mulf %mul3A_681, %get3A_679 : vector<16xf32>
      %add3A_683 = arith.addf %mul3A_673, %mul3A_682 : vector<16xf32>
      %add3A_684 = arith.constant 64 : i32
      %add3A_685 = arith.addi %add3A_684, %scan3A_188 : i32
      %swap3A_686 = arith.index_cast %add3A_685 : i32 to index
      %swap3A_687 = arith.constant 320 : index
      %swap3A_688 = tpu.vector_load %arg7[%swap3A_686, %swap3A_687] {strides = array<i32>} : memref<128x512xf32, #tpu.memory_space<vmem>>, vector<1x16xf32>,
      %swap3A_689 = vector.shape_cast %swap3A_688 : vector<1x16xf32> to vector<16xf32>
      %swap3A_690 = vector.shape_cast %add3A_683 : vector<16xf32> to vector<1x16xf32>
      tpu.vector_store %arg7[%swap3A_686, %swap3A_687], %swap3A_690 {strides = array<i32>} : memref<128x512xf32, #tpu.memory_space<vmem>>, vector<1x16xf32>,
      %get3A_691 = arith.index_cast %scan3A_188 : i32 to index
      %get3A_692 = arith.constant 336 : index
      %get3A_693 = tpu.vector_load %arg8[%get3A_691, %get3A_692] {strides = array<i32>} : memref<32x512xf32, #tpu.memory_space<vmem>>, vector<1x16xf32>,
      %get3A_694 = vector.shape_cast %get3A_693 : vector<1x16xf32> to vector<16xf32>
      %mul3A_695 = arith.constant 0.699999988 : f32
      %mul3A_696 = vector.broadcast %mul3A_695 : f32 to vector<16xf32>
      %mul3A_697 = arith.mulf %mul3A_696, %get3A_694 : vector<16xf32>
      %add3A_698 = arith.constant 64 : i32
      %add3A_699 = arith.addi %add3A_698, %scan3A_188 : i32
      %get3A_700 = arith.index_cast %add3A_699 : i32 to index
      %get3A_701 = arith.constant 336 : index
      %get3A_702 = tpu.vector_load %arg7[%get3A_700, %get3A_701] {strides = array<i32>} : memref<128x512xf32, #tpu.memory_space<vmem>>, vector<1x16xf32>,
      %get3A_703 = vector.shape_cast %get3A_702 : vector<1x16xf32> to vector<16xf32>
      %mul3A_704 = arith.constant 3.000000e-01 : f32
      %mul3A_705 = vector.broadcast %mul3A_704 : f32 to vector<16xf32>
      %mul3A_706 = arith.mulf %mul3A_705, %get3A_703 : vector<16xf32>
      %add3A_707 = arith.addf %mul3A_697, %mul3A_706 : vector<16xf32>
      %add3A_708 = arith.constant 64 : i32
      %add3A_709 = arith.addi %add3A_708, %scan3A_188 : i32
      %swap3A_710 = arith.index_cast %add3A_709 : i32 to index
      %swap3A_711 = arith.constant 336 : index
      %swap3A_712 = tpu.vector_load %arg7[%swap3A_710, %swap3A_711] {strides = array<i32>} : memref<128x512xf32, #tpu.memory_space<vmem>>, vector<1x16xf32>,
      %swap3A_713 = vector.shape_cast %swap3A_712 : vector<1x16xf32> to vector<16xf32>
      %swap3A_714 = vector.shape_cast %add3A_707 : vector<16xf32> to vector<1x16xf32>
      tpu.vector_store %arg7[%swap3A_710, %swap3A_711], %swap3A_714 {strides = array<i32>} : memref<128x512xf32, #tpu.memory_space<vmem>>, vector<1x16xf32>,
      %get3A_715 = arith.index_cast %scan3A_188 : i32 to index
      %get3A_716 = arith.constant 352 : index
      %get3A_717 = tpu.vector_load %arg8[%get3A_715, %get3A_716] {strides = array<i32>} : memref<32x512xf32, #tpu.memory_space<vmem>>, vector<1x16xf32>,
      %get3A_718 = vector.shape_cast %get3A_717 : vector<1x16xf32> to vector<16xf32>
      %mul3A_719 = arith.constant 0.699999988 : f32
      %mul3A_720 = vector.broadcast %mul3A_719 : f32 to vector<16xf32>
      %mul3A_721 = arith.mulf %mul3A_720, %get3A_718 : vector<16xf32>
      %add3A_722 = arith.constant 64 : i32
      %add3A_723 = arith.addi %add3A_722, %scan3A_188 : i32
      %get3A_724 = arith.index_cast %add3A_723 : i32 to index
      %get3A_725 = arith.constant 352 : index
      %get3A_726 = tpu.vector_load %arg7[%get3A_724, %get3A_725] {strides = array<i32>} : memref<128x512xf32, #tpu.memory_space<vmem>>, vector<1x16xf32>,
      %get3A_727 = vector.shape_cast %get3A_726 : vector<1x16xf32> to vector<16xf32>
      %mul3A_728 = arith.constant 3.000000e-01 : f32
      %mul3A_729 = vector.broadcast %mul3A_728 : f32 to vector<16xf32>
      %mul3A_730 = arith.mulf %mul3A_729, %get3A_727 : vector<16xf32>
      %add3A_731 = arith.addf %mul3A_721, %mul3A_730 : vector<16xf32>
      %add3A_732 = arith.constant 64 : i32
      %add3A_733 = arith.addi %add3A_732, %scan3A_188 : i32
      %swap3A_734 = arith.index_cast %add3A_733 : i32 to index
      %swap3A_735 = arith.constant 352 : index
      %swap3A_736 = tpu.vector_load %arg7[%swap3A_734, %swap3A_735] {strides = array<i32>} : memref<128x512xf32, #tpu.memory_space<vmem>>, vector<1x16xf32>,
      %swap3A_737 = vector.shape_cast %swap3A_736 : vector<1x16xf32> to vector<16xf32>
      %swap3A_738 = vector.shape_cast %add3A_731 : vector<16xf32> to vector<1x16xf32>
      tpu.vector_store %arg7[%swap3A_734, %swap3A_735], %swap3A_738 {strides = array<i32>} : memref<128x512xf32, #tpu.memory_space<vmem>>, vector<1x16xf32>,
      %get3A_739 = arith.index_cast %scan3A_188 : i32 to index
      %get3A_740 = arith.constant 368 : index
      %get3A_741 = tpu.vector_load %arg8[%get3A_739, %get3A_740] {strides = array<i32>} : memref<32x512xf32, #tpu.memory_space<vmem>>, vector<1x16xf32>,
      %get3A_742 = vector.shape_cast %get3A_741 : vector<1x16xf32> to vector<16xf32>
      %mul3A_743 = arith.constant 0.699999988 : f32
      %mul3A_744 = vector.broadcast %mul3A_743 : f32 to vector<16xf32>
      %mul3A_745 = arith.mulf %mul3A_744, %get3A_742 : vector<16xf32>
      %add3A_746 = arith.constant 64 : i32
      %add3A_747 = arith.addi %add3A_746, %scan3A_188 : i32
      %get3A_748 = arith.index_cast %add3A_747 : i32 to index
      %get3A_749 = arith.constant 368 : index
      %get3A_750 = tpu.vector_load %arg7[%get3A_748, %get3A_749] {strides = array<i32>} : memref<128x512xf32, #tpu.memory_space<vmem>>, vector<1x16xf32>,
      %get3A_751 = vector.shape_cast %get3A_750 : vector<1x16xf32> to vector<16xf32>
      %mul3A_752 = arith.constant 3.000000e-01 : f32
      %mul3A_753 = vector.broadcast %mul3A_752 : f32 to vector<16xf32>
      %mul3A_754 = arith.mulf %mul3A_753, %get3A_751 : vector<16xf32>
      %add3A_755 = arith.addf %mul3A_745, %mul3A_754 : vector<16xf32>
      %add3A_756 = arith.constant 64 : i32
      %add3A_757 = arith.addi %add3A_756, %scan3A_188 : i32
      %swap3A_758 = arith.index_cast %add3A_757 : i32 to index
      %swap3A_759 = arith.constant 368 : index
      %swap3A_760 = tpu.vector_load %arg7[%swap3A_758, %swap3A_759] {strides = array<i32>} : memref<128x512xf32, #tpu.memory_space<vmem>>, vector<1x16xf32>,
      %swap3A_761 = vector.shape_cast %swap3A_760 : vector<1x16xf32> to vector<16xf32>
      %swap3A_762 = vector.shape_cast %add3A_755 : vector<16xf32> to vector<1x16xf32>
      tpu.vector_store %arg7[%swap3A_758, %swap3A_759], %swap3A_762 {strides = array<i32>} : memref<128x512xf32, #tpu.memory_space<vmem>>, vector<1x16xf32>,
      %get3A_763 = arith.index_cast %scan3A_188 : i32 to index
      %get3A_764 = arith.constant 384 : index
      %get3A_765 = tpu.vector_load %arg8[%get3A_763, %get3A_764] {strides = array<i32>} : memref<32x512xf32, #tpu.memory_space<vmem>>, vector<1x16xf32>,
      %get3A_766 = vector.shape_cast %get3A_765 : vector<1x16xf32> to vector<16xf32>
      %mul3A_767 = arith.constant 0.699999988 : f32
      %mul3A_768 = vector.broadcast %mul3A_767 : f32 to vector<16xf32>
      %mul3A_769 = arith.mulf %mul3A_768, %get3A_766 : vector<16xf32>
      %add3A_770 = arith.constant 64 : i32
      %add3A_771 = arith.addi %add3A_770, %scan3A_188 : i32
      %get3A_772 = arith.index_cast %add3A_771 : i32 to index
      %get3A_773 = arith.constant 384 : index
      %get3A_774 = tpu.vector_load %arg7[%get3A_772, %get3A_773] {strides = array<i32>} : memref<128x512xf32, #tpu.memory_space<vmem>>, vector<1x16xf32>,
      %get3A_775 = vector.shape_cast %get3A_774 : vector<1x16xf32> to vector<16xf32>
      %mul3A_776 = arith.constant 3.000000e-01 : f32
      %mul3A_777 = vector.broadcast %mul3A_776 : f32 to vector<16xf32>
      %mul3A_778 = arith.mulf %mul3A_777, %get3A_775 : vector<16xf32>
      %add3A_779 = arith.addf %mul3A_769, %mul3A_778 : vector<16xf32>
      %add3A_780 = arith.constant 64 : i32
      %add3A_781 = arith.addi %add3A_780, %scan3A_188 : i32
      %swap3A_782 = arith.index_cast %add3A_781 : i32 to index
      %swap3A_783 = arith.constant 384 : index
      %swap3A_784 = tpu.vector_load %arg7[%swap3A_782, %swap3A_783] {strides = array<i32>} : memref<128x512xf32, #tpu.memory_space<vmem>>, vector<1x16xf32>,
      %swap3A_785 = vector.shape_cast %swap3A_784 : vector<1x16xf32> to vector<16xf32>
      %swap3A_786 = vector.shape_cast %add3A_779 : vector<16xf32> to vector<1x16xf32>
      tpu.vector_store %arg7[%swap3A_782, %swap3A_783], %swap3A_786 {strides = array<i32>} : memref<128x512xf32, #tpu.memory_space<vmem>>, vector<1x16xf32>,
      %get3A_787 = arith.index_cast %scan3A_188 : i32 to index
      %get3A_788 = arith.constant 400 : index
      %get3A_789 = tpu.vector_load %arg8[%get3A_787, %get3A_788] {strides = array<i32>} : memref<32x512xf32, #tpu.memory_space<vmem>>, vector<1x16xf32>,
      %get3A_790 = vector.shape_cast %get3A_789 : vector<1x16xf32> to vector<16xf32>
      %mul3A_791 = arith.constant 0.699999988 : f32
      %mul3A_792 = vector.broadcast %mul3A_791 : f32 to vector<16xf32>
      %mul3A_793 = arith.mulf %mul3A_792, %get3A_790 : vector<16xf32>
      %add3A_794 = arith.constant 64 : i32
      %add3A_795 = arith.addi %add3A_794, %scan3A_188 : i32
      %get3A_796 = arith.index_cast %add3A_795 : i32 to index
      %get3A_797 = arith.constant 400 : index
      %get3A_798 = tpu.vector_load %arg7[%get3A_796, %get3A_797] {strides = array<i32>} : memref<128x512xf32, #tpu.memory_space<vmem>>, vector<1x16xf32>,
      %get3A_799 = vector.shape_cast %get3A_798 : vector<1x16xf32> to vector<16xf32>
      %mul3A_800 = arith.constant 3.000000e-01 : f32
      %mul3A_801 = vector.broadcast %mul3A_800 : f32 to vector<16xf32>
      %mul3A_802 = arith.mulf %mul3A_801, %get3A_799 : vector<16xf32>
      %add3A_803 = arith.addf %mul3A_793, %mul3A_802 : vector<16xf32>
      %add3A_804 = arith.constant 64 : i32
      %add3A_805 = arith.addi %add3A_804, %scan3A_188 : i32
      %swap3A_806 = arith.index_cast %add3A_805 : i32 to index
      %swap3A_807 = arith.constant 400 : index
      %swap3A_808 = tpu.vector_load %arg7[%swap3A_806, %swap3A_807] {strides = array<i32>} : memref<128x512xf32, #tpu.memory_space<vmem>>, vector<1x16xf32>,
      %swap3A_809 = vector.shape_cast %swap3A_808 : vector<1x16xf32> to vector<16xf32>
      %swap3A_810 = vector.shape_cast %add3A_803 : vector<16xf32> to vector<1x16xf32>
      tpu.vector_store %arg7[%swap3A_806, %swap3A_807], %swap3A_810 {strides = array<i32>} : memref<128x512xf32, #tpu.memory_space<vmem>>, vector<1x16xf32>,
      %get3A_811 = arith.index_cast %scan3A_188 : i32 to index
      %get3A_812 = arith.constant 416 : index
      %get3A_813 = tpu.vector_load %arg8[%get3A_811, %get3A_812] {strides = array<i32>} : memref<32x512xf32, #tpu.memory_space<vmem>>, vector<1x16xf32>,
      %get3A_814 = vector.shape_cast %get3A_813 : vector<1x16xf32> to vector<16xf32>
      %mul3A_815 = arith.constant 0.699999988 : f32
      %mul3A_816 = vector.broadcast %mul3A_815 : f32 to vector<16xf32>
      %mul3A_817 = arith.mulf %mul3A_816, %get3A_814 : vector<16xf32>
      %add3A_818 = arith.constant 64 : i32
      %add3A_819 = arith.addi %add3A_818, %scan3A_188 : i32
      %get3A_820 = arith.index_cast %add3A_819 : i32 to index
      %get3A_821 = arith.constant 416 : index
      %get3A_822 = tpu.vector_load %arg7[%get3A_820, %get3A_821] {strides = array<i32>} : memref<128x512xf32, #tpu.memory_space<vmem>>, vector<1x16xf32>,
      %get3A_823 = vector.shape_cast %get3A_822 : vector<1x16xf32> to vector<16xf32>
      %mul3A_824 = arith.constant 3.000000e-01 : f32
      %mul3A_825 = vector.broadcast %mul3A_824 : f32 to vector<16xf32>
      %mul3A_826 = arith.mulf %mul3A_825, %get3A_823 : vector<16xf32>
      %add3A_827 = arith.addf %mul3A_817, %mul3A_826 : vector<16xf32>
      %add3A_828 = arith.constant 64 : i32
      %add3A_829 = arith.addi %add3A_828, %scan3A_188 : i32
      %swap3A_830 = arith.index_cast %add3A_829 : i32 to index
      %swap3A_831 = arith.constant 416 : index
      %swap3A_832 = tpu.vector_load %arg7[%swap3A_830, %swap3A_831] {strides = array<i32>} : memref<128x512xf32, #tpu.memory_space<vmem>>, vector<1x16xf32>,
      %swap3A_833 = vector.shape_cast %swap3A_832 : vector<1x16xf32> to vector<16xf32>
      %swap3A_834 = vector.shape_cast %add3A_827 : vector<16xf32> to vector<1x16xf32>
      tpu.vector_store %arg7[%swap3A_830, %swap3A_831], %swap3A_834 {strides = array<i32>} : memref<128x512xf32, #tpu.memory_space<vmem>>, vector<1x16xf32>,
      %get3A_835 = arith.index_cast %scan3A_188 : i32 to index
      %get3A_836 = arith.constant 432 : index
      %get3A_837 = tpu.vector_load %arg8[%get3A_835, %get3A_836] {strides = array<i32>} : memref<32x512xf32, #tpu.memory_space<vmem>>, vector<1x16xf32>,
      %get3A_838 = vector.shape_cast %get3A_837 : vector<1x16xf32> to vector<16xf32>
      %mul3A_839 = arith.constant 0.699999988 : f32
      %mul3A_840 = vector.broadcast %mul3A_839 : f32 to vector<16xf32>
      %mul3A_841 = arith.mulf %mul3A_840, %get3A_838 : vector<16xf32>
      %add3A_842 = arith.constant 64 : i32
      %add3A_843 = arith.addi %add3A_842, %scan3A_188 : i32
      %get3A_844 = arith.index_cast %add3A_843 : i32 to index
      %get3A_845 = arith.constant 432 : index
      %get3A_846 = tpu.vector_load %arg7[%get3A_844, %get3A_845] {strides = array<i32>} : memref<128x512xf32, #tpu.memory_space<vmem>>, vector<1x16xf32>,
      %get3A_847 = vector.shape_cast %get3A_846 : vector<1x16xf32> to vector<16xf32>
      %mul3A_848 = arith.constant 3.000000e-01 : f32
      %mul3A_849 = vector.broadcast %mul3A_848 : f32 to vector<16xf32>
      %mul3A_850 = arith.mulf %mul3A_849, %get3A_847 : vector<16xf32>
      %add3A_851 = arith.addf %mul3A_841, %mul3A_850 : vector<16xf32>
      %add3A_852 = arith.constant 64 : i32
      %add3A_853 = arith.addi %add3A_852, %scan3A_188 : i32
      %swap3A_854 = arith.index_cast %add3A_853 : i32 to index
      %swap3A_855 = arith.constant 432 : index
      %swap3A_856 = tpu.vector_load %arg7[%swap3A_854, %swap3A_855] {strides = array<i32>} : memref<128x512xf32, #tpu.memory_space<vmem>>, vector<1x16xf32>,
      %swap3A_857 = vector.shape_cast %swap3A_856 : vector<1x16xf32> to vector<16xf32>
      %swap3A_858 = vector.shape_cast %add3A_851 : vector<16xf32> to vector<1x16xf32>
      tpu.vector_store %arg7[%swap3A_854, %swap3A_855], %swap3A_858 {strides = array<i32>} : memref<128x512xf32, #tpu.memory_space<vmem>>, vector<1x16xf32>,
      %get3A_859 = arith.index_cast %scan3A_188 : i32 to index
      %get3A_860 = arith.constant 448 : index
      %get3A_861 = tpu.vector_load %arg8[%get3A_859, %get3A_860] {strides = array<i32>} : memref<32x512xf32, #tpu.memory_space<vmem>>, vector<1x16xf32>,
      %get3A_862 = vector.shape_cast %get3A_861 : vector<1x16xf32> to vector<16xf32>
      %mul3A_863 = arith.constant 0.699999988 : f32
      %mul3A_864 = vector.broadcast %mul3A_863 : f32 to vector<16xf32>
      %mul3A_865 = arith.mulf %mul3A_864, %get3A_862 : vector<16xf32>
      %add3A_866 = arith.constant 64 : i32
      %add3A_867 = arith.addi %add3A_866, %scan3A_188 : i32
      %get3A_868 = arith.index_cast %add3A_867 : i32 to index
      %get3A_869 = arith.constant 448 : index
      %get3A_870 = tpu.vector_load %arg7[%get3A_868, %get3A_869] {strides = array<i32>} : memref<128x512xf32, #tpu.memory_space<vmem>>, vector<1x16xf32>,
      %get3A_871 = vector.shape_cast %get3A_870 : vector<1x16xf32> to vector<16xf32>
      %mul3A_872 = arith.constant 3.000000e-01 : f32
      %mul3A_873 = vector.broadcast %mul3A_872 : f32 to vector<16xf32>
      %mul3A_874 = arith.mulf %mul3A_873, %get3A_871 : vector<16xf32>
      %add3A_875 = arith.addf %mul3A_865, %mul3A_874 : vector<16xf32>
      %add3A_876 = arith.constant 64 : i32
      %add3A_877 = arith.addi %add3A_876, %scan3A_188 : i32
      %swap3A_878 = arith.index_cast %add3A_877 : i32 to index
      %swap3A_879 = arith.constant 448 : index
      %swap3A_880 = tpu.vector_load %arg7[%swap3A_878, %swap3A_879] {strides = array<i32>} : memref<128x512xf32, #tpu.memory_space<vmem>>, vector<1x16xf32>,
      %swap3A_881 = vector.shape_cast %swap3A_880 : vector<1x16xf32> to vector<16xf32>
      %swap3A_882 = vector.shape_cast %add3A_875 : vector<16xf32> to vector<1x16xf32>
      tpu.vector_store %arg7[%swap3A_878, %swap3A_879], %swap3A_882 {strides = array<i32>} : memref<128x512xf32, #tpu.memory_space<vmem>>, vector<1x16xf32>,
      %get3A_883 = arith.index_cast %scan3A_188 : i32 to index
      %get3A_884 = arith.constant 464 : index
      %get3A_885 = tpu.vector_load %arg8[%get3A_883, %get3A_884] {strides = array<i32>} : memref<32x512xf32, #tpu.memory_space<vmem>>, vector<1x16xf32>,
      %get3A_886 = vector.shape_cast %get3A_885 : vector<1x16xf32> to vector<16xf32>
      %mul3A_887 = arith.constant 0.699999988 : f32
      %mul3A_888 = vector.broadcast %mul3A_887 : f32 to vector<16xf32>
      %mul3A_889 = arith.mulf %mul3A_888, %get3A_886 : vector<16xf32>
      %add3A_890 = arith.constant 64 : i32
      %add3A_891 = arith.addi %add3A_890, %scan3A_188 : i32
      %get3A_892 = arith.index_cast %add3A_891 : i32 to index
      %get3A_893 = arith.constant 464 : index
      %get3A_894 = tpu.vector_load %arg7[%get3A_892, %get3A_893] {strides = array<i32>} : memref<128x512xf32, #tpu.memory_space<vmem>>, vector<1x16xf32>,
      %get3A_895 = vector.shape_cast %get3A_894 : vector<1x16xf32> to vector<16xf32>
      %mul3A_896 = arith.constant 3.000000e-01 : f32
      %mul3A_897 = vector.broadcast %mul3A_896 : f32 to vector<16xf32>
      %mul3A_898 = arith.mulf %mul3A_897, %get3A_895 : vector<16xf32>
      %add3A_899 = arith.addf %mul3A_889, %mul3A_898 : vector<16xf32>
      %add3A_900 = arith.constant 64 : i32
      %add3A_901 = arith.addi %add3A_900, %scan3A_188 : i32
      %swap3A_902 = arith.index_cast %add3A_901 : i32 to index
      %swap3A_903 = arith.constant 464 : index
      %swap3A_904 = tpu.vector_load %arg7[%swap3A_902, %swap3A_903] {strides = array<i32>} : memref<128x512xf32, #tpu.memory_space<vmem>>, vector<1x16xf32>,
      %swap3A_905 = vector.shape_cast %swap3A_904 : vector<1x16xf32> to vector<16xf32>
      %swap3A_906 = vector.shape_cast %add3A_899 : vector<16xf32> to vector<1x16xf32>
      tpu.vector_store %arg7[%swap3A_902, %swap3A_903], %swap3A_906 {strides = array<i32>} : memref<128x512xf32, #tpu.memory_space<vmem>>, vector<1x16xf32>,
      %get3A_907 = arith.index_cast %scan3A_188 : i32 to index
      %get3A_908 = arith.constant 480 : index
      %get3A_909 = tpu.vector_load %arg8[%get3A_907, %get3A_908] {strides = array<i32>} : memref<32x512xf32, #tpu.memory_space<vmem>>, vector<1x16xf32>,
      %get3A_910 = vector.shape_cast %get3A_909 : vector<1x16xf32> to vector<16xf32>
      %mul3A_911 = arith.constant 0.699999988 : f32
      %mul3A_912 = vector.broadcast %mul3A_911 : f32 to vector<16xf32>
      %mul3A_913 = arith.mulf %mul3A_912, %get3A_910 : vector<16xf32>
      %add3A_914 = arith.constant 64 : i32
      %add3A_915 = arith.addi %add3A_914, %scan3A_188 : i32
      %get3A_916 = arith.index_cast %add3A_915 : i32 to index
      %get3A_917 = arith.constant 480 : index
      %get3A_918 = tpu.vector_load %arg7[%get3A_916, %get3A_917] {strides = array<i32>} : memref<128x512xf32, #tpu.memory_space<vmem>>, vector<1x16xf32>,
      %get3A_919 = vector.shape_cast %get3A_918 : vector<1x16xf32> to vector<16xf32>
      %mul3A_920 = arith.constant 3.000000e-01 : f32
      %mul3A_921 = vector.broadcast %mul3A_920 : f32 to vector<16xf32>
      %mul3A_922 = arith.mulf %mul3A_921, %get3A_919 : vector<16xf32>
      %add3A_923 = arith.addf %mul3A_913, %mul3A_922 : vector<16xf32>
      %add3A_924 = arith.constant 64 : i32
      %add3A_925 = arith.addi %add3A_924, %scan3A_188 : i32
      %swap3A_926 = arith.index_cast %add3A_925 : i32 to index
      %swap3A_927 = arith.constant 480 : index
      %swap3A_928 = tpu.vector_load %arg7[%swap3A_926, %swap3A_927] {strides = array<i32>} : memref<128x512xf32, #tpu.memory_space<vmem>>, vector<1x16xf32>,
      %swap3A_929 = vector.shape_cast %swap3A_928 : vector<1x16xf32> to vector<16xf32>
      %swap3A_930 = vector.shape_cast %add3A_923 : vector<16xf32> to vector<1x16xf32>
      tpu.vector_store %arg7[%swap3A_926, %swap3A_927], %swap3A_930 {strides = array<i32>} : memref<128x512xf32, #tpu.memory_space<vmem>>, vector<1x16xf32>,
      %get3A_931 = arith.index_cast %scan3A_188 : i32 to index
      %get3A_932 = arith.constant 496 : index
      %get3A_933 = tpu.vector_load %arg8[%get3A_931, %get3A_932] {strides = array<i32>} : memref<32x512xf32, #tpu.memory_space<vmem>>, vector<1x16xf32>,
      %get3A_934 = vector.shape_cast %get3A_933 : vector<1x16xf32> to vector<16xf32>
      %mul3A_935 = arith.constant 0.699999988 : f32
      %mul3A_936 = vector.broadcast %mul3A_935 : f32 to vector<16xf32>
      %mul3A_937 = arith.mulf %mul3A_936, %get3A_934 : vector<16xf32>
      %add3A_938 = arith.constant 64 : i32
      %add3A_939 = arith.addi %add3A_938, %scan3A_188 : i32
      %get3A_940 = arith.index_cast %add3A_939 : i32 to index
      %get3A_941 = arith.constant 496 : index
      %get3A_942 = tpu.vector_load %arg7[%get3A_940, %get3A_941] {strides = array<i32>} : memref<128x512xf32, #tpu.memory_space<vmem>>, vector<1x16xf32>,
      %get3A_943 = vector.shape_cast %get3A_942 : vector<1x16xf32> to vector<16xf32>
      %mul3A_944 = arith.constant 3.000000e-01 : f32
      %mul3A_945 = vector.broadcast %mul3A_944 : f32 to vector<16xf32>
      %mul3A_946 = arith.mulf %mul3A_945, %get3A_943 : vector<16xf32>
      %add3A_947 = arith.addf %mul3A_937, %mul3A_946 : vector<16xf32>
      %add3A_948 = arith.constant 64 : i32
      %add3A_949 = arith.addi %add3A_948, %scan3A_188 : i32
      %swap3A_950 = arith.index_cast %add3A_949 : i32 to index
      %swap3A_951 = arith.constant 496 : index
      %swap3A_952 = tpu.vector_load %arg7[%swap3A_950, %swap3A_951] {strides = array<i32>} : memref<128x512xf32, #tpu.memory_space<vmem>>, vector<1x16xf32>,
      %swap3A_953 = vector.shape_cast %swap3A_952 : vector<1x16xf32> to vector<16xf32>
      %swap3A_954 = vector.shape_cast %add3A_947 : vector<16xf32> to vector<1x16xf32>
      tpu.vector_store %arg7[%swap3A_950, %swap3A_951], %swap3A_954 {strides = array<i32>} : memref<128x512xf32, #tpu.memory_space<vmem>>, vector<1x16xf32>,
    }
    %scan3A_113 = arith.constant 32 : i32
    %add3A_114 = arith.constant 64 : i32
    %add3A_115 = arith.addi %mul3A_2, %add3A_114 : i32
    %dma_start3A_116 = arith.constant 64 : i32
    %dma_start3A_117 = arith.constant 0 : i32
    %dma_start3A_118 = tpu.memref_slice %arg7[%dma_start3A_116, %dma_start3A_117] : memref<128x512xf32, #tpu.memory_space<vmem>> -> memref<32x512xf32, #tpu.memory_space<vmem>>
    %dma_start3A_119 = arith.constant 0 : i32
    %dma_start3A_120 = tpu.memref_slice %arg5[%add3A_115, %dma_start3A_119] : memref<4096x512xf32, #tpu.memory_space<hbm>> -> memref<32x512xf32, #tpu.memory_space<hbm>>
    %dma_start3A_121 = arith.constant 0 : i32
    %dma_start3A_122 = tpu.memref_slice %arg5[%add3A_115, %dma_start3A_121] : memref<4096x512xf32, #tpu.memory_space<hbm>> -> memref<32x512xf32, #tpu.memory_space<hbm>>
    %dma_start3A_123 = arith.constant 64 : i32
    %dma_start3A_124 = arith.constant 0 : i32
    %dma_start3A_125 = tpu.memref_slice %arg7[%dma_start3A_123, %dma_start3A_124] : memref<128x512xf32, #tpu.memory_space<vmem>> -> memref<32x512xf32, #tpu.memory_space<vmem>>
    tpu.enqueue_dma source(%dma_start3A_125 : memref<32x512xf32, #tpu.memory_space<vmem>>) target(%dma_start3A_122 : memref<32x512xf32, #tpu.memory_space<hbm>>) target_semaphore(%arg16 : memref<!tpu.dma_semaphore, #tpu.memory_space<semaphore_mem>>)
    %dma_wait3A_126 = arith.constant 0 : i32
    %dma_wait3A_127 = tpu.memref_slice %arg4[%add3A_79, %dma_wait3A_126] : memref<4096x512xf32, #tpu.memory_space<hbm>> -> memref<32x512xf32, #tpu.memory_space<hbm>>
    %dma_wait3A_128 = arith.constant 0 : i32
    %dma_wait3A_129 = tpu.memref_slice %arg4[%add3A_79, %dma_wait3A_128] : memref<4096x512xf32, #tpu.memory_space<hbm>> -> memref<32x512xf32, #tpu.memory_space<hbm>>
    tpu.wait_dma2 semaphore(%arg13 : memref<!tpu.dma_semaphore, #tpu.memory_space<semaphore_mem>>) src(%dma_wait3A_129 : memref<32x512xf32, #tpu.memory_space<hbm>>) dst(%arg9 : memref<32x512xf32, #tpu.memory_space<vmem>>)
    %scan3A_130 = arith.constant 0 : i32
    %scan3A_131 = arith.constant 0 : i32
    %scan3A_132 = arith.constant 32 : i32
    %scan3A_133 = arith.addi %scan3A_131, %scan3A_132 : i32
    %scan3A_134 = arith.constant 1 : i32
    scf.for %scan3A_188 = %scan3A_131 to %scan3A_133 step %scan3A_134  : i32 {
      %get3A = arith.index_cast %scan3A_188 : i32 to index
      %get3A_189 = arith.constant 0 : index
      %get3A_190 = tpu.vector_load %arg9[%get3A, %get3A_189] {strides = array<i32>} : memref<32x512xf32, #tpu.memory_space<vmem>>, vector<1x16xf32>,
      %get3A_191 = vector.shape_cast %get3A_190 : vector<1x16xf32> to vector<16xf32>
      %mul3A_192 = arith.constant 0.699999988 : f32
      %mul3A_193 = vector.broadcast %mul3A_192 : f32 to vector<16xf32>
      %mul3A_194 = arith.mulf %mul3A_193, %get3A_191 : vector<16xf32>
      %add3A_195 = arith.constant 96 : i32
      %add3A_196 = arith.addi %add3A_195, %scan3A_188 : i32
      %get3A_197 = arith.index_cast %add3A_196 : i32 to index
      %get3A_198 = arith.constant 0 : index
      %get3A_199 = tpu.vector_load %arg7[%get3A_197, %get3A_198] {strides = array<i32>} : memref<128x512xf32, #tpu.memory_space<vmem>>, vector<1x16xf32>,
      %get3A_200 = vector.shape_cast %get3A_199 : vector<1x16xf32> to vector<16xf32>
      %mul3A_201 = arith.constant 3.000000e-01 : f32
      %mul3A_202 = vector.broadcast %mul3A_201 : f32 to vector<16xf32>
      %mul3A_203 = arith.mulf %mul3A_202, %get3A_200 : vector<16xf32>
      %add3A_204 = arith.addf %mul3A_194, %mul3A_203 : vector<16xf32>
      %add3A_205 = arith.constant 96 : i32
      %add3A_206 = arith.addi %add3A_205, %scan3A_188 : i32
      %swap3A = arith.index_cast %add3A_206 : i32 to index
      %swap3A_207 = arith.constant 0 : index
      %swap3A_208 = tpu.vector_load %arg7[%swap3A, %swap3A_207] {strides = array<i32>} : memref<128x512xf32, #tpu.memory_space<vmem>>, vector<1x16xf32>,
      %swap3A_209 = vector.shape_cast %swap3A_208 : vector<1x16xf32> to vector<16xf32>
      %swap3A_210 = vector.shape_cast %add3A_204 : vector<16xf32> to vector<1x16xf32>
      tpu.vector_store %arg7[%swap3A, %swap3A_207], %swap3A_210 {strides = array<i32>} : memref<128x512xf32, #tpu.memory_space<vmem>>, vector<1x16xf32>,
      %get3A_211 = arith.index_cast %scan3A_188 : i32 to index
      %get3A_212 = arith.constant 16 : index
      %get3A_213 = tpu.vector_load %arg9[%get3A_211, %get3A_212] {strides = array<i32>} : memref<32x512xf32, #tpu.memory_space<vmem>>, vector<1x16xf32>,
      %get3A_214 = vector.shape_cast %get3A_213 : vector<1x16xf32> to vector<16xf32>
      %mul3A_215 = arith.constant 0.699999988 : f32
      %mul3A_216 = vector.broadcast %mul3A_215 : f32 to vector<16xf32>
      %mul3A_217 = arith.mulf %mul3A_216, %get3A_214 : vector<16xf32>
      %add3A_218 = arith.constant 96 : i32
      %add3A_219 = arith.addi %add3A_218, %scan3A_188 : i32
      %get3A_220 = arith.index_cast %add3A_219 : i32 to index
      %get3A_221 = arith.constant 16 : index
      %get3A_222 = tpu.vector_load %arg7[%get3A_220, %get3A_221] {strides = array<i32>} : memref<128x512xf32, #tpu.memory_space<vmem>>, vector<1x16xf32>,
      %get3A_223 = vector.shape_cast %get3A_222 : vector<1x16xf32> to vector<16xf32>
      %mul3A_224 = arith.constant 3.000000e-01 : f32
      %mul3A_225 = vector.broadcast %mul3A_224 : f32 to vector<16xf32>
      %mul3A_226 = arith.mulf %mul3A_225, %get3A_223 : vector<16xf32>
      %add3A_227 = arith.addf %mul3A_217, %mul3A_226 : vector<16xf32>
      %add3A_228 = arith.constant 96 : i32
      %add3A_229 = arith.addi %add3A_228, %scan3A_188 : i32
      %swap3A_230 = arith.index_cast %add3A_229 : i32 to index
      %swap3A_231 = arith.constant 16 : index
      %swap3A_232 = tpu.vector_load %arg7[%swap3A_230, %swap3A_231] {strides = array<i32>} : memref<128x512xf32, #tpu.memory_space<vmem>>, vector<1x16xf32>,
      %swap3A_233 = vector.shape_cast %swap3A_232 : vector<1x16xf32> to vector<16xf32>
      %swap3A_234 = vector.shape_cast %add3A_227 : vector<16xf32> to vector<1x16xf32>
      tpu.vector_store %arg7[%swap3A_230, %swap3A_231], %swap3A_234 {strides = array<i32>} : memref<128x512xf32, #tpu.memory_space<vmem>>, vector<1x16xf32>,
      %get3A_235 = arith.index_cast %scan3A_188 : i32 to index
      %get3A_236 = arith.constant 32 : index
      %get3A_237 = tpu.vector_load %arg9[%get3A_235, %get3A_236] {strides = array<i32>} : memref<32x512xf32, #tpu.memory_space<vmem>>, vector<1x16xf32>,
      %get3A_238 = vector.shape_cast %get3A_237 : vector<1x16xf32> to vector<16xf32>
      %mul3A_239 = arith.constant 0.699999988 : f32
      %mul3A_240 = vector.broadcast %mul3A_239 : f32 to vector<16xf32>
      %mul3A_241 = arith.mulf %mul3A_240, %get3A_238 : vector<16xf32>
      %add3A_242 = arith.constant 96 : i32
      %add3A_243 = arith.addi %add3A_242, %scan3A_188 : i32
      %get3A_244 = arith.index_cast %add3A_243 : i32 to index
      %get3A_245 = arith.constant 32 : index
      %get3A_246 = tpu.vector_load %arg7[%get3A_244, %get3A_245] {strides = array<i32>} : memref<128x512xf32, #tpu.memory_space<vmem>>, vector<1x16xf32>,
      %get3A_247 = vector.shape_cast %get3A_246 : vector<1x16xf32> to vector<16xf32>
      %mul3A_248 = arith.constant 3.000000e-01 : f32
      %mul3A_249 = vector.broadcast %mul3A_248 : f32 to vector<16xf32>
      %mul3A_250 = arith.mulf %mul3A_249, %get3A_247 : vector<16xf32>
      %add3A_251 = arith.addf %mul3A_241, %mul3A_250 : vector<16xf32>
      %add3A_252 = arith.constant 96 : i32
      %add3A_253 = arith.addi %add3A_252, %scan3A_188 : i32
      %swap3A_254 = arith.index_cast %add3A_253 : i32 to index
      %swap3A_255 = arith.constant 32 : index
      %swap3A_256 = tpu.vector_load %arg7[%swap3A_254, %swap3A_255] {strides = array<i32>} : memref<128x512xf32, #tpu.memory_space<vmem>>, vector<1x16xf32>,
      %swap3A_257 = vector.shape_cast %swap3A_256 : vector<1x16xf32> to vector<16xf32>
      %swap3A_258 = vector.shape_cast %add3A_251 : vector<16xf32> to vector<1x16xf32>
      tpu.vector_store %arg7[%swap3A_254, %swap3A_255], %swap3A_258 {strides = array<i32>} : memref<128x512xf32, #tpu.memory_space<vmem>>, vector<1x16xf32>,
      %get3A_259 = arith.index_cast %scan3A_188 : i32 to index
      %get3A_260 = arith.constant 48 : index
      %get3A_261 = tpu.vector_load %arg9[%get3A_259, %get3A_260] {strides = array<i32>} : memref<32x512xf32, #tpu.memory_space<vmem>>, vector<1x16xf32>,
      %get3A_262 = vector.shape_cast %get3A_261 : vector<1x16xf32> to vector<16xf32>
      %mul3A_263 = arith.constant 0.699999988 : f32
      %mul3A_264 = vector.broadcast %mul3A_263 : f32 to vector<16xf32>
      %mul3A_265 = arith.mulf %mul3A_264, %get3A_262 : vector<16xf32>
      %add3A_266 = arith.constant 96 : i32
      %add3A_267 = arith.addi %add3A_266, %scan3A_188 : i32
      %get3A_268 = arith.index_cast %add3A_267 : i32 to index
      %get3A_269 = arith.constant 48 : index
      %get3A_270 = tpu.vector_load %arg7[%get3A_268, %get3A_269] {strides = array<i32>} : memref<128x512xf32, #tpu.memory_space<vmem>>, vector<1x16xf32>,
      %get3A_271 = vector.shape_cast %get3A_270 : vector<1x16xf32> to vector<16xf32>
      %mul3A_272 = arith.constant 3.000000e-01 : f32
      %mul3A_273 = vector.broadcast %mul3A_272 : f32 to vector<16xf32>
      %mul3A_274 = arith.mulf %mul3A_273, %get3A_271 : vector<16xf32>
      %add3A_275 = arith.addf %mul3A_265, %mul3A_274 : vector<16xf32>
      %add3A_276 = arith.constant 96 : i32
      %add3A_277 = arith.addi %add3A_276, %scan3A_188 : i32
      %swap3A_278 = arith.index_cast %add3A_277 : i32 to index
      %swap3A_279 = arith.constant 48 : index
      %swap3A_280 = tpu.vector_load %arg7[%swap3A_278, %swap3A_279] {strides = array<i32>} : memref<128x512xf32, #tpu.memory_space<vmem>>, vector<1x16xf32>,
      %swap3A_281 = vector.shape_cast %swap3A_280 : vector<1x16xf32> to vector<16xf32>
      %swap3A_282 = vector.shape_cast %add3A_275 : vector<16xf32> to vector<1x16xf32>
      tpu.vector_store %arg7[%swap3A_278, %swap3A_279], %swap3A_282 {strides = array<i32>} : memref<128x512xf32, #tpu.memory_space<vmem>>, vector<1x16xf32>,
      %get3A_283 = arith.index_cast %scan3A_188 : i32 to index
      %get3A_284 = arith.constant 64 : index
      %get3A_285 = tpu.vector_load %arg9[%get3A_283, %get3A_284] {strides = array<i32>} : memref<32x512xf32, #tpu.memory_space<vmem>>, vector<1x16xf32>,
      %get3A_286 = vector.shape_cast %get3A_285 : vector<1x16xf32> to vector<16xf32>
      %mul3A_287 = arith.constant 0.699999988 : f32
      %mul3A_288 = vector.broadcast %mul3A_287 : f32 to vector<16xf32>
      %mul3A_289 = arith.mulf %mul3A_288, %get3A_286 : vector<16xf32>
      %add3A_290 = arith.constant 96 : i32
      %add3A_291 = arith.addi %add3A_290, %scan3A_188 : i32
      %get3A_292 = arith.index_cast %add3A_291 : i32 to index
      %get3A_293 = arith.constant 64 : index
      %get3A_294 = tpu.vector_load %arg7[%get3A_292, %get3A_293] {strides = array<i32>} : memref<128x512xf32, #tpu.memory_space<vmem>>, vector<1x16xf32>,
      %get3A_295 = vector.shape_cast %get3A_294 : vector<1x16xf32> to vector<16xf32>
      %mul3A_296 = arith.constant 3.000000e-01 : f32
      %mul3A_297 = vector.broadcast %mul3A_296 : f32 to vector<16xf32>
      %mul3A_298 = arith.mulf %mul3A_297, %get3A_295 : vector<16xf32>
      %add3A_299 = arith.addf %mul3A_289, %mul3A_298 : vector<16xf32>
      %add3A_300 = arith.constant 96 : i32
      %add3A_301 = arith.addi %add3A_300, %scan3A_188 : i32
      %swap3A_302 = arith.index_cast %add3A_301 : i32 to index
      %swap3A_303 = arith.constant 64 : index
      %swap3A_304 = tpu.vector_load %arg7[%swap3A_302, %swap3A_303] {strides = array<i32>} : memref<128x512xf32, #tpu.memory_space<vmem>>, vector<1x16xf32>,
      %swap3A_305 = vector.shape_cast %swap3A_304 : vector<1x16xf32> to vector<16xf32>
      %swap3A_306 = vector.shape_cast %add3A_299 : vector<16xf32> to vector<1x16xf32>
      tpu.vector_store %arg7[%swap3A_302, %swap3A_303], %swap3A_306 {strides = array<i32>} : memref<128x512xf32, #tpu.memory_space<vmem>>, vector<1x16xf32>,
      %get3A_307 = arith.index_cast %scan3A_188 : i32 to index
      %get3A_308 = arith.constant 80 : index
      %get3A_309 = tpu.vector_load %arg9[%get3A_307, %get3A_308] {strides = array<i32>} : memref<32x512xf32, #tpu.memory_space<vmem>>, vector<1x16xf32>,
      %get3A_310 = vector.shape_cast %get3A_309 : vector<1x16xf32> to vector<16xf32>
      %mul3A_311 = arith.constant 0.699999988 : f32
      %mul3A_312 = vector.broadcast %mul3A_311 : f32 to vector<16xf32>
      %mul3A_313 = arith.mulf %mul3A_312, %get3A_310 : vector<16xf32>
      %add3A_314 = arith.constant 96 : i32
      %add3A_315 = arith.addi %add3A_314, %scan3A_188 : i32
      %get3A_316 = arith.index_cast %add3A_315 : i32 to index
      %get3A_317 = arith.constant 80 : index
      %get3A_318 = tpu.vector_load %arg7[%get3A_316, %get3A_317] {strides = array<i32>} : memref<128x512xf32, #tpu.memory_space<vmem>>, vector<1x16xf32>,
      %get3A_319 = vector.shape_cast %get3A_318 : vector<1x16xf32> to vector<16xf32>
      %mul3A_320 = arith.constant 3.000000e-01 : f32
      %mul3A_321 = vector.broadcast %mul3A_320 : f32 to vector<16xf32>
      %mul3A_322 = arith.mulf %mul3A_321, %get3A_319 : vector<16xf32>
      %add3A_323 = arith.addf %mul3A_313, %mul3A_322 : vector<16xf32>
      %add3A_324 = arith.constant 96 : i32
      %add3A_325 = arith.addi %add3A_324, %scan3A_188 : i32
      %swap3A_326 = arith.index_cast %add3A_325 : i32 to index
      %swap3A_327 = arith.constant 80 : index
      %swap3A_328 = tpu.vector_load %arg7[%swap3A_326, %swap3A_327] {strides = array<i32>} : memref<128x512xf32, #tpu.memory_space<vmem>>, vector<1x16xf32>,
      %swap3A_329 = vector.shape_cast %swap3A_328 : vector<1x16xf32> to vector<16xf32>
      %swap3A_330 = vector.shape_cast %add3A_323 : vector<16xf32> to vector<1x16xf32>
      tpu.vector_store %arg7[%swap3A_326, %swap3A_327], %swap3A_330 {strides = array<i32>} : memref<128x512xf32, #tpu.memory_space<vmem>>, vector<1x16xf32>,
      %get3A_331 = arith.index_cast %scan3A_188 : i32 to index
      %get3A_332 = arith.constant 96 : index
      %get3A_333 = tpu.vector_load %arg9[%get3A_331, %get3A_332] {strides = array<i32>} : memref<32x512xf32, #tpu.memory_space<vmem>>, vector<1x16xf32>,
      %get3A_334 = vector.shape_cast %get3A_333 : vector<1x16xf32> to vector<16xf32>
      %mul3A_335 = arith.constant 0.699999988 : f32
      %mul3A_336 = vector.broadcast %mul3A_335 : f32 to vector<16xf32>
      %mul3A_337 = arith.mulf %mul3A_336, %get3A_334 : vector<16xf32>
      %add3A_338 = arith.constant 96 : i32
      %add3A_339 = arith.addi %add3A_338, %scan3A_188 : i32
      %get3A_340 = arith.index_cast %add3A_339 : i32 to index
      %get3A_341 = arith.constant 96 : index
      %get3A_342 = tpu.vector_load %arg7[%get3A_340, %get3A_341] {strides = array<i32>} : memref<128x512xf32, #tpu.memory_space<vmem>>, vector<1x16xf32>,
      %get3A_343 = vector.shape_cast %get3A_342 : vector<1x16xf32> to vector<16xf32>
      %mul3A_344 = arith.constant 3.000000e-01 : f32
      %mul3A_345 = vector.broadcast %mul3A_344 : f32 to vector<16xf32>
      %mul3A_346 = arith.mulf %mul3A_345, %get3A_343 : vector<16xf32>
      %add3A_347 = arith.addf %mul3A_337, %mul3A_346 : vector<16xf32>
      %add3A_348 = arith.constant 96 : i32
      %add3A_349 = arith.addi %add3A_348, %scan3A_188 : i32
      %swap3A_350 = arith.index_cast %add3A_349 : i32 to index
      %swap3A_351 = arith.constant 96 : index
      %swap3A_352 = tpu.vector_load %arg7[%swap3A_350, %swap3A_351] {strides = array<i32>} : memref<128x512xf32, #tpu.memory_space<vmem>>, vector<1x16xf32>,
      %swap3A_353 = vector.shape_cast %swap3A_352 : vector<1x16xf32> to vector<16xf32>
      %swap3A_354 = vector.shape_cast %add3A_347 : vector<16xf32> to vector<1x16xf32>
      tpu.vector_store %arg7[%swap3A_350, %swap3A_351], %swap3A_354 {strides = array<i32>} : memref<128x512xf32, #tpu.memory_space<vmem>>, vector<1x16xf32>,
      %get3A_355 = arith.index_cast %scan3A_188 : i32 to index
      %get3A_356 = arith.constant 112 : index
      %get3A_357 = tpu.vector_load %arg9[%get3A_355, %get3A_356] {strides = array<i32>} : memref<32x512xf32, #tpu.memory_space<vmem>>, vector<1x16xf32>,
      %get3A_358 = vector.shape_cast %get3A_357 : vector<1x16xf32> to vector<16xf32>
      %mul3A_359 = arith.constant 0.699999988 : f32
      %mul3A_360 = vector.broadcast %mul3A_359 : f32 to vector<16xf32>
      %mul3A_361 = arith.mulf %mul3A_360, %get3A_358 : vector<16xf32>
      %add3A_362 = arith.constant 96 : i32
      %add3A_363 = arith.addi %add3A_362, %scan3A_188 : i32
      %get3A_364 = arith.index_cast %add3A_363 : i32 to index
      %get3A_365 = arith.constant 112 : index
      %get3A_366 = tpu.vector_load %arg7[%get3A_364, %get3A_365] {strides = array<i32>} : memref<128x512xf32, #tpu.memory_space<vmem>>, vector<1x16xf32>,
      %get3A_367 = vector.shape_cast %get3A_366 : vector<1x16xf32> to vector<16xf32>
      %mul3A_368 = arith.constant 3.000000e-01 : f32
      %mul3A_369 = vector.broadcast %mul3A_368 : f32 to vector<16xf32>
      %mul3A_370 = arith.mulf %mul3A_369, %get3A_367 : vector<16xf32>
      %add3A_371 = arith.addf %mul3A_361, %mul3A_370 : vector<16xf32>
      %add3A_372 = arith.constant 96 : i32
      %add3A_373 = arith.addi %add3A_372, %scan3A_188 : i32
      %swap3A_374 = arith.index_cast %add3A_373 : i32 to index
      %swap3A_375 = arith.constant 112 : index
      %swap3A_376 = tpu.vector_load %arg7[%swap3A_374, %swap3A_375] {strides = array<i32>} : memref<128x512xf32, #tpu.memory_space<vmem>>, vector<1x16xf32>,
      %swap3A_377 = vector.shape_cast %swap3A_376 : vector<1x16xf32> to vector<16xf32>
      %swap3A_378 = vector.shape_cast %add3A_371 : vector<16xf32> to vector<1x16xf32>
      tpu.vector_store %arg7[%swap3A_374, %swap3A_375], %swap3A_378 {strides = array<i32>} : memref<128x512xf32, #tpu.memory_space<vmem>>, vector<1x16xf32>,
      %get3A_379 = arith.index_cast %scan3A_188 : i32 to index
      %get3A_380 = arith.constant 128 : index
      %get3A_381 = tpu.vector_load %arg9[%get3A_379, %get3A_380] {strides = array<i32>} : memref<32x512xf32, #tpu.memory_space<vmem>>, vector<1x16xf32>,
      %get3A_382 = vector.shape_cast %get3A_381 : vector<1x16xf32> to vector<16xf32>
      %mul3A_383 = arith.constant 0.699999988 : f32
      %mul3A_384 = vector.broadcast %mul3A_383 : f32 to vector<16xf32>
      %mul3A_385 = arith.mulf %mul3A_384, %get3A_382 : vector<16xf32>
      %add3A_386 = arith.constant 96 : i32
      %add3A_387 = arith.addi %add3A_386, %scan3A_188 : i32
      %get3A_388 = arith.index_cast %add3A_387 : i32 to index
      %get3A_389 = arith.constant 128 : index
      %get3A_390 = tpu.vector_load %arg7[%get3A_388, %get3A_389] {strides = array<i32>} : memref<128x512xf32, #tpu.memory_space<vmem>>, vector<1x16xf32>,
      %get3A_391 = vector.shape_cast %get3A_390 : vector<1x16xf32> to vector<16xf32>
      %mul3A_392 = arith.constant 3.000000e-01 : f32
      %mul3A_393 = vector.broadcast %mul3A_392 : f32 to vector<16xf32>
      %mul3A_394 = arith.mulf %mul3A_393, %get3A_391 : vector<16xf32>
      %add3A_395 = arith.addf %mul3A_385, %mul3A_394 : vector<16xf32>
      %add3A_396 = arith.constant 96 : i32
      %add3A_397 = arith.addi %add3A_396, %scan3A_188 : i32
      %swap3A_398 = arith.index_cast %add3A_397 : i32 to index
      %swap3A_399 = arith.constant 128 : index
      %swap3A_400 = tpu.vector_load %arg7[%swap3A_398, %swap3A_399] {strides = array<i32>} : memref<128x512xf32, #tpu.memory_space<vmem>>, vector<1x16xf32>,
      %swap3A_401 = vector.shape_cast %swap3A_400 : vector<1x16xf32> to vector<16xf32>
      %swap3A_402 = vector.shape_cast %add3A_395 : vector<16xf32> to vector<1x16xf32>
      tpu.vector_store %arg7[%swap3A_398, %swap3A_399], %swap3A_402 {strides = array<i32>} : memref<128x512xf32, #tpu.memory_space<vmem>>, vector<1x16xf32>,
      %get3A_403 = arith.index_cast %scan3A_188 : i32 to index
      %get3A_404 = arith.constant 144 : index
      %get3A_405 = tpu.vector_load %arg9[%get3A_403, %get3A_404] {strides = array<i32>} : memref<32x512xf32, #tpu.memory_space<vmem>>, vector<1x16xf32>,
      %get3A_406 = vector.shape_cast %get3A_405 : vector<1x16xf32> to vector<16xf32>
      %mul3A_407 = arith.constant 0.699999988 : f32
      %mul3A_408 = vector.broadcast %mul3A_407 : f32 to vector<16xf32>
      %mul3A_409 = arith.mulf %mul3A_408, %get3A_406 : vector<16xf32>
      %add3A_410 = arith.constant 96 : i32
      %add3A_411 = arith.addi %add3A_410, %scan3A_188 : i32
      %get3A_412 = arith.index_cast %add3A_411 : i32 to index
      %get3A_413 = arith.constant 144 : index
      %get3A_414 = tpu.vector_load %arg7[%get3A_412, %get3A_413] {strides = array<i32>} : memref<128x512xf32, #tpu.memory_space<vmem>>, vector<1x16xf32>,
      %get3A_415 = vector.shape_cast %get3A_414 : vector<1x16xf32> to vector<16xf32>
      %mul3A_416 = arith.constant 3.000000e-01 : f32
      %mul3A_417 = vector.broadcast %mul3A_416 : f32 to vector<16xf32>
      %mul3A_418 = arith.mulf %mul3A_417, %get3A_415 : vector<16xf32>
      %add3A_419 = arith.addf %mul3A_409, %mul3A_418 : vector<16xf32>
      %add3A_420 = arith.constant 96 : i32
      %add3A_421 = arith.addi %add3A_420, %scan3A_188 : i32
      %swap3A_422 = arith.index_cast %add3A_421 : i32 to index
      %swap3A_423 = arith.constant 144 : index
      %swap3A_424 = tpu.vector_load %arg7[%swap3A_422, %swap3A_423] {strides = array<i32>} : memref<128x512xf32, #tpu.memory_space<vmem>>, vector<1x16xf32>,
      %swap3A_425 = vector.shape_cast %swap3A_424 : vector<1x16xf32> to vector<16xf32>
      %swap3A_426 = vector.shape_cast %add3A_419 : vector<16xf32> to vector<1x16xf32>
      tpu.vector_store %arg7[%swap3A_422, %swap3A_423], %swap3A_426 {strides = array<i32>} : memref<128x512xf32, #tpu.memory_space<vmem>>, vector<1x16xf32>,
      %get3A_427 = arith.index_cast %scan3A_188 : i32 to index
      %get3A_428 = arith.constant 160 : index
      %get3A_429 = tpu.vector_load %arg9[%get3A_427, %get3A_428] {strides = array<i32>} : memref<32x512xf32, #tpu.memory_space<vmem>>, vector<1x16xf32>,
      %get3A_430 = vector.shape_cast %get3A_429 : vector<1x16xf32> to vector<16xf32>
      %mul3A_431 = arith.constant 0.699999988 : f32
      %mul3A_432 = vector.broadcast %mul3A_431 : f32 to vector<16xf32>
      %mul3A_433 = arith.mulf %mul3A_432, %get3A_430 : vector<16xf32>
      %add3A_434 = arith.constant 96 : i32
      %add3A_435 = arith.addi %add3A_434, %scan3A_188 : i32
      %get3A_436 = arith.index_cast %add3A_435 : i32 to index
      %get3A_437 = arith.constant 160 : index
      %get3A_438 = tpu.vector_load %arg7[%get3A_436, %get3A_437] {strides = array<i32>} : memref<128x512xf32, #tpu.memory_space<vmem>>, vector<1x16xf32>,
      %get3A_439 = vector.shape_cast %get3A_438 : vector<1x16xf32> to vector<16xf32>
      %mul3A_440 = arith.constant 3.000000e-01 : f32
      %mul3A_441 = vector.broadcast %mul3A_440 : f32 to vector<16xf32>
      %mul3A_442 = arith.mulf %mul3A_441, %get3A_439 : vector<16xf32>
      %add3A_443 = arith.addf %mul3A_433, %mul3A_442 : vector<16xf32>
      %add3A_444 = arith.constant 96 : i32
      %add3A_445 = arith.addi %add3A_444, %scan3A_188 : i32
      %swap3A_446 = arith.index_cast %add3A_445 : i32 to index
      %swap3A_447 = arith.constant 160 : index
      %swap3A_448 = tpu.vector_load %arg7[%swap3A_446, %swap3A_447] {strides = array<i32>} : memref<128x512xf32, #tpu.memory_space<vmem>>, vector<1x16xf32>,
      %swap3A_449 = vector.shape_cast %swap3A_448 : vector<1x16xf32> to vector<16xf32>
      %swap3A_450 = vector.shape_cast %add3A_443 : vector<16xf32> to vector<1x16xf32>
      tpu.vector_store %arg7[%swap3A_446, %swap3A_447], %swap3A_450 {strides = array<i32>} : memref<128x512xf32, #tpu.memory_space<vmem>>, vector<1x16xf32>,
      %get3A_451 = arith.index_cast %scan3A_188 : i32 to index
      %get3A_452 = arith.constant 176 : index
      %get3A_453 = tpu.vector_load %arg9[%get3A_451, %get3A_452] {strides = array<i32>} : memref<32x512xf32, #tpu.memory_space<vmem>>, vector<1x16xf32>,
      %get3A_454 = vector.shape_cast %get3A_453 : vector<1x16xf32> to vector<16xf32>
      %mul3A_455 = arith.constant 0.699999988 : f32
      %mul3A_456 = vector.broadcast %mul3A_455 : f32 to vector<16xf32>
      %mul3A_457 = arith.mulf %mul3A_456, %get3A_454 : vector<16xf32>
      %add3A_458 = arith.constant 96 : i32
      %add3A_459 = arith.addi %add3A_458, %scan3A_188 : i32
      %get3A_460 = arith.index_cast %add3A_459 : i32 to index
      %get3A_461 = arith.constant 176 : index
      %get3A_462 = tpu.vector_load %arg7[%get3A_460, %get3A_461] {strides = array<i32>} : memref<128x512xf32, #tpu.memory_space<vmem>>, vector<1x16xf32>,
      %get3A_463 = vector.shape_cast %get3A_462 : vector<1x16xf32> to vector<16xf32>
      %mul3A_464 = arith.constant 3.000000e-01 : f32
      %mul3A_465 = vector.broadcast %mul3A_464 : f32 to vector<16xf32>
      %mul3A_466 = arith.mulf %mul3A_465, %get3A_463 : vector<16xf32>
      %add3A_467 = arith.addf %mul3A_457, %mul3A_466 : vector<16xf32>
      %add3A_468 = arith.constant 96 : i32
      %add3A_469 = arith.addi %add3A_468, %scan3A_188 : i32
      %swap3A_470 = arith.index_cast %add3A_469 : i32 to index
      %swap3A_471 = arith.constant 176 : index
      %swap3A_472 = tpu.vector_load %arg7[%swap3A_470, %swap3A_471] {strides = array<i32>} : memref<128x512xf32, #tpu.memory_space<vmem>>, vector<1x16xf32>,
      %swap3A_473 = vector.shape_cast %swap3A_472 : vector<1x16xf32> to vector<16xf32>
      %swap3A_474 = vector.shape_cast %add3A_467 : vector<16xf32> to vector<1x16xf32>
      tpu.vector_store %arg7[%swap3A_470, %swap3A_471], %swap3A_474 {strides = array<i32>} : memref<128x512xf32, #tpu.memory_space<vmem>>, vector<1x16xf32>,
      %get3A_475 = arith.index_cast %scan3A_188 : i32 to index
      %get3A_476 = arith.constant 192 : index
      %get3A_477 = tpu.vector_load %arg9[%get3A_475, %get3A_476] {strides = array<i32>} : memref<32x512xf32, #tpu.memory_space<vmem>>, vector<1x16xf32>,
      %get3A_478 = vector.shape_cast %get3A_477 : vector<1x16xf32> to vector<16xf32>
      %mul3A_479 = arith.constant 0.699999988 : f32
      %mul3A_480 = vector.broadcast %mul3A_479 : f32 to vector<16xf32>
      %mul3A_481 = arith.mulf %mul3A_480, %get3A_478 : vector<16xf32>
      %add3A_482 = arith.constant 96 : i32
      %add3A_483 = arith.addi %add3A_482, %scan3A_188 : i32
      %get3A_484 = arith.index_cast %add3A_483 : i32 to index
      %get3A_485 = arith.constant 192 : index
      %get3A_486 = tpu.vector_load %arg7[%get3A_484, %get3A_485] {strides = array<i32>} : memref<128x512xf32, #tpu.memory_space<vmem>>, vector<1x16xf32>,
      %get3A_487 = vector.shape_cast %get3A_486 : vector<1x16xf32> to vector<16xf32>
      %mul3A_488 = arith.constant 3.000000e-01 : f32
      %mul3A_489 = vector.broadcast %mul3A_488 : f32 to vector<16xf32>
      %mul3A_490 = arith.mulf %mul3A_489, %get3A_487 : vector<16xf32>
      %add3A_491 = arith.addf %mul3A_481, %mul3A_490 : vector<16xf32>
      %add3A_492 = arith.constant 96 : i32
      %add3A_493 = arith.addi %add3A_492, %scan3A_188 : i32
      %swap3A_494 = arith.index_cast %add3A_493 : i32 to index
      %swap3A_495 = arith.constant 192 : index
      %swap3A_496 = tpu.vector_load %arg7[%swap3A_494, %swap3A_495] {strides = array<i32>} : memref<128x512xf32, #tpu.memory_space<vmem>>, vector<1x16xf32>,
      %swap3A_497 = vector.shape_cast %swap3A_496 : vector<1x16xf32> to vector<16xf32>
      %swap3A_498 = vector.shape_cast %add3A_491 : vector<16xf32> to vector<1x16xf32>
      tpu.vector_store %arg7[%swap3A_494, %swap3A_495], %swap3A_498 {strides = array<i32>} : memref<128x512xf32, #tpu.memory_space<vmem>>, vector<1x16xf32>,
      %get3A_499 = arith.index_cast %scan3A_188 : i32 to index
      %get3A_500 = arith.constant 208 : index
      %get3A_501 = tpu.vector_load %arg9[%get3A_499, %get3A_500] {strides = array<i32>} : memref<32x512xf32, #tpu.memory_space<vmem>>, vector<1x16xf32>,
      %get3A_502 = vector.shape_cast %get3A_501 : vector<1x16xf32> to vector<16xf32>
      %mul3A_503 = arith.constant 0.699999988 : f32
      %mul3A_504 = vector.broadcast %mul3A_503 : f32 to vector<16xf32>
      %mul3A_505 = arith.mulf %mul3A_504, %get3A_502 : vector<16xf32>
      %add3A_506 = arith.constant 96 : i32
      %add3A_507 = arith.addi %add3A_506, %scan3A_188 : i32
      %get3A_508 = arith.index_cast %add3A_507 : i32 to index
      %get3A_509 = arith.constant 208 : index
      %get3A_510 = tpu.vector_load %arg7[%get3A_508, %get3A_509] {strides = array<i32>} : memref<128x512xf32, #tpu.memory_space<vmem>>, vector<1x16xf32>,
      %get3A_511 = vector.shape_cast %get3A_510 : vector<1x16xf32> to vector<16xf32>
      %mul3A_512 = arith.constant 3.000000e-01 : f32
      %mul3A_513 = vector.broadcast %mul3A_512 : f32 to vector<16xf32>
      %mul3A_514 = arith.mulf %mul3A_513, %get3A_511 : vector<16xf32>
      %add3A_515 = arith.addf %mul3A_505, %mul3A_514 : vector<16xf32>
      %add3A_516 = arith.constant 96 : i32
      %add3A_517 = arith.addi %add3A_516, %scan3A_188 : i32
      %swap3A_518 = arith.index_cast %add3A_517 : i32 to index
      %swap3A_519 = arith.constant 208 : index
      %swap3A_520 = tpu.vector_load %arg7[%swap3A_518, %swap3A_519] {strides = array<i32>} : memref<128x512xf32, #tpu.memory_space<vmem>>, vector<1x16xf32>,
      %swap3A_521 = vector.shape_cast %swap3A_520 : vector<1x16xf32> to vector<16xf32>
      %swap3A_522 = vector.shape_cast %add3A_515 : vector<16xf32> to vector<1x16xf32>
      tpu.vector_store %arg7[%swap3A_518, %swap3A_519], %swap3A_522 {strides = array<i32>} : memref<128x512xf32, #tpu.memory_space<vmem>>, vector<1x16xf32>,
      %get3A_523 = arith.index_cast %scan3A_188 : i32 to index
      %get3A_524 = arith.constant 224 : index
      %get3A_525 = tpu.vector_load %arg9[%get3A_523, %get3A_524] {strides = array<i32>} : memref<32x512xf32, #tpu.memory_space<vmem>>, vector<1x16xf32>,
      %get3A_526 = vector.shape_cast %get3A_525 : vector<1x16xf32> to vector<16xf32>
      %mul3A_527 = arith.constant 0.699999988 : f32
      %mul3A_528 = vector.broadcast %mul3A_527 : f32 to vector<16xf32>
      %mul3A_529 = arith.mulf %mul3A_528, %get3A_526 : vector<16xf32>
      %add3A_530 = arith.constant 96 : i32
      %add3A_531 = arith.addi %add3A_530, %scan3A_188 : i32
      %get3A_532 = arith.index_cast %add3A_531 : i32 to index
      %get3A_533 = arith.constant 224 : index
      %get3A_534 = tpu.vector_load %arg7[%get3A_532, %get3A_533] {strides = array<i32>} : memref<128x512xf32, #tpu.memory_space<vmem>>, vector<1x16xf32>,
      %get3A_535 = vector.shape_cast %get3A_534 : vector<1x16xf32> to vector<16xf32>
      %mul3A_536 = arith.constant 3.000000e-01 : f32
      %mul3A_537 = vector.broadcast %mul3A_536 : f32 to vector<16xf32>
      %mul3A_538 = arith.mulf %mul3A_537, %get3A_535 : vector<16xf32>
      %add3A_539 = arith.addf %mul3A_529, %mul3A_538 : vector<16xf32>
      %add3A_540 = arith.constant 96 : i32
      %add3A_541 = arith.addi %add3A_540, %scan3A_188 : i32
      %swap3A_542 = arith.index_cast %add3A_541 : i32 to index
      %swap3A_543 = arith.constant 224 : index
      %swap3A_544 = tpu.vector_load %arg7[%swap3A_542, %swap3A_543] {strides = array<i32>} : memref<128x512xf32, #tpu.memory_space<vmem>>, vector<1x16xf32>,
      %swap3A_545 = vector.shape_cast %swap3A_544 : vector<1x16xf32> to vector<16xf32>
      %swap3A_546 = vector.shape_cast %add3A_539 : vector<16xf32> to vector<1x16xf32>
      tpu.vector_store %arg7[%swap3A_542, %swap3A_543], %swap3A_546 {strides = array<i32>} : memref<128x512xf32, #tpu.memory_space<vmem>>, vector<1x16xf32>,
      %get3A_547 = arith.index_cast %scan3A_188 : i32 to index
      %get3A_548 = arith.constant 240 : index
      %get3A_549 = tpu.vector_load %arg9[%get3A_547, %get3A_548] {strides = array<i32>} : memref<32x512xf32, #tpu.memory_space<vmem>>, vector<1x16xf32>,
      %get3A_550 = vector.shape_cast %get3A_549 : vector<1x16xf32> to vector<16xf32>
      %mul3A_551 = arith.constant 0.699999988 : f32
      %mul3A_552 = vector.broadcast %mul3A_551 : f32 to vector<16xf32>
      %mul3A_553 = arith.mulf %mul3A_552, %get3A_550 : vector<16xf32>
      %add3A_554 = arith.constant 96 : i32
      %add3A_555 = arith.addi %add3A_554, %scan3A_188 : i32
      %get3A_556 = arith.index_cast %add3A_555 : i32 to index
      %get3A_557 = arith.constant 240 : index
      %get3A_558 = tpu.vector_load %arg7[%get3A_556, %get3A_557] {strides = array<i32>} : memref<128x512xf32, #tpu.memory_space<vmem>>, vector<1x16xf32>,
      %get3A_559 = vector.shape_cast %get3A_558 : vector<1x16xf32> to vector<16xf32>
      %mul3A_560 = arith.constant 3.000000e-01 : f32
      %mul3A_561 = vector.broadcast %mul3A_560 : f32 to vector<16xf32>
      %mul3A_562 = arith.mulf %mul3A_561, %get3A_559 : vector<16xf32>
      %add3A_563 = arith.addf %mul3A_553, %mul3A_562 : vector<16xf32>
      %add3A_564 = arith.constant 96 : i32
      %add3A_565 = arith.addi %add3A_564, %scan3A_188 : i32
      %swap3A_566 = arith.index_cast %add3A_565 : i32 to index
      %swap3A_567 = arith.constant 240 : index
      %swap3A_568 = tpu.vector_load %arg7[%swap3A_566, %swap3A_567] {strides = array<i32>} : memref<128x512xf32, #tpu.memory_space<vmem>>, vector<1x16xf32>,
      %swap3A_569 = vector.shape_cast %swap3A_568 : vector<1x16xf32> to vector<16xf32>
      %swap3A_570 = vector.shape_cast %add3A_563 : vector<16xf32> to vector<1x16xf32>
      tpu.vector_store %arg7[%swap3A_566, %swap3A_567], %swap3A_570 {strides = array<i32>} : memref<128x512xf32, #tpu.memory_space<vmem>>, vector<1x16xf32>,
      %get3A_571 = arith.index_cast %scan3A_188 : i32 to index
      %get3A_572 = arith.constant 256 : index
      %get3A_573 = tpu.vector_load %arg9[%get3A_571, %get3A_572] {strides = array<i32>} : memref<32x512xf32, #tpu.memory_space<vmem>>, vector<1x16xf32>,
      %get3A_574 = vector.shape_cast %get3A_573 : vector<1x16xf32> to vector<16xf32>
      %mul3A_575 = arith.constant 0.699999988 : f32
      %mul3A_576 = vector.broadcast %mul3A_575 : f32 to vector<16xf32>
      %mul3A_577 = arith.mulf %mul3A_576, %get3A_574 : vector<16xf32>
      %add3A_578 = arith.constant 96 : i32
      %add3A_579 = arith.addi %add3A_578, %scan3A_188 : i32
      %get3A_580 = arith.index_cast %add3A_579 : i32 to index
      %get3A_581 = arith.constant 256 : index
      %get3A_582 = tpu.vector_load %arg7[%get3A_580, %get3A_581] {strides = array<i32>} : memref<128x512xf32, #tpu.memory_space<vmem>>, vector<1x16xf32>,
      %get3A_583 = vector.shape_cast %get3A_582 : vector<1x16xf32> to vector<16xf32>
      %mul3A_584 = arith.constant 3.000000e-01 : f32
      %mul3A_585 = vector.broadcast %mul3A_584 : f32 to vector<16xf32>
      %mul3A_586 = arith.mulf %mul3A_585, %get3A_583 : vector<16xf32>
      %add3A_587 = arith.addf %mul3A_577, %mul3A_586 : vector<16xf32>
      %add3A_588 = arith.constant 96 : i32
      %add3A_589 = arith.addi %add3A_588, %scan3A_188 : i32
      %swap3A_590 = arith.index_cast %add3A_589 : i32 to index
      %swap3A_591 = arith.constant 256 : index
      %swap3A_592 = tpu.vector_load %arg7[%swap3A_590, %swap3A_591] {strides = array<i32>} : memref<128x512xf32, #tpu.memory_space<vmem>>, vector<1x16xf32>,
      %swap3A_593 = vector.shape_cast %swap3A_592 : vector<1x16xf32> to vector<16xf32>
      %swap3A_594 = vector.shape_cast %add3A_587 : vector<16xf32> to vector<1x16xf32>
      tpu.vector_store %arg7[%swap3A_590, %swap3A_591], %swap3A_594 {strides = array<i32>} : memref<128x512xf32, #tpu.memory_space<vmem>>, vector<1x16xf32>,
      %get3A_595 = arith.index_cast %scan3A_188 : i32 to index
      %get3A_596 = arith.constant 272 : index
      %get3A_597 = tpu.vector_load %arg9[%get3A_595, %get3A_596] {strides = array<i32>} : memref<32x512xf32, #tpu.memory_space<vmem>>, vector<1x16xf32>,
      %get3A_598 = vector.shape_cast %get3A_597 : vector<1x16xf32> to vector<16xf32>
      %mul3A_599 = arith.constant 0.699999988 : f32
      %mul3A_600 = vector.broadcast %mul3A_599 : f32 to vector<16xf32>
      %mul3A_601 = arith.mulf %mul3A_600, %get3A_598 : vector<16xf32>
      %add3A_602 = arith.constant 96 : i32
      %add3A_603 = arith.addi %add3A_602, %scan3A_188 : i32
      %get3A_604 = arith.index_cast %add3A_603 : i32 to index
      %get3A_605 = arith.constant 272 : index
      %get3A_606 = tpu.vector_load %arg7[%get3A_604, %get3A_605] {strides = array<i32>} : memref<128x512xf32, #tpu.memory_space<vmem>>, vector<1x16xf32>,
      %get3A_607 = vector.shape_cast %get3A_606 : vector<1x16xf32> to vector<16xf32>
      %mul3A_608 = arith.constant 3.000000e-01 : f32
      %mul3A_609 = vector.broadcast %mul3A_608 : f32 to vector<16xf32>
      %mul3A_610 = arith.mulf %mul3A_609, %get3A_607 : vector<16xf32>
      %add3A_611 = arith.addf %mul3A_601, %mul3A_610 : vector<16xf32>
      %add3A_612 = arith.constant 96 : i32
      %add3A_613 = arith.addi %add3A_612, %scan3A_188 : i32
      %swap3A_614 = arith.index_cast %add3A_613 : i32 to index
      %swap3A_615 = arith.constant 272 : index
      %swap3A_616 = tpu.vector_load %arg7[%swap3A_614, %swap3A_615] {strides = array<i32>} : memref<128x512xf32, #tpu.memory_space<vmem>>, vector<1x16xf32>,
      %swap3A_617 = vector.shape_cast %swap3A_616 : vector<1x16xf32> to vector<16xf32>
      %swap3A_618 = vector.shape_cast %add3A_611 : vector<16xf32> to vector<1x16xf32>
      tpu.vector_store %arg7[%swap3A_614, %swap3A_615], %swap3A_618 {strides = array<i32>} : memref<128x512xf32, #tpu.memory_space<vmem>>, vector<1x16xf32>,
      %get3A_619 = arith.index_cast %scan3A_188 : i32 to index
      %get3A_620 = arith.constant 288 : index
      %get3A_621 = tpu.vector_load %arg9[%get3A_619, %get3A_620] {strides = array<i32>} : memref<32x512xf32, #tpu.memory_space<vmem>>, vector<1x16xf32>,
      %get3A_622 = vector.shape_cast %get3A_621 : vector<1x16xf32> to vector<16xf32>
      %mul3A_623 = arith.constant 0.699999988 : f32
      %mul3A_624 = vector.broadcast %mul3A_623 : f32 to vector<16xf32>
      %mul3A_625 = arith.mulf %mul3A_624, %get3A_622 : vector<16xf32>
      %add3A_626 = arith.constant 96 : i32
      %add3A_627 = arith.addi %add3A_626, %scan3A_188 : i32
      %get3A_628 = arith.index_cast %add3A_627 : i32 to index
      %get3A_629 = arith.constant 288 : index
      %get3A_630 = tpu.vector_load %arg7[%get3A_628, %get3A_629] {strides = array<i32>} : memref<128x512xf32, #tpu.memory_space<vmem>>, vector<1x16xf32>,
      %get3A_631 = vector.shape_cast %get3A_630 : vector<1x16xf32> to vector<16xf32>
      %mul3A_632 = arith.constant 3.000000e-01 : f32
      %mul3A_633 = vector.broadcast %mul3A_632 : f32 to vector<16xf32>
      %mul3A_634 = arith.mulf %mul3A_633, %get3A_631 : vector<16xf32>
      %add3A_635 = arith.addf %mul3A_625, %mul3A_634 : vector<16xf32>
      %add3A_636 = arith.constant 96 : i32
      %add3A_637 = arith.addi %add3A_636, %scan3A_188 : i32
      %swap3A_638 = arith.index_cast %add3A_637 : i32 to index
      %swap3A_639 = arith.constant 288 : index
      %swap3A_640 = tpu.vector_load %arg7[%swap3A_638, %swap3A_639] {strides = array<i32>} : memref<128x512xf32, #tpu.memory_space<vmem>>, vector<1x16xf32>,
      %swap3A_641 = vector.shape_cast %swap3A_640 : vector<1x16xf32> to vector<16xf32>
      %swap3A_642 = vector.shape_cast %add3A_635 : vector<16xf32> to vector<1x16xf32>
      tpu.vector_store %arg7[%swap3A_638, %swap3A_639], %swap3A_642 {strides = array<i32>} : memref<128x512xf32, #tpu.memory_space<vmem>>, vector<1x16xf32>,
      %get3A_643 = arith.index_cast %scan3A_188 : i32 to index
      %get3A_644 = arith.constant 304 : index
      %get3A_645 = tpu.vector_load %arg9[%get3A_643, %get3A_644] {strides = array<i32>} : memref<32x512xf32, #tpu.memory_space<vmem>>, vector<1x16xf32>,
      %get3A_646 = vector.shape_cast %get3A_645 : vector<1x16xf32> to vector<16xf32>
      %mul3A_647 = arith.constant 0.699999988 : f32
      %mul3A_648 = vector.broadcast %mul3A_647 : f32 to vector<16xf32>
      %mul3A_649 = arith.mulf %mul3A_648, %get3A_646 : vector<16xf32>
      %add3A_650 = arith.constant 96 : i32
      %add3A_651 = arith.addi %add3A_650, %scan3A_188 : i32
      %get3A_652 = arith.index_cast %add3A_651 : i32 to index
      %get3A_653 = arith.constant 304 : index
      %get3A_654 = tpu.vector_load %arg7[%get3A_652, %get3A_653] {strides = array<i32>} : memref<128x512xf32, #tpu.memory_space<vmem>>, vector<1x16xf32>,
      %get3A_655 = vector.shape_cast %get3A_654 : vector<1x16xf32> to vector<16xf32>
      %mul3A_656 = arith.constant 3.000000e-01 : f32
      %mul3A_657 = vector.broadcast %mul3A_656 : f32 to vector<16xf32>
      %mul3A_658 = arith.mulf %mul3A_657, %get3A_655 : vector<16xf32>
      %add3A_659 = arith.addf %mul3A_649, %mul3A_658 : vector<16xf32>
      %add3A_660 = arith.constant 96 : i32
      %add3A_661 = arith.addi %add3A_660, %scan3A_188 : i32
      %swap3A_662 = arith.index_cast %add3A_661 : i32 to index
      %swap3A_663 = arith.constant 304 : index
      %swap3A_664 = tpu.vector_load %arg7[%swap3A_662, %swap3A_663] {strides = array<i32>} : memref<128x512xf32, #tpu.memory_space<vmem>>, vector<1x16xf32>,
      %swap3A_665 = vector.shape_cast %swap3A_664 : vector<1x16xf32> to vector<16xf32>
      %swap3A_666 = vector.shape_cast %add3A_659 : vector<16xf32> to vector<1x16xf32>
      tpu.vector_store %arg7[%swap3A_662, %swap3A_663], %swap3A_666 {strides = array<i32>} : memref<128x512xf32, #tpu.memory_space<vmem>>, vector<1x16xf32>,
      %get3A_667 = arith.index_cast %scan3A_188 : i32 to index
      %get3A_668 = arith.constant 320 : index
      %get3A_669 = tpu.vector_load %arg9[%get3A_667, %get3A_668] {strides = array<i32>} : memref<32x512xf32, #tpu.memory_space<vmem>>, vector<1x16xf32>,
      %get3A_670 = vector.shape_cast %get3A_669 : vector<1x16xf32> to vector<16xf32>
      %mul3A_671 = arith.constant 0.699999988 : f32
      %mul3A_672 = vector.broadcast %mul3A_671 : f32 to vector<16xf32>
      %mul3A_673 = arith.mulf %mul3A_672, %get3A_670 : vector<16xf32>
      %add3A_674 = arith.constant 96 : i32
      %add3A_675 = arith.addi %add3A_674, %scan3A_188 : i32
      %get3A_676 = arith.index_cast %add3A_675 : i32 to index
      %get3A_677 = arith.constant 320 : index
      %get3A_678 = tpu.vector_load %arg7[%get3A_676, %get3A_677] {strides = array<i32>} : memref<128x512xf32, #tpu.memory_space<vmem>>, vector<1x16xf32>,
      %get3A_679 = vector.shape_cast %get3A_678 : vector<1x16xf32> to vector<16xf32>
      %mul3A_680 = arith.constant 3.000000e-01 : f32
      %mul3A_681 = vector.broadcast %mul3A_680 : f32 to vector<16xf32>
      %mul3A_682 = arith.mulf %mul3A_681, %get3A_679 : vector<16xf32>
      %add3A_683 = arith.addf %mul3A_673, %mul3A_682 : vector<16xf32>
      %add3A_684 = arith.constant 96 : i32
      %add3A_685 = arith.addi %add3A_684, %scan3A_188 : i32
      %swap3A_686 = arith.index_cast %add3A_685 : i32 to index
      %swap3A_687 = arith.constant 320 : index
      %swap3A_688 = tpu.vector_load %arg7[%swap3A_686, %swap3A_687] {strides = array<i32>} : memref<128x512xf32, #tpu.memory_space<vmem>>, vector<1x16xf32>,
      %swap3A_689 = vector.shape_cast %swap3A_688 : vector<1x16xf32> to vector<16xf32>
      %swap3A_690 = vector.shape_cast %add3A_683 : vector<16xf32> to vector<1x16xf32>
      tpu.vector_store %arg7[%swap3A_686, %swap3A_687], %swap3A_690 {strides = array<i32>} : memref<128x512xf32, #tpu.memory_space<vmem>>, vector<1x16xf32>,
      %get3A_691 = arith.index_cast %scan3A_188 : i32 to index
      %get3A_692 = arith.constant 336 : index
      %get3A_693 = tpu.vector_load %arg9[%get3A_691, %get3A_692] {strides = array<i32>} : memref<32x512xf32, #tpu.memory_space<vmem>>, vector<1x16xf32>,
      %get3A_694 = vector.shape_cast %get3A_693 : vector<1x16xf32> to vector<16xf32>
      %mul3A_695 = arith.constant 0.699999988 : f32
      %mul3A_696 = vector.broadcast %mul3A_695 : f32 to vector<16xf32>
      %mul3A_697 = arith.mulf %mul3A_696, %get3A_694 : vector<16xf32>
      %add3A_698 = arith.constant 96 : i32
      %add3A_699 = arith.addi %add3A_698, %scan3A_188 : i32
      %get3A_700 = arith.index_cast %add3A_699 : i32 to index
      %get3A_701 = arith.constant 336 : index
      %get3A_702 = tpu.vector_load %arg7[%get3A_700, %get3A_701] {strides = array<i32>} : memref<128x512xf32, #tpu.memory_space<vmem>>, vector<1x16xf32>,
      %get3A_703 = vector.shape_cast %get3A_702 : vector<1x16xf32> to vector<16xf32>
      %mul3A_704 = arith.constant 3.000000e-01 : f32
      %mul3A_705 = vector.broadcast %mul3A_704 : f32 to vector<16xf32>
      %mul3A_706 = arith.mulf %mul3A_705, %get3A_703 : vector<16xf32>
      %add3A_707 = arith.addf %mul3A_697, %mul3A_706 : vector<16xf32>
      %add3A_708 = arith.constant 96 : i32
      %add3A_709 = arith.addi %add3A_708, %scan3A_188 : i32
      %swap3A_710 = arith.index_cast %add3A_709 : i32 to index
      %swap3A_711 = arith.constant 336 : index
      %swap3A_712 = tpu.vector_load %arg7[%swap3A_710, %swap3A_711] {strides = array<i32>} : memref<128x512xf32, #tpu.memory_space<vmem>>, vector<1x16xf32>,
      %swap3A_713 = vector.shape_cast %swap3A_712 : vector<1x16xf32> to vector<16xf32>
      %swap3A_714 = vector.shape_cast %add3A_707 : vector<16xf32> to vector<1x16xf32>
      tpu.vector_store %arg7[%swap3A_710, %swap3A_711], %swap3A_714 {strides = array<i32>} : memref<128x512xf32, #tpu.memory_space<vmem>>, vector<1x16xf32>,
      %get3A_715 = arith.index_cast %scan3A_188 : i32 to index
      %get3A_716 = arith.constant 352 : index
      %get3A_717 = tpu.vector_load %arg9[%get3A_715, %get3A_716] {strides = array<i32>} : memref<32x512xf32, #tpu.memory_space<vmem>>, vector<1x16xf32>,
      %get3A_718 = vector.shape_cast %get3A_717 : vector<1x16xf32> to vector<16xf32>
      %mul3A_719 = arith.constant 0.699999988 : f32
      %mul3A_720 = vector.broadcast %mul3A_719 : f32 to vector<16xf32>
      %mul3A_721 = arith.mulf %mul3A_720, %get3A_718 : vector<16xf32>
      %add3A_722 = arith.constant 96 : i32
      %add3A_723 = arith.addi %add3A_722, %scan3A_188 : i32
      %get3A_724 = arith.index_cast %add3A_723 : i32 to index
      %get3A_725 = arith.constant 352 : index
      %get3A_726 = tpu.vector_load %arg7[%get3A_724, %get3A_725] {strides = array<i32>} : memref<128x512xf32, #tpu.memory_space<vmem>>, vector<1x16xf32>,
      %get3A_727 = vector.shape_cast %get3A_726 : vector<1x16xf32> to vector<16xf32>
      %mul3A_728 = arith.constant 3.000000e-01 : f32
      %mul3A_729 = vector.broadcast %mul3A_728 : f32 to vector<16xf32>
      %mul3A_730 = arith.mulf %mul3A_729, %get3A_727 : vector<16xf32>
      %add3A_731 = arith.addf %mul3A_721, %mul3A_730 : vector<16xf32>
      %add3A_732 = arith.constant 96 : i32
      %add3A_733 = arith.addi %add3A_732, %scan3A_188 : i32
      %swap3A_734 = arith.index_cast %add3A_733 : i32 to index
      %swap3A_735 = arith.constant 352 : index
      %swap3A_736 = tpu.vector_load %arg7[%swap3A_734, %swap3A_735] {strides = array<i32>} : memref<128x512xf32, #tpu.memory_space<vmem>>, vector<1x16xf32>,
      %swap3A_737 = vector.shape_cast %swap3A_736 : vector<1x16xf32> to vector<16xf32>
      %swap3A_738 = vector.shape_cast %add3A_731 : vector<16xf32> to vector<1x16xf32>
      tpu.vector_store %arg7[%swap3A_734, %swap3A_735], %swap3A_738 {strides = array<i32>} : memref<128x512xf32, #tpu.memory_space<vmem>>, vector<1x16xf32>,
      %get3A_739 = arith.index_cast %scan3A_188 : i32 to index
      %get3A_740 = arith.constant 368 : index
      %get3A_741 = tpu.vector_load %arg9[%get3A_739, %get3A_740] {strides = array<i32>} : memref<32x512xf32, #tpu.memory_space<vmem>>, vector<1x16xf32>,
      %get3A_742 = vector.shape_cast %get3A_741 : vector<1x16xf32> to vector<16xf32>
      %mul3A_743 = arith.constant 0.699999988 : f32
      %mul3A_744 = vector.broadcast %mul3A_743 : f32 to vector<16xf32>
      %mul3A_745 = arith.mulf %mul3A_744, %get3A_742 : vector<16xf32>
      %add3A_746 = arith.constant 96 : i32
      %add3A_747 = arith.addi %add3A_746, %scan3A_188 : i32
      %get3A_748 = arith.index_cast %add3A_747 : i32 to index
      %get3A_749 = arith.constant 368 : index
      %get3A_750 = tpu.vector_load %arg7[%get3A_748, %get3A_749] {strides = array<i32>} : memref<128x512xf32, #tpu.memory_space<vmem>>, vector<1x16xf32>,
      %get3A_751 = vector.shape_cast %get3A_750 : vector<1x16xf32> to vector<16xf32>
      %mul3A_752 = arith.constant 3.000000e-01 : f32
      %mul3A_753 = vector.broadcast %mul3A_752 : f32 to vector<16xf32>
      %mul3A_754 = arith.mulf %mul3A_753, %get3A_751 : vector<16xf32>
      %add3A_755 = arith.addf %mul3A_745, %mul3A_754 : vector<16xf32>
      %add3A_756 = arith.constant 96 : i32
      %add3A_757 = arith.addi %add3A_756, %scan3A_188 : i32
      %swap3A_758 = arith.index_cast %add3A_757 : i32 to index
      %swap3A_759 = arith.constant 368 : index
      %swap3A_760 = tpu.vector_load %arg7[%swap3A_758, %swap3A_759] {strides = array<i32>} : memref<128x512xf32, #tpu.memory_space<vmem>>, vector<1x16xf32>,
      %swap3A_761 = vector.shape_cast %swap3A_760 : vector<1x16xf32> to vector<16xf32>
      %swap3A_762 = vector.shape_cast %add3A_755 : vector<16xf32> to vector<1x16xf32>
      tpu.vector_store %arg7[%swap3A_758, %swap3A_759], %swap3A_762 {strides = array<i32>} : memref<128x512xf32, #tpu.memory_space<vmem>>, vector<1x16xf32>,
      %get3A_763 = arith.index_cast %scan3A_188 : i32 to index
      %get3A_764 = arith.constant 384 : index
      %get3A_765 = tpu.vector_load %arg9[%get3A_763, %get3A_764] {strides = array<i32>} : memref<32x512xf32, #tpu.memory_space<vmem>>, vector<1x16xf32>,
      %get3A_766 = vector.shape_cast %get3A_765 : vector<1x16xf32> to vector<16xf32>
      %mul3A_767 = arith.constant 0.699999988 : f32
      %mul3A_768 = vector.broadcast %mul3A_767 : f32 to vector<16xf32>
      %mul3A_769 = arith.mulf %mul3A_768, %get3A_766 : vector<16xf32>
      %add3A_770 = arith.constant 96 : i32
      %add3A_771 = arith.addi %add3A_770, %scan3A_188 : i32
      %get3A_772 = arith.index_cast %add3A_771 : i32 to index
      %get3A_773 = arith.constant 384 : index
      %get3A_774 = tpu.vector_load %arg7[%get3A_772, %get3A_773] {strides = array<i32>} : memref<128x512xf32, #tpu.memory_space<vmem>>, vector<1x16xf32>,
      %get3A_775 = vector.shape_cast %get3A_774 : vector<1x16xf32> to vector<16xf32>
      %mul3A_776 = arith.constant 3.000000e-01 : f32
      %mul3A_777 = vector.broadcast %mul3A_776 : f32 to vector<16xf32>
      %mul3A_778 = arith.mulf %mul3A_777, %get3A_775 : vector<16xf32>
      %add3A_779 = arith.addf %mul3A_769, %mul3A_778 : vector<16xf32>
      %add3A_780 = arith.constant 96 : i32
      %add3A_781 = arith.addi %add3A_780, %scan3A_188 : i32
      %swap3A_782 = arith.index_cast %add3A_781 : i32 to index
      %swap3A_783 = arith.constant 384 : index
      %swap3A_784 = tpu.vector_load %arg7[%swap3A_782, %swap3A_783] {strides = array<i32>} : memref<128x512xf32, #tpu.memory_space<vmem>>, vector<1x16xf32>,
      %swap3A_785 = vector.shape_cast %swap3A_784 : vector<1x16xf32> to vector<16xf32>
      %swap3A_786 = vector.shape_cast %add3A_779 : vector<16xf32> to vector<1x16xf32>
      tpu.vector_store %arg7[%swap3A_782, %swap3A_783], %swap3A_786 {strides = array<i32>} : memref<128x512xf32, #tpu.memory_space<vmem>>, vector<1x16xf32>,
      %get3A_787 = arith.index_cast %scan3A_188 : i32 to index
      %get3A_788 = arith.constant 400 : index
      %get3A_789 = tpu.vector_load %arg9[%get3A_787, %get3A_788] {strides = array<i32>} : memref<32x512xf32, #tpu.memory_space<vmem>>, vector<1x16xf32>,
      %get3A_790 = vector.shape_cast %get3A_789 : vector<1x16xf32> to vector<16xf32>
      %mul3A_791 = arith.constant 0.699999988 : f32
      %mul3A_792 = vector.broadcast %mul3A_791 : f32 to vector<16xf32>
      %mul3A_793 = arith.mulf %mul3A_792, %get3A_790 : vector<16xf32>
      %add3A_794 = arith.constant 96 : i32
      %add3A_795 = arith.addi %add3A_794, %scan3A_188 : i32
      %get3A_796 = arith.index_cast %add3A_795 : i32 to index
      %get3A_797 = arith.constant 400 : index
      %get3A_798 = tpu.vector_load %arg7[%get3A_796, %get3A_797] {strides = array<i32>} : memref<128x512xf32, #tpu.memory_space<vmem>>, vector<1x16xf32>,
      %get3A_799 = vector.shape_cast %get3A_798 : vector<1x16xf32> to vector<16xf32>
      %mul3A_800 = arith.constant 3.000000e-01 : f32
      %mul3A_801 = vector.broadcast %mul3A_800 : f32 to vector<16xf32>
      %mul3A_802 = arith.mulf %mul3A_801, %get3A_799 : vector<16xf32>
      %add3A_803 = arith.addf %mul3A_793, %mul3A_802 : vector<16xf32>
      %add3A_804 = arith.constant 96 : i32
      %add3A_805 = arith.addi %add3A_804, %scan3A_188 : i32
      %swap3A_806 = arith.index_cast %add3A_805 : i32 to index
      %swap3A_807 = arith.constant 400 : index
      %swap3A_808 = tpu.vector_load %arg7[%swap3A_806, %swap3A_807] {strides = array<i32>} : memref<128x512xf32, #tpu.memory_space<vmem>>, vector<1x16xf32>,
      %swap3A_809 = vector.shape_cast %swap3A_808 : vector<1x16xf32> to vector<16xf32>
      %swap3A_810 = vector.shape_cast %add3A_803 : vector<16xf32> to vector<1x16xf32>
      tpu.vector_store %arg7[%swap3A_806, %swap3A_807], %swap3A_810 {strides = array<i32>} : memref<128x512xf32, #tpu.memory_space<vmem>>, vector<1x16xf32>,
      %get3A_811 = arith.index_cast %scan3A_188 : i32 to index
      %get3A_812 = arith.constant 416 : index
      %get3A_813 = tpu.vector_load %arg9[%get3A_811, %get3A_812] {strides = array<i32>} : memref<32x512xf32, #tpu.memory_space<vmem>>, vector<1x16xf32>,
      %get3A_814 = vector.shape_cast %get3A_813 : vector<1x16xf32> to vector<16xf32>
      %mul3A_815 = arith.constant 0.699999988 : f32
      %mul3A_816 = vector.broadcast %mul3A_815 : f32 to vector<16xf32>
      %mul3A_817 = arith.mulf %mul3A_816, %get3A_814 : vector<16xf32>
      %add3A_818 = arith.constant 96 : i32
      %add3A_819 = arith.addi %add3A_818, %scan3A_188 : i32
      %get3A_820 = arith.index_cast %add3A_819 : i32 to index
      %get3A_821 = arith.constant 416 : index
      %get3A_822 = tpu.vector_load %arg7[%get3A_820, %get3A_821] {strides = array<i32>} : memref<128x512xf32, #tpu.memory_space<vmem>>, vector<1x16xf32>,
      %get3A_823 = vector.shape_cast %get3A_822 : vector<1x16xf32> to vector<16xf32>
      %mul3A_824 = arith.constant 3.000000e-01 : f32
      %mul3A_825 = vector.broadcast %mul3A_824 : f32 to vector<16xf32>
      %mul3A_826 = arith.mulf %mul3A_825, %get3A_823 : vector<16xf32>
      %add3A_827 = arith.addf %mul3A_817, %mul3A_826 : vector<16xf32>
      %add3A_828 = arith.constant 96 : i32
      %add3A_829 = arith.addi %add3A_828, %scan3A_188 : i32
      %swap3A_830 = arith.index_cast %add3A_829 : i32 to index
      %swap3A_831 = arith.constant 416 : index
      %swap3A_832 = tpu.vector_load %arg7[%swap3A_830, %swap3A_831] {strides = array<i32>} : memref<128x512xf32, #tpu.memory_space<vmem>>, vector<1x16xf32>,
      %swap3A_833 = vector.shape_cast %swap3A_832 : vector<1x16xf32> to vector<16xf32>
      %swap3A_834 = vector.shape_cast %add3A_827 : vector<16xf32> to vector<1x16xf32>
      tpu.vector_store %arg7[%swap3A_830, %swap3A_831], %swap3A_834 {strides = array<i32>} : memref<128x512xf32, #tpu.memory_space<vmem>>, vector<1x16xf32>,
      %get3A_835 = arith.index_cast %scan3A_188 : i32 to index
      %get3A_836 = arith.constant 432 : index
      %get3A_837 = tpu.vector_load %arg9[%get3A_835, %get3A_836] {strides = array<i32>} : memref<32x512xf32, #tpu.memory_space<vmem>>, vector<1x16xf32>,
      %get3A_838 = vector.shape_cast %get3A_837 : vector<1x16xf32> to vector<16xf32>
      %mul3A_839 = arith.constant 0.699999988 : f32
      %mul3A_840 = vector.broadcast %mul3A_839 : f32 to vector<16xf32>
      %mul3A_841 = arith.mulf %mul3A_840, %get3A_838 : vector<16xf32>
      %add3A_842 = arith.constant 96 : i32
      %add3A_843 = arith.addi %add3A_842, %scan3A_188 : i32
      %get3A_844 = arith.index_cast %add3A_843 : i32 to index
      %get3A_845 = arith.constant 432 : index
      %get3A_846 = tpu.vector_load %arg7[%get3A_844, %get3A_845] {strides = array<i32>} : memref<128x512xf32, #tpu.memory_space<vmem>>, vector<1x16xf32>,
      %get3A_847 = vector.shape_cast %get3A_846 : vector<1x16xf32> to vector<16xf32>
      %mul3A_848 = arith.constant 3.000000e-01 : f32
      %mul3A_849 = vector.broadcast %mul3A_848 : f32 to vector<16xf32>
      %mul3A_850 = arith.mulf %mul3A_849, %get3A_847 : vector<16xf32>
      %add3A_851 = arith.addf %mul3A_841, %mul3A_850 : vector<16xf32>
      %add3A_852 = arith.constant 96 : i32
      %add3A_853 = arith.addi %add3A_852, %scan3A_188 : i32
      %swap3A_854 = arith.index_cast %add3A_853 : i32 to index
      %swap3A_855 = arith.constant 432 : index
      %swap3A_856 = tpu.vector_load %arg7[%swap3A_854, %swap3A_855] {strides = array<i32>} : memref<128x512xf32, #tpu.memory_space<vmem>>, vector<1x16xf32>,
      %swap3A_857 = vector.shape_cast %swap3A_856 : vector<1x16xf32> to vector<16xf32>
      %swap3A_858 = vector.shape_cast %add3A_851 : vector<16xf32> to vector<1x16xf32>
      tpu.vector_store %arg7[%swap3A_854, %swap3A_855], %swap3A_858 {strides = array<i32>} : memref<128x512xf32, #tpu.memory_space<vmem>>, vector<1x16xf32>,
      %get3A_859 = arith.index_cast %scan3A_188 : i32 to index
      %get3A_860 = arith.constant 448 : index
      %get3A_861 = tpu.vector_load %arg9[%get3A_859, %get3A_860] {strides = array<i32>} : memref<32x512xf32, #tpu.memory_space<vmem>>, vector<1x16xf32>,
      %get3A_862 = vector.shape_cast %get3A_861 : vector<1x16xf32> to vector<16xf32>
      %mul3A_863 = arith.constant 0.699999988 : f32
      %mul3A_864 = vector.broadcast %mul3A_863 : f32 to vector<16xf32>
      %mul3A_865 = arith.mulf %mul3A_864, %get3A_862 : vector<16xf32>
      %add3A_866 = arith.constant 96 : i32
      %add3A_867 = arith.addi %add3A_866, %scan3A_188 : i32
      %get3A_868 = arith.index_cast %add3A_867 : i32 to index
      %get3A_869 = arith.constant 448 : index
      %get3A_870 = tpu.vector_load %arg7[%get3A_868, %get3A_869] {strides = array<i32>} : memref<128x512xf32, #tpu.memory_space<vmem>>, vector<1x16xf32>,
      %get3A_871 = vector.shape_cast %get3A_870 : vector<1x16xf32> to vector<16xf32>
      %mul3A_872 = arith.constant 3.000000e-01 : f32
      %mul3A_873 = vector.broadcast %mul3A_872 : f32 to vector<16xf32>
      %mul3A_874 = arith.mulf %mul3A_873, %get3A_871 : vector<16xf32>
      %add3A_875 = arith.addf %mul3A_865, %mul3A_874 : vector<16xf32>
      %add3A_876 = arith.constant 96 : i32
      %add3A_877 = arith.addi %add3A_876, %scan3A_188 : i32
      %swap3A_878 = arith.index_cast %add3A_877 : i32 to index
      %swap3A_879 = arith.constant 448 : index
      %swap3A_880 = tpu.vector_load %arg7[%swap3A_878, %swap3A_879] {strides = array<i32>} : memref<128x512xf32, #tpu.memory_space<vmem>>, vector<1x16xf32>,
      %swap3A_881 = vector.shape_cast %swap3A_880 : vector<1x16xf32> to vector<16xf32>
      %swap3A_882 = vector.shape_cast %add3A_875 : vector<16xf32> to vector<1x16xf32>
      tpu.vector_store %arg7[%swap3A_878, %swap3A_879], %swap3A_882 {strides = array<i32>} : memref<128x512xf32, #tpu.memory_space<vmem>>, vector<1x16xf32>,
      %get3A_883 = arith.index_cast %scan3A_188 : i32 to index
      %get3A_884 = arith.constant 464 : index
      %get3A_885 = tpu.vector_load %arg9[%get3A_883, %get3A_884] {strides = array<i32>} : memref<32x512xf32, #tpu.memory_space<vmem>>, vector<1x16xf32>,
      %get3A_886 = vector.shape_cast %get3A_885 : vector<1x16xf32> to vector<16xf32>
      %mul3A_887 = arith.constant 0.699999988 : f32
      %mul3A_888 = vector.broadcast %mul3A_887 : f32 to vector<16xf32>
      %mul3A_889 = arith.mulf %mul3A_888, %get3A_886 : vector<16xf32>
      %add3A_890 = arith.constant 96 : i32
      %add3A_891 = arith.addi %add3A_890, %scan3A_188 : i32
      %get3A_892 = arith.index_cast %add3A_891 : i32 to index
      %get3A_893 = arith.constant 464 : index
      %get3A_894 = tpu.vector_load %arg7[%get3A_892, %get3A_893] {strides = array<i32>} : memref<128x512xf32, #tpu.memory_space<vmem>>, vector<1x16xf32>,
      %get3A_895 = vector.shape_cast %get3A_894 : vector<1x16xf32> to vector<16xf32>
      %mul3A_896 = arith.constant 3.000000e-01 : f32
      %mul3A_897 = vector.broadcast %mul3A_896 : f32 to vector<16xf32>
      %mul3A_898 = arith.mulf %mul3A_897, %get3A_895 : vector<16xf32>
      %add3A_899 = arith.addf %mul3A_889, %mul3A_898 : vector<16xf32>
      %add3A_900 = arith.constant 96 : i32
      %add3A_901 = arith.addi %add3A_900, %scan3A_188 : i32
      %swap3A_902 = arith.index_cast %add3A_901 : i32 to index
      %swap3A_903 = arith.constant 464 : index
      %swap3A_904 = tpu.vector_load %arg7[%swap3A_902, %swap3A_903] {strides = array<i32>} : memref<128x512xf32, #tpu.memory_space<vmem>>, vector<1x16xf32>,
      %swap3A_905 = vector.shape_cast %swap3A_904 : vector<1x16xf32> to vector<16xf32>
      %swap3A_906 = vector.shape_cast %add3A_899 : vector<16xf32> to vector<1x16xf32>
      tpu.vector_store %arg7[%swap3A_902, %swap3A_903], %swap3A_906 {strides = array<i32>} : memref<128x512xf32, #tpu.memory_space<vmem>>, vector<1x16xf32>,
      %get3A_907 = arith.index_cast %scan3A_188 : i32 to index
      %get3A_908 = arith.constant 480 : index
      %get3A_909 = tpu.vector_load %arg9[%get3A_907, %get3A_908] {strides = array<i32>} : memref<32x512xf32, #tpu.memory_space<vmem>>, vector<1x16xf32>,
      %get3A_910 = vector.shape_cast %get3A_909 : vector<1x16xf32> to vector<16xf32>
      %mul3A_911 = arith.constant 0.699999988 : f32
      %mul3A_912 = vector.broadcast %mul3A_911 : f32 to vector<16xf32>
      %mul3A_913 = arith.mulf %mul3A_912, %get3A_910 : vector<16xf32>
      %add3A_914 = arith.constant 96 : i32
      %add3A_915 = arith.addi %add3A_914, %scan3A_188 : i32
      %get3A_916 = arith.index_cast %add3A_915 : i32 to index
      %get3A_917 = arith.constant 480 : index
      %get3A_918 = tpu.vector_load %arg7[%get3A_916, %get3A_917] {strides = array<i32>} : memref<128x512xf32, #tpu.memory_space<vmem>>, vector<1x16xf32>,
      %get3A_919 = vector.shape_cast %get3A_918 : vector<1x16xf32> to vector<16xf32>
      %mul3A_920 = arith.constant 3.000000e-01 : f32
      %mul3A_921 = vector.broadcast %mul3A_920 : f32 to vector<16xf32>
      %mul3A_922 = arith.mulf %mul3A_921, %get3A_919 : vector<16xf32>
      %add3A_923 = arith.addf %mul3A_913, %mul3A_922 : vector<16xf32>
      %add3A_924 = arith.constant 96 : i32
      %add3A_925 = arith.addi %add3A_924, %scan3A_188 : i32
      %swap3A_926 = arith.index_cast %add3A_925 : i32 to index
      %swap3A_927 = arith.constant 480 : index
      %swap3A_928 = tpu.vector_load %arg7[%swap3A_926, %swap3A_927] {strides = array<i32>} : memref<128x512xf32, #tpu.memory_space<vmem>>, vector<1x16xf32>,
      %swap3A_929 = vector.shape_cast %swap3A_928 : vector<1x16xf32> to vector<16xf32>
      %swap3A_930 = vector.shape_cast %add3A_923 : vector<16xf32> to vector<1x16xf32>
      tpu.vector_store %arg7[%swap3A_926, %swap3A_927], %swap3A_930 {strides = array<i32>} : memref<128x512xf32, #tpu.memory_space<vmem>>, vector<1x16xf32>,
      %get3A_931 = arith.index_cast %scan3A_188 : i32 to index
      %get3A_932 = arith.constant 496 : index
      %get3A_933 = tpu.vector_load %arg9[%get3A_931, %get3A_932] {strides = array<i32>} : memref<32x512xf32, #tpu.memory_space<vmem>>, vector<1x16xf32>,
      %get3A_934 = vector.shape_cast %get3A_933 : vector<1x16xf32> to vector<16xf32>
      %mul3A_935 = arith.constant 0.699999988 : f32
      %mul3A_936 = vector.broadcast %mul3A_935 : f32 to vector<16xf32>
      %mul3A_937 = arith.mulf %mul3A_936, %get3A_934 : vector<16xf32>
      %add3A_938 = arith.constant 96 : i32
      %add3A_939 = arith.addi %add3A_938, %scan3A_188 : i32
      %get3A_940 = arith.index_cast %add3A_939 : i32 to index
      %get3A_941 = arith.constant 496 : index
      %get3A_942 = tpu.vector_load %arg7[%get3A_940, %get3A_941] {strides = array<i32>} : memref<128x512xf32, #tpu.memory_space<vmem>>, vector<1x16xf32>,
      %get3A_943 = vector.shape_cast %get3A_942 : vector<1x16xf32> to vector<16xf32>
      %mul3A_944 = arith.constant 3.000000e-01 : f32
      %mul3A_945 = vector.broadcast %mul3A_944 : f32 to vector<16xf32>
      %mul3A_946 = arith.mulf %mul3A_945, %get3A_943 : vector<16xf32>
      %add3A_947 = arith.addf %mul3A_937, %mul3A_946 : vector<16xf32>
      %add3A_948 = arith.constant 96 : i32
      %add3A_949 = arith.addi %add3A_948, %scan3A_188 : i32
      %swap3A_950 = arith.index_cast %add3A_949 : i32 to index
      %swap3A_951 = arith.constant 496 : index
      %swap3A_952 = tpu.vector_load %arg7[%swap3A_950, %swap3A_951] {strides = array<i32>} : memref<128x512xf32, #tpu.memory_space<vmem>>, vector<1x16xf32>,
      %swap3A_953 = vector.shape_cast %swap3A_952 : vector<1x16xf32> to vector<16xf32>
      %swap3A_954 = vector.shape_cast %add3A_947 : vector<16xf32> to vector<1x16xf32>
      tpu.vector_store %arg7[%swap3A_950, %swap3A_951], %swap3A_954 {strides = array<i32>} : memref<128x512xf32, #tpu.memory_space<vmem>>, vector<1x16xf32>,
    }
    %scan3A_135 = arith.constant 32 : i32
    %add3A_136 = arith.constant 96 : i32
    %add3A_137 = arith.addi %mul3A_2, %add3A_136 : i32
    %dma_start3A_138 = arith.constant 96 : i32
    %dma_start3A_139 = arith.constant 0 : i32
    %dma_start3A_140 = tpu.memref_slice %arg7[%dma_start3A_138, %dma_start3A_139] : memref<128x512xf32, #tpu.memory_space<vmem>> -> memref<32x512xf32, #tpu.memory_space<vmem>>
    %dma_start3A_141 = arith.constant 0 : i32
    %dma_start3A_142 = tpu.memref_slice %arg5[%add3A_137, %dma_start3A_141] : memref<4096x512xf32, #tpu.memory_space<hbm>> -> memref<32x512xf32, #tpu.memory_space<hbm>>
    %dma_start3A_143 = arith.constant 0 : i32
    %dma_start3A_144 = tpu.memref_slice %arg5[%add3A_137, %dma_start3A_143] : memref<4096x512xf32, #tpu.memory_space<hbm>> -> memref<32x512xf32, #tpu.memory_space<hbm>>
    %dma_start3A_145 = arith.constant 96 : i32
    %dma_start3A_146 = arith.constant 0 : i32
    %dma_start3A_147 = tpu.memref_slice %arg7[%dma_start3A_145, %dma_start3A_146] : memref<128x512xf32, #tpu.memory_space<vmem>> -> memref<32x512xf32, #tpu.memory_space<vmem>>
    tpu.enqueue_dma source(%dma_start3A_147 : memref<32x512xf32, #tpu.memory_space<vmem>>) target(%dma_start3A_144 : memref<32x512xf32, #tpu.memory_space<hbm>>) target_semaphore(%arg17 : memref<!tpu.dma_semaphore, #tpu.memory_space<semaphore_mem>>)
    %dma_wait3A_148 = arith.constant 0 : i32
    %dma_wait3A_149 = arith.constant 0 : i32
    %dma_wait3A_150 = tpu.memref_slice %arg7[%dma_wait3A_148, %dma_wait3A_149] : memref<128x512xf32, #tpu.memory_space<vmem>> -> memref<32x512xf32, #tpu.memory_space<vmem>>
    %dma_wait3A_151 = arith.constant 0 : i32
    %dma_wait3A_152 = tpu.memref_slice %arg5[%add3A_57, %dma_wait3A_151] : memref<4096x512xf32, #tpu.memory_space<hbm>> -> memref<32x512xf32, #tpu.memory_space<hbm>>
    %dma_wait3A_153 = arith.constant 0 : i32
    %dma_wait3A_154 = tpu.memref_slice %arg5[%add3A_57, %dma_wait3A_153] : memref<4096x512xf32, #tpu.memory_space<hbm>> -> memref<32x512xf32, #tpu.memory_space<hbm>>
    %dma_wait3A_155 = arith.constant 0 : i32
    %dma_wait3A_156 = arith.constant 0 : i32
    %dma_wait3A_157 = tpu.memref_slice %arg7[%dma_wait3A_155, %dma_wait3A_156] : memref<128x512xf32, #tpu.memory_space<vmem>> -> memref<32x512xf32, #tpu.memory_space<vmem>>
    tpu.wait_dma2 semaphore(%arg14 : memref<!tpu.dma_semaphore, #tpu.memory_space<semaphore_mem>>) src(%dma_wait3A_157 : memref<32x512xf32, #tpu.memory_space<vmem>>) dst(%dma_wait3A_154 : memref<32x512xf32, #tpu.memory_space<hbm>>)
    %dma_wait3A_158 = arith.constant 32 : i32
    %dma_wait3A_159 = arith.constant 0 : i32
    %dma_wait3A_160 = tpu.memref_slice %arg7[%dma_wait3A_158, %dma_wait3A_159] : memref<128x512xf32, #tpu.memory_space<vmem>> -> memref<32x512xf32, #tpu.memory_space<vmem>>
    %dma_wait3A_161 = arith.constant 0 : i32
    %dma_wait3A_162 = tpu.memref_slice %arg5[%add3A_85, %dma_wait3A_161] : memref<4096x512xf32, #tpu.memory_space<hbm>> -> memref<32x512xf32, #tpu.memory_space<hbm>>
    %dma_wait3A_163 = arith.constant 0 : i32
    %dma_wait3A_164 = tpu.memref_slice %arg5[%add3A_85, %dma_wait3A_163] : memref<4096x512xf32, #tpu.memory_space<hbm>> -> memref<32x512xf32, #tpu.memory_space<hbm>>
    %dma_wait3A_165 = arith.constant 32 : i32
    %dma_wait3A_166 = arith.constant 0 : i32
    %dma_wait3A_167 = tpu.memref_slice %arg7[%dma_wait3A_165, %dma_wait3A_166] : memref<128x512xf32, #tpu.memory_space<vmem>> -> memref<32x512xf32, #tpu.memory_space<vmem>>
    tpu.wait_dma2 semaphore(%arg15 : memref<!tpu.dma_semaphore, #tpu.memory_space<semaphore_mem>>) src(%dma_wait3A_167 : memref<32x512xf32, #tpu.memory_space<vmem>>) dst(%dma_wait3A_164 : memref<32x512xf32, #tpu.memory_space<hbm>>)
    %dma_wait3A_168 = arith.constant 64 : i32
    %dma_wait3A_169 = arith.constant 0 : i32
    %dma_wait3A_170 = tpu.memref_slice %arg7[%dma_wait3A_168, %dma_wait3A_169] : memref<128x512xf32, #tpu.memory_space<vmem>> -> memref<32x512xf32, #tpu.memory_space<vmem>>
    %dma_wait3A_171 = arith.constant 0 : i32
    %dma_wait3A_172 = tpu.memref_slice %arg5[%add3A_115, %dma_wait3A_171] : memref<4096x512xf32, #tpu.memory_space<hbm>> -> memref<32x512xf32, #tpu.memory_space<hbm>>
    %dma_wait3A_173 = arith.constant 0 : i32
    %dma_wait3A_174 = tpu.memref_slice %arg5[%add3A_115, %dma_wait3A_173] : memref<4096x512xf32, #tpu.memory_space<hbm>> -> memref<32x512xf32, #tpu.memory_space<hbm>>
    %dma_wait3A_175 = arith.constant 64 : i32
    %dma_wait3A_176 = arith.constant 0 : i32
    %dma_wait3A_177 = tpu.memref_slice %arg7[%dma_wait3A_175, %dma_wait3A_176] : memref<128x512xf32, #tpu.memory_space<vmem>> -> memref<32x512xf32, #tpu.memory_space<vmem>>
    tpu.wait_dma2 semaphore(%arg16 : memref<!tpu.dma_semaphore, #tpu.memory_space<semaphore_mem>>) src(%dma_wait3A_177 : memref<32x512xf32, #tpu.memory_space<vmem>>) dst(%dma_wait3A_174 : memref<32x512xf32, #tpu.memory_space<hbm>>)
    %dma_wait3A_178 = arith.constant 96 : i32
    %dma_wait3A_179 = arith.constant 0 : i32
    %dma_wait3A_180 = tpu.memref_slice %arg7[%dma_wait3A_178, %dma_wait3A_179] : memref<128x512xf32, #tpu.memory_space<vmem>> -> memref<32x512xf32, #tpu.memory_space<vmem>>
    %dma_wait3A_181 = arith.constant 0 : i32
    %dma_wait3A_182 = tpu.memref_slice %arg5[%add3A_137, %dma_wait3A_181] : memref<4096x512xf32, #tpu.memory_space<hbm>> -> memref<32x512xf32, #tpu.memory_space<hbm>>
    %dma_wait3A_183 = arith.constant 0 : i32
    %dma_wait3A_184 = tpu.memref_slice %arg5[%add3A_137, %dma_wait3A_183] : memref<4096x512xf32, #tpu.memory_space<hbm>> -> memref<32x512xf32, #tpu.memory_space<hbm>>
    %dma_wait3A_185 = arith.constant 96 : i32
    %dma_wait3A_186 = arith.constant 0 : i32
    %dma_wait3A_187 = tpu.memref_slice %arg7[%dma_wait3A_185, %dma_wait3A_186] : memref<128x512xf32, #tpu.memory_space<vmem>> -> memref<32x512xf32, #tpu.memory_space<vmem>>
    tpu.wait_dma2 semaphore(%arg17 : memref<!tpu.dma_semaphore, #tpu.memory_space<semaphore_mem>>) src(%dma_wait3A_187 : memref<32x512xf32, #tpu.memory_space<vmem>>) dst(%dma_wait3A_184 : memref<32x512xf32, #tpu.memory_space<hbm>>)
    return
  }
}

</mosaic_0001>

<sc_bundles>
// kernel: kernel.3.cloned.1.call-start
scs
__scs_entry_jumppad:
0x0: {  	(pc) =	sbr.rel $0x88, $3  }
0x1: {  	(tag) =	ssettag $0x0;
	lr =	simm.s32 $0x1  }
0x2: {  	[smem:$0x3F9D] =	sst lr;
	_ =	strace $0xD0000000  }
0x3: {  	_ = 	snop  }
0x4: {  	_ = 	snop  }
0x5: {  	_ = 	snop  }
0x6: {  	_ = 	snop  }
0x7: {  	_ = 	snop  }
__scs_overlays_trampoline_lowered:
0x8: {  	[smem:$0x3FAC] =	sst s0  }
0x9: {  	[smem:$0x3FAD] =	sst s1  }
0xa: {  	[smem:$0x3FAE] =	sst s2  }
0xb: {  	[smem:$0x3FAF] =	sst s3  }
0xc: {  	[smem:$0x3FB0] =	sst s4  }
0xd: {  	[smem:$0x3FB1] =	sst s5  }
0xe: {  	[smem:$0x3FB2] =	sst s6  }
0xf: {  	[smem:$0x3FB3] =	sst s7  }
0x10: {  	[smem:$0x3FB4] =	sst s8  }
0x11: {  	[smem:$0x3FB5] =	sst s9;
	s0 =	simm.s32 @!p0 $0x0  }
0x12: {  	s1 =	sld [smem:$0x3F9B];
	s0 =	simm.s32 @p0 $0x1  }
0x13: {  	[smem:$0x3FB6] =	sst s0;
	s0 =	simm.s32 @!p1 $0x0  }
0x14: {  	s2 =	sld [smem:$0x3F9A];
	s0 =	simm.s32 @p1 $0x1  }
0x15: {  	[smem:$0x3FB7] =	sst s0;
	s0 =	simm.s32 @!p2 $0x0  }
0x16: {  	s3 =	sld [smem:$0x3FDB];
	s0 =	simm.s32 @p2 $0x1  }
0x17: {  	s4 =	simm.s32 $0x1BF5;
	[smem:$0x3FB9] =	sst s0  }
0x18: {  	s0 =	sld [smem:$0x3F9C];
	_ =	swait.ge [sflag:s4], $0x0  }
0x19: {  	s7 =	sld [smem:$0x3F9D]  }
0x1a: {  	s8 =	sadd.s32 $0xFFFFE003, lr  }
0x1b: {  	s9 =	sadd.s32 $0xFFFFFEF7, lr;
	s5 =	simm.s32 $0xFFFFFFFF;
	p2 =	slt.u32 s8, $0xFFFFF086  }
0x1c: {  	p1 =	slt.u32 s9, $0xF7A;
	s5 =	simm.s32 @!p2 $0x0  }
0x1d: {  	s5 =	simm.s32 @p1 $0x1;
	p0 =	seq.s32 s7, s2  }
0x1e: {  	s7 =	smul.u32 @!p0 $0xF7A, s2;
	p2 =	seq.s32 @!p0 s5, $0x0  }
0x1f: {  	s9 =	smul.u32 $0xF7A, s1;
	s8 =	simm.s32 @!p0 $0x1BF5;
	p2 =	por !p2, p0  }
0x20: {  	[sflag:s8] =	ssyncset.s32 @!p0 $0xFFFFF086;
	s6 =	sadd.s32 @!p0 s3, s7;
	s7 =	simm.s32 @!p0 $0x108  }
0x21: {  	s3 =	sadd.s32 s3, s9;
	s6 =	sadd.s32 @!p0 $0x88, s6;
	s7 =	simm.s32 @p2 $0x1082  }
0x22: {  	[simem:s7], [sflag:s8] =	dma.local @!p0 [hbm:s6], $0xF7A  }
0x23: {  	s9 =	sor.u32 $0xD0000000, s2;
	s6 =	simm.s32 $0x108;
	_ =	swait.ge @!p0 [sflag:s8], $0x0  }
0x24: {  	s3 =	sadd.s32 $0x88, s3;
	s6 =	simm.s32 @!p1 $0x1082;
	[sflag:s4] =	ssyncset.s32 $0xFFFFF086  }
0x25: {  	[simem:s6], [sflag:s4] =	dma.local [hbm:s3], $0xF7A  }
0x26: {  	[smem:$0x3F9D] =	sst s1;
	(tag) =	ssettag s2;
	_ =	strace s9  }
0x27: {  	s1 =	sld [smem:$0x3FAD]  }
0x28: {  	s2 =	sld [smem:$0x3FAE]  }
0x29: {  	s4 =	sld [smem:$0x3FB0]  }
0x2a: {  	p0 =	seq.s32 s5, $0x0;
	s5 =	sld [smem:$0x3FB1]  }
0x2b: {  	s6 =	sld [smem:$0x3FB2]  }
0x2c: {  	s7 =	sld [smem:$0x3FB3]  }
0x2d: {  	s3 =	simm.s32 $0x108;
	s8 =	sld [smem:$0x3FB4]  }
0x2e: {  	s3 =	simm.s32 @!p0 $0x1082;
	s9 =	sld [smem:$0x3FB5]  }
0x2f: {  	lr =	sadd.s32 s0, s3;
	s0 =	sld [smem:$0x3FAC]  }
0x30: {  	s3 =	sld [smem:$0x3FAF]  }
0x31: {  	[smem:$0x3FB8] =	sst s10  }
0x32: {  	s10 =	sld [smem:$0x3FB6];
	_ =	sdelay $0x3  }
0x33: {  	p0 =	seq.s32 s10, $0x1;
	s10 =	sld [smem:$0x3FB8];
	_ =	sdelay $0x3  }
0x34: {  	[smem:$0x3FB8] =	sst s10  }
0x35: {  	s10 =	sld [smem:$0x3FB7];
	_ =	sdelay $0x3  }
0x36: {  	p1 =	seq.s32 s10, $0x1;
	s10 =	sld [smem:$0x3FB8];
	_ =	sdelay $0x3  }
0x37: {  	[smem:$0x3FB8] =	sst s10  }
0x38: {  	s10 =	sld [smem:$0x3FB9]  }
0x39: {  	_ = 	snop;
	(pc) =	sbr.ind lr, $3  }
0x3a: {  	_ = 	snop  }
0x3b: {  	_ = 	snop  }
0x3c: {  	p2 =	seq.s32 s10, $0x1;
	s10 =	sld [smem:$0x3FB8]  }
0x3d: {  	_ =	shalt  }
0x3e: {  	_ =	shalt  }
0x3f: {  	_ =	shalt  }
0x40: {  	_ =	shalt  }
0x41: {  	_ =	shalt  }
0x42: {  	_ =	shalt  }
0x43: {  	_ =	shalt  }
0x44: {  	_ =	shalt  }
0x45: {  	_ =	shalt  }
0x46: {  	_ =	shalt  }
0x47: {  	_ =	shalt  }
0x48: {  	_ =	shalt  }
0x49: {  	_ =	shalt  }
0x4a: {  	_ =	shalt  }
0x4b: {  	_ =	shalt  }
0x4c: {  	_ =	shalt  }
0x4d: {  	_ =	shalt  }
0x4e: {  	_ =	shalt  }
0x4f: {  	_ =	shalt  }
0x50: {  	_ =	shalt  }
0x51: {  	_ =	shalt  }
0x52: {  	_ =	shalt  }
0x53: {  	_ =	shalt  }
0x54: {  	_ =	shalt  }
0x55: {  	_ =	shalt  }
0x56: {  	_ =	shalt  }
0x57: {  	_ =	shalt  }
0x58: {  	_ =	shalt  }
0x59: {  	_ =	shalt  }
0x5a: {  	_ =	shalt  }
0x5b: {  	_ =	shalt  }
0x5c: {  	_ =	shalt  }
0x5d: {  	_ =	shalt  }
0x5e: {  	_ =	shalt  }
0x5f: {  	_ =	shalt  }
0x60: {  	_ =	shalt  }
0x61: {  	_ =	shalt  }
0x62: {  	_ =	shalt  }
0x63: {  	_ =	shalt  }
0x64: {  	_ =	shalt  }
0x65: {  	_ =	shalt  }
0x66: {  	_ =	shalt  }
0x67: {  	_ =	shalt  }
0x68: {  	_ =	shalt  }
0x69: {  	_ =	shalt  }
0x6a: {  	_ =	shalt  }
0x6b: {  	_ =	shalt  }
0x6c: {  	_ =	shalt  }
0x6d: {  	_ =	shalt  }
0x6e: {  	_ =	shalt  }
0x6f: {  	_ =	shalt  }
0x70: {  	_ =	shalt  }
0x71: {  	_ =	shalt  }
0x72: {  	_ =	shalt  }
0x73: {  	_ =	shalt  }
0x74: {  	_ =	shalt  }
0x75: {  	_ =	shalt  }
0x76: {  	_ =	shalt  }
0x77: {  	_ =	shalt  }
0x78: {  	_ =	shalt  }
0x79: {  	_ =	shalt  }
0x7a: {  	_ =	shalt  }
0x7b: {  	_ =	shalt  }
0x7c: {  	_ =	shalt  }
0x7d: {  	_ =	shalt  }
0x7e: {  	_ =	shalt  }
0x7f: {  	_ =	shalt  }
0x80: {  	_ =	shalt  }
0x81: {  	_ =	shalt  }
0x82: {  	_ =	shalt  }
0x83: {  	_ =	shalt  }
0x84: {  	_ =	shalt  }
0x85: {  	_ =	shalt  }
0x86: {  	_ =	shalt  }
0x87: {  	_ =	shalt  }
.Lfunc_end0:
.L_simem_size_0:
called_computation_lowered:
.L_overlay_start_0:
0x88: {  	s2 =	sld [smem:$0x3FD9]  }
0x89: {  	s3 =	sld [smem:$0x3FFE];
	_ =	sdelay $0x1  }
0x8a: {  	s1 =	srdreg.scid  }
0x8b: {  	s0 =	sand.u32 $0x1, s1  }
0x8c: {  	s17 =	sshll.u32 s0, $0xA;
	s2 =	sadd.s32 s3, s2  }
0x8d: {  	s2 =	sadd.s32 s2, s17  }
0x8e: {  	[smem:$0x3FC4] =	sst s2  }
0x8f: {  	_ = 	snop  }
0x90: {  	s2 =	sld [smem:$0x3FC9]  }
0x91: {  	s18 =	sld [smem:$0x3FC6]  }
0x92: {  	s4 =	sld [smem:$0x3FD0];
	(tm) =	ssettm $0x1  }
0x93: {  	s5 =	sld [smem:$0x3FFB];
	_ =	sdelay $0x3  }
0x94: {  	_ =	strace s5  }
0x95: {  	s5 =	sld [smem:$0x3FFC];
	_ =	sdelay $0x3  }
0x96: {  	_ =	strace s5  }
0x97: {  	s5 =	sld [smem:$0x3FFD];
	_ =	sdelay $0x3  }
0x98: {  	_ =	strace s5  }
0x99: {  	_ =	strace $0x8FFFFFFF  }
0x9a: {  	s19 =	sld [smem:$0x3FDB];
	_ =	sdelay $0x1  }
0x9b: {  	s6 =	simm.s32 $_scs_section_size  }
0x9c: {  	s7 =	simm.s32 $_size__tile_overlayer_lowered;
	s8 =	simm.s32 $_tile_overlayer_lowered  }
0x9d: {  	s22 =	simm.s32 $0x1BFF;
	s21 =	sshll.u32 s8, $0x1;
	s5 =	sadd.s32 s6, s19  }
0x9e: {  	s9 =	simm.s32 $0x0;
	s20 =	sshll.u32 s7, $0x1;
	s7 =	sadd.s32 s21, s5  }
0x9f: {  	[timem:s9], [sflag:s22] =	dma.local [hbm:s7], s20  }
0xa0: {  	_ =	swait.ge [sflag:s22], s20  }
0xa1: {  	s6 =	ssub.s32 $0x0, s20;
	[sflag:s22] =	ssyncset.done $0x0  }
0xa2: {  	[sflag:s22] =	ssyncadd.s32 s6;
	_ =	sdelay $0x1  }
0xa3: {  	s23 =	simm.s32 $0x1B8B  }
0xa4: {  	_ =	swait.ge [sflag:s23], $0x1  }
0xa5: {  	[sflag:s23] =	ssyncset.done $0x0  }
0xa6: {  	s25 =	simm.s32 $0x1B8E;
	s24 =	sld [smem:$0x3FFE];
	[sflag:s23] =	ssyncadd.s32 $0xFFFFFFFF  }
0xa7: {  	s26 =	simm.s32 $execute0_lowered;
	[smem:$0x3FD2] =	sst s25  }
0xa8: {  	s7 =	sshll.u32 s26, $0x1;
	_ =	strace $0x80000046;
	[dreg:$0x1] =	wrdreg $0xFFFFFFFF  }
0xa9: {  	s28 =	simm.s32 $_size_execute0_lowered;
	s5 =	sadd.s32 s5, s7;
	[dreg:$0x0] =	wrdreg $0x0  }
0xaa: {  	s7 =	sshll.u32 s28, $0x1;
	[dreg:$0x2] =	wrdreg s5  }
0xab: {  	[dreg:$0x3] =	wrdreg s7  }
0xac: {  	[dreg:$0x4] =	wrdreg $0xC0  }
0xad: {  	_ =	task [dreg:s9], $0x5FFFF  }
0xae: {  	[dreg:$0x1] =	wrdreg $0xFFFFFFFF  }
0xaf: {  	[dreg:$0x0] =	wrdreg $0x60  }
0xb0: {  	[dreg:$0x2] =	wrdreg s18  }
0xb1: {  	[dreg:$0x3] =	wrdreg s24  }
0xb2: {  	[dreg:$0x4] =	wrdreg s2  }
0xb3: {  	[dreg:$0x5] =	wrdreg s4  }
0xb4: {  	[dreg:$0x6] =	wrdreg $0x9  }
0xb5: {  	_ =	task.clear_ibuf [dreg:s9], $0x7FFFF;
	_ =	strace $0x90000046  }
0xb6: {  	s29 =	simm.s32 $0x9;
	_ =	strace $0x80000048  }
0xb7: {  	_ =	swait.ge [sflag:s29], $0x1  }
0xb8: {  	[sflag:s29] =	ssyncadd.s32 $0xFFFFFFFF  }
0xb9: {  	_ =	strace $0x90000048  }
0xba: {  	_ =	sfence  }
0xbb: {  	s30 =	sld [smem:$0x0];
	_ =	sdelay $0x2  }
0xbc: {  	s31 =	sshll.u32 s1, $0xD;
	s1 =	sshrl.u32 s1, $0x2  }
0xbd: {  	s3 =	sand.u32 $0x4000, s31;
	s1 =	sadd.s32 s1, s30  }
0xbe: {  	s0 =	sor.u32 s3, s0;
	s1 =	sshll.u32 s1, $0x11  }
0xbf: {  	s0 =	sor.u32 s1, s0  }
0xc0: {  	s0 =	sadd.s32 $0x8F2B, s0  }
0xc1: {  	[sflag:s0] =	ssyncadd.remote.s32 $0x1  }
0xc2: {  	_ =	sfence.sel $0xFFFF  }
0xc3: {  	[dreg:$0x0] =	wrdreg $0xFFFFFFFF;
	(pc) =	sbr.abs _section_cstart, $3  }
0xc4: {  	[dreg:$0x1] =	wrdreg $0xFFFFFFFF  }
0xc5: {  	_ =	task.clear_ibuf [dreg:s9], $0x2FFFF;
	_ =	strace $0x9FFFFFFF  }
0xc6: {  	(tm) =	ssettm $0x7FFFFFFF  }
0xc7: {  	_ =	shalt  }
tec
execute0_lowered:
.L_overlay_start_1:
0x0: {  	(tag) =	ssettag $0x1  }
0x1: {  	s1 =	rddreg [dreg:$0x0]  }
0x2: {  	s0 =	rddreg [dreg:$0x1]  }
0x3: {  	s2 =	rddreg [dreg:$0x2]  }
0x4: {  	s13 =	rddreg [dreg:$0x3]  }
0x5: {  	s4 =	srdreg.scid;
	s3 =	simm.s32 $0x0;
	s5 =	stileid.u32  }
0x6: {  	s17 =	simm.s32 $0x8;
	s18 =	simm.s32 $0x80;
	s20 =	simm.s32 $0x8080  }
0x7: {  	s30 =	simm.s32 $0xC080;
	s24 =	simm.s32 $0x1;
	s28 =	simm.s32 $0x4  }
0x8: {  	s29 =	simm.s32 $0x2;
	s31 =	simm.s32 $0x5;
	s19 =	simm.s32 $0x0  }
0x9: {  	s4 =	sand.u32 $0x1, s4;
	[smem:$0x7FF] =	sst s3;
	s5 =	sshll.u32 s5, $0x8  }
0xa: {  	s7 =	sadd.s32 $0x100, s1;
	s6 =	sshll.u32 s4, $0x7;
	s4 =	ssub.s32 $0x2, s4  }
0xb: {  	_ =	strace $0x80000047;
	s5 =	sor.u32 s6, s5;
	s25 =	sshrl.u32 s4, $0x1  }
0xc: {  	s6 =	sshrl.u32 s5, $0x3;
	s10 =	sshll.u32 s5, $0x6;
	s14 =	ssub.s32 s4, s25  }
0xd: {  	s25 =	simm.s32 $0x3;
	s0 =	sadd.s32 s6, s0;
	s11 =	sor.u32 $0x800, s10  }
0xe: {  	s4 =	sadd.s32 s2, s10;
	s26 =	sor.u32 $0x1000, s10;
	s9 =	sadd.s32 s13, s10  }
0xf: {  	s15 =	sor.u32 $0x1800, s10;
	s14 =	smax.u32 s14, $0x1;
	s5 =	sadd.s32 s2, s11  }
0x10: {  	v2 =	vlaneseq.u32;
	s6 =	sadd.s32 $0x400, s0;
	s8 =	sadd.s32 s2, s26;
	s10 =	sadd.s32 s2, s15  }
0x11: {  	vm0 =	vmmov $0xffff;
	v1 =	vshrl.u32 v2, $0x3;
	s11 =	sadd.s32 s13, s11;
	s12 =	sadd.s32 s13, s26;
	s13 =	sadd.s32 s13, s15  }
0x12: {  	v0 =	vand.u32 $0x7, v2;
	v2 =	vor.u32 $0x8, v2;
	v1 =	vmul.u32 $0x8, v1;
	s26 =	simm.s32 $0x4080;
	s0 =	simm.s32 $0x6;
	s2 =	simm.s32 $0x7  }
.LBB2_1:
0x13: {  	s15 =	simm.s32 $0x10080  }
0x14: {  	[tilespmem:s15], [sflag:$0x3] =	stream.linear.gather [hbm4b:s4+s3], $0x4000, $0x38;
	[tilespmem:$0x18080] =	vst v63  }
0x15: {  	s22 =	simm.s32 $0x14080  }
0x16: {  	[tilespmem:s22], [sflag:$0x4] =	stream.linear.gather [hbm4b:s5+s3], $0x4000, $0x38;
	[tilespmem:$0x18080] =	vst v63  }
0x17: {  	_ = 	snop  }
0x18: {  	[tilespmem:s3], [sflag:$0x8] =	stream.linear.gather [hbm4b:s6+s3], $0x80, $0x38;
	[tilespmem:$0x18080] =	vst v63  }
0x19: {  	_ =	swait.ge [sflag:s17], $0x80  }
0x1a: {  	[sflag:s17] =	ssyncset.done $0x0  }
0x1b: {  	[sflag:s17] =	ssyncadd.s32 $0xFFFFFF80  }
0x1c: {  	v3 =	vld [tilespmem:$0x0];
	_ =	sdelay $0x4  }
0x1d: {  	v4 =	vshll.u32 v3, $0x2  }
0x1e: {  	v3 =	vand.u32 $0x7, v3;
	v4 =	vand.u32 $0xFFFFFFE0, v4  }
0x1f: {  	v3 =	vor.u32 v3, v4  }
0x20: {  	v4 =	vperm.xlane v3, v0;
	_ =	sdelay $0x1  }
0x21: {  	v4 =	vadd.s32 v1, v4;
	_ =	sdelay $0x1  }
0x22: {  	v3 =	vperm.xlane v3, v2;
	_ =	sdelay $0x1  }
0x23: {  	v3 =	vadd.s32 v1, v3  }
0x24: {  	[tilespmem:s18], [sflag:$0x1] =	stream.indirect_vreg.gather [hbm4b:s1+s3], $0x80, v4, vm0, $0xb8;
	[tilespmem:$0x18080] =	vst v63  }
0x25: {  	s23 =	simm.s32 $0x880  }
0x26: {  	[tilespmem:s23], [sflag:$0x1] =	stream.indirect_vreg.gather [hbm4b:s7+s3], $0x80, v4, vm0, $0xb8;
	[tilespmem:$0x18080] =	vst v63  }
0x27: {  	s16 =	simm.s32 $0x1080  }
0x28: {  	[tilespmem:s16], [sflag:$0x1] =	stream.indirect_vreg.gather [hbm4b:s1+s3], $0x80, v3, vm0, $0xb8;
	[tilespmem:$0x18080] =	vst v63  }
0x29: {  	s21 =	simm.s32 $0x1880  }
0x2a: {  	[tilespmem:s21], [sflag:$0x1] =	stream.indirect_vreg.gather [hbm4b:s7+s3], $0x80, v3, vm0, $0xb8;
	[tilespmem:$0x18080] =	vst v63  }
0x2b: {  	v3 =	vld [tilespmem:$0x10];
	_ =	sdelay $0x4  }
0x2c: {  	v4 =	vshll.u32 v3, $0x2  }
0x2d: {  	v3 =	vand.u32 $0x7, v3;
	v4 =	vand.u32 $0xFFFFFFE0, v4  }
0x2e: {  	v3 =	vor.u32 v3, v4  }
0x2f: {  	v4 =	vperm.xlane v3, v0;
	_ =	sdelay $0x1  }
0x30: {  	v4 =	vadd.s32 v1, v4;
	_ =	sdelay $0x1  }
0x31: {  	v3 =	vperm.xlane v3, v2;
	_ =	sdelay $0x1  }
0x32: {  	s22 =	simm.s32 $0x2080;
	v3 =	vadd.s32 v1, v3  }
0x33: {  	[tilespmem:s22], [sflag:$0x1] =	stream.indirect_vreg.gather [hbm4b:s1+s3], $0x80, v4, vm0, $0xb8;
	[tilespmem:$0x18080] =	vst v63  }
0x34: {  	s23 =	simm.s32 $0x2880  }
0x35: {  	[tilespmem:s23], [sflag:$0x1] =	stream.indirect_vreg.gather [hbm4b:s7+s3], $0x80, v4, vm0, $0xb8;
	[tilespmem:$0x18080] =	vst v63  }
0x36: {  	s16 =	simm.s32 $0x3080  }
0x37: {  	[tilespmem:s16], [sflag:$0x1] =	stream.indirect_vreg.gather [hbm4b:s1+s3], $0x80, v3, vm0, $0xb8;
	[tilespmem:$0x18080] =	vst v63  }
0x38: {  	s21 =	simm.s32 $0x3880  }
0x39: {  	[tilespmem:s21], [sflag:$0x1] =	stream.indirect_vreg.gather [hbm4b:s7+s3], $0x80, v3, vm0, $0xb8;
	[tilespmem:$0x18080] =	vst v63  }
0x3a: {  	v3 =	vld [tilespmem:$0x20];
	_ =	sdelay $0x4  }
0x3b: {  	v4 =	vshll.u32 v3, $0x2  }
0x3c: {  	v3 =	vand.u32 $0x7, v3;
	v4 =	vand.u32 $0xFFFFFFE0, v4  }
0x3d: {  	v3 =	vor.u32 v3, v4  }
0x3e: {  	v4 =	vperm.xlane v3, v0;
	_ =	sdelay $0x1  }
0x3f: {  	v4 =	vadd.s32 v1, v4;
	_ =	sdelay $0x1  }
0x40: {  	v3 =	vperm.xlane v3, v2;
	_ =	sdelay $0x1  }
0x41: {  	v3 =	vadd.s32 v1, v3  }
0x42: {  	[tilespmem:s26], [sflag:$0x1] =	stream.indirect_vreg.gather [hbm4b:s1+s3], $0x80, v4, vm0, $0xb8;
	[tilespmem:$0x18080] =	vst v63  }
0x43: {  	s22 =	simm.s32 $0x4880  }
0x44: {  	[tilespmem:s22], [sflag:$0x1] =	stream.indirect_vreg.gather [hbm4b:s7+s3], $0x80, v4, vm0, $0xb8;
	[tilespmem:$0x18080] =	vst v63  }
0x45: {  	s23 =	simm.s32 $0x5080  }
0x46: {  	[tilespmem:s23], [sflag:$0x1] =	stream.indirect_vreg.gather [hbm4b:s1+s3], $0x80, v3, vm0, $0xb8;
	[tilespmem:$0x18080] =	vst v63  }
0x47: {  	s16 =	simm.s32 $0x5880  }
0x48: {  	[tilespmem:s16], [sflag:$0x1] =	stream.indirect_vreg.gather [hbm4b:s7+s3], $0x80, v3, vm0, $0xb8;
	[tilespmem:$0x18080] =	vst v63  }
0x49: {  	v3 =	vld [tilespmem:$0x30];
	_ =	sdelay $0x4  }
0x4a: {  	v4 =	vshll.u32 v3, $0x2  }
0x4b: {  	v3 =	vand.u32 $0x7, v3;
	v4 =	vand.u32 $0xFFFFFFE0, v4  }
0x4c: {  	v3 =	vor.u32 v3, v4  }
0x4d: {  	v4 =	vperm.xlane v3, v0;
	_ =	sdelay $0x1  }
0x4e: {  	v4 =	vadd.s32 v1, v4;
	_ =	sdelay $0x1  }
0x4f: {  	v3 =	vperm.xlane v3, v2;
	_ =	sdelay $0x1  }
0x50: {  	s21 =	simm.s32 $0x6080;
	v3 =	vadd.s32 v1, v3  }
0x51: {  	[tilespmem:s21], [sflag:$0x1] =	stream.indirect_vreg.gather [hbm4b:s1+s3], $0x80, v4, vm0, $0xb8;
	[tilespmem:$0x18080] =	vst v63  }
0x52: {  	s22 =	simm.s32 $0x6880  }
0x53: {  	[tilespmem:s22], [sflag:$0x1] =	stream.indirect_vreg.gather [hbm4b:s7+s3], $0x80, v4, vm0, $0xb8;
	[tilespmem:$0x18080] =	vst v63  }
0x54: {  	s23 =	simm.s32 $0x7080  }
0x55: {  	[tilespmem:s23], [sflag:$0x1] =	stream.indirect_vreg.gather [hbm4b:s1+s3], $0x80, v3, vm0, $0xb8;
	[tilespmem:$0x18080] =	vst v63  }
0x56: {  	s16 =	simm.s32 $0x7880  }
0x57: {  	[tilespmem:s16], [sflag:$0x1] =	stream.indirect_vreg.gather [hbm4b:s7+s3], $0x80, v3, vm0, $0xb8;
	[tilespmem:$0x18080] =	vst v63  }
0x58: {  	v3 =	vld [tilespmem:$0x40];
	_ =	sdelay $0x4  }
0x59: {  	v4 =	vshll.u32 v3, $0x2  }
0x5a: {  	v3 =	vand.u32 $0x7, v3;
	v4 =	vand.u32 $0xFFFFFFE0, v4  }
0x5b: {  	v3 =	vor.u32 v3, v4  }
0x5c: {  	v4 =	vperm.xlane v3, v0;
	_ =	sdelay $0x1  }
0x5d: {  	v4 =	vadd.s32 v1, v4;
	_ =	sdelay $0x1  }
0x5e: {  	v3 =	vperm.xlane v3, v2;
	_ =	sdelay $0x1  }
0x5f: {  	v3 =	vadd.s32 v1, v3  }
0x60: {  	[tilespmem:s20], [sflag:$0x2] =	stream.indirect_vreg.gather [hbm4b:s1+s3], $0x80, v4, vm0, $0xb8;
	[tilespmem:$0x18080] =	vst v63  }
0x61: {  	s21 =	simm.s32 $0x8880  }
0x62: {  	[tilespmem:s21], [sflag:$0x2] =	stream.indirect_vreg.gather [hbm4b:s7+s3], $0x80, v4, vm0, $0xb8;
	[tilespmem:$0x18080] =	vst v63  }
0x63: {  	s22 =	simm.s32 $0x9080  }
0x64: {  	[tilespmem:s22], [sflag:$0x2] =	stream.indirect_vreg.gather [hbm4b:s1+s3], $0x80, v3, vm0, $0xb8;
	[tilespmem:$0x18080] =	vst v63  }
0x65: {  	s23 =	simm.s32 $0x9880  }
0x66: {  	[tilespmem:s23], [sflag:$0x2] =	stream.indirect_vreg.gather [hbm4b:s7+s3], $0x80, v3, vm0, $0xb8;
	[tilespmem:$0x18080] =	vst v63  }
0x67: {  	v3 =	vld [tilespmem:$0x50];
	_ =	sdelay $0x4  }
0x68: {  	v4 =	vshll.u32 v3, $0x2  }
0x69: {  	v3 =	vand.u32 $0x7, v3;
	v4 =	vand.u32 $0xFFFFFFE0, v4  }
0x6a: {  	v3 =	vor.u32 v3, v4  }
0x6b: {  	v4 =	vperm.xlane v3, v0;
	_ =	sdelay $0x1  }
0x6c: {  	v4 =	vadd.s32 v1, v4;
	_ =	sdelay $0x1  }
0x6d: {  	v3 =	vperm.xlane v3, v2;
	_ =	sdelay $0x1  }
0x6e: {  	s16 =	simm.s32 $0xA080;
	v3 =	vadd.s32 v1, v3  }
0x6f: {  	[tilespmem:s16], [sflag:$0x2] =	stream.indirect_vreg.gather [hbm4b:s1+s3], $0x80, v4, vm0, $0xb8;
	[tilespmem:$0x18080] =	vst v63  }
0x70: {  	s21 =	simm.s32 $0xA880  }
0x71: {  	[tilespmem:s21], [sflag:$0x2] =	stream.indirect_vreg.gather [hbm4b:s7+s3], $0x80, v4, vm0, $0xb8;
	[tilespmem:$0x18080] =	vst v63  }
0x72: {  	s22 =	simm.s32 $0xB080  }
0x73: {  	[tilespmem:s22], [sflag:$0x2] =	stream.indirect_vreg.gather [hbm4b:s1+s3], $0x80, v3, vm0, $0xb8;
	[tilespmem:$0x18080] =	vst v63  }
0x74: {  	s23 =	simm.s32 $0xB880  }
0x75: {  	[tilespmem:s23], [sflag:$0x2] =	stream.indirect_vreg.gather [hbm4b:s7+s3], $0x80, v3, vm0, $0xb8;
	[tilespmem:$0x18080] =	vst v63  }
0x76: {  	v3 =	vld [tilespmem:$0x60];
	_ =	sdelay $0x4  }
0x77: {  	v4 =	vshll.u32 v3, $0x2  }
0x78: {  	v3 =	vand.u32 $0x7, v3;
	v4 =	vand.u32 $0xFFFFFFE0, v4  }
0x79: {  	v3 =	vor.u32 v3, v4  }
0x7a: {  	v4 =	vperm.xlane v3, v0;
	_ =	sdelay $0x1  }
0x7b: {  	v4 =	vadd.s32 v1, v4;
	_ =	sdelay $0x1  }
0x7c: {  	v3 =	vperm.xlane v3, v2;
	_ =	sdelay $0x1  }
0x7d: {  	v3 =	vadd.s32 v1, v3  }
0x7e: {  	[tilespmem:s30], [sflag:$0x2] =	stream.indirect_vreg.gather [hbm4b:s1+s3], $0x80, v4, vm0, $0xb8;
	[tilespmem:$0x18080] =	vst v63  }
0x7f: {  	s16 =	simm.s32 $0xC880  }
0x80: {  	[tilespmem:s16], [sflag:$0x2] =	stream.indirect_vreg.gather [hbm4b:s7+s3], $0x80, v4, vm0, $0xb8;
	[tilespmem:$0x18080] =	vst v63  }
0x81: {  	s21 =	simm.s32 $0xD080  }
0x82: {  	[tilespmem:s21], [sflag:$0x2] =	stream.indirect_vreg.gather [hbm4b:s1+s3], $0x80, v3, vm0, $0xb8;
	[tilespmem:$0x18080] =	vst v63  }
0x83: {  	s22 =	simm.s32 $0xD880  }
0x84: {  	[tilespmem:s22], [sflag:$0x2] =	stream.indirect_vreg.gather [hbm4b:s7+s3], $0x80, v3, vm0, $0xb8;
	[tilespmem:$0x18080] =	vst v63  }
0x85: {  	v3 =	vld [tilespmem:$0x70];
	_ =	sdelay $0x4  }
0x86: {  	v4 =	vshll.u32 v3, $0x2  }
0x87: {  	v3 =	vand.u32 $0x7, v3;
	v4 =	vand.u32 $0xFFFFFFE0, v4  }
0x88: {  	v3 =	vor.u32 v3, v4  }
0x89: {  	v4 =	vperm.xlane v3, v0;
	_ =	sdelay $0x1  }
0x8a: {  	v4 =	vadd.s32 v1, v4;
	_ =	sdelay $0x1  }
0x8b: {  	v3 =	vperm.xlane v3, v2;
	_ =	sdelay $0x1  }
0x8c: {  	s23 =	simm.s32 $0xE080;
	v3 =	vadd.s32 v1, v3  }
0x8d: {  	[tilespmem:s23], [sflag:$0x2] =	stream.indirect_vreg.gather [hbm4b:s1+s3], $0x80, v4, vm0, $0xb8;
	[tilespmem:$0x18080] =	vst v63  }
0x8e: {  	s16 =	simm.s32 $0xE880  }
0x8f: {  	[tilespmem:s16], [sflag:$0x2] =	stream.indirect_vreg.gather [hbm4b:s7+s3], $0x80, v4, vm0, $0xb8;
	[tilespmem:$0x18080] =	vst v63  }
0x90: {  	s21 =	simm.s32 $0xF080  }
0x91: {  	[tilespmem:s21], [sflag:$0x2] =	stream.indirect_vreg.gather [hbm4b:s1+s3], $0x80, v3, vm0, $0xb8;
	[tilespmem:$0x18080] =	vst v63  }
0x92: {  	s22 =	simm.s32 $0xF880  }
0x93: {  	[tilespmem:s22], [sflag:$0x2] =	stream.indirect_vreg.gather [hbm4b:s7+s3], $0x80, v3, vm0, $0xb8;
	[tilespmem:$0x18080] =	vst v63  }
0x94: {  	_ =	swait.ge [sflag:s24], $0x8000  }
0x95: {  	[sflag:s24] =	ssyncset.done $0x0  }
0x96: {  	[sflag:s24] =	ssyncadd.s32 $0xFFFF8000  }
0x97: {  	_ =	swait.ge [sflag:s25], $0x4000  }
0x98: {  	s23 =	sand.u32 $0x3000, s3;
	s21 =	sand.u32 $0x380, s3;
	[sflag:s25] =	ssyncset.done $0x0  }
0x99: {  	s21 =	sor.u32 s21, s23;
	[sflag:s25] =	ssyncadd.s32 $0xFFFFC000  }
0x9a: {  	v9 =	vld [tilespmem:s21+$0x10080]  }
0x9b: {  	v10 =	vld [tilespmem:s21+$0x10090]  }
0x9c: {  	v11 =	vld [tilespmem:s21+$0x100A0]  }
0x9d: {  	v12 =	vld [tilespmem:s21+$0x100B0]  }
0x9e: {  	v13 =	vld [tilespmem:s21+$0x100C0]  }
0x9f: {  	v14 =	vld [tilespmem:s21+$0x100D0]  }
0xa0: {  	v15 =	vld [tilespmem:s21+$0x100E0]  }
0xa1: {  	v16 =	vld [tilespmem:s21+$0x100F0]  }
0xa2: {  	v17 =	vld [tilespmem:s21+$0x10480]  }
0xa3: {  	v18 =	vld [tilespmem:s21+$0x10490]  }
0xa4: {  	v19 =	vld [tilespmem:s21+$0x104A0]  }
0xa5: {  	v20 =	vld [tilespmem:s21+$0x104B0]  }
0xa6: {  	v21 =	vld [tilespmem:s21+$0x104C0]  }
0xa7: {  	v22 =	vld [tilespmem:s21+$0x104D0]  }
0xa8: {  	v23 =	vld [tilespmem:s21+$0x104E0]  }
0xa9: {  	v24 =	vld [tilespmem:s21+$0x104F0]  }
0xaa: {  	v25 =	vld [tilespmem:s21+$0x10880]  }
0xab: {  	v26 =	vld [tilespmem:s21+$0x10890]  }
0xac: {  	v27 =	vld [tilespmem:s21+$0x108A0]  }
0xad: {  	v28 =	vld [tilespmem:s21+$0x108B0]  }
0xae: {  	v29 =	vld [tilespmem:s21+$0x108C0]  }
0xaf: {  	v30 =	vld [tilespmem:s21+$0x108D0]  }
0xb0: {  	v31 =	vld [tilespmem:s21+$0x108E0]  }
0xb1: {  	v32 =	vld [tilespmem:s21+$0x108F0]  }
0xb2: {  	v33 =	vld [tilespmem:s21+$0x10C80]  }
0xb3: {  	v34 =	vld [tilespmem:s21+$0x10C90]  }
0xb4: {  	v8 =	vld [tilespmem:s21+$0x10CA0]  }
0xb5: {  	v7 =	vld [tilespmem:s21+$0x10CB0]  }
0xb6: {  	v6 =	vld [tilespmem:s21+$0x10CC0]  }
0xb7: {  	v5 =	vld [tilespmem:s21+$0x10CD0]  }
0xb8: {  	v4 =	vld [tilespmem:s21+$0x10CE0]  }
0xb9: {  	v3 =	vld [tilespmem:s21+$0x10CF0]  }
0xba: {  	v35 =	vld [tilespmem:s21+$0x80]  }
0xbb: {  	v36 =	vld [tilespmem:s21+$0x90]  }
0xbc: {  	v37 =	vld [tilespmem:s21+$0xA0]  }
0xbd: {  	v38 =	vld [tilespmem:s21+$0xB0]  }
0xbe: {  	v39 =	vld [tilespmem:s21+$0xC0];
	v9 =	vmul.f32 $6.999999880e-01, v9  }
0xbf: {  	v40 =	vld [tilespmem:s21+$0xD0];
	v10 =	vmul.f32 $6.999999880e-01, v10;
	v35 =	vmul.f32 $3.000000120e-01, v35  }
0xc0: {  	v41 =	vld [tilespmem:s21+$0xE0];
	v11 =	vmul.f32 $6.999999880e-01, v11;
	v36 =	vmul.f32 $3.000000120e-01, v36  }
0xc1: {  	v59 =	vld [tilespmem:s21+$0xF0];
	v12 =	vmul.f32 $6.999999880e-01, v12;
	v58 =	vmul.f32 $3.000000120e-01, v37;
	v9 =	vadd.f32 v35, v9  }
0xc2: {  	s22 =	simm.s32 $0x200;
	v61 =	vld [tilespmem:s21+$0x480];
	v13 =	vmul.f32 $6.999999880e-01, v13;
	v60 =	vmul.f32 $3.000000120e-01, v38;
	v10 =	vadd.f32 v36, v10  }
0xc3: {  	v62 =	vld [tilespmem:s21+$0x490];
	v14 =	vmul.f32 $6.999999880e-01, v14;
	[tilespmem:s21+$0x80] =	vst v9;
	v9 =	vadd.f32 v58, v11;
	v11 =	vmul.f32 $3.000000120e-01, v39  }
0xc4: {  	v63 =	vld [tilespmem:s21+$0x4A0];
	v15 =	vmul.f32 $6.999999880e-01, v15;
	[tilespmem:s21+$0x90] =	vst v10;
	v10 =	vadd.f32 v60, v12;
	v12 =	vmul.f32 $3.000000120e-01, v40  }
0xc5: {  	v16 =	vmul.f32 $6.999999880e-01, v16;
	[tilespmem:s21+$0xA0] =	vst v9;
	v9 =	vadd.f32 v11, v13;
	v11 =	vmul.f32 $3.000000120e-01, v41;
	v13 =	vld [tilespmem:s21+$0x4B0]  }
0xc6: {  	v17 =	vmul.f32 $6.999999880e-01, v17;
	[tilespmem:s21+$0xB0] =	vst v10;
	v10 =	vadd.f32 v12, v14;
	v12 =	vmul.f32 $3.000000120e-01, v59;
	v14 =	vld [tilespmem:s21+$0x4C0]  }
0xc7: {  	v18 =	vmul.f32 $6.999999880e-01, v18;
	[tilespmem:s21+$0xC0] =	vst v9;
	v9 =	vadd.f32 v11, v15;
	v11 =	vmul.f32 $3.000000120e-01, v61;
	v15 =	vld [tilespmem:s21+$0x4D0]  }
0xc8: {  	v19 =	vmul.f32 $6.999999880e-01, v19;
	[tilespmem:s21+$0xD0] =	vst v10;
	v10 =	vadd.f32 v12, v16;
	v12 =	vmul.f32 $3.000000120e-01, v62;
	v16 =	vld [tilespmem:s21+$0x4E0]  }
0xc9: {  	v20 =	vmul.f32 $6.999999880e-01, v20;
	[tilespmem:s21+$0xE0] =	vst v9;
	v9 =	vadd.f32 v11, v17;
	v11 =	vmul.f32 $3.000000120e-01, v63;
	v17 =	vld [tilespmem:s21+$0x4F0]  }
0xca: {  	v21 =	vmul.f32 $6.999999880e-01, v21;
	[tilespmem:s21+$0xF0] =	vst v10;
	v10 =	vadd.f32 v12, v18;
	v12 =	vmul.f32 $3.000000120e-01, v13;
	v13 =	vld [tilespmem:s21+$0x880]  }
0xcb: {  	v18 =	vmul.f32 $6.999999880e-01, v22;
	[tilespmem:s21+$0x480] =	vst v9;
	v9 =	vadd.f32 v11, v19;
	v11 =	vmul.f32 $3.000000120e-01, v14;
	v14 =	vld [tilespmem:s21+$0x890]  }
0xcc: {  	v22 =	vmul.f32 $6.999999880e-01, v29;
	[tilespmem:s21+$0x490] =	vst v10;
	v10 =	vadd.f32 v12, v20;
	v12 =	vmul.f32 $3.000000120e-01, v15;
	v15 =	vld [tilespmem:s21+$0x8A0]  }
0xcd: {  	v19 =	vmul.f32 $6.999999880e-01, v23;
	[tilespmem:s21+$0x4A0] =	vst v9;
	v9 =	vadd.f32 v11, v21;
	v11 =	vmul.f32 $3.000000120e-01, v16;
	v16 =	vld [tilespmem:s21+$0x8B0]  }
0xce: {  	v20 =	vmul.f32 $6.999999880e-01, v24;
	[tilespmem:s21+$0x4B0] =	vst v10;
	v10 =	vadd.f32 v12, v18;
	v12 =	vmul.f32 $3.000000120e-01, v17;
	v17 =	vld [tilespmem:s21+$0x8C0]  }
0xcf: {  	v21 =	vmul.f32 $6.999999880e-01, v25;
	[tilespmem:s21+$0x4C0] =	vst v9;
	v9 =	vadd.f32 v11, v19;
	v11 =	vmul.f32 $3.000000120e-01, v13;
	v13 =	vld [tilespmem:s21+$0x8D0]  }
0xd0: {  	v18 =	vmul.f32 $6.999999880e-01, v26;
	[tilespmem:s21+$0x4D0] =	vst v10;
	v10 =	vadd.f32 v12, v20;
	v12 =	vmul.f32 $3.000000120e-01, v14;
	v14 =	vld [tilespmem:s21+$0x8E0]  }
0xd1: {  	v19 =	vmul.f32 $6.999999880e-01, v27;
	[tilespmem:s21+$0x4E0] =	vst v9;
	v9 =	vadd.f32 v11, v21;
	v11 =	vmul.f32 $3.000000120e-01, v15;
	v21 =	vld [tilespmem:s21+$0x8F0]  }
0xd2: {  	v23 =	vld [tilespmem:s21+$0xC80];
	v20 =	vmul.f32 $6.999999880e-01, v28;
	[tilespmem:s21+$0x4F0] =	vst v10;
	v10 =	vadd.f32 v12, v18;
	v15 =	vmul.f32 $3.000000120e-01, v16  }
0xd3: {  	v18 =	vmul.f32 $6.999999880e-01, v30;
	v12 =	vld [tilespmem:s21+$0xC90];
	[tilespmem:s21+$0x880] =	vst v9;
	v9 =	vadd.f32 v11, v19;
	v11 =	vmul.f32 $3.000000120e-01, v17  }
0xd4: {  	v16 =	vmul.f32 $6.999999880e-01, v33;
	[tilespmem:s21+$0x890] =	vst v10;
	v17 =	vadd.f32 v15, v20;
	v20 =	vmul.f32 $3.000000120e-01, v13;
	v13 =	vld [tilespmem:s21+$0xCA0]  }
0xd5: {  	v19 =	vmul.f32 $6.999999880e-01, v31;
	v10 =	vld [tilespmem:s21+$0xCB0];
	[tilespmem:s21+$0x8A0] =	vst v9;
	v11 =	vadd.f32 v11, v22;
	v22 =	vmul.f32 $3.000000120e-01, v14  }
0xd6: {  	v15 =	vmul.f32 $6.999999880e-01, v32;
	v9 =	vld [tilespmem:s21+$0xCC0];
	[tilespmem:s21+$0x8B0] =	vst v17;
	v17 =	vadd.f32 v20, v18;
	v18 =	vmul.f32 $3.000000120e-01, v21  }
0xd7: {  	s23 =	simm.s32 $0x0;
	v14 =	vmul.f32 $6.999999880e-01, v34;
	v20 =	vmul.f32 $3.000000120e-01, v23;
	[tilespmem:s21+$0x8C0] =	vst v11;
	v19 =	vadd.f32 v22, v19;
	v11 =	vld [tilespmem:s21+$0xCD0]  }
.LBB2_2:
0xd8: {  	s15 =	sand.u32 $0x3000, s22;
	p0 =	sne.s32 s22, $0x3E00;
	[tilespmem:s21+$0x8D0] =	vst v17;
	v15 =	vadd.f32 v18, v15;
	v12 =	vmul.f32 $3.000000120e-01, v12;
	v17 =	vld [tilespmem:s21+$0xCE0]  }
0xd9: {  	v8 =	vmul.f32 $6.999999880e-01, v8;
	s23 =	sadd.s32 $0x80, s23;
	[tilespmem:s21+$0x8E0] =	vst v19;
	v16 =	vadd.f32 v20, v16;
	v13 =	vmul.f32 $3.000000120e-01, v13;
	v18 =	vld [tilespmem:s21+$0xCF0]  }
0xda: {  	v7 =	vmul.f32 $6.999999880e-01, v7;
	s16 =	sand.u32 $0x380, s23;
	[tilespmem:s21+$0x8F0] =	vst v15;
	v12 =	vadd.f32 v12, v14;
	v10 =	vmul.f32 $3.000000120e-01, v10  }
0xdb: {  	v6 =	vmul.f32 $6.999999880e-01, v6;
	s15 =	sor.u32 s16, s15;
	[tilespmem:s21+$0xC80] =	vst v16;
	v8 =	vadd.f32 v13, v8;
	v9 =	vmul.f32 $3.000000120e-01, v9  }
0xdc: {  	v5 =	vmul.f32 $6.999999880e-01, v5;
	v19 =	vld [tilespmem:s15+$0x10080];
	[tilespmem:s21+$0xC90] =	vst v12;
	v7 =	vadd.f32 v10, v7;
	v10 =	vmul.f32 $3.000000120e-01, v11  }
0xdd: {  	v4 =	vmul.f32 $6.999999880e-01, v4;
	v20 =	vld [tilespmem:s15+$0x10090];
	[tilespmem:s21+$0xCA0] =	vst v8;
	v6 =	vadd.f32 v9, v6;
	v8 =	vmul.f32 $3.000000120e-01, v17  }
0xde: {  	v3 =	vmul.f32 $6.999999880e-01, v3;
	v21 =	vld [tilespmem:s15+$0x100A0];
	[tilespmem:s21+$0xCB0] =	vst v7;
	v5 =	vadd.f32 v10, v5;
	v7 =	vmul.f32 $3.000000120e-01, v18  }
0xdf: {  	v18 =	vld [tilespmem:s15+$0x100B0];
	[tilespmem:s21+$0xCC0] =	vst v6;
	v4 =	vadd.f32 v8, v4  }
0xe0: {  	v22 =	vld [tilespmem:s15+$0x100C0];
	[tilespmem:s21+$0xCD0] =	vst v5;
	v3 =	vadd.f32 v7, v3  }
0xe1: {  	v23 =	vld [tilespmem:s15+$0x100D0];
	[tilespmem:s21+$0xCE0] =	vst v4  }
0xe2: {  	v24 =	vld [tilespmem:s15+$0x100E0];
	[tilespmem:s21+$0xCF0] =	vst v3;
	s21 =	smov.u32 s15  }
0xe3: {  	v25 =	vld [tilespmem:s21+$0x100F0]  }
0xe4: {  	v26 =	vld [tilespmem:s21+$0x10480]  }
0xe5: {  	v27 =	vld [tilespmem:s21+$0x10490]  }
0xe6: {  	v28 =	vld [tilespmem:s21+$0x104A0]  }
0xe7: {  	v29 =	vld [tilespmem:s21+$0x104B0]  }
0xe8: {  	v30 =	vld [tilespmem:s21+$0x104C0]  }
0xe9: {  	v31 =	vld [tilespmem:s21+$0x104D0]  }
0xea: {  	v32 =	vld [tilespmem:s21+$0x104E0]  }
0xeb: {  	v33 =	vld [tilespmem:s21+$0x104F0]  }
0xec: {  	v34 =	vld [tilespmem:s21+$0x10880]  }
0xed: {  	v17 =	vld [tilespmem:s21+$0x10890]  }
0xee: {  	v16 =	vld [tilespmem:s21+$0x108A0]  }
0xef: {  	v15 =	vld [tilespmem:s21+$0x108B0]  }
0xf0: {  	v14 =	vld [tilespmem:s21+$0x108C0]  }
0xf1: {  	v13 =	vld [tilespmem:s21+$0x108D0]  }
0xf2: {  	v12 =	vld [tilespmem:s21+$0x108E0]  }
0xf3: {  	v11 =	vld [tilespmem:s21+$0x108F0]  }
0xf4: {  	v10 =	vld [tilespmem:s21+$0x10C80]  }
0xf5: {  	v9 =	vld [tilespmem:s21+$0x10C90]  }
0xf6: {  	v8 =	vld [tilespmem:s21+$0x10CA0]  }
0xf7: {  	v7 =	vld [tilespmem:s21+$0x10CB0]  }
0xf8: {  	v6 =	vld [tilespmem:s21+$0x10CC0]  }
0xf9: {  	v5 =	vld [tilespmem:s21+$0x10CD0]  }
0xfa: {  	v4 =	vld [tilespmem:s21+$0x10CE0]  }
0xfb: {  	v3 =	vld [tilespmem:s21+$0x10CF0]  }
0xfc: {  	v35 =	vld [tilespmem:s21+$0x80]  }
0xfd: {  	v36 =	vld [tilespmem:s21+$0x90]  }
0xfe: {  	v37 =	vld [tilespmem:s21+$0xA0]  }
0xff: {  	v38 =	vld [tilespmem:s21+$0xB0]  }
0x100: {  	v19 =	vmul.f32 $6.999999880e-01, v19;
	v20 =	vmul.f32 $6.999999880e-01, v20;
	v39 =	vld [tilespmem:s21+$0xC0]  }
0x101: {  	v21 =	vmul.f32 $6.999999880e-01, v21;
	v35 =	vmul.f32 $3.000000120e-01, v35;
	v40 =	vld [tilespmem:s21+$0xD0]  }
0x102: {  	v18 =	vmul.f32 $6.999999880e-01, v18;
	v36 =	vmul.f32 $3.000000120e-01, v36;
	v41 =	vld [tilespmem:s21+$0xE0]  }
0x103: {  	v22 =	vmul.f32 $6.999999880e-01, v22;
	v19 =	vadd.f32 v35, v19;
	v35 =	vmul.f32 $3.000000120e-01, v37;
	v37 =	vld [tilespmem:s21+$0xF0]  }
0x104: {  	v23 =	vmul.f32 $6.999999880e-01, v23;
	v20 =	vadd.f32 v36, v20;
	v36 =	vmul.f32 $3.000000120e-01, v38;
	v38 =	vld [tilespmem:s21+$0x480]  }
0x105: {  	v24 =	vmul.f32 $6.999999880e-01, v24;
	[tilespmem:s21+$0x80] =	vst v19;
	v19 =	vadd.f32 v35, v21;
	v21 =	vmul.f32 $3.000000120e-01, v39;
	v35 =	vld [tilespmem:s21+$0x490]  }
0x106: {  	v25 =	vmul.f32 $6.999999880e-01, v25;
	[tilespmem:s21+$0x90] =	vst v20;
	v18 =	vadd.f32 v36, v18;
	v20 =	vmul.f32 $3.000000120e-01, v40;
	v36 =	vld [tilespmem:s21+$0x4A0]  }
0x107: {  	[tilespmem:s21+$0xA0] =	vst v19;
	v19 =	vadd.f32 v21, v22;
	v21 =	vmul.f32 $3.000000120e-01, v41;
	v22 =	vmul.f32 $6.999999880e-01, v26;
	v26 =	vld [tilespmem:s21+$0x4B0]  }
0x108: {  	[tilespmem:s21+$0xB0] =	vst v18;
	v18 =	vadd.f32 v20, v23;
	v20 =	vmul.f32 $3.000000120e-01, v37;
	v23 =	vmul.f32 $6.999999880e-01, v27;
	v27 =	vld [tilespmem:s21+$0x4C0]  }
0x109: {  	[tilespmem:s21+$0xC0] =	vst v19;
	v19 =	vadd.f32 v21, v24;
	v21 =	vmul.f32 $3.000000120e-01, v38;
	v24 =	vmul.f32 $6.999999880e-01, v28;
	v28 =	vld [tilespmem:s21+$0x4D0]  }
0x10a: {  	[tilespmem:s21+$0xD0] =	vst v18;
	v18 =	vadd.f32 v20, v25;
	v20 =	vmul.f32 $3.000000120e-01, v35;
	v25 =	vmul.f32 $6.999999880e-01, v29;
	v29 =	vld [tilespmem:s21+$0x4E0]  }
0x10b: {  	[tilespmem:s21+$0xE0] =	vst v19;
	v19 =	vadd.f32 v21, v22;
	v21 =	vmul.f32 $3.000000120e-01, v36;
	v22 =	vmul.f32 $6.999999880e-01, v30;
	v30 =	vld [tilespmem:s21+$0x4F0]  }
0x10c: {  	[tilespmem:s21+$0xF0] =	vst v18;
	v18 =	vadd.f32 v20, v23;
	v20 =	vmul.f32 $3.000000120e-01, v26;
	v23 =	vmul.f32 $6.999999880e-01, v31;
	v26 =	vld [tilespmem:s21+$0x880]  }
0x10d: {  	[tilespmem:s21+$0x480] =	vst v19;
	v19 =	vadd.f32 v21, v24;
	v21 =	vmul.f32 $3.000000120e-01, v27;
	v24 =	vmul.f32 $6.999999880e-01, v32;
	v27 =	vld [tilespmem:s21+$0x890]  }
0x10e: {  	[tilespmem:s21+$0x490] =	vst v18;
	v18 =	vadd.f32 v20, v25;
	v20 =	vmul.f32 $3.000000120e-01, v28;
	v25 =	vmul.f32 $6.999999880e-01, v33;
	v28 =	vld [tilespmem:s21+$0x8A0]  }
0x10f: {  	[tilespmem:s21+$0x4A0] =	vst v19;
	v19 =	vadd.f32 v21, v22;
	v21 =	vmul.f32 $3.000000120e-01, v29;
	v22 =	vmul.f32 $6.999999880e-01, v34;
	v29 =	vld [tilespmem:s21+$0x8B0]  }
0x110: {  	v17 =	vmul.f32 $6.999999880e-01, v17;
	[tilespmem:s21+$0x4B0] =	vst v18;
	v18 =	vadd.f32 v20, v23;
	v20 =	vmul.f32 $3.000000120e-01, v30;
	v23 =	vld [tilespmem:s21+$0x8C0]  }
0x111: {  	v16 =	vmul.f32 $6.999999880e-01, v16;
	[tilespmem:s21+$0x4C0] =	vst v19;
	v19 =	vadd.f32 v21, v24;
	v21 =	vmul.f32 $3.000000120e-01, v26;
	v24 =	vld [tilespmem:s21+$0x8D0]  }
0x112: {  	v15 =	vmul.f32 $6.999999880e-01, v15;
	[tilespmem:s21+$0x4D0] =	vst v18;
	v18 =	vadd.f32 v20, v25;
	v20 =	vmul.f32 $3.000000120e-01, v27;
	v25 =	vld [tilespmem:s21+$0x8E0]  }
0x113: {  	v14 =	vmul.f32 $6.999999880e-01, v14;
	[tilespmem:s21+$0x4E0] =	vst v19;
	v19 =	vadd.f32 v21, v22;
	v21 =	vmul.f32 $3.000000120e-01, v28;
	v22 =	vld [tilespmem:s21+$0x8F0]  }
0x114: {  	[tilespmem:s21+$0x4F0] =	vst v18;
	v17 =	vadd.f32 v20, v17;
	v18 =	vmul.f32 $3.000000120e-01, v29;
	v20 =	vmul.f32 $6.999999880e-01, v13;
	v26 =	vld [tilespmem:s21+$0xC80]  }
0x115: {  	[tilespmem:s21+$0x880] =	vst v19;
	v19 =	vmul.f32 $3.000000120e-01, v23  }
.Ltmp0:
0x116: {  	v16 =	vadd.f32 v21, v16;
	v21 =	vmul.f32 $6.999999880e-01, v12;
	v12 =	vld [tilespmem:s21+$0xC90];
	(pc) =	sbr.rel @p0 .LBB2_2-.Ltmp0, $4  }
0x117: {  	[tilespmem:s21+$0x890] =	vst v17;
	v17 =	vadd.f32 v18, v15;
	v18 =	vmul.f32 $3.000000120e-01, v24;
	v15 =	vmul.f32 $6.999999880e-01, v11;
	v13 =	vld [tilespmem:s21+$0xCA0]  }
0x118: {  	[tilespmem:s21+$0x8A0] =	vst v16;
	v11 =	vadd.f32 v19, v14;
	v19 =	vmul.f32 $3.000000120e-01, v25;
	v16 =	vmul.f32 $6.999999880e-01, v10;
	v10 =	vld [tilespmem:s21+$0xCB0]  }
0x119: {  	v14 =	vmul.f32 $6.999999880e-01, v9;
	[tilespmem:s21+$0x8B0] =	vst v17;
	v17 =	vadd.f32 v18, v20;
	v18 =	vmul.f32 $3.000000120e-01, v22;
	v9 =	vld [tilespmem:s21+$0xCC0]  }
0x11a: {  	s22 =	sadd.s32 $0x200, s22;
	[tilespmem:s21+$0x8C0] =	vst v11;
	v19 =	vadd.f32 v19, v21;
	v20 =	vmul.f32 $3.000000120e-01, v26;
	v11 =	vld [tilespmem:s21+$0xCD0]  }
0x11b: {  	[tilespmem:s21+$0x8D0] =	vst v17;
	v15 =	vadd.f32 v18, v15;
	v12 =	vmul.f32 $3.000000120e-01, v12;
	v59 =	vld [tilespmem:s21+$0xCE0]  }
0x11c: {  	v8 =	vmul.f32 $6.999999880e-01, v8;
	v60 =	vld [tilespmem:s21+$0xCF0];
	[tilespmem:s21+$0x8E0] =	vst v19;
	v16 =	vadd.f32 v20, v16;
	v13 =	vmul.f32 $3.000000120e-01, v13  }
0x11d: {  	v7 =	vmul.f32 $6.999999880e-01, v7;
	[tilespmem:s21+$0x8F0] =	vst v15;
	v12 =	vadd.f32 v12, v14;
	v10 =	vmul.f32 $3.000000120e-01, v10  }
0x11e: {  	v6 =	vmul.f32 $6.999999880e-01, v6;
	[tilespmem:s21+$0xC80] =	vst v16;
	v8 =	vadd.f32 v13, v8;
	v9 =	vmul.f32 $3.000000120e-01, v9  }
0x11f: {  	v5 =	vmul.f32 $6.999999880e-01, v5;
	[tilespmem:s21+$0xC90] =	vst v12;
	v7 =	vadd.f32 v10, v7;
	v61 =	vmul.f32 $3.000000120e-01, v11  }
0x120: {  	v4 =	vmul.f32 $6.999999880e-01, v4;
	[tilespmem:s21+$0xCA0] =	vst v8;
	v6 =	vadd.f32 v9, v6;
	v62 =	vmul.f32 $3.000000120e-01, v59  }
0x121: {  	v3 =	vmul.f32 $6.999999880e-01, v3;
	v63 =	vmul.f32 $3.000000120e-01, v60;
	[tilespmem:s21+$0xCB0] =	vst v7;
	v5 =	vadd.f32 v61, v5  }
0x122: {  	[tilespmem:s21+$0xCC0] =	vst v6;
	v4 =	vadd.f32 v62, v4  }
0x123: {  	v3 =	vadd.f32 v63, v3;
	[tilespmem:s21+$0xCD0] =	vst v5  }
0x124: {  	[tilespmem:s21+$0xCE0] =	vst v4  }
0x125: {  	s15 =	simm.s32 $0x10080;
	[tilespmem:s21+$0xCF0] =	vst v3;
	s21 =	simm.s32 $0x0  }
0x126: {  	[tilespmem:s15], [sflag:$0x3] =	stream.linear.gather [hbm4b:s8+s21], $0x4000, $0x38;
	[tilespmem:$0x18080] =	vst v63  }
0x127: {  	_ = 	snop  }
0x128: {  	[hbm4b:s9+s21] =	stream.linear.scatter [tilespmem:s18], [sflag:$0x5], $0x4000, $0x38;
	[tilespmem:$0x18080] =	vst v63  }
0x129: {  	_ =	swait.ge [sflag:s28], $0x4000  }
0x12a: {  	[sflag:s28] =	ssyncset.done $0x0  }
0x12b: {  	s22 =	simm.s32 $0x0;
	[sflag:s28] =	ssyncadd.s32 $0xFFFFC000  }
.LBB2_4:
0x12c: {  	s15 =	sand.u32 $0x3000, s22;
	s16 =	sand.u32 $0x380, s21  }
0x12d: {  	s23 =	sor.u32 s16, s15  }
0x12e: {  	v3 =	vld [tilespmem:s23+$0x14080]  }
0x12f: {  	v4 =	vld [tilespmem:s23+$0x4080]  }
0x130: {  	v5 =	vld [tilespmem:s23+$0x14090]  }
0x131: {  	v6 =	vld [tilespmem:s23+$0x4090]  }
0x132: {  	v7 =	vld [tilespmem:s23+$0x140A0]  }
0x133: {  	v8 =	vld [tilespmem:s23+$0x40A0]  }
0x134: {  	v9 =	vld [tilespmem:s23+$0x140B0]  }
0x135: {  	v10 =	vld [tilespmem:s23+$0x40B0]  }
0x136: {  	v11 =	vld [tilespmem:s23+$0x140C0]  }
0x137: {  	v12 =	vld [tilespmem:s23+$0x40C0]  }
0x138: {  	v13 =	vld [tilespmem:s23+$0x140D0]  }
0x139: {  	v14 =	vld [tilespmem:s23+$0x40D0]  }
0x13a: {  	v15 =	vld [tilespmem:s23+$0x140E0]  }
0x13b: {  	v16 =	vld [tilespmem:s23+$0x40E0]  }
0x13c: {  	v17 =	vld [tilespmem:s23+$0x140F0]  }
0x13d: {  	v18 =	vld [tilespmem:s23+$0x40F0]  }
0x13e: {  	v19 =	vld [tilespmem:s23+$0x14480]  }
0x13f: {  	v20 =	vld [tilespmem:s23+$0x4480]  }
0x140: {  	v21 =	vld [tilespmem:s23+$0x14490]  }
0x141: {  	v22 =	vld [tilespmem:s23+$0x4490]  }
0x142: {  	v23 =	vld [tilespmem:s23+$0x144A0]  }
0x143: {  	v24 =	vld [tilespmem:s23+$0x44A0]  }
0x144: {  	v25 =	vld [tilespmem:s23+$0x144B0]  }
0x145: {  	v26 =	vld [tilespmem:s23+$0x44B0]  }
0x146: {  	v27 =	vld [tilespmem:s23+$0x144C0]  }
0x147: {  	v28 =	vld [tilespmem:s23+$0x44C0]  }
0x148: {  	v29 =	vld [tilespmem:s23+$0x144D0]  }
0x149: {  	v30 =	vld [tilespmem:s23+$0x44D0];
	v3 =	vmul.f32 $6.999999880e-01, v3  }
0x14a: {  	v31 =	vld [tilespmem:s23+$0x144E0];
	v4 =	vmul.f32 $3.000000120e-01, v4;
	v5 =	vmul.f32 $6.999999880e-01, v5  }
0x14b: {  	v32 =	vld [tilespmem:s23+$0x44E0];
	v6 =	vmul.f32 $3.000000120e-01, v6;
	v58 =	vmul.f32 $6.999999880e-01, v7  }
0x14c: {  	v33 =	vld [tilespmem:s23+$0x144F0];
	v59 =	vmul.f32 $3.000000120e-01, v8;
	v60 =	vmul.f32 $6.999999880e-01, v9  }
0x14d: {  	v34 =	vld [tilespmem:s23+$0x4880];
	v61 =	vmul.f32 $3.000000120e-01, v10;
	v62 =	vmul.f32 $6.999999880e-01, v11;
	v3 =	vadd.f32 v4, v3  }
0x14e: {  	v38 =	vld [tilespmem:s23+$0x14890];
	v63 =	vmul.f32 $3.000000120e-01, v12;
	v36 =	vmul.f32 $6.999999880e-01, v13;
	v5 =	vadd.f32 v6, v5  }
0x14f: {  	v41 =	vld [tilespmem:s23+$0x4890];
	v37 =	vmul.f32 $3.000000120e-01, v14;
	v39 =	vmul.f32 $6.999999880e-01, v15;
	v35 =	vadd.f32 v61, v60;
	[tilespmem:s23+$0x4080] =	vst v3  }
0x150: {  	v45 =	vld [tilespmem:s23+$0x148A0];
	v40 =	vmul.f32 $3.000000120e-01, v16;
	v43 =	vmul.f32 $6.999999880e-01, v17;
	v3 =	vadd.f32 v59, v58;
	[tilespmem:s23+$0x4090] =	vst v5  }
0x151: {  	v48 =	vld [tilespmem:s23+$0x48A0];
	v44 =	vmul.f32 $3.000000120e-01, v18;
	v46 =	vmul.f32 $6.999999880e-01, v19;
	v42 =	vadd.f32 v37, v36;
	[tilespmem:s23+$0x40B0] =	vst v35  }
0x152: {  	v52 =	vld [tilespmem:s23+$0x148B0];
	v47 =	vmul.f32 $3.000000120e-01, v20;
	v50 =	vmul.f32 $6.999999880e-01, v21;
	[tilespmem:s23+$0x40A0] =	vst v3;
	v3 =	vadd.f32 v63, v62  }
0x153: {  	v55 =	vld [tilespmem:s23+$0x48B0];
	v51 =	vmul.f32 $3.000000120e-01, v22;
	v53 =	vmul.f32 $6.999999880e-01, v23;
	v49 =	vadd.f32 v44, v43;
	[tilespmem:s23+$0x40D0] =	vst v42  }
0x154: {  	v8 =	vld [tilespmem:s23+$0x44F0];
	v54 =	vmul.f32 $3.000000120e-01, v24;
	v57 =	vmul.f32 $6.999999880e-01, v25;
	[tilespmem:s23+$0x40C0] =	vst v3;
	v3 =	vadd.f32 v40, v39  }
0x155: {  	v10 =	vld [tilespmem:s23+$0x14880];
	v24 =	vmul.f32 $6.999999880e-01, v29;
	v25 =	vmul.f32 $3.000000120e-01, v30;
	v56 =	vadd.f32 v51, v50;
	[tilespmem:s23+$0x40F0] =	vst v49  }
0x156: {  	v29 =	vld [tilespmem:s23+$0x48D0];
	v61 =	vmul.f32 $3.000000120e-01, v28;
	v28 =	vmul.f32 $3.000000120e-01, v32;
	[tilespmem:s23+$0x40E0] =	vst v3;
	v3 =	vadd.f32 v47, v46  }
0x157: {  	v30 =	vadd.f32 v25, v24;
	v32 =	vld [tilespmem:s23+$0x148E0];
	v37 =	vmul.f32 $6.999999880e-01, v38;
	v38 =	vmul.f32 $3.000000120e-01, v41;
	[tilespmem:s23+$0x4490] =	vst v56  }
0x158: {  	v60 =	vmul.f32 $6.999999880e-01, v27;
	v59 =	vld [tilespmem:s23+$0x148C0];
	[tilespmem:s23+$0x4480] =	vst v3;
	v3 =	vadd.f32 v54, v53  }
0x159: {  	v58 =	vmul.f32 $3.000000120e-01, v26;
	v26 =	vld [tilespmem:s23+$0x148D0];
	[tilespmem:s23+$0x44D0] =	vst v30;
	v43 =	vadd.f32 v38, v37  }
0x15a: {  	v34 =	vmul.f32 $3.000000120e-01, v34;
	v27 =	vmul.f32 $6.999999880e-01, v31;
	v42 =	vld [tilespmem:s23+$0x48F0];
	[tilespmem:s23+$0x44A0] =	vst v3;
	v3 =	vadd.f32 v61, v60  }
0x15b: {  	v31 =	vmul.f32 $6.999999880e-01, v33;
	v8 =	vmul.f32 $3.000000120e-01, v8;
	v62 =	vld [tilespmem:s23+$0x48C0];
	v63 =	vadd.f32 v58, v57;
	[tilespmem:s23+$0x4890] =	vst v43  }
0x15c: {  	v44 =	vmul.f32 $6.999999880e-01, v52;
	v33 =	vmul.f32 $6.999999880e-01, v10;
	v39 =	vld [tilespmem:s23+$0x148F0];
	[tilespmem:s23+$0x44C0] =	vst v3;
	v3 =	vadd.f32 v28, v27  }
0x15d: {  	v35 =	vld [tilespmem:s23+$0x48E0];
	v36 =	vadd.f32 v8, v31;
	[tilespmem:s23+$0x44B0] =	vst v63;
	v40 =	vmul.f32 $6.999999880e-01, v45;
	v45 =	vmul.f32 $3.000000120e-01, v55  }
0x15e: {  	v41 =	vmul.f32 $3.000000120e-01, v48;
	[tilespmem:s23+$0x44E0] =	vst v3;
	v3 =	vadd.f32 v34, v33  }
0x15f: {  	v50 =	vmul.f32 $3.000000120e-01, v29;
	[tilespmem:s23+$0x44F0] =	vst v36;
	v49 =	vmul.f32 $6.999999880e-01, v26;
	v48 =	vadd.f32 v45, v44  }
0x160: {  	v46 =	vmul.f32 $6.999999880e-01, v59;
	v47 =	vmul.f32 $3.000000120e-01, v62;
	[tilespmem:s23+$0x4880] =	vst v3;
	v3 =	vadd.f32 v41, v40  }
0x161: {  	v55 =	vmul.f32 $3.000000120e-01, v42;
	[tilespmem:s23+$0x48B0] =	vst v48;
	v53 =	vadd.f32 v50, v49;
	v54 =	vmul.f32 $6.999999880e-01, v39  }
0x162: {  	v51 =	vmul.f32 $6.999999880e-01, v32;
	v52 =	vmul.f32 $3.000000120e-01, v35;
	[tilespmem:s23+$0x48A0] =	vst v3;
	v3 =	vadd.f32 v47, v46  }
0x163: {  	[tilespmem:s23+$0x48D0] =	vst v53;
	v56 =	vadd.f32 v55, v54  }
0x164: {  	[tilespmem:s23+$0x48C0] =	vst v3;
	v3 =	vadd.f32 v52, v51  }
0x165: {  	s15 =	sor.u32 s15, s21;
	[tilespmem:s23+$0x48F0] =	vst v56  }
0x166: {  	s15 =	sor.u32 $0x4C00, s15;
	[tilespmem:s23+$0x48E0] =	vst v3;
	v3 =	vld [tilespmem:s23+$0x14C80]  }
0x167: {  	v4 =	vld [tilespmem:s15+$0x80];
	_ =	sdelay $0x4  }
0x168: {  	v3 =	vmul.f32 $6.999999880e-01, v3;
	v4 =	vmul.f32 $3.000000120e-01, v4;
	_ =	sdelay $0x1  }
0x169: {  	v3 =	vadd.f32 v4, v3;
	_ =	sdelay $0x1  }
0x16a: {  	v57 =	vld [tilespmem:s15+$0x90];
	[tilespmem:s15+$0x80] =	vst v3  }
0x16b: {  	v3 =	vld [tilespmem:s23+$0x14C90];
	_ =	sdelay $0x4  }
0x16c: {  	v4 =	vmul.f32 $3.000000120e-01, v57;
	v3 =	vmul.f32 $6.999999880e-01, v3;
	_ =	sdelay $0x1  }
0x16d: {  	v3 =	vadd.f32 v4, v3;
	_ =	sdelay $0x1  }
0x16e: {  	v58 =	vld [tilespmem:s15+$0xA0];
	[tilespmem:s15+$0x90] =	vst v3  }
0x16f: {  	v3 =	vld [tilespmem:s23+$0x14CA0];
	_ =	sdelay $0x4  }
0x170: {  	v4 =	vmul.f32 $3.000000120e-01, v58;
	v3 =	vmul.f32 $6.999999880e-01, v3;
	_ =	sdelay $0x1  }
0x171: {  	v3 =	vadd.f32 v4, v3;
	_ =	sdelay $0x1  }
0x172: {  	v59 =	vld [tilespmem:s15+$0xB0];
	[tilespmem:s15+$0xA0] =	vst v3  }
0x173: {  	v3 =	vld [tilespmem:s23+$0x14CB0];
	_ =	sdelay $0x4  }
0x174: {  	v4 =	vmul.f32 $3.000000120e-01, v59;
	v3 =	vmul.f32 $6.999999880e-01, v3;
	_ =	sdelay $0x1  }
0x175: {  	v3 =	vadd.f32 v4, v3;
	_ =	sdelay $0x1  }
0x176: {  	v60 =	vld [tilespmem:s15+$0xC0];
	[tilespmem:s15+$0xB0] =	vst v3  }
0x177: {  	v3 =	vld [tilespmem:s23+$0x14CC0];
	_ =	sdelay $0x4  }
0x178: {  	v4 =	vmul.f32 $3.000000120e-01, v60;
	v3 =	vmul.f32 $6.999999880e-01, v3;
	_ =	sdelay $0x1  }
0x179: {  	v3 =	vadd.f32 v4, v3;
	_ =	sdelay $0x1  }
0x17a: {  	v61 =	vld [tilespmem:s15+$0xD0];
	[tilespmem:s15+$0xC0] =	vst v3  }
0x17b: {  	v3 =	vld [tilespmem:s23+$0x14CD0];
	_ =	sdelay $0x4  }
0x17c: {  	v4 =	vmul.f32 $3.000000120e-01, v61;
	v3 =	vmul.f32 $6.999999880e-01, v3;
	_ =	sdelay $0x1  }
0x17d: {  	v3 =	vadd.f32 v4, v3;
	_ =	sdelay $0x1  }
0x17e: {  	v62 =	vld [tilespmem:s15+$0xE0];
	[tilespmem:s15+$0xD0] =	vst v3  }
0x17f: {  	v3 =	vld [tilespmem:s23+$0x14CE0];
	_ =	sdelay $0x4  }
0x180: {  	v4 =	vmul.f32 $3.000000120e-01, v62;
	v3 =	vmul.f32 $6.999999880e-01, v3;
	_ =	sdelay $0x1  }
0x181: {  	v3 =	vadd.f32 v4, v3;
	_ =	sdelay $0x1  }
0x182: {  	v63 =	vld [tilespmem:s15+$0xF0];
	[tilespmem:s15+$0xE0] =	vst v3  }
0x183: {  	v3 =	vld [tilespmem:s23+$0x14CF0];
	_ =	sdelay $0x3  }
0x184: {  	p0 =	sne.s32 s22, $0x3E00  }
.Ltmp1:
0x185: {  	v4 =	vmul.f32 $3.000000120e-01, v63;
	v3 =	vmul.f32 $6.999999880e-01, v3;
	(pc) =	sbr.rel @p0 .LBB2_4-.Ltmp1, $3  }
0x186: {  	_ = 	snop  }
0x187: {  	v3 =	vadd.f32 v4, v3;
	_ =	sdelay $0x1  }
0x188: {  	s22 =	sadd.s32 $0x200, s22;
	s21 =	sadd.s32 $0x80, s21;
	[tilespmem:s15+$0xF0] =	vst v3  }
0x189: {  	s21 =	simm.s32 $0x0;
	s15 =	simm.s32 $0x14080  }
0x18a: {  	[tilespmem:s15], [sflag:$0x4] =	stream.linear.gather [hbm4b:s10+s21], $0x4000, $0x38;
	[tilespmem:$0x18080] =	vst v63  }
0x18b: {  	_ = 	snop  }
0x18c: {  	[hbm4b:s11+s21] =	stream.linear.scatter [tilespmem:s26], [sflag:$0x6], $0x4000, $0x38;
	[tilespmem:$0x18080] =	vst v63  }
0x18d: {  	_ =	swait.ge [sflag:s29], $0x8000  }
0x18e: {  	[sflag:s29] =	ssyncset.done $0x0  }
0x18f: {  	[sflag:s29] =	ssyncadd.s32 $0xFFFF8000  }
0x190: {  	_ =	swait.ge [sflag:s25], $0x4000  }
0x191: {  	[sflag:s25] =	ssyncset.done $0x0  }
0x192: {  	s22 =	simm.s32 $0x0;
	[sflag:s25] =	ssyncadd.s32 $0xFFFFC000  }
.LBB2_6:
0x193: {  	s15 =	sand.u32 $0x3000, s22;
	s16 =	sand.u32 $0x380, s21  }
0x194: {  	s23 =	sor.u32 s16, s15  }
0x195: {  	v3 =	vld [tilespmem:s23+$0x10080]  }
0x196: {  	v4 =	vld [tilespmem:s23+$0x8080]  }
0x197: {  	v5 =	vld [tilespmem:s23+$0x10090]  }
0x198: {  	v6 =	vld [tilespmem:s23+$0x8090]  }
0x199: {  	v7 =	vld [tilespmem:s23+$0x100A0]  }
0x19a: {  	v8 =	vld [tilespmem:s23+$0x80A0]  }
0x19b: {  	v9 =	vld [tilespmem:s23+$0x100B0]  }
0x19c: {  	v10 =	vld [tilespmem:s23+$0x80B0]  }
0x19d: {  	v11 =	vld [tilespmem:s23+$0x100C0]  }
0x19e: {  	v12 =	vld [tilespmem:s23+$0x80C0]  }
0x19f: {  	v13 =	vld [tilespmem:s23+$0x100D0]  }
0x1a0: {  	v14 =	vld [tilespmem:s23+$0x80D0]  }
0x1a1: {  	v15 =	vld [tilespmem:s23+$0x100E0]  }
0x1a2: {  	v16 =	vld [tilespmem:s23+$0x80E0]  }
0x1a3: {  	v17 =	vld [tilespmem:s23+$0x100F0]  }
0x1a4: {  	v18 =	vld [tilespmem:s23+$0x80F0]  }
0x1a5: {  	v19 =	vld [tilespmem:s23+$0x10480]  }
0x1a6: {  	v20 =	vld [tilespmem:s23+$0x8480]  }
0x1a7: {  	v21 =	vld [tilespmem:s23+$0x10490]  }
0x1a8: {  	v22 =	vld [tilespmem:s23+$0x8490]  }
0x1a9: {  	v23 =	vld [tilespmem:s23+$0x104A0]  }
0x1aa: {  	v24 =	vld [tilespmem:s23+$0x84A0]  }
0x1ab: {  	v25 =	vld [tilespmem:s23+$0x104B0]  }
0x1ac: {  	v26 =	vld [tilespmem:s23+$0x84B0]  }
0x1ad: {  	v27 =	vld [tilespmem:s23+$0x104C0]  }
0x1ae: {  	v28 =	vld [tilespmem:s23+$0x84C0]  }
0x1af: {  	v29 =	vld [tilespmem:s23+$0x104D0]  }
0x1b0: {  	v30 =	vld [tilespmem:s23+$0x84D0];
	v3 =	vmul.f32 $6.999999880e-01, v3  }
0x1b1: {  	v31 =	vld [tilespmem:s23+$0x104E0];
	v4 =	vmul.f32 $3.000000120e-01, v4;
	v5 =	vmul.f32 $6.999999880e-01, v5  }
0x1b2: {  	v32 =	vld [tilespmem:s23+$0x84E0];
	v6 =	vmul.f32 $3.000000120e-01, v6;
	v58 =	vmul.f32 $6.999999880e-01, v7  }
0x1b3: {  	v33 =	vld [tilespmem:s23+$0x104F0];
	v59 =	vmul.f32 $3.000000120e-01, v8;
	v60 =	vmul.f32 $6.999999880e-01, v9  }
0x1b4: {  	v34 =	vld [tilespmem:s23+$0x8880];
	v61 =	vmul.f32 $3.000000120e-01, v10;
	v62 =	vmul.f32 $6.999999880e-01, v11;
	v3 =	vadd.f32 v4, v3  }
0x1b5: {  	v38 =	vld [tilespmem:s23+$0x10890];
	v63 =	vmul.f32 $3.000000120e-01, v12;
	v36 =	vmul.f32 $6.999999880e-01, v13;
	v5 =	vadd.f32 v6, v5  }
0x1b6: {  	v41 =	vld [tilespmem:s23+$0x8890];
	v37 =	vmul.f32 $3.000000120e-01, v14;
	v39 =	vmul.f32 $6.999999880e-01, v15;
	v35 =	vadd.f32 v61, v60;
	[tilespmem:s23+$0x8080] =	vst v3  }
0x1b7: {  	v45 =	vld [tilespmem:s23+$0x108A0];
	v40 =	vmul.f32 $3.000000120e-01, v16;
	v43 =	vmul.f32 $6.999999880e-01, v17;
	v3 =	vadd.f32 v59, v58;
	[tilespmem:s23+$0x8090] =	vst v5  }
0x1b8: {  	v48 =	vld [tilespmem:s23+$0x88A0];
	v44 =	vmul.f32 $3.000000120e-01, v18;
	v46 =	vmul.f32 $6.999999880e-01, v19;
	v42 =	vadd.f32 v37, v36;
	[tilespmem:s23+$0x80B0] =	vst v35  }
0x1b9: {  	v52 =	vld [tilespmem:s23+$0x108B0];
	v47 =	vmul.f32 $3.000000120e-01, v20;
	v50 =	vmul.f32 $6.999999880e-01, v21;
	[tilespmem:s23+$0x80A0] =	vst v3;
	v3 =	vadd.f32 v63, v62  }
0x1ba: {  	v55 =	vld [tilespmem:s23+$0x88B0];
	v51 =	vmul.f32 $3.000000120e-01, v22;
	v53 =	vmul.f32 $6.999999880e-01, v23;
	v49 =	vadd.f32 v44, v43;
	[tilespmem:s23+$0x80D0] =	vst v42  }
0x1bb: {  	v8 =	vld [tilespmem:s23+$0x84F0];
	v54 =	vmul.f32 $3.000000120e-01, v24;
	v57 =	vmul.f32 $6.999999880e-01, v25;
	[tilespmem:s23+$0x80C0] =	vst v3;
	v3 =	vadd.f32 v40, v39  }
0x1bc: {  	v10 =	vld [tilespmem:s23+$0x10880];
	v24 =	vmul.f32 $6.999999880e-01, v29;
	v25 =	vmul.f32 $3.000000120e-01, v30;
	v56 =	vadd.f32 v51, v50;
	[tilespmem:s23+$0x80F0] =	vst v49  }
0x1bd: {  	v29 =	vld [tilespmem:s23+$0x88D0];
	v61 =	vmul.f32 $3.000000120e-01, v28;
	v28 =	vmul.f32 $3.000000120e-01, v32;
	[tilespmem:s23+$0x80E0] =	vst v3;
	v3 =	vadd.f32 v47, v46  }
0x1be: {  	v30 =	vadd.f32 v25, v24;
	v32 =	vld [tilespmem:s23+$0x108E0];
	v37 =	vmul.f32 $6.999999880e-01, v38;
	v38 =	vmul.f32 $3.000000120e-01, v41;
	[tilespmem:s23+$0x8490] =	vst v56  }
0x1bf: {  	v60 =	vmul.f32 $6.999999880e-01, v27;
	v59 =	vld [tilespmem:s23+$0x108C0];
	[tilespmem:s23+$0x8480] =	vst v3;
	v3 =	vadd.f32 v54, v53  }
0x1c0: {  	v58 =	vmul.f32 $3.000000120e-01, v26;
	v26 =	vld [tilespmem:s23+$0x108D0];
	[tilespmem:s23+$0x84D0] =	vst v30;
	v43 =	vadd.f32 v38, v37  }
0x1c1: {  	v34 =	vmul.f32 $3.000000120e-01, v34;
	v27 =	vmul.f32 $6.999999880e-01, v31;
	v42 =	vld [tilespmem:s23+$0x88F0];
	[tilespmem:s23+$0x84A0] =	vst v3;
	v3 =	vadd.f32 v61, v60  }
0x1c2: {  	v31 =	vmul.f32 $6.999999880e-01, v33;
	v8 =	vmul.f32 $3.000000120e-01, v8;
	v62 =	vld [tilespmem:s23+$0x88C0];
	v63 =	vadd.f32 v58, v57;
	[tilespmem:s23+$0x8890] =	vst v43  }
0x1c3: {  	v44 =	vmul.f32 $6.999999880e-01, v52;
	v33 =	vmul.f32 $6.999999880e-01, v10;
	v39 =	vld [tilespmem:s23+$0x108F0];
	[tilespmem:s23+$0x84C0] =	vst v3;
	v3 =	vadd.f32 v28, v27  }
0x1c4: {  	v35 =	vld [tilespmem:s23+$0x88E0];
	v36 =	vadd.f32 v8, v31;
	[tilespmem:s23+$0x84B0] =	vst v63;
	v40 =	vmul.f32 $6.999999880e-01, v45;
	v45 =	vmul.f32 $3.000000120e-01, v55  }
0x1c5: {  	v41 =	vmul.f32 $3.000000120e-01, v48;
	[tilespmem:s23+$0x84E0] =	vst v3;
	v3 =	vadd.f32 v34, v33  }
0x1c6: {  	v50 =	vmul.f32 $3.000000120e-01, v29;
	[tilespmem:s23+$0x84F0] =	vst v36;
	v49 =	vmul.f32 $6.999999880e-01, v26;
	v48 =	vadd.f32 v45, v44  }
0x1c7: {  	v46 =	vmul.f32 $6.999999880e-01, v59;
	v47 =	vmul.f32 $3.000000120e-01, v62;
	[tilespmem:s23+$0x8880] =	vst v3;
	v3 =	vadd.f32 v41, v40  }
0x1c8: {  	v55 =	vmul.f32 $3.000000120e-01, v42;
	[tilespmem:s23+$0x88B0] =	vst v48;
	v53 =	vadd.f32 v50, v49;
	v54 =	vmul.f32 $6.999999880e-01, v39  }
0x1c9: {  	v51 =	vmul.f32 $6.999999880e-01, v32;
	v52 =	vmul.f32 $3.000000120e-01, v35;
	[tilespmem:s23+$0x88A0] =	vst v3;
	v3 =	vadd.f32 v47, v46  }
0x1ca: {  	[tilespmem:s23+$0x88D0] =	vst v53;
	v56 =	vadd.f32 v55, v54  }
0x1cb: {  	[tilespmem:s23+$0x88C0] =	vst v3;
	v3 =	vadd.f32 v52, v51  }
0x1cc: {  	s15 =	sor.u32 s15, s21;
	[tilespmem:s23+$0x88F0] =	vst v56  }
0x1cd: {  	s15 =	sor.u32 $0x8C00, s15;
	[tilespmem:s23+$0x88E0] =	vst v3;
	v3 =	vld [tilespmem:s23+$0x10C80]  }
0x1ce: {  	v4 =	vld [tilespmem:s15+$0x80];
	_ =	sdelay $0x4  }
0x1cf: {  	v3 =	vmul.f32 $6.999999880e-01, v3;
	v4 =	vmul.f32 $3.000000120e-01, v4;
	_ =	sdelay $0x1  }
0x1d0: {  	v3 =	vadd.f32 v4, v3;
	_ =	sdelay $0x1  }
0x1d1: {  	v57 =	vld [tilespmem:s15+$0x90];
	[tilespmem:s15+$0x80] =	vst v3  }
0x1d2: {  	v3 =	vld [tilespmem:s23+$0x10C90];
	_ =	sdelay $0x4  }
0x1d3: {  	v4 =	vmul.f32 $3.000000120e-01, v57;
	v3 =	vmul.f32 $6.999999880e-01, v3;
	_ =	sdelay $0x1  }
0x1d4: {  	v3 =	vadd.f32 v4, v3;
	_ =	sdelay $0x1  }
0x1d5: {  	v58 =	vld [tilespmem:s15+$0xA0];
	[tilespmem:s15+$0x90] =	vst v3  }
0x1d6: {  	v3 =	vld [tilespmem:s23+$0x10CA0];
	_ =	sdelay $0x4  }
0x1d7: {  	v4 =	vmul.f32 $3.000000120e-01, v58;
	v3 =	vmul.f32 $6.999999880e-01, v3;
	_ =	sdelay $0x1  }
0x1d8: {  	v3 =	vadd.f32 v4, v3;
	_ =	sdelay $0x1  }
0x1d9: {  	v59 =	vld [tilespmem:s15+$0xB0];
	[tilespmem:s15+$0xA0] =	vst v3  }
0x1da: {  	v3 =	vld [tilespmem:s23+$0x10CB0];
	_ =	sdelay $0x4  }
0x1db: {  	v4 =	vmul.f32 $3.000000120e-01, v59;
	v3 =	vmul.f32 $6.999999880e-01, v3;
	_ =	sdelay $0x1  }
0x1dc: {  	v3 =	vadd.f32 v4, v3;
	_ =	sdelay $0x1  }
0x1dd: {  	v60 =	vld [tilespmem:s15+$0xC0];
	[tilespmem:s15+$0xB0] =	vst v3  }
0x1de: {  	v3 =	vld [tilespmem:s23+$0x10CC0];
	_ =	sdelay $0x4  }
0x1df: {  	v4 =	vmul.f32 $3.000000120e-01, v60;
	v3 =	vmul.f32 $6.999999880e-01, v3;
	_ =	sdelay $0x1  }
0x1e0: {  	v3 =	vadd.f32 v4, v3;
	_ =	sdelay $0x1  }
0x1e1: {  	v61 =	vld [tilespmem:s15+$0xD0];
	[tilespmem:s15+$0xC0] =	vst v3  }
0x1e2: {  	v3 =	vld [tilespmem:s23+$0x10CD0];
	_ =	sdelay $0x4  }
0x1e3: {  	v4 =	vmul.f32 $3.000000120e-01, v61;
	v3 =	vmul.f32 $6.999999880e-01, v3;
	_ =	sdelay $0x1  }
0x1e4: {  	v3 =	vadd.f32 v4, v3;
	_ =	sdelay $0x1  }
0x1e5: {  	v62 =	vld [tilespmem:s15+$0xE0];
	[tilespmem:s15+$0xD0] =	vst v3  }
0x1e6: {  	v3 =	vld [tilespmem:s23+$0x10CE0];
	_ =	sdelay $0x4  }
0x1e7: {  	v4 =	vmul.f32 $3.000000120e-01, v62;
	v3 =	vmul.f32 $6.999999880e-01, v3;
	_ =	sdelay $0x1  }
0x1e8: {  	v3 =	vadd.f32 v4, v3;
	_ =	sdelay $0x1  }
0x1e9: {  	v63 =	vld [tilespmem:s15+$0xF0];
	[tilespmem:s15+$0xE0] =	vst v3  }
0x1ea: {  	v3 =	vld [tilespmem:s23+$0x10CF0];
	_ =	sdelay $0x3  }
0x1eb: {  	p0 =	sne.s32 s22, $0x3E00  }
.Ltmp2:
0x1ec: {  	v4 =	vmul.f32 $3.000000120e-01, v63;
	v3 =	vmul.f32 $6.999999880e-01, v3;
	(pc) =	sbr.rel @p0 .LBB2_6-.Ltmp2, $3  }
0x1ed: {  	_ = 	snop  }
0x1ee: {  	v3 =	vadd.f32 v4, v3;
	_ =	sdelay $0x1  }
0x1ef: {  	s22 =	sadd.s32 $0x200, s22;
	s21 =	sadd.s32 $0x80, s21;
	[tilespmem:s15+$0xF0] =	vst v3  }
0x1f0: {  	s21 =	simm.s32 $0x0  }
0x1f1: {  	[hbm4b:s12+s21] =	stream.linear.scatter [tilespmem:s20], [sflag:$0x7], $0x4000, $0x38;
	[tilespmem:$0x18080] =	vst v63  }
0x1f2: {  	_ =	swait.ge [sflag:s28], $0x4000  }
0x1f3: {  	[sflag:s28] =	ssyncset.done $0x0  }
0x1f4: {  	s22 =	simm.s32 $0x0;
	[sflag:s28] =	ssyncadd.s32 $0xFFFFC000  }
.LBB2_8:
0x1f5: {  	s15 =	sand.u32 $0x3000, s22;
	s16 =	sand.u32 $0x380, s21  }
0x1f6: {  	s23 =	sor.u32 s16, s15  }
0x1f7: {  	v3 =	vld [tilespmem:s23+$0x14080]  }
0x1f8: {  	v4 =	vld [tilespmem:s23+$0xC080]  }
0x1f9: {  	v5 =	vld [tilespmem:s23+$0x14090]  }
0x1fa: {  	v6 =	vld [tilespmem:s23+$0xC090]  }
0x1fb: {  	v7 =	vld [tilespmem:s23+$0x140A0]  }
0x1fc: {  	v8 =	vld [tilespmem:s23+$0xC0A0]  }
0x1fd: {  	v9 =	vld [tilespmem:s23+$0x140B0]  }
0x1fe: {  	v10 =	vld [tilespmem:s23+$0xC0B0]  }
0x1ff: {  	v11 =	vld [tilespmem:s23+$0x140C0]  }
0x200: {  	v12 =	vld [tilespmem:s23+$0xC0C0]  }
0x201: {  	v13 =	vld [tilespmem:s23+$0x140D0]  }
0x202: {  	v14 =	vld [tilespmem:s23+$0xC0D0]  }
0x203: {  	v15 =	vld [tilespmem:s23+$0x140E0]  }
0x204: {  	v16 =	vld [tilespmem:s23+$0xC0E0]  }
0x205: {  	v17 =	vld [tilespmem:s23+$0x140F0]  }
0x206: {  	v18 =	vld [tilespmem:s23+$0xC0F0]  }
0x207: {  	v19 =	vld [tilespmem:s23+$0x14480]  }
0x208: {  	v20 =	vld [tilespmem:s23+$0xC480]  }
0x209: {  	v21 =	vld [tilespmem:s23+$0x14490]  }
0x20a: {  	v22 =	vld [tilespmem:s23+$0xC490]  }
0x20b: {  	v23 =	vld [tilespmem:s23+$0x144A0]  }
0x20c: {  	v24 =	vld [tilespmem:s23+$0xC4A0]  }
0x20d: {  	v25 =	vld [tilespmem:s23+$0x144B0]  }
0x20e: {  	v26 =	vld [tilespmem:s23+$0xC4B0]  }
0x20f: {  	v27 =	vld [tilespmem:s23+$0x144C0]  }
0x210: {  	v28 =	vld [tilespmem:s23+$0xC4C0]  }
0x211: {  	v29 =	vld [tilespmem:s23+$0x144D0]  }
0x212: {  	v30 =	vld [tilespmem:s23+$0xC4D0];
	v3 =	vmul.f32 $6.999999880e-01, v3  }
0x213: {  	v31 =	vld [tilespmem:s23+$0x144E0];
	v4 =	vmul.f32 $3.000000120e-01, v4;
	v5 =	vmul.f32 $6.999999880e-01, v5  }
0x214: {  	v32 =	vld [tilespmem:s23+$0xC4E0];
	v6 =	vmul.f32 $3.000000120e-01, v6;
	v58 =	vmul.f32 $6.999999880e-01, v7  }
0x215: {  	v33 =	vld [tilespmem:s23+$0x144F0];
	v59 =	vmul.f32 $3.000000120e-01, v8;
	v60 =	vmul.f32 $6.999999880e-01, v9  }
0x216: {  	v34 =	vld [tilespmem:s23+$0xC880];
	v61 =	vmul.f32 $3.000000120e-01, v10;
	v62 =	vmul.f32 $6.999999880e-01, v11;
	v3 =	vadd.f32 v4, v3  }
0x217: {  	v38 =	vld [tilespmem:s23+$0x14890];
	v63 =	vmul.f32 $3.000000120e-01, v12;
	v36 =	vmul.f32 $6.999999880e-01, v13;
	v5 =	vadd.f32 v6, v5  }
0x218: {  	v41 =	vld [tilespmem:s23+$0xC890];
	v37 =	vmul.f32 $3.000000120e-01, v14;
	v39 =	vmul.f32 $6.999999880e-01, v15;
	v35 =	vadd.f32 v61, v60;
	[tilespmem:s23+$0xC080] =	vst v3  }
0x219: {  	v45 =	vld [tilespmem:s23+$0x148A0];
	v40 =	vmul.f32 $3.000000120e-01, v16;
	v43 =	vmul.f32 $6.999999880e-01, v17;
	v3 =	vadd.f32 v59, v58;
	[tilespmem:s23+$0xC090] =	vst v5  }
0x21a: {  	v48 =	vld [tilespmem:s23+$0xC8A0];
	v44 =	vmul.f32 $3.000000120e-01, v18;
	v46 =	vmul.f32 $6.999999880e-01, v19;
	v42 =	vadd.f32 v37, v36;
	[tilespmem:s23+$0xC0B0] =	vst v35  }
0x21b: {  	v52 =	vld [tilespmem:s23+$0x148B0];
	v47 =	vmul.f32 $3.000000120e-01, v20;
	v50 =	vmul.f32 $6.999999880e-01, v21;
	[tilespmem:s23+$0xC0A0] =	vst v3;
	v3 =	vadd.f32 v63, v62  }
0x21c: {  	v55 =	vld [tilespmem:s23+$0xC8B0];
	v51 =	vmul.f32 $3.000000120e-01, v22;
	v53 =	vmul.f32 $6.999999880e-01, v23;
	v49 =	vadd.f32 v44, v43;
	[tilespmem:s23+$0xC0D0] =	vst v42  }
0x21d: {  	v8 =	vld [tilespmem:s23+$0xC4F0];
	v54 =	vmul.f32 $3.000000120e-01, v24;
	v57 =	vmul.f32 $6.999999880e-01, v25;
	[tilespmem:s23+$0xC0C0] =	vst v3;
	v3 =	vadd.f32 v40, v39  }
0x21e: {  	v10 =	vld [tilespmem:s23+$0x14880];
	v24 =	vmul.f32 $6.999999880e-01, v29;
	v25 =	vmul.f32 $3.000000120e-01, v30;
	v56 =	vadd.f32 v51, v50;
	[tilespmem:s23+$0xC0F0] =	vst v49  }
0x21f: {  	v29 =	vld [tilespmem:s23+$0xC8D0];
	v61 =	vmul.f32 $3.000000120e-01, v28;
	v28 =	vmul.f32 $3.000000120e-01, v32;
	[tilespmem:s23+$0xC0E0] =	vst v3;
	v3 =	vadd.f32 v47, v46  }
0x220: {  	v30 =	vadd.f32 v25, v24;
	v32 =	vld [tilespmem:s23+$0x148E0];
	v37 =	vmul.f32 $6.999999880e-01, v38;
	v38 =	vmul.f32 $3.000000120e-01, v41;
	[tilespmem:s23+$0xC490] =	vst v56  }
0x221: {  	v60 =	vmul.f32 $6.999999880e-01, v27;
	v59 =	vld [tilespmem:s23+$0x148C0];
	[tilespmem:s23+$0xC480] =	vst v3;
	v3 =	vadd.f32 v54, v53  }
0x222: {  	v58 =	vmul.f32 $3.000000120e-01, v26;
	v26 =	vld [tilespmem:s23+$0x148D0];
	[tilespmem:s23+$0xC4D0] =	vst v30;
	v43 =	vadd.f32 v38, v37  }
0x223: {  	v34 =	vmul.f32 $3.000000120e-01, v34;
	v27 =	vmul.f32 $6.999999880e-01, v31;
	v42 =	vld [tilespmem:s23+$0xC8F0];
	[tilespmem:s23+$0xC4A0] =	vst v3;
	v3 =	vadd.f32 v61, v60  }
0x224: {  	v31 =	vmul.f32 $6.999999880e-01, v33;
	v8 =	vmul.f32 $3.000000120e-01, v8;
	v62 =	vld [tilespmem:s23+$0xC8C0];
	v63 =	vadd.f32 v58, v57;
	[tilespmem:s23+$0xC890] =	vst v43  }
0x225: {  	v44 =	vmul.f32 $6.999999880e-01, v52;
	v33 =	vmul.f32 $6.999999880e-01, v10;
	v39 =	vld [tilespmem:s23+$0x148F0];
	[tilespmem:s23+$0xC4C0] =	vst v3;
	v3 =	vadd.f32 v28, v27  }
0x226: {  	v35 =	vld [tilespmem:s23+$0xC8E0];
	v36 =	vadd.f32 v8, v31;
	[tilespmem:s23+$0xC4B0] =	vst v63;
	v40 =	vmul.f32 $6.999999880e-01, v45;
	v45 =	vmul.f32 $3.000000120e-01, v55  }
0x227: {  	v41 =	vmul.f32 $3.000000120e-01, v48;
	[tilespmem:s23+$0xC4E0] =	vst v3;
	v3 =	vadd.f32 v34, v33  }
0x228: {  	v50 =	vmul.f32 $3.000000120e-01, v29;
	[tilespmem:s23+$0xC4F0] =	vst v36;
	v49 =	vmul.f32 $6.999999880e-01, v26;
	v48 =	vadd.f32 v45, v44  }
0x229: {  	v46 =	vmul.f32 $6.999999880e-01, v59;
	v47 =	vmul.f32 $3.000000120e-01, v62;
	[tilespmem:s23+$0xC880] =	vst v3;
	v3 =	vadd.f32 v41, v40  }
0x22a: {  	v55 =	vmul.f32 $3.000000120e-01, v42;
	[tilespmem:s23+$0xC8B0] =	vst v48;
	v53 =	vadd.f32 v50, v49;
	v54 =	vmul.f32 $6.999999880e-01, v39  }
0x22b: {  	v51 =	vmul.f32 $6.999999880e-01, v32;
	v52 =	vmul.f32 $3.000000120e-01, v35;
	[tilespmem:s23+$0xC8A0] =	vst v3;
	v3 =	vadd.f32 v47, v46  }
0x22c: {  	[tilespmem:s23+$0xC8D0] =	vst v53;
	v56 =	vadd.f32 v55, v54  }
0x22d: {  	[tilespmem:s23+$0xC8C0] =	vst v3;
	v3 =	vadd.f32 v52, v51  }
0x22e: {  	s15 =	sor.u32 s15, s21;
	[tilespmem:s23+$0xC8F0] =	vst v56  }
0x22f: {  	s15 =	sor.u32 $0xCC00, s15;
	[tilespmem:s23+$0xC8E0] =	vst v3;
	v3 =	vld [tilespmem:s23+$0x14C80]  }
0x230: {  	v4 =	vld [tilespmem:s15+$0x80];
	_ =	sdelay $0x4  }
0x231: {  	v3 =	vmul.f32 $6.999999880e-01, v3;
	v4 =	vmul.f32 $3.000000120e-01, v4;
	_ =	sdelay $0x1  }
0x232: {  	v3 =	vadd.f32 v4, v3;
	_ =	sdelay $0x1  }
0x233: {  	v57 =	vld [tilespmem:s15+$0x90];
	[tilespmem:s15+$0x80] =	vst v3  }
0x234: {  	v3 =	vld [tilespmem:s23+$0x14C90];
	_ =	sdelay $0x4  }
0x235: {  	v4 =	vmul.f32 $3.000000120e-01, v57;
	v3 =	vmul.f32 $6.999999880e-01, v3;
	_ =	sdelay $0x1  }
0x236: {  	v3 =	vadd.f32 v4, v3;
	_ =	sdelay $0x1  }
0x237: {  	v58 =	vld [tilespmem:s15+$0xA0];
	[tilespmem:s15+$0x90] =	vst v3  }
0x238: {  	v3 =	vld [tilespmem:s23+$0x14CA0];
	_ =	sdelay $0x4  }
0x239: {  	v4 =	vmul.f32 $3.000000120e-01, v58;
	v3 =	vmul.f32 $6.999999880e-01, v3;
	_ =	sdelay $0x1  }
0x23a: {  	v3 =	vadd.f32 v4, v3;
	_ =	sdelay $0x1  }
0x23b: {  	v59 =	vld [tilespmem:s15+$0xB0];
	[tilespmem:s15+$0xA0] =	vst v3  }
0x23c: {  	v3 =	vld [tilespmem:s23+$0x14CB0];
	_ =	sdelay $0x4  }
0x23d: {  	v4 =	vmul.f32 $3.000000120e-01, v59;
	v3 =	vmul.f32 $6.999999880e-01, v3;
	_ =	sdelay $0x1  }
0x23e: {  	v3 =	vadd.f32 v4, v3;
	_ =	sdelay $0x1  }
0x23f: {  	v60 =	vld [tilespmem:s15+$0xC0];
	[tilespmem:s15+$0xB0] =	vst v3  }
0x240: {  	v3 =	vld [tilespmem:s23+$0x14CC0];
	_ =	sdelay $0x4  }
0x241: {  	v4 =	vmul.f32 $3.000000120e-01, v60;
	v3 =	vmul.f32 $6.999999880e-01, v3;
	_ =	sdelay $0x1  }
0x242: {  	v3 =	vadd.f32 v4, v3;
	_ =	sdelay $0x1  }
0x243: {  	v61 =	vld [tilespmem:s15+$0xD0];
	[tilespmem:s15+$0xC0] =	vst v3  }
0x244: {  	v3 =	vld [tilespmem:s23+$0x14CD0];
	_ =	sdelay $0x4  }
0x245: {  	v4 =	vmul.f32 $3.000000120e-01, v61;
	v3 =	vmul.f32 $6.999999880e-01, v3;
	_ =	sdelay $0x1  }
0x246: {  	v3 =	vadd.f32 v4, v3;
	_ =	sdelay $0x1  }
0x247: {  	v62 =	vld [tilespmem:s15+$0xE0];
	[tilespmem:s15+$0xD0] =	vst v3  }
0x248: {  	v3 =	vld [tilespmem:s23+$0x14CE0];
	_ =	sdelay $0x4  }
0x249: {  	v4 =	vmul.f32 $3.000000120e-01, v62;
	v3 =	vmul.f32 $6.999999880e-01, v3;
	_ =	sdelay $0x1  }
0x24a: {  	v3 =	vadd.f32 v4, v3;
	_ =	sdelay $0x1  }
0x24b: {  	v63 =	vld [tilespmem:s15+$0xF0];
	[tilespmem:s15+$0xE0] =	vst v3  }
0x24c: {  	v3 =	vld [tilespmem:s23+$0x14CF0];
	_ =	sdelay $0x3  }
0x24d: {  	p0 =	sne.s32 s22, $0x3E00  }
.Ltmp3:
0x24e: {  	v4 =	vmul.f32 $3.000000120e-01, v63;
	v3 =	vmul.f32 $6.999999880e-01, v3;
	(pc) =	sbr.rel @p0 .LBB2_8-.Ltmp3, $3  }
0x24f: {  	_ = 	snop  }
0x250: {  	v3 =	vadd.f32 v4, v3;
	_ =	sdelay $0x1  }
0x251: {  	s22 =	sadd.s32 $0x200, s22;
	s21 =	sadd.s32 $0x80, s21;
	[tilespmem:s15+$0xF0] =	vst v3  }
0x252: {  	[hbm4b:s13+s3] =	stream.linear.scatter [tilespmem:s30], [sflag:$0x8], $0x4000, $0x38;
	[tilespmem:$0x18080] =	vst v63  }
0x253: {  	_ =	swait.ge [sflag:s31], $0x4000  }
0x254: {  	[sflag:s31] =	ssyncset.done $0x0  }
0x255: {  	[sflag:s31] =	ssyncadd.s32 $0xFFFFC000  }
0x256: {  	_ =	swait.ge [sflag:s0], $0x4000  }
0x257: {  	[sflag:s0] =	ssyncset.done $0x0  }
0x258: {  	s19 =	sadd.s32 $0x1, s19;
	[sflag:s0] =	ssyncadd.s32 $0xFFFFC000  }
0x259: {  	p0 =	sne.s32 s19, s14;
	_ =	swait.ge [sflag:s2], $0x4000  }
.Ltmp4:
0x25a: {  	[sflag:s2] =	ssyncset.done $0x0;
	(pc) =	sbr.rel @p0 .LBB2_1-.Ltmp4, $4  }
0x25b: {  	[sflag:s2] =	ssyncadd.s32 $0xFFFFC000  }
0x25c: {  	_ =	swait.ge [sflag:s17], $0x4000  }
0x25d: {  	[sflag:s17] =	ssyncset.done $0x0  }
0x25e: {  	[sflag:s17] =	ssyncadd.s32 $0xFFFFC000  }
0x25f: {  	_ =	sfence.sel $0x180000  }
0x260: {  	[bflag:$0x0] =	sbarrier.arrive $0xFFFF  }
0x261: {  	_ =	strace $0x90000047  }
0x262: {  	s0 =	stileid.u32;
	[bflag:$0x2] =	sbarrier.arrive $0xFFFF  }
0x263: {  	p0 =	sne.s32 s0, $0x0;
	s0 =	rddreg [dreg:$0x4]  }
0x264: {  	s0 =	sadd.s32 @!p0 $0x100000, s0  }
0x265: {  	[sflag:s0] =	ssyncadd.tile.s32 @!p0 $0x1;
	_ =	shalt  }
.Lfunc_end2:
_tile_overlayer_lowered:
.L_overlay_start_2:
0x266: {  	(tag) =	ssettag $0x2  }
0x267: {  	s0 =	rddreg [dreg:$0x0];
	s2 =	stileid.u32  }
0x268: {  	s1 =	rddreg [dreg:$0x1];
	p0 =	sne.s32 s2, $0x0  }
0x269: {  	s3 =	rddreg [dreg:$0x2];
	[bflag:$0x3] =	sbarrier.arrive $0xFFFF;
	s2 =	simm.s32 @!p0 $0x1C09  }
0x26a: {  	[timem:s3], [sflag:s2] =	dma.local @!p0 [hbm:s0], s1  }
0x26b: {  	s0 =	simm.s32 @!p0 $0x9  }
0x26c: {  	_ =	swait.ge @!p0 [sflag:s0], s1  }
0x26d: {  	s1 =	ssub.s32 @!p0 $0x0, s1;
	[sflag:s0] =	ssyncset.done @!p0 $0x0  }
0x26e: {  	[sflag:s0] =	ssyncadd.s32 @!p0 s1  }
0x26f: {  	[bflag:$0x3] =	sbarrier.arrive $0xFFFF  }
0x270: {  	_ =	shalt  }

</sc_bundles>
